<compile_context>
chip_gen: v7x
topology: tpu7x:2x2x1
jax: 0.10.2.dev20260603
libtpu: 0.0.44.dev20260713+nightly
codegen_flags: <defaults>
</compile_context>

<pallas_src>
import jax
import jax.numpy as jnp
from jax import lax
from jax.experimental import pallas as pl
from jax.experimental.pallas import tpu as pltpu
from jax.experimental.pallas import tpu_sc as plsc

N = 32768
DIN = 64
H = 16
E = 16
S = 2
K = 2

NC = 2
NS = 16
NW = NC * NS
TPW = N // NW
CH = 256
NGROUP = CH // 16
NCHUNK = TPW // CH
NT = N // 128

BN = 2048
BS = BN * E // 128

_ROT1 = (13, 15, 26, 6)
_ROT2 = (17, 29, 16, 24)


def _threefry_bits(k0, k1, x1):
    u32 = jnp.uint32
    ks2 = k0 ^ k1 ^ u32(0x1BD11BDA)
    x0 = jnp.broadcast_to(k0, x1.shape)
    x1 = x1 + k1
    sched = ((_ROT1, k1, ks2, 1), (_ROT2, ks2, k0, 2), (_ROT1, k0, k1, 3),
             (_ROT2, k1, ks2, 4), (_ROT1, ks2, k0, 5))
    for rots, a0, a1, c in sched:
        for r in rots:
            x0 = x0 + x1
            x1 = (x1 << u32(r)) | (x1 >> u32(32 - r))
            x1 = x1 ^ x0
        x0 = x0 + a0
        x1 = x1 + a1 + u32(c)
    return x0 ^ x1


def _tc_body(keys_ref, xt_ref, w1t_ref, b1c_ref, w2t_ref, b2c_ref, base_ref,
             libt_ref, s0_ref, s1_ref, s2_ref, s3_ref):
    ht = jnp.tanh(
        jnp.dot(w1t_ref[...], xt_ref[...], preferred_element_type=jnp.float32)
        + b1c_ref[...])
    libt_ref[...] = (
        jnp.dot(w2t_ref[...], ht, preferred_element_type=jnp.float32)
        + b2c_ref[...])
    i = pl.program_id(0)
    flat = (lax.broadcasted_iota(jnp.uint32, (BS, 128), 0) * jnp.uint32(128)
            + lax.broadcasted_iota(jnp.uint32, (BS, 128), 1)
            + jnp.uint32(i * (BN * E)))
    fone = jnp.uint32(0x3F800000)
    lo = jnp.float32(1e-10)
    for dj, s_ref in enumerate((s0_ref, s1_ref, s2_ref, s3_ref)):
        bits = _threefry_bits(keys_ref[dj, 0], keys_ref[dj, 1], flat)
        fb = (bits >> jnp.uint32(9)) | fone
        f = lax.bitcast_convert_type(fb, jnp.float32) - jnp.float32(1.0)
        u = jnp.maximum(lo, f * (jnp.float32(1.0) - lo) + lo)
        g = -jnp.log(-jnp.log(u))
        s_ref[...] = g + base_ref[dj][None, :]


def _sc_body(s0_hbm, s1_hbm, s2_hbm, s3_hbm, libt_hbm, coef_hbm,
             gates_hbm, dx_hbm,
             s0a, s1a, s2a, s3a, liba, s0b, s1b, s2b, s3b, libb,
             coef_v,
             g0a, g1a, g2a, g3a, dxa, g0b, g1b, g2b, g3b, dxb,
             sem_ina, sem_inb, sem_outa, sem_outb):
    wid = lax.axis_index("s") * NC + lax.axis_index("c")
    nt0 = wid * NCHUNK
    s_hs = (s0_hbm, s1_hbm, s2_hbm, s3_hbm)
    bufs = (
        ((s0a, s1a, s2a, s3a), liba, (g0a, g1a, g2a, g3a), dxa,
         sem_ina, sem_outa),
        ((s0b, s1b, s2b, s3b), libb, (g0b, g1b, g2b, g3b), dxb,
         sem_inb, sem_outb),
    )

    pltpu.sync_copy(coef_hbm, coef_v)

    lane = lax.iota(jnp.int32, 16)

    def in_descs(nt, b):
        s_vs, lib_v, _, _, sem_in, _ = bufs[b]
        c0 = nt * CH
        ds = [pltpu.make_async_copy(s_hs[dj].at[pl.ds(c0 * E, CH * E)],
                                    s_vs[dj], sem_in) for dj in range(4)]
        ds.append(pltpu.make_async_copy(libt_hbm.at[:, pl.ds(c0, CH)],
                                        lib_v, sem_in))
        return ds

    def out_descs(nt, b):
        _, _, g_vs, dx_v, _, sem_out = bufs[b]
        ds = []
        for dj in range(4):
            for et in range(2):
                ds.append(pltpu.make_async_copy(
                    g_vs[dj].at[pl.ds(et * (CH * 8), CH * 8)],
                    gates_hbm.at[pl.ds(dj * (2 * NT * 1024)
                                       + et * (NT * 1024)
                                       + nt * (CH * 8), CH * 8)],
                    sem_out))
        ds.append(pltpu.make_async_copy(
            dx_v, dx_hbm.at[pl.ds(nt * (S * CH), S * CH)], sem_out))
        return ds

    def compute_chunk(b):
        s_vs, lib_v, g_vs, dx_v, _, _ = bufs[b]

        def group_body(gi, _):
            tpos = gi * 16 + lane
            flat0 = tpos * E
            goff = (gi // 8) * 1024 + (gi % 8) * 16
            sidx = [flat0 + e for e in range(E)]
            for d in range(S):
                idx_prev = None
                dx_d = jnp.zeros((16,), jnp.float32)
                for j in range(K):
                    dj = d * K + j
                    sv = []
                    for e in range(E):
                        col = plsc.load_gather(s_vs[dj], [sidx[e]])
                        if j == 1:
                            col = jnp.where(idx_prev == e,
                                            jnp.float32(-1e9), col)
                        sv.append(col)
                    vals = list(sv)
                    idxs = None
                    while len(vals) > 1:
                        nv, ni = [], []
                        for a in range(0, len(vals), 2):
                            gt = vals[a + 1] > vals[a]
                            nv.append(jnp.where(gt, vals[a + 1], vals[a]))
                            if idxs is None:
                                ni.append(jnp.where(gt, jnp.int32(a + 1),
                                                    jnp.int32(a)))
                            else:
                                ni.append(jnp.where(gt, idxs[a + 1],
                                                    idxs[a]))
                        vals = nv
                        idxs = ni if idxs is None else ni
                    idx = idxs[0]
                    for e in range(E):
                        oh = jnp.where(idx == e, jnp.float32(1.0),
                                       jnp.float32(0.0))
                        off = (e // 8) * (CH * 8) + (e % 8) * 128
                        g_vs[dj][pl.ds(off + goff, 16)] = oh
                    csel = plsc.load_gather(coef_v, [idx + dj * E])
                    lsel = plsc.load_gather(lib_v, [idx, tpos])
                    dx_d = dx_d + csel * lsel
                    idx_prev = idx
                dx_v[pl.ds((gi // 8) * 256 + d * 128 + (gi % 8) * 16, 16)] \
                    = dx_d
            return 0

        lax.fori_loop(0, NGROUP, group_body, 0)

    for dsc in in_descs(nt0, 0):
        dsc.start()

    def pair_body(p, _):
        ntA = nt0 + 2 * p
        ntB = ntA + 1
        for dsc in in_descs(ntB, 1):
            dsc.start()
        for dsc in in_descs(ntA, 0):
            dsc.wait()

        @pl.when(p > 0)
        def _():
            for dsc in out_descs(ntA, 0):
                dsc.wait()
        compute_chunk(0)
        for dsc in out_descs(ntA, 0):
            dsc.start()

        @pl.when(p + 1 < NCHUNK // 2)
        def _():
            for dsc in in_descs(ntA + 2, 0):
                dsc.start()
        for dsc in in_descs(ntB, 1):
            dsc.wait()

        @pl.when(p > 0)
        def _():
            for dsc in out_descs(ntB, 1):
                dsc.wait()
        compute_chunk(1)
        for dsc in out_descs(ntB, 1):
            dsc.start()
        return 0

    lax.fori_loop(0, NCHUNK // 2, pair_body, 0)
    for dsc in out_descs(nt0 + NCHUNK - 2, 0):
        dsc.wait()
    for dsc in out_descs(nt0 + NCHUNK - 1, 1):
        dsc.wait()


def _route_sc(s_flats, libt, coef_flat):
    mesh = plsc.VectorSubcoreMesh(core_axis_name="c", subcore_axis_name="s",
                                  num_cores=NC)
    f = pl.kernel(
        _sc_body,
        out_type=(
            jax.ShapeDtypeStruct((4 * 2 * NT * 1024,), jnp.float32),
            jax.ShapeDtypeStruct((N * S,), jnp.float32),
        ),
        mesh=mesh,
        scratch_types=(
            ([pltpu.VMEM((CH * E,), jnp.float32) for _ in range(4)]
             + [pltpu.VMEM((E, CH), jnp.float32)]) * 2
            + [pltpu.VMEM((S * K * E,), jnp.float32)]
            + ([pltpu.VMEM((2 * CH * 8,), jnp.float32) for _ in range(4)]
               + [pltpu.VMEM((S * CH,), jnp.float32)]) * 2
            + [pltpu.SemaphoreType.DMA] * 4
        ),
        compiler_params=pltpu.CompilerParams(needs_layout_passes=False),
    )
    return f(*s_flats, libt, coef_flat)


def kernel(X, W1, b1, W2, b2, routers, coefficients, complexity_prior,
           temperature=1.0, hard=True):
    xt = X.T
    w1t = jnp.transpose(W1, (0, 2, 1)).reshape(E * H, DIN)
    b1c = b1.reshape(E * H, 1)
    w2t = (jnp.eye(E, dtype=W2.dtype)[:, :, None]
           * W2[:, :, 0][None, :, :]).reshape(E, E * H)
    b2c = b2.reshape(E, 1)
    base = routers + complexity_prior[None, :]
    base4 = jnp.concatenate([base[d][None] for d in (0, 0, 1, 1)], 0)
    base_tiled = jnp.tile(base4, (1, 128 // E))

    keys4 = jnp.asarray([[0x4B665424, 0x9617674F],
                         [0xAB7D1D1B, 0x652FBEF2],
                         [0x7DFADB80, 0x23F5531C],
                         [0xD1552267, 0x0859A9E2]], dtype=jnp.uint32)

    grid = (N // BN,)
    libt, s0, s1, s2, s3 = pl.pallas_call(
        _tc_body,
        grid=grid,
        in_specs=[
            pl.BlockSpec(memory_space=pltpu.SMEM),
            pl.BlockSpec((DIN, BN), lambda i: (0, i)),
            pl.BlockSpec((E * H, DIN), lambda i: (0, 0)),
            pl.BlockSpec((E * H, 1), lambda i: (0, 0)),
            pl.BlockSpec((E, E * H), lambda i: (0, 0)),
            pl.BlockSpec((E, 1), lambda i: (0, 0)),
            pl.BlockSpec((4, 128), lambda i: (0, 0)),
        ],
        out_specs=[
            pl.BlockSpec((E, BN), lambda i: (0, i)),
        ] + [pl.BlockSpec((BS, 128), lambda i: (i, 0))] * 4,
        out_shape=[
            jax.ShapeDtypeStruct((E, N), jnp.float32),
        ] + [jax.ShapeDtypeStruct((N * E // 128, 128), jnp.float32)] * 4,
    )(keys4, xt, w1t, b1c, w2t, b2c, base_tiled)

    coef_flat = coefficients.reshape(S * K * E)
    s_flats = [s.reshape(N * E) for s in (s0, s1, s2, s3)]
    gates_flat, dx_flat = _route_sc(s_flats, libt, coef_flat)

    gates = (gates_flat.reshape(4, 2, NT, 8, 128)
             .transpose(0, 1, 3, 2, 4)
             .reshape(S, K, E, N)
             .transpose(0, 1, 3, 2))
    dxdt = (dx_flat.reshape(NT, S, 128)
            .transpose(1, 0, 2)
            .reshape(S, N)
            .transpose(1, 0))
    return dxdt, gates

# --- scband reference (transcript-rebuilt; emitter-appended) ---
"""Pipeline reference for scband-top-krouter-44023414784362 (READ-ONLY COPY).

The authoritative reference and input builder live on the scoring server;
editing this copy changes nothing except your own understanding.
"""

import jax, jax.numpy as jnp
import numpy as np

N = 32768   # tokens (batch 4 x seq 8192)
DIN = 64    # input feature dim
H = 16      # hidden dim of each frozen library MLP
E = 16      # n_mlps (number of basis-function experts)
S = 2       # state_dim (dx/dt, dv/dt)
K = 2       # slots per derivative (top-k without replacement)


def setup_inputs(seed: int = 0):
    key = jax.random.key(seed)
    k0, k1, k2, k3, k4 = jax.random.split(key, 5)
    X = jax.random.normal(k0, (N, DIN), dtype=jnp.float32)
    # frozen library MLPs (requires_grad=False in torch): E parallel MLPs DIN->H->1
    W1 = jax.random.normal(k1, (E, DIN, H), dtype=jnp.float32) * (1.0 / np.sqrt(DIN))
    b1 = jnp.zeros((E, H), dtype=jnp.float32)
    W2 = jax.random.normal(k2, (E, H, 1), dtype=jnp.float32) * (1.0 / np.sqrt(H))
    b2 = jnp.zeros((E, 1), dtype=jnp.float32)
    # trainable router logits and per-slot coefficients
    routers = jax.random.normal(k3, (S, E), dtype=jnp.float32) * 0.1
    coefficients = jax.random.normal(k4, (S, K, E), dtype=jnp.float32) * 0.1
    complexity_prior = jnp.zeros((E,), dtype=jnp.float32)
    return {"X": X, "W1": W1, "b1": b1, "W2": W2, "b2": b2,
            "routers": routers, "coefficients": coefficients,
            "complexity_prior": complexity_prior,
            "temperature": jnp.asarray(1.0, dtype=jnp.float32),
            "hard": jnp.asarray(True)}


def _gumbel_softmax(logits, u, temperature=1.0, hard=True):
    # u in [1e-10, 1): matches torch.rand_like(...).clamp(min=1e-10)
    g = -jnp.log(-jnp.log(u))
    y_soft = jax.nn.softmax((logits + g) / temperature, axis=-1)
    idx = jnp.argmax(y_soft, axis=-1)
    y_hard = jax.nn.one_hot(idx, logits.shape[-1], dtype=logits.dtype)
    y_st = y_hard - jax.lax.stop_gradient(y_soft) + y_soft
    return jnp.where(hard, y_st, y_soft)


def reference(X, W1, b1, W2, b2, routers, coefficients, complexity_prior,
              temperature=1.0, hard=True):
    n = X.shape[0]
    # _eval_library: every expert MLP on (its) input columns -> (n, E)
    h = jnp.tanh(jnp.einsum('nd,edh->enh', X, W1) + b1[:, None, :])
    lib = (jnp.einsum('enh,eho->eno', h, W2) + b2[:, None, :])[:, :, 0].T  # (n, E)

    nkey = jax.random.key(1234)
    dXdt_pred = []
    all_gates = []
    for d in range(S):
        base_logits = (routers[d] + complexity_prior)[None, :] * jnp.ones((n, 1), dtype=X.dtype)  # (n, E)
        mask = jnp.zeros_like(base_logits)
        slot_gates = []
        dxdt_d = jnp.zeros((n, 1), dtype=X.dtype)
        for j in range(K):
            u = jax.random.uniform(jax.random.fold_in(nkey, d * K + j), (n, E),
                                   dtype=X.dtype, minval=1e-10, maxval=1.0)
            gate_j = _gumbel_softmax(base_logits + mask, u, temperature=temperature, hard=hard)
            slot_gates.append(gate_j)
            mask = mask + (-1000000000.0) * jax.lax.stop_gradient(gate_j)
            weighted = gate_j * coefficients[d, j][None, :] * lib
            dxdt_d = dxdt_d + weighted.sum(axis=1, keepdims=True)
        all_gates.append(jnp.stack(slot_gates, axis=0))
        dXdt_pred.append(dxdt_d)
    return jnp.concatenate(dXdt_pred, axis=1), jnp.stack(all_gates, axis=0)

if __name__ == "__main__":
    import jax
    _d = setup_inputs()
    print(jax.jit(kernel)(*tuple(_d.values())))

</pallas_src>

<mosaic_0001>
#map = affine_map<(d0, d1) -> (0)>
#map1 = affine_map<(d0, d1) -> (0, 0)>
module attributes {stable_mosaic.version = 14 : i64} {
  func.func @_sc_body(%arg0: i32, %arg1: i32, %arg2: memref<524288xf32, #tpu.memory_space<hbm>>, %arg3: memref<524288xf32, #tpu.memory_space<hbm>>, %arg4: memref<524288xf32, #tpu.memory_space<hbm>>, %arg5: memref<524288xf32, #tpu.memory_space<hbm>>, %arg6: memref<16x32768xf32, #tpu.memory_space<hbm>>, %arg7: memref<64xf32, #tpu.memory_space<hbm>>, %arg8: memref<2097152xf32, #tpu.memory_space<hbm>>, %arg9: memref<65536xf32, #tpu.memory_space<hbm>>, %arg10: memref<4096xf32, #tpu.memory_space<vmem>>, %arg11: memref<4096xf32, #tpu.memory_space<vmem>>, %arg12: memref<4096xf32, #tpu.memory_space<vmem>>, %arg13: memref<4096xf32, #tpu.memory_space<vmem>>, %arg14: memref<16x256xf32, #tpu.memory_space<vmem>>, %arg15: memref<4096xf32, #tpu.memory_space<vmem>>, %arg16: memref<4096xf32, #tpu.memory_space<vmem>>, %arg17: memref<4096xf32, #tpu.memory_space<vmem>>, %arg18: memref<4096xf32, #tpu.memory_space<vmem>>, %arg19: memref<16x256xf32, #tpu.memory_space<vmem>>, %arg20: memref<64xf32, #tpu.memory_space<vmem>>, %arg21: memref<4096xf32, #tpu.memory_space<vmem>>, %arg22: memref<4096xf32, #tpu.memory_space<vmem>>, %arg23: memref<4096xf32, #tpu.memory_space<vmem>>, %arg24: memref<4096xf32, #tpu.memory_space<vmem>>, %arg25: memref<512xf32, #tpu.memory_space<vmem>>, %arg26: memref<4096xf32, #tpu.memory_space<vmem>>, %arg27: memref<4096xf32, #tpu.memory_space<vmem>>, %arg28: memref<4096xf32, #tpu.memory_space<vmem>>, %arg29: memref<4096xf32, #tpu.memory_space<vmem>>, %arg30: memref<512xf32, #tpu.memory_space<vmem>>, %arg31: memref<!tpu.dma_semaphore, #tpu.memory_space<semaphore_mem>>, %arg32: memref<!tpu.dma_semaphore, #tpu.memory_space<semaphore_mem>>, %arg33: memref<!tpu.dma_semaphore, #tpu.memory_space<semaphore_mem>>, %arg34: memref<!tpu.dma_semaphore, #tpu.memory_space<semaphore_mem>>) attributes {dimension_semantics = [#tpu.dimension_semantics<core_parallel>, #tpu.dimension_semantics<subcore_parallel>], iteration_bounds = array<i64: 2, 16>, scalar_prefetch = 0 : i64, scratch_operands = 25 : i64, tpu.core_type = #tpu.core_type<sc_vector_subcore>, window_params = [{transform_indices = #map}, {transform_indices = #map}, {transform_indices = #map}, {transform_indices = #map}, {transform_indices = #map1}, {transform_indices = #map}, {transform_indices = #map}, {transform_indices = #map}]} {
    %mul3A = arith.constant 2 : i32
    %mul3A_0 = arith.muli %arg1, %mul3A : i32
    %add3A = arith.addi %mul3A_0, %arg0 : i32
    %mul3A_1 = arith.constant 4 : i32
    %mul3A_2 = arith.muli %add3A, %mul3A_1 : i32
    "tpu.region"() ({
      %run_scoped3A = tpu.sem_alloc : memref<!tpu.dma_semaphore, #tpu.memory_space<semaphore_mem>>
      tpu.enqueue_dma source(%arg7 : memref<64xf32, #tpu.memory_space<hbm>>) target(%arg20 : memref<64xf32, #tpu.memory_space<vmem>>) target_semaphore(%run_scoped3A : memref<!tpu.dma_semaphore, #tpu.memory_space<semaphore_mem>>)
      tpu.wait_dma2 semaphore(%run_scoped3A : memref<!tpu.dma_semaphore, #tpu.memory_space<semaphore_mem>>) src(%arg7 : memref<64xf32, #tpu.memory_space<hbm>>) dst(%arg20 : memref<64xf32, #tpu.memory_space<vmem>>)
      tpu.yield
    }) : () -> ()
    %iota3A = tpu.iota {dimensions = array<i32: 0>} : vector<16xi32>
    %mul3A_3 = arith.constant 256 : i32
    %mul3A_4 = arith.muli %mul3A_2, %mul3A_3 : i32
    %mul3A_5 = arith.constant 16 : i32
    %mul3A_6 = arith.muli %mul3A_4, %mul3A_5 : i32
    %mul3A_7 = arith.constant 16 : i32
    %mul3A_8 = arith.muli %mul3A_4, %mul3A_7 : i32
    %mul3A_9 = arith.constant 16 : i32
    %mul3A_10 = arith.muli %mul3A_4, %mul3A_9 : i32
    %mul3A_11 = arith.constant 16 : i32
    %mul3A_12 = arith.muli %mul3A_4, %mul3A_11 : i32
    %dma_start3A = tpu.memref_slice %arg2[%mul3A_6] : memref<524288xf32, #tpu.memory_space<hbm>> -> memref<4096xf32, #tpu.memory_space<hbm>>
    %dma_start3A_13 = tpu.memref_slice %arg2[%mul3A_6] : memref<524288xf32, #tpu.memory_space<hbm>> -> memref<4096xf32, #tpu.memory_space<hbm>>
    tpu.enqueue_dma source(%dma_start3A_13 : memref<4096xf32, #tpu.memory_space<hbm>>) target(%arg10 : memref<4096xf32, #tpu.memory_space<vmem>>) target_semaphore(%arg31 : memref<!tpu.dma_semaphore, #tpu.memory_space<semaphore_mem>>)
    %dma_start3A_14 = tpu.memref_slice %arg3[%mul3A_8] : memref<524288xf32, #tpu.memory_space<hbm>> -> memref<4096xf32, #tpu.memory_space<hbm>>
    %dma_start3A_15 = tpu.memref_slice %arg3[%mul3A_8] : memref<524288xf32, #tpu.memory_space<hbm>> -> memref<4096xf32, #tpu.memory_space<hbm>>
    tpu.enqueue_dma source(%dma_start3A_15 : memref<4096xf32, #tpu.memory_space<hbm>>) target(%arg11 : memref<4096xf32, #tpu.memory_space<vmem>>) target_semaphore(%arg31 : memref<!tpu.dma_semaphore, #tpu.memory_space<semaphore_mem>>)
    %dma_start3A_16 = tpu.memref_slice %arg4[%mul3A_10] : memref<524288xf32, #tpu.memory_space<hbm>> -> memref<4096xf32, #tpu.memory_space<hbm>>
    %dma_start3A_17 = tpu.memref_slice %arg4[%mul3A_10] : memref<524288xf32, #tpu.memory_space<hbm>> -> memref<4096xf32, #tpu.memory_space<hbm>>
    tpu.enqueue_dma source(%dma_start3A_17 : memref<4096xf32, #tpu.memory_space<hbm>>) target(%arg12 : memref<4096xf32, #tpu.memory_space<vmem>>) target_semaphore(%arg31 : memref<!tpu.dma_semaphore, #tpu.memory_space<semaphore_mem>>)
    %dma_start3A_18 = tpu.memref_slice %arg5[%mul3A_12] : memref<524288xf32, #tpu.memory_space<hbm>> -> memref<4096xf32, #tpu.memory_space<hbm>>
    %dma_start3A_19 = tpu.memref_slice %arg5[%mul3A_12] : memref<524288xf32, #tpu.memory_space<hbm>> -> memref<4096xf32, #tpu.memory_space<hbm>>
    tpu.enqueue_dma source(%dma_start3A_19 : memref<4096xf32, #tpu.memory_space<hbm>>) target(%arg13 : memref<4096xf32, #tpu.memory_space<vmem>>) target_semaphore(%arg31 : memref<!tpu.dma_semaphore, #tpu.memory_space<semaphore_mem>>)
    %dma_start3A_20 = arith.constant 0 : i32
    %dma_start3A_21 = tpu.memref_slice %arg6[%dma_start3A_20, %mul3A_4] : memref<16x32768xf32, #tpu.memory_space<hbm>> -> memref<16x256xf32, #tpu.memory_space<hbm>>
    %dma_start3A_22 = arith.constant 0 : i32
    %dma_start3A_23 = tpu.memref_slice %arg6[%dma_start3A_22, %mul3A_4] : memref<16x32768xf32, #tpu.memory_space<hbm>> -> memref<16x256xf32, #tpu.memory_space<hbm>>
    tpu.enqueue_dma source(%dma_start3A_23 : memref<16x256xf32, #tpu.memory_space<hbm>>) target(%arg14 : memref<16x256xf32, #tpu.memory_space<vmem>>) target_semaphore(%arg31 : memref<!tpu.dma_semaphore, #tpu.memory_space<semaphore_mem>>)
    %scan3A = arith.constant 0 : i32
    %scan3A_24 = arith.constant 0 : i32
    %scan3A_25 = arith.constant 2 : i32
    %scan3A_26 = arith.addi %scan3A_24, %scan3A_25 : i32
    %scan3A_27 = arith.constant 1 : i32
    %scan3A_28 = scf.for %scan3A_204 = %scan3A_24 to %scan3A_26 step %scan3A_27 iter_args(%scan3A_205 = %scan3A) -> (i32)  : i32 {
      %mul3A_206 = arith.constant 2 : i32
      %mul3A_207 = arith.muli %mul3A_206, %scan3A_204 : i32
      %add3A_208 = arith.addi %mul3A_2, %mul3A_207 : i32
      %add3A_209 = arith.constant 1 : i32
      %add3A_210 = arith.addi %add3A_208, %add3A_209 : i32
      %mul3A_211 = arith.constant 256 : i32
      %mul3A_212 = arith.muli %add3A_210, %mul3A_211 : i32
      %mul3A_213 = arith.constant 16 : i32
      %mul3A_214 = arith.muli %mul3A_212, %mul3A_213 : i32
      %mul3A_215 = arith.constant 16 : i32
      %mul3A_216 = arith.muli %mul3A_212, %mul3A_215 : i32
      %mul3A_217 = arith.constant 16 : i32
      %mul3A_218 = arith.muli %mul3A_212, %mul3A_217 : i32
      %mul3A_219 = arith.constant 16 : i32
      %mul3A_220 = arith.muli %mul3A_212, %mul3A_219 : i32
      %dma_start3A_221 = tpu.memref_slice %arg2[%mul3A_214] : memref<524288xf32, #tpu.memory_space<hbm>> -> memref<4096xf32, #tpu.memory_space<hbm>>
      %dma_start3A_222 = tpu.memref_slice %arg2[%mul3A_214] : memref<524288xf32, #tpu.memory_space<hbm>> -> memref<4096xf32, #tpu.memory_space<hbm>>
      tpu.enqueue_dma source(%dma_start3A_222 : memref<4096xf32, #tpu.memory_space<hbm>>) target(%arg15 : memref<4096xf32, #tpu.memory_space<vmem>>) target_semaphore(%arg32 : memref<!tpu.dma_semaphore, #tpu.memory_space<semaphore_mem>>)
      %dma_start3A_223 = tpu.memref_slice %arg3[%mul3A_216] : memref<524288xf32, #tpu.memory_space<hbm>> -> memref<4096xf32, #tpu.memory_space<hbm>>
      %dma_start3A_224 = tpu.memref_slice %arg3[%mul3A_216] : memref<524288xf32, #tpu.memory_space<hbm>> -> memref<4096xf32, #tpu.memory_space<hbm>>
      tpu.enqueue_dma source(%dma_start3A_224 : memref<4096xf32, #tpu.memory_space<hbm>>) target(%arg16 : memref<4096xf32, #tpu.memory_space<vmem>>) target_semaphore(%arg32 : memref<!tpu.dma_semaphore, #tpu.memory_space<semaphore_mem>>)
      %dma_start3A_225 = tpu.memref_slice %arg4[%mul3A_218] : memref<524288xf32, #tpu.memory_space<hbm>> -> memref<4096xf32, #tpu.memory_space<hbm>>
      %dma_start3A_226 = tpu.memref_slice %arg4[%mul3A_218] : memref<524288xf32, #tpu.memory_space<hbm>> -> memref<4096xf32, #tpu.memory_space<hbm>>
      tpu.enqueue_dma source(%dma_start3A_226 : memref<4096xf32, #tpu.memory_space<hbm>>) target(%arg17 : memref<4096xf32, #tpu.memory_space<vmem>>) target_semaphore(%arg32 : memref<!tpu.dma_semaphore, #tpu.memory_space<semaphore_mem>>)
      %dma_start3A_227 = tpu.memref_slice %arg5[%mul3A_220] : memref<524288xf32, #tpu.memory_space<hbm>> -> memref<4096xf32, #tpu.memory_space<hbm>>
      %dma_start3A_228 = tpu.memref_slice %arg5[%mul3A_220] : memref<524288xf32, #tpu.memory_space<hbm>> -> memref<4096xf32, #tpu.memory_space<hbm>>
      tpu.enqueue_dma source(%dma_start3A_228 : memref<4096xf32, #tpu.memory_space<hbm>>) target(%arg18 : memref<4096xf32, #tpu.memory_space<vmem>>) target_semaphore(%arg32 : memref<!tpu.dma_semaphore, #tpu.memory_space<semaphore_mem>>)
      %dma_start3A_229 = arith.constant 0 : i32
      %dma_start3A_230 = tpu.memref_slice %arg6[%dma_start3A_229, %mul3A_212] : memref<16x32768xf32, #tpu.memory_space<hbm>> -> memref<16x256xf32, #tpu.memory_space<hbm>>
      %dma_start3A_231 = arith.constant 0 : i32
      %dma_start3A_232 = tpu.memref_slice %arg6[%dma_start3A_231, %mul3A_212] : memref<16x32768xf32, #tpu.memory_space<hbm>> -> memref<16x256xf32, #tpu.memory_space<hbm>>
      tpu.enqueue_dma source(%dma_start3A_232 : memref<16x256xf32, #tpu.memory_space<hbm>>) target(%arg19 : memref<16x256xf32, #tpu.memory_space<vmem>>) target_semaphore(%arg32 : memref<!tpu.dma_semaphore, #tpu.memory_space<semaphore_mem>>)
      %mul3A_233 = arith.constant 256 : i32
      %mul3A_234 = arith.muli %add3A_208, %mul3A_233 : i32
      %mul3A_235 = arith.constant 16 : i32
      %mul3A_236 = arith.muli %mul3A_234, %mul3A_235 : i32
      %mul3A_237 = arith.constant 16 : i32
      %mul3A_238 = arith.muli %mul3A_234, %mul3A_237 : i32
      %mul3A_239 = arith.constant 16 : i32
      %mul3A_240 = arith.muli %mul3A_234, %mul3A_239 : i32
      %mul3A_241 = arith.constant 16 : i32
      %mul3A_242 = arith.muli %mul3A_234, %mul3A_241 : i32
      %dma_wait3A_243 = tpu.memref_slice %arg2[%mul3A_236] : memref<524288xf32, #tpu.memory_space<hbm>> -> memref<4096xf32, #tpu.memory_space<hbm>>
      %dma_wait3A_244 = tpu.memref_slice %arg2[%mul3A_236] : memref<524288xf32, #tpu.memory_space<hbm>> -> memref<4096xf32, #tpu.memory_space<hbm>>
      tpu.wait_dma2 semaphore(%arg31 : memref<!tpu.dma_semaphore, #tpu.memory_space<semaphore_mem>>) src(%dma_wait3A_244 : memref<4096xf32, #tpu.memory_space<hbm>>) dst(%arg10 : memref<4096xf32, #tpu.memory_space<vmem>>)
      %dma_wait3A_245 = tpu.memref_slice %arg3[%mul3A_238] : memref<524288xf32, #tpu.memory_space<hbm>> -> memref<4096xf32, #tpu.memory_space<hbm>>
      %dma_wait3A_246 = tpu.memref_slice %arg3[%mul3A_238] : memref<524288xf32, #tpu.memory_space<hbm>> -> memref<4096xf32, #tpu.memory_space<hbm>>
      tpu.wait_dma2 semaphore(%arg31 : memref<!tpu.dma_semaphore, #tpu.memory_space<semaphore_mem>>) src(%dma_wait3A_246 : memref<4096xf32, #tpu.memory_space<hbm>>) dst(%arg11 : memref<4096xf32, #tpu.memory_space<vmem>>)
      %dma_wait3A_247 = tpu.memref_slice %arg4[%mul3A_240] : memref<524288xf32, #tpu.memory_space<hbm>> -> memref<4096xf32, #tpu.memory_space<hbm>>
      %dma_wait3A_248 = tpu.memref_slice %arg4[%mul3A_240] : memref<524288xf32, #tpu.memory_space<hbm>> -> memref<4096xf32, #tpu.memory_space<hbm>>
      tpu.wait_dma2 semaphore(%arg31 : memref<!tpu.dma_semaphore, #tpu.memory_space<semaphore_mem>>) src(%dma_wait3A_248 : memref<4096xf32, #tpu.memory_space<hbm>>) dst(%arg12 : memref<4096xf32, #tpu.memory_space<vmem>>)
      %dma_wait3A_249 = tpu.memref_slice %arg5[%mul3A_242] : memref<524288xf32, #tpu.memory_space<hbm>> -> memref<4096xf32, #tpu.memory_space<hbm>>
      %dma_wait3A_250 = tpu.memref_slice %arg5[%mul3A_242] : memref<524288xf32, #tpu.memory_space<hbm>> -> memref<4096xf32, #tpu.memory_space<hbm>>
      tpu.wait_dma2 semaphore(%arg31 : memref<!tpu.dma_semaphore, #tpu.memory_space<semaphore_mem>>) src(%dma_wait3A_250 : memref<4096xf32, #tpu.memory_space<hbm>>) dst(%arg13 : memref<4096xf32, #tpu.memory_space<vmem>>)
      %dma_wait3A_251 = arith.constant 0 : i32
      %dma_wait3A_252 = tpu.memref_slice %arg6[%dma_wait3A_251, %mul3A_234] : memref<16x32768xf32, #tpu.memory_space<hbm>> -> memref<16x256xf32, #tpu.memory_space<hbm>>
      %dma_wait3A_253 = arith.constant 0 : i32
      %dma_wait3A_254 = tpu.memref_slice %arg6[%dma_wait3A_253, %mul3A_234] : memref<16x32768xf32, #tpu.memory_space<hbm>> -> memref<16x256xf32, #tpu.memory_space<hbm>>
      tpu.wait_dma2 semaphore(%arg31 : memref<!tpu.dma_semaphore, #tpu.memory_space<semaphore_mem>>) src(%dma_wait3A_254 : memref<16x256xf32, #tpu.memory_space<hbm>>) dst(%arg14 : memref<16x256xf32, #tpu.memory_space<vmem>>)
      %gt3A = arith.constant 0 : i32
      %gt3A_255 = arith.cmpi sgt, %scan3A_204, %gt3A : i32
      %convert_element_type3A = arith.extui %gt3A_255 : i1 to i32
      %cond3A = arith.constant 0 : i32
      %cond3A_256 = arith.cmpi ne, %convert_element_type3A, %cond3A : i32
      scf.if %cond3A_256 {
        %mul3A_473 = arith.constant 2048 : i32
        %mul3A_474 = arith.muli %add3A_208, %mul3A_473 : i32
        %add3A_475 = arith.constant 0 : i32
        %add3A_476 = arith.addi %add3A_475, %mul3A_474 : i32
        %mul3A_477 = arith.constant 2048 : i32
        %mul3A_478 = arith.muli %add3A_208, %mul3A_477 : i32
        %add3A_479 = arith.constant 262144 : i32
        %add3A_480 = arith.addi %add3A_479, %mul3A_478 : i32
        %mul3A_481 = arith.constant 2048 : i32
        %mul3A_482 = arith.muli %add3A_208, %mul3A_481 : i32
        %add3A_483 = arith.constant 524288 : i32
        %add3A_484 = arith.addi %add3A_483, %mul3A_482 : i32
        %mul3A_485 = arith.constant 2048 : i32
        %mul3A_486 = arith.muli %add3A_208, %mul3A_485 : i32
        %add3A_487 = arith.constant 786432 : i32
        %add3A_488 = arith.addi %add3A_487, %mul3A_486 : i32
        %mul3A_489 = arith.constant 2048 : i32
        %mul3A_490 = arith.muli %add3A_208, %mul3A_489 : i32
        %add3A_491 = arith.constant 1048576 : i32
        %add3A_492 = arith.addi %add3A_491, %mul3A_490 : i32
        %mul3A_493 = arith.constant 2048 : i32
        %mul3A_494 = arith.muli %add3A_208, %mul3A_493 : i32
        %add3A_495 = arith.constant 1310720 : i32
        %add3A_496 = arith.addi %add3A_495, %mul3A_494 : i32
        %mul3A_497 = arith.constant 2048 : i32
        %mul3A_498 = arith.muli %add3A_208, %mul3A_497 : i32
        %add3A_499 = arith.constant 1572864 : i32
        %add3A_500 = arith.addi %add3A_499, %mul3A_498 : i32
        %mul3A_501 = arith.constant 2048 : i32
        %mul3A_502 = arith.muli %add3A_208, %mul3A_501 : i32
        %add3A_503 = arith.constant 1835008 : i32
        %add3A_504 = arith.addi %add3A_503, %mul3A_502 : i32
        %mul3A_505 = arith.constant 512 : i32
        %mul3A_506 = arith.muli %add3A_208, %mul3A_505 : i32
        %dma_wait3A_507 = arith.constant 0 : i32
        %dma_wait3A_508 = tpu.memref_slice %arg21[%dma_wait3A_507] : memref<4096xf32, #tpu.memory_space<vmem>> -> memref<2048xf32, #tpu.memory_space<vmem>>
        %dma_wait3A_509 = tpu.memref_slice %arg8[%add3A_476] : memref<2097152xf32, #tpu.memory_space<hbm>> -> memref<2048xf32, #tpu.memory_space<hbm>>
        %dma_wait3A_510 = tpu.memref_slice %arg8[%add3A_476] : memref<2097152xf32, #tpu.memory_space<hbm>> -> memref<2048xf32, #tpu.memory_space<hbm>>
        %dma_wait3A_511 = arith.constant 0 : i32
        %dma_wait3A_512 = tpu.memref_slice %arg21[%dma_wait3A_511] : memref<4096xf32, #tpu.memory_space<vmem>> -> memref<2048xf32, #tpu.memory_space<vmem>>
        tpu.wait_dma2 semaphore(%arg33 : memref<!tpu.dma_semaphore, #tpu.memory_space<semaphore_mem>>) src(%dma_wait3A_512 : memref<2048xf32, #tpu.memory_space<vmem>>) dst(%dma_wait3A_510 : memref<2048xf32, #tpu.memory_space<hbm>>)
        %dma_wait3A_513 = arith.constant 2048 : i32
        %dma_wait3A_514 = tpu.memref_slice %arg21[%dma_wait3A_513] : memref<4096xf32, #tpu.memory_space<vmem>> -> memref<2048xf32, #tpu.memory_space<vmem>>
        %dma_wait3A_515 = tpu.memref_slice %arg8[%add3A_480] : memref<2097152xf32, #tpu.memory_space<hbm>> -> memref<2048xf32, #tpu.memory_space<hbm>>
        %dma_wait3A_516 = tpu.memref_slice %arg8[%add3A_480] : memref<2097152xf32, #tpu.memory_space<hbm>> -> memref<2048xf32, #tpu.memory_space<hbm>>
        %dma_wait3A_517 = arith.constant 2048 : i32
        %dma_wait3A_518 = tpu.memref_slice %arg21[%dma_wait3A_517] : memref<4096xf32, #tpu.memory_space<vmem>> -> memref<2048xf32, #tpu.memory_space<vmem>>
        tpu.wait_dma2 semaphore(%arg33 : memref<!tpu.dma_semaphore, #tpu.memory_space<semaphore_mem>>) src(%dma_wait3A_518 : memref<2048xf32, #tpu.memory_space<vmem>>) dst(%dma_wait3A_516 : memref<2048xf32, #tpu.memory_space<hbm>>)
        %dma_wait3A_519 = arith.constant 0 : i32
        %dma_wait3A_520 = tpu.memref_slice %arg22[%dma_wait3A_519] : memref<4096xf32, #tpu.memory_space<vmem>> -> memref<2048xf32, #tpu.memory_space<vmem>>
        %dma_wait3A_521 = tpu.memref_slice %arg8[%add3A_484] : memref<2097152xf32, #tpu.memory_space<hbm>> -> memref<2048xf32, #tpu.memory_space<hbm>>
        %dma_wait3A_522 = tpu.memref_slice %arg8[%add3A_484] : memref<2097152xf32, #tpu.memory_space<hbm>> -> memref<2048xf32, #tpu.memory_space<hbm>>
        %dma_wait3A_523 = arith.constant 0 : i32
        %dma_wait3A_524 = tpu.memref_slice %arg22[%dma_wait3A_523] : memref<4096xf32, #tpu.memory_space<vmem>> -> memref<2048xf32, #tpu.memory_space<vmem>>
        tpu.wait_dma2 semaphore(%arg33 : memref<!tpu.dma_semaphore, #tpu.memory_space<semaphore_mem>>) src(%dma_wait3A_524 : memref<2048xf32, #tpu.memory_space<vmem>>) dst(%dma_wait3A_522 : memref<2048xf32, #tpu.memory_space<hbm>>)
        %dma_wait3A_525 = arith.constant 2048 : i32
        %dma_wait3A_526 = tpu.memref_slice %arg22[%dma_wait3A_525] : memref<4096xf32, #tpu.memory_space<vmem>> -> memref<2048xf32, #tpu.memory_space<vmem>>
        %dma_wait3A_527 = tpu.memref_slice %arg8[%add3A_488] : memref<2097152xf32, #tpu.memory_space<hbm>> -> memref<2048xf32, #tpu.memory_space<hbm>>
        %dma_wait3A_528 = tpu.memref_slice %arg8[%add3A_488] : memref<2097152xf32, #tpu.memory_space<hbm>> -> memref<2048xf32, #tpu.memory_space<hbm>>
        %dma_wait3A_529 = arith.constant 2048 : i32
        %dma_wait3A_530 = tpu.memref_slice %arg22[%dma_wait3A_529] : memref<4096xf32, #tpu.memory_space<vmem>> -> memref<2048xf32, #tpu.memory_space<vmem>>
        tpu.wait_dma2 semaphore(%arg33 : memref<!tpu.dma_semaphore, #tpu.memory_space<semaphore_mem>>) src(%dma_wait3A_530 : memref<2048xf32, #tpu.memory_space<vmem>>) dst(%dma_wait3A_528 : memref<2048xf32, #tpu.memory_space<hbm>>)
        %dma_wait3A_531 = arith.constant 0 : i32
        %dma_wait3A_532 = tpu.memref_slice %arg23[%dma_wait3A_531] : memref<4096xf32, #tpu.memory_space<vmem>> -> memref<2048xf32, #tpu.memory_space<vmem>>
        %dma_wait3A_533 = tpu.memref_slice %arg8[%add3A_492] : memref<2097152xf32, #tpu.memory_space<hbm>> -> memref<2048xf32, #tpu.memory_space<hbm>>
        %dma_wait3A_534 = tpu.memref_slice %arg8[%add3A_492] : memref<2097152xf32, #tpu.memory_space<hbm>> -> memref<2048xf32, #tpu.memory_space<hbm>>
        %dma_wait3A_535 = arith.constant 0 : i32
        %dma_wait3A_536 = tpu.memref_slice %arg23[%dma_wait3A_535] : memref<4096xf32, #tpu.memory_space<vmem>> -> memref<2048xf32, #tpu.memory_space<vmem>>
        tpu.wait_dma2 semaphore(%arg33 : memref<!tpu.dma_semaphore, #tpu.memory_space<semaphore_mem>>) src(%dma_wait3A_536 : memref<2048xf32, #tpu.memory_space<vmem>>) dst(%dma_wait3A_534 : memref<2048xf32, #tpu.memory_space<hbm>>)
        %dma_wait3A_537 = arith.constant 2048 : i32
        %dma_wait3A_538 = tpu.memref_slice %arg23[%dma_wait3A_537] : memref<4096xf32, #tpu.memory_space<vmem>> -> memref<2048xf32, #tpu.memory_space<vmem>>
        %dma_wait3A_539 = tpu.memref_slice %arg8[%add3A_496] : memref<2097152xf32, #tpu.memory_space<hbm>> -> memref<2048xf32, #tpu.memory_space<hbm>>
        %dma_wait3A_540 = tpu.memref_slice %arg8[%add3A_496] : memref<2097152xf32, #tpu.memory_space<hbm>> -> memref<2048xf32, #tpu.memory_space<hbm>>
        %dma_wait3A_541 = arith.constant 2048 : i32
        %dma_wait3A_542 = tpu.memref_slice %arg23[%dma_wait3A_541] : memref<4096xf32, #tpu.memory_space<vmem>> -> memref<2048xf32, #tpu.memory_space<vmem>>
        tpu.wait_dma2 semaphore(%arg33 : memref<!tpu.dma_semaphore, #tpu.memory_space<semaphore_mem>>) src(%dma_wait3A_542 : memref<2048xf32, #tpu.memory_space<vmem>>) dst(%dma_wait3A_540 : memref<2048xf32, #tpu.memory_space<hbm>>)
        %dma_wait3A_543 = arith.constant 0 : i32
        %dma_wait3A_544 = tpu.memref_slice %arg24[%dma_wait3A_543] : memref<4096xf32, #tpu.memory_space<vmem>> -> memref<2048xf32, #tpu.memory_space<vmem>>
        %dma_wait3A_545 = tpu.memref_slice %arg8[%add3A_500] : memref<2097152xf32, #tpu.memory_space<hbm>> -> memref<2048xf32, #tpu.memory_space<hbm>>
        %dma_wait3A_546 = tpu.memref_slice %arg8[%add3A_500] : memref<2097152xf32, #tpu.memory_space<hbm>> -> memref<2048xf32, #tpu.memory_space<hbm>>
        %dma_wait3A_547 = arith.constant 0 : i32
        %dma_wait3A_548 = tpu.memref_slice %arg24[%dma_wait3A_547] : memref<4096xf32, #tpu.memory_space<vmem>> -> memref<2048xf32, #tpu.memory_space<vmem>>
        tpu.wait_dma2 semaphore(%arg33 : memref<!tpu.dma_semaphore, #tpu.memory_space<semaphore_mem>>) src(%dma_wait3A_548 : memref<2048xf32, #tpu.memory_space<vmem>>) dst(%dma_wait3A_546 : memref<2048xf32, #tpu.memory_space<hbm>>)
        %dma_wait3A_549 = arith.constant 2048 : i32
        %dma_wait3A_550 = tpu.memref_slice %arg24[%dma_wait3A_549] : memref<4096xf32, #tpu.memory_space<vmem>> -> memref<2048xf32, #tpu.memory_space<vmem>>
        %dma_wait3A_551 = tpu.memref_slice %arg8[%add3A_504] : memref<2097152xf32, #tpu.memory_space<hbm>> -> memref<2048xf32, #tpu.memory_space<hbm>>
        %dma_wait3A_552 = tpu.memref_slice %arg8[%add3A_504] : memref<2097152xf32, #tpu.memory_space<hbm>> -> memref<2048xf32, #tpu.memory_space<hbm>>
        %dma_wait3A_553 = arith.constant 2048 : i32
        %dma_wait3A_554 = tpu.memref_slice %arg24[%dma_wait3A_553] : memref<4096xf32, #tpu.memory_space<vmem>> -> memref<2048xf32, #tpu.memory_space<vmem>>
        tpu.wait_dma2 semaphore(%arg33 : memref<!tpu.dma_semaphore, #tpu.memory_space<semaphore_mem>>) src(%dma_wait3A_554 : memref<2048xf32, #tpu.memory_space<vmem>>) dst(%dma_wait3A_552 : memref<2048xf32, #tpu.memory_space<hbm>>)
        %dma_wait3A_555 = tpu.memref_slice %arg9[%mul3A_506] : memref<65536xf32, #tpu.memory_space<hbm>> -> memref<512xf32, #tpu.memory_space<hbm>>
        %dma_wait3A_556 = tpu.memref_slice %arg9[%mul3A_506] : memref<65536xf32, #tpu.memory_space<hbm>> -> memref<512xf32, #tpu.memory_space<hbm>>
        tpu.wait_dma2 semaphore(%arg33 : memref<!tpu.dma_semaphore, #tpu.memory_space<semaphore_mem>>) src(%arg25 : memref<512xf32, #tpu.memory_space<vmem>>) dst(%dma_wait3A_556 : memref<512xf32, #tpu.memory_space<hbm>>)
      } else {
      }
      %scan3A_257 = arith.constant 0 : i32
      %scan3A_258 = arith.constant 0 : i32
      %scan3A_259 = arith.constant 16 : i32
      %scan3A_260 = arith.addi %scan3A_258, %scan3A_259 : i32
      %scan3A_261 = arith.constant 1 : i32
      %scan3A_262 = scf.for %scan3A_473 = %scan3A_258 to %scan3A_260 step %scan3A_261 iter_args(%scan3A_474 = %scan3A_257) -> (i32)  : i32 {
        %mul3A_475 = arith.constant 16 : i32
        %mul3A_476 = arith.muli %scan3A_473, %mul3A_475 : i32
        %add3A_477 = vector.broadcast %mul3A_476 : i32 to vector<16xi32>
        %add3A_478 = arith.addi %add3A_477, %iota3A : vector<16xi32>
        %mul3A_479 = arith.constant 16 : i32
        %mul3A_480 = vector.broadcast %mul3A_479 : i32 to vector<16xi32>
        %mul3A_481 = arith.muli %add3A_478, %mul3A_480 : vector<16xi32>
        %jit3A = arith.constant 8 : i32
        %div3A = arith.divsi %scan3A_473, %jit3A : i32
        %sign3A = arith.constant 0 : i32
        %sign3A_482 = arith.cmpi sgt, %scan3A_473, %sign3A : i32
        %sign3A_483 = arith.extui %sign3A_482 : i1 to i32
        %sign3A_484 = arith.constant 0 : i32
        %sign3A_485 = arith.cmpi slt, %scan3A_473, %sign3A_484 : i32
        %sign3A_486 = arith.extui %sign3A_485 : i1 to i32
        %sign3A_487 = arith.subi %sign3A_483, %sign3A_486 : i32
        %sign3A_488 = arith.constant 0 : i32
        %sign3A_489 = arith.cmpi sgt, %jit3A, %sign3A_488 : i32
        %sign3A_490 = arith.extui %sign3A_489 : i1 to i32
        %sign3A_491 = arith.constant 0 : i32
        %sign3A_492 = arith.cmpi slt, %jit3A, %sign3A_491 : i32
        %sign3A_493 = arith.extui %sign3A_492 : i1 to i32
        %sign3A_494 = arith.subi %sign3A_490, %sign3A_493 : i32
        %ne3A = arith.cmpi ne, %sign3A_487, %sign3A_494 : i32
        %rem3A = arith.remsi %scan3A_473, %jit3A : i32
        %ne3A_495 = arith.constant 0 : i32
        %ne3A_496 = arith.cmpi ne, %rem3A, %ne3A_495 : i32
        %and3A = arith.andi %ne3A, %ne3A_496 : i1
        %sub3A_497 = arith.constant 1 : i32
        %sub3A_498 = arith.subi %div3A, %sub3A_497 : i32
        %select_n3A = arith.select %and3A, %sub3A_498, %div3A : i32
        %mul3A_499 = arith.constant 1024 : i32
        %mul3A_500 = arith.muli %select_n3A, %mul3A_499 : i32
        %jit3A_501 = arith.constant 8 : i32
        %eq3A = arith.constant 0 : i32
        %eq3A_502 = arith.cmpi eq, %jit3A_501, %eq3A : i32
        %jit3A_503 = arith.constant 1 : i32
        %select_n3A_504 = arith.select %eq3A_502, %jit3A_503, %jit3A_501 : i32
        %rem3A_505 = arith.remsi %scan3A_473, %select_n3A_504 : i32
        %ne3A_506 = arith.constant 0 : i32
        %ne3A_507 = arith.cmpi ne, %rem3A_505, %ne3A_506 : i32
        %lt3A_508 = arith.constant 0 : i32
        %lt3A_509 = arith.cmpi slt, %rem3A_505, %lt3A_508 : i32
        %lt3A_510 = arith.constant 0 : i32
        %lt3A_511 = arith.cmpi slt, %select_n3A_504, %lt3A_510 : i32
        %ne3A_512 = arith.xori %lt3A_509, %lt3A_511 : i1
        %and3A_513 = arith.andi %ne3A_512, %ne3A_507 : i1
        %add3A_514 = arith.addi %rem3A_505, %select_n3A_504 : i32
        %select_n3A_515 = arith.select %and3A_513, %add3A_514, %rem3A_505 : i32
        %mul3A_516 = arith.constant 16 : i32
        %mul3A_517 = arith.muli %select_n3A_515, %mul3A_516 : i32
        %add3A_518 = arith.addi %mul3A_500, %mul3A_517 : i32
        %add3A_519 = arith.constant 0 : i32
        %add3A_520 = vector.broadcast %add3A_519 : i32 to vector<16xi32>
        %add3A_521 = arith.addi %mul3A_481, %add3A_520 : vector<16xi32>
        %add3A_522 = arith.constant 1 : i32
        %add3A_523 = vector.broadcast %add3A_522 : i32 to vector<16xi32>
        %add3A_524 = arith.addi %mul3A_481, %add3A_523 : vector<16xi32>
        %add3A_525 = arith.constant 2 : i32
        %add3A_526 = vector.broadcast %add3A_525 : i32 to vector<16xi32>
        %add3A_527 = arith.addi %mul3A_481, %add3A_526 : vector<16xi32>
        %add3A_528 = arith.constant 3 : i32
        %add3A_529 = vector.broadcast %add3A_528 : i32 to vector<16xi32>
        %add3A_530 = arith.addi %mul3A_481, %add3A_529 : vector<16xi32>
        %add3A_531 = arith.constant 4 : i32
        %add3A_532 = vector.broadcast %add3A_531 : i32 to vector<16xi32>
        %add3A_533 = arith.addi %mul3A_481, %add3A_532 : vector<16xi32>
        %add3A_534 = arith.constant 5 : i32
        %add3A_535 = vector.broadcast %add3A_534 : i32 to vector<16xi32>
        %add3A_536 = arith.addi %mul3A_481, %add3A_535 : vector<16xi32>
        %add3A_537 = arith.constant 6 : i32
        %add3A_538 = vector.broadcast %add3A_537 : i32 to vector<16xi32>
        %add3A_539 = arith.addi %mul3A_481, %add3A_538 : vector<16xi32>
        %add3A_540 = arith.constant 7 : i32
        %add3A_541 = vector.broadcast %add3A_540 : i32 to vector<16xi32>
        %add3A_542 = arith.addi %mul3A_481, %add3A_541 : vector<16xi32>
        %add3A_543 = arith.constant 8 : i32
        %add3A_544 = vector.broadcast %add3A_543 : i32 to vector<16xi32>
        %add3A_545 = arith.addi %mul3A_481, %add3A_544 : vector<16xi32>
        %add3A_546 = arith.constant 9 : i32
        %add3A_547 = vector.broadcast %add3A_546 : i32 to vector<16xi32>
        %add3A_548 = arith.addi %mul3A_481, %add3A_547 : vector<16xi32>
        %add3A_549 = arith.constant 10 : i32
        %add3A_550 = vector.broadcast %add3A_549 : i32 to vector<16xi32>
        %add3A_551 = arith.addi %mul3A_481, %add3A_550 : vector<16xi32>
        %add3A_552 = arith.constant 11 : i32
        %add3A_553 = vector.broadcast %add3A_552 : i32 to vector<16xi32>
        %add3A_554 = arith.addi %mul3A_481, %add3A_553 : vector<16xi32>
        %add3A_555 = arith.constant 12 : i32
        %add3A_556 = vector.broadcast %add3A_555 : i32 to vector<16xi32>
        %add3A_557 = arith.addi %mul3A_481, %add3A_556 : vector<16xi32>
        %add3A_558 = arith.constant 13 : i32
        %add3A_559 = vector.broadcast %add3A_558 : i32 to vector<16xi32>
        %add3A_560 = arith.addi %mul3A_481, %add3A_559 : vector<16xi32>
        %add3A_561 = arith.constant 14 : i32
        %add3A_562 = vector.broadcast %add3A_561 : i32 to vector<16xi32>
        %add3A_563 = arith.addi %mul3A_481, %add3A_562 : vector<16xi32>
        %add3A_564 = arith.constant 15 : i32
        %add3A_565 = vector.broadcast %add3A_564 : i32 to vector<16xi32>
        %add3A_566 = arith.addi %mul3A_481, %add3A_565 : vector<16xi32>
        %broadcast_in_dim3A = arith.constant 0.000000e+00 : f32
        %broadcast_in_dim3A_567 = vector.broadcast %broadcast_in_dim3A : f32 to vector<16xf32>
        %gather3A = tpu.vector_load_idx %arg10[%add3A_521] : memref<4096xf32, #tpu.memory_space<vmem>>[vector<16xi32>], vector<16xf32>,
        %gather3A_568 = tpu.vector_load_idx %arg10[%add3A_524] : memref<4096xf32, #tpu.memory_space<vmem>>[vector<16xi32>], vector<16xf32>,
        %gather3A_569 = tpu.vector_load_idx %arg10[%add3A_527] : memref<4096xf32, #tpu.memory_space<vmem>>[vector<16xi32>], vector<16xf32>,
        %gather3A_570 = tpu.vector_load_idx %arg10[%add3A_530] : memref<4096xf32, #tpu.memory_space<vmem>>[vector<16xi32>], vector<16xf32>,
        %gather3A_571 = tpu.vector_load_idx %arg10[%add3A_533] : memref<4096xf32, #tpu.memory_space<vmem>>[vector<16xi32>], vector<16xf32>,
        %gather3A_572 = tpu.vector_load_idx %arg10[%add3A_536] : memref<4096xf32, #tpu.memory_space<vmem>>[vector<16xi32>], vector<16xf32>,
        %gather3A_573 = tpu.vector_load_idx %arg10[%add3A_539] : memref<4096xf32, #tpu.memory_space<vmem>>[vector<16xi32>], vector<16xf32>,
        %gather3A_574 = tpu.vector_load_idx %arg10[%add3A_542] : memref<4096xf32, #tpu.memory_space<vmem>>[vector<16xi32>], vector<16xf32>,
        %gather3A_575 = tpu.vector_load_idx %arg10[%add3A_545] : memref<4096xf32, #tpu.memory_space<vmem>>[vector<16xi32>], vector<16xf32>,
        %gather3A_576 = tpu.vector_load_idx %arg10[%add3A_548] : memref<4096xf32, #tpu.memory_space<vmem>>[vector<16xi32>], vector<16xf32>,
        %gather3A_577 = tpu.vector_load_idx %arg10[%add3A_551] : memref<4096xf32, #tpu.memory_space<vmem>>[vector<16xi32>], vector<16xf32>,
        %gather3A_578 = tpu.vector_load_idx %arg10[%add3A_554] : memref<4096xf32, #tpu.memory_space<vmem>>[vector<16xi32>], vector<16xf32>,
        %gather3A_579 = tpu.vector_load_idx %arg10[%add3A_557] : memref<4096xf32, #tpu.memory_space<vmem>>[vector<16xi32>], vector<16xf32>,
        %gather3A_580 = tpu.vector_load_idx %arg10[%add3A_560] : memref<4096xf32, #tpu.memory_space<vmem>>[vector<16xi32>], vector<16xf32>,
        %gather3A_581 = tpu.vector_load_idx %arg10[%add3A_563] : memref<4096xf32, #tpu.memory_space<vmem>>[vector<16xi32>], vector<16xf32>,
        %gather3A_582 = tpu.vector_load_idx %arg10[%add3A_566] : memref<4096xf32, #tpu.memory_space<vmem>>[vector<16xi32>], vector<16xf32>,
        %gt3A_583 = arith.cmpf ogt, %gather3A_568, %gather3A : vector<16xf32>
        %select_n3A_584 = arith.select %gt3A_583, %gather3A_568, %gather3A : vector<16xi1>, vector<16xf32>
        %jit3A_585 = arith.constant 1 : i32
        %jit3A_586 = arith.constant 0 : i32
        %broadcast_in_dim3A_587 = vector.broadcast %jit3A_585 : i32 to vector<16xi32>
        %broadcast_in_dim3A_588 = vector.broadcast %jit3A_586 : i32 to vector<16xi32>
        %select_n3A_589 = arith.select %gt3A_583, %broadcast_in_dim3A_587, %broadcast_in_dim3A_588 : vector<16xi1>, vector<16xi32>
        %gt3A_590 = arith.cmpf ogt, %gather3A_570, %gather3A_569 : vector<16xf32>
        %select_n3A_591 = arith.select %gt3A_590, %gather3A_570, %gather3A_569 : vector<16xi1>, vector<16xf32>
        %jit3A_592 = arith.constant 3 : i32
        %jit3A_593 = arith.constant 2 : i32
        %broadcast_in_dim3A_594 = vector.broadcast %jit3A_592 : i32 to vector<16xi32>
        %broadcast_in_dim3A_595 = vector.broadcast %jit3A_593 : i32 to vector<16xi32>
        %select_n3A_596 = arith.select %gt3A_590, %broadcast_in_dim3A_594, %broadcast_in_dim3A_595 : vector<16xi1>, vector<16xi32>
        %gt3A_597 = arith.cmpf ogt, %gather3A_572, %gather3A_571 : vector<16xf32>
        %select_n3A_598 = arith.select %gt3A_597, %gather3A_572, %gather3A_571 : vector<16xi1>, vector<16xf32>
        %jit3A_599 = arith.constant 5 : i32
        %jit3A_600 = arith.constant 4 : i32
        %broadcast_in_dim3A_601 = vector.broadcast %jit3A_599 : i32 to vector<16xi32>
        %broadcast_in_dim3A_602 = vector.broadcast %jit3A_600 : i32 to vector<16xi32>
        %select_n3A_603 = arith.select %gt3A_597, %broadcast_in_dim3A_601, %broadcast_in_dim3A_602 : vector<16xi1>, vector<16xi32>
        %gt3A_604 = arith.cmpf ogt, %gather3A_574, %gather3A_573 : vector<16xf32>
        %select_n3A_605 = arith.select %gt3A_604, %gather3A_574, %gather3A_573 : vector<16xi1>, vector<16xf32>
        %jit3A_606 = arith.constant 7 : i32
        %jit3A_607 = arith.constant 6 : i32
        %broadcast_in_dim3A_608 = vector.broadcast %jit3A_606 : i32 to vector<16xi32>
        %broadcast_in_dim3A_609 = vector.broadcast %jit3A_607 : i32 to vector<16xi32>
        %select_n3A_610 = arith.select %gt3A_604, %broadcast_in_dim3A_608, %broadcast_in_dim3A_609 : vector<16xi1>, vector<16xi32>
        %gt3A_611 = arith.cmpf ogt, %gather3A_576, %gather3A_575 : vector<16xf32>
        %select_n3A_612 = arith.select %gt3A_611, %gather3A_576, %gather3A_575 : vector<16xi1>, vector<16xf32>
        %jit3A_613 = arith.constant 9 : i32
        %jit3A_614 = arith.constant 8 : i32
        %broadcast_in_dim3A_615 = vector.broadcast %jit3A_613 : i32 to vector<16xi32>
        %broadcast_in_dim3A_616 = vector.broadcast %jit3A_614 : i32 to vector<16xi32>
        %select_n3A_617 = arith.select %gt3A_611, %broadcast_in_dim3A_615, %broadcast_in_dim3A_616 : vector<16xi1>, vector<16xi32>
        %gt3A_618 = arith.cmpf ogt, %gather3A_578, %gather3A_577 : vector<16xf32>
        %select_n3A_619 = arith.select %gt3A_618, %gather3A_578, %gather3A_577 : vector<16xi1>, vector<16xf32>
        %jit3A_620 = arith.constant 11 : i32
        %jit3A_621 = arith.constant 10 : i32
        %broadcast_in_dim3A_622 = vector.broadcast %jit3A_620 : i32 to vector<16xi32>
        %broadcast_in_dim3A_623 = vector.broadcast %jit3A_621 : i32 to vector<16xi32>
        %select_n3A_624 = arith.select %gt3A_618, %broadcast_in_dim3A_622, %broadcast_in_dim3A_623 : vector<16xi1>, vector<16xi32>
        %gt3A_625 = arith.cmpf ogt, %gather3A_580, %gather3A_579 : vector<16xf32>
        %select_n3A_626 = arith.select %gt3A_625, %gather3A_580, %gather3A_579 : vector<16xi1>, vector<16xf32>
        %jit3A_627 = arith.constant 13 : i32
        %jit3A_628 = arith.constant 12 : i32
        %broadcast_in_dim3A_629 = vector.broadcast %jit3A_627 : i32 to vector<16xi32>
        %broadcast_in_dim3A_630 = vector.broadcast %jit3A_628 : i32 to vector<16xi32>
        %select_n3A_631 = arith.select %gt3A_625, %broadcast_in_dim3A_629, %broadcast_in_dim3A_630 : vector<16xi1>, vector<16xi32>
        %gt3A_632 = arith.cmpf ogt, %gather3A_582, %gather3A_581 : vector<16xf32>
        %select_n3A_633 = arith.select %gt3A_632, %gather3A_582, %gather3A_581 : vector<16xi1>, vector<16xf32>
        %jit3A_634 = arith.constant 15 : i32
        %jit3A_635 = arith.constant 14 : i32
        %broadcast_in_dim3A_636 = vector.broadcast %jit3A_634 : i32 to vector<16xi32>
        %broadcast_in_dim3A_637 = vector.broadcast %jit3A_635 : i32 to vector<16xi32>
        %select_n3A_638 = arith.select %gt3A_632, %broadcast_in_dim3A_636, %broadcast_in_dim3A_637 : vector<16xi1>, vector<16xi32>
        %gt3A_639 = arith.cmpf ogt, %select_n3A_591, %select_n3A_584 : vector<16xf32>
        %select_n3A_640 = arith.select %gt3A_639, %select_n3A_591, %select_n3A_584 : vector<16xi1>, vector<16xf32>
        %select_n3A_641 = arith.select %gt3A_639, %select_n3A_596, %select_n3A_589 : vector<16xi1>, vector<16xi32>
        %gt3A_642 = arith.cmpf ogt, %select_n3A_605, %select_n3A_598 : vector<16xf32>
        %select_n3A_643 = arith.select %gt3A_642, %select_n3A_605, %select_n3A_598 : vector<16xi1>, vector<16xf32>
        %select_n3A_644 = arith.select %gt3A_642, %select_n3A_610, %select_n3A_603 : vector<16xi1>, vector<16xi32>
        %gt3A_645 = arith.cmpf ogt, %select_n3A_619, %select_n3A_612 : vector<16xf32>
        %select_n3A_646 = arith.select %gt3A_645, %select_n3A_619, %select_n3A_612 : vector<16xi1>, vector<16xf32>
        %select_n3A_647 = arith.select %gt3A_645, %select_n3A_624, %select_n3A_617 : vector<16xi1>, vector<16xi32>
        %gt3A_648 = arith.cmpf ogt, %select_n3A_633, %select_n3A_626 : vector<16xf32>
        %select_n3A_649 = arith.select %gt3A_648, %select_n3A_633, %select_n3A_626 : vector<16xi1>, vector<16xf32>
        %select_n3A_650 = arith.select %gt3A_648, %select_n3A_638, %select_n3A_631 : vector<16xi1>, vector<16xi32>
        %gt3A_651 = arith.cmpf ogt, %select_n3A_643, %select_n3A_640 : vector<16xf32>
        %select_n3A_652 = arith.select %gt3A_651, %select_n3A_643, %select_n3A_640 : vector<16xi1>, vector<16xf32>
        %select_n3A_653 = arith.select %gt3A_651, %select_n3A_644, %select_n3A_641 : vector<16xi1>, vector<16xi32>
        %gt3A_654 = arith.cmpf ogt, %select_n3A_649, %select_n3A_646 : vector<16xf32>
        %select_n3A_655 = arith.select %gt3A_654, %select_n3A_649, %select_n3A_646 : vector<16xi1>, vector<16xf32>
        %select_n3A_656 = arith.select %gt3A_654, %select_n3A_650, %select_n3A_647 : vector<16xi1>, vector<16xi32>
        %gt3A_657 = arith.cmpf ogt, %select_n3A_655, %select_n3A_652 : vector<16xf32>
        %select_n3A_658 = arith.select %gt3A_657, %select_n3A_655, %select_n3A_652 : vector<16xi1>, vector<16xf32>
        %select_n3A_659 = arith.select %gt3A_657, %select_n3A_656, %select_n3A_653 : vector<16xi1>, vector<16xi32>
        %eq3A_660 = arith.constant 0 : i32
        %eq3A_661 = vector.broadcast %eq3A_660 : i32 to vector<16xi32>
        %eq3A_662 = arith.cmpi eq, %select_n3A_659, %eq3A_661 : vector<16xi32>
        %jit3A_663 = arith.constant 1.000000e+00 : f32
        %jit3A_664 = arith.constant 0.000000e+00 : f32
        %broadcast_in_dim3A_665 = vector.broadcast %jit3A_663 : f32 to vector<16xf32>
        %broadcast_in_dim3A_666 = vector.broadcast %jit3A_664 : f32 to vector<16xf32>
        %select_n3A_667 = arith.select %eq3A_662, %broadcast_in_dim3A_665, %broadcast_in_dim3A_666 : vector<16xi1>, vector<16xf32>
        %add3A_668 = arith.constant 0 : i32
        %add3A_669 = arith.addi %add3A_668, %add3A_518 : i32
        %swap3A = arith.index_cast %add3A_669 : i32 to index
        %swap3A_670 = tpu.vector_load %arg21[%swap3A] {strides = array<i32>} : memref<4096xf32, #tpu.memory_space<vmem>>, vector<16xf32>,
        tpu.vector_store %arg21[%swap3A], %select_n3A_667 {strides = array<i32>} : memref<4096xf32, #tpu.memory_space<vmem>>, vector<16xf32>,
        %eq3A_671 = arith.constant 1 : i32
        %eq3A_672 = vector.broadcast %eq3A_671 : i32 to vector<16xi32>
        %eq3A_673 = arith.cmpi eq, %select_n3A_659, %eq3A_672 : vector<16xi32>
        %jit3A_674 = arith.constant 1.000000e+00 : f32
        %jit3A_675 = arith.constant 0.000000e+00 : f32
        %broadcast_in_dim3A_676 = vector.broadcast %jit3A_674 : f32 to vector<16xf32>
        %broadcast_in_dim3A_677 = vector.broadcast %jit3A_675 : f32 to vector<16xf32>
        %select_n3A_678 = arith.select %eq3A_673, %broadcast_in_dim3A_676, %broadcast_in_dim3A_677 : vector<16xi1>, vector<16xf32>
        %add3A_679 = arith.constant 128 : i32
        %add3A_680 = arith.addi %add3A_679, %add3A_518 : i32
        %swap3A_681 = arith.index_cast %add3A_680 : i32 to index
        %swap3A_682 = tpu.vector_load %arg21[%swap3A_681] {strides = array<i32>} : memref<4096xf32, #tpu.memory_space<vmem>>, vector<16xf32>,
        tpu.vector_store %arg21[%swap3A_681], %select_n3A_678 {strides = array<i32>} : memref<4096xf32, #tpu.memory_space<vmem>>, vector<16xf32>,
        %eq3A_683 = arith.constant 2 : i32
        %eq3A_684 = vector.broadcast %eq3A_683 : i32 to vector<16xi32>
        %eq3A_685 = arith.cmpi eq, %select_n3A_659, %eq3A_684 : vector<16xi32>
        %jit3A_686 = arith.constant 1.000000e+00 : f32
        %jit3A_687 = arith.constant 0.000000e+00 : f32
        %broadcast_in_dim3A_688 = vector.broadcast %jit3A_686 : f32 to vector<16xf32>
        %broadcast_in_dim3A_689 = vector.broadcast %jit3A_687 : f32 to vector<16xf32>
        %select_n3A_690 = arith.select %eq3A_685, %broadcast_in_dim3A_688, %broadcast_in_dim3A_689 : vector<16xi1>, vector<16xf32>
        %add3A_691 = arith.constant 256 : i32
        %add3A_692 = arith.addi %add3A_691, %add3A_518 : i32
        %swap3A_693 = arith.index_cast %add3A_692 : i32 to index
        %swap3A_694 = tpu.vector_load %arg21[%swap3A_693] {strides = array<i32>} : memref<4096xf32, #tpu.memory_space<vmem>>, vector<16xf32>,
        tpu.vector_store %arg21[%swap3A_693], %select_n3A_690 {strides = array<i32>} : memref<4096xf32, #tpu.memory_space<vmem>>, vector<16xf32>,
        %eq3A_695 = arith.constant 3 : i32
        %eq3A_696 = vector.broadcast %eq3A_695 : i32 to vector<16xi32>
        %eq3A_697 = arith.cmpi eq, %select_n3A_659, %eq3A_696 : vector<16xi32>
        %jit3A_698 = arith.constant 1.000000e+00 : f32
        %jit3A_699 = arith.constant 0.000000e+00 : f32
        %broadcast_in_dim3A_700 = vector.broadcast %jit3A_698 : f32 to vector<16xf32>
        %broadcast_in_dim3A_701 = vector.broadcast %jit3A_699 : f32 to vector<16xf32>
        %select_n3A_702 = arith.select %eq3A_697, %broadcast_in_dim3A_700, %broadcast_in_dim3A_701 : vector<16xi1>, vector<16xf32>
        %add3A_703 = arith.constant 384 : i32
        %add3A_704 = arith.addi %add3A_703, %add3A_518 : i32
        %swap3A_705 = arith.index_cast %add3A_704 : i32 to index
        %swap3A_706 = tpu.vector_load %arg21[%swap3A_705] {strides = array<i32>} : memref<4096xf32, #tpu.memory_space<vmem>>, vector<16xf32>,
        tpu.vector_store %arg21[%swap3A_705], %select_n3A_702 {strides = array<i32>} : memref<4096xf32, #tpu.memory_space<vmem>>, vector<16xf32>,
        %eq3A_707 = arith.constant 4 : i32
        %eq3A_708 = vector.broadcast %eq3A_707 : i32 to vector<16xi32>
        %eq3A_709 = arith.cmpi eq, %select_n3A_659, %eq3A_708 : vector<16xi32>
        %jit3A_710 = arith.constant 1.000000e+00 : f32
        %jit3A_711 = arith.constant 0.000000e+00 : f32
        %broadcast_in_dim3A_712 = vector.broadcast %jit3A_710 : f32 to vector<16xf32>
        %broadcast_in_dim3A_713 = vector.broadcast %jit3A_711 : f32 to vector<16xf32>
        %select_n3A_714 = arith.select %eq3A_709, %broadcast_in_dim3A_712, %broadcast_in_dim3A_713 : vector<16xi1>, vector<16xf32>
        %add3A_715 = arith.constant 512 : i32
        %add3A_716 = arith.addi %add3A_715, %add3A_518 : i32
        %swap3A_717 = arith.index_cast %add3A_716 : i32 to index
        %swap3A_718 = tpu.vector_load %arg21[%swap3A_717] {strides = array<i32>} : memref<4096xf32, #tpu.memory_space<vmem>>, vector<16xf32>,
        tpu.vector_store %arg21[%swap3A_717], %select_n3A_714 {strides = array<i32>} : memref<4096xf32, #tpu.memory_space<vmem>>, vector<16xf32>,
        %eq3A_719 = arith.constant 5 : i32
        %eq3A_720 = vector.broadcast %eq3A_719 : i32 to vector<16xi32>
        %eq3A_721 = arith.cmpi eq, %select_n3A_659, %eq3A_720 : vector<16xi32>
        %jit3A_722 = arith.constant 1.000000e+00 : f32
        %jit3A_723 = arith.constant 0.000000e+00 : f32
        %broadcast_in_dim3A_724 = vector.broadcast %jit3A_722 : f32 to vector<16xf32>
        %broadcast_in_dim3A_725 = vector.broadcast %jit3A_723 : f32 to vector<16xf32>
        %select_n3A_726 = arith.select %eq3A_721, %broadcast_in_dim3A_724, %broadcast_in_dim3A_725 : vector<16xi1>, vector<16xf32>
        %add3A_727 = arith.constant 640 : i32
        %add3A_728 = arith.addi %add3A_727, %add3A_518 : i32
        %swap3A_729 = arith.index_cast %add3A_728 : i32 to index
        %swap3A_730 = tpu.vector_load %arg21[%swap3A_729] {strides = array<i32>} : memref<4096xf32, #tpu.memory_space<vmem>>, vector<16xf32>,
        tpu.vector_store %arg21[%swap3A_729], %select_n3A_726 {strides = array<i32>} : memref<4096xf32, #tpu.memory_space<vmem>>, vector<16xf32>,
        %eq3A_731 = arith.constant 6 : i32
        %eq3A_732 = vector.broadcast %eq3A_731 : i32 to vector<16xi32>
        %eq3A_733 = arith.cmpi eq, %select_n3A_659, %eq3A_732 : vector<16xi32>
        %jit3A_734 = arith.constant 1.000000e+00 : f32
        %jit3A_735 = arith.constant 0.000000e+00 : f32
        %broadcast_in_dim3A_736 = vector.broadcast %jit3A_734 : f32 to vector<16xf32>
        %broadcast_in_dim3A_737 = vector.broadcast %jit3A_735 : f32 to vector<16xf32>
        %select_n3A_738 = arith.select %eq3A_733, %broadcast_in_dim3A_736, %broadcast_in_dim3A_737 : vector<16xi1>, vector<16xf32>
        %add3A_739 = arith.constant 768 : i32
        %add3A_740 = arith.addi %add3A_739, %add3A_518 : i32
        %swap3A_741 = arith.index_cast %add3A_740 : i32 to index
        %swap3A_742 = tpu.vector_load %arg21[%swap3A_741] {strides = array<i32>} : memref<4096xf32, #tpu.memory_space<vmem>>, vector<16xf32>,
        tpu.vector_store %arg21[%swap3A_741], %select_n3A_738 {strides = array<i32>} : memref<4096xf32, #tpu.memory_space<vmem>>, vector<16xf32>,
        %eq3A_743 = arith.constant 7 : i32
        %eq3A_744 = vector.broadcast %eq3A_743 : i32 to vector<16xi32>
        %eq3A_745 = arith.cmpi eq, %select_n3A_659, %eq3A_744 : vector<16xi32>
        %jit3A_746 = arith.constant 1.000000e+00 : f32
        %jit3A_747 = arith.constant 0.000000e+00 : f32
        %broadcast_in_dim3A_748 = vector.broadcast %jit3A_746 : f32 to vector<16xf32>
        %broadcast_in_dim3A_749 = vector.broadcast %jit3A_747 : f32 to vector<16xf32>
        %select_n3A_750 = arith.select %eq3A_745, %broadcast_in_dim3A_748, %broadcast_in_dim3A_749 : vector<16xi1>, vector<16xf32>
        %add3A_751 = arith.constant 896 : i32
        %add3A_752 = arith.addi %add3A_751, %add3A_518 : i32
        %swap3A_753 = arith.index_cast %add3A_752 : i32 to index
        %swap3A_754 = tpu.vector_load %arg21[%swap3A_753] {strides = array<i32>} : memref<4096xf32, #tpu.memory_space<vmem>>, vector<16xf32>,
        tpu.vector_store %arg21[%swap3A_753], %select_n3A_750 {strides = array<i32>} : memref<4096xf32, #tpu.memory_space<vmem>>, vector<16xf32>,
        %eq3A_755 = arith.constant 8 : i32
        %eq3A_756 = vector.broadcast %eq3A_755 : i32 to vector<16xi32>
        %eq3A_757 = arith.cmpi eq, %select_n3A_659, %eq3A_756 : vector<16xi32>
        %jit3A_758 = arith.constant 1.000000e+00 : f32
        %jit3A_759 = arith.constant 0.000000e+00 : f32
        %broadcast_in_dim3A_760 = vector.broadcast %jit3A_758 : f32 to vector<16xf32>
        %broadcast_in_dim3A_761 = vector.broadcast %jit3A_759 : f32 to vector<16xf32>
        %select_n3A_762 = arith.select %eq3A_757, %broadcast_in_dim3A_760, %broadcast_in_dim3A_761 : vector<16xi1>, vector<16xf32>
        %add3A_763 = arith.constant 2048 : i32
        %add3A_764 = arith.addi %add3A_763, %add3A_518 : i32
        %swap3A_765 = arith.index_cast %add3A_764 : i32 to index
        %swap3A_766 = tpu.vector_load %arg21[%swap3A_765] {strides = array<i32>} : memref<4096xf32, #tpu.memory_space<vmem>>, vector<16xf32>,
        tpu.vector_store %arg21[%swap3A_765], %select_n3A_762 {strides = array<i32>} : memref<4096xf32, #tpu.memory_space<vmem>>, vector<16xf32>,
        %eq3A_767 = arith.constant 9 : i32
        %eq3A_768 = vector.broadcast %eq3A_767 : i32 to vector<16xi32>
        %eq3A_769 = arith.cmpi eq, %select_n3A_659, %eq3A_768 : vector<16xi32>
        %jit3A_770 = arith.constant 1.000000e+00 : f32
        %jit3A_771 = arith.constant 0.000000e+00 : f32
        %broadcast_in_dim3A_772 = vector.broadcast %jit3A_770 : f32 to vector<16xf32>
        %broadcast_in_dim3A_773 = vector.broadcast %jit3A_771 : f32 to vector<16xf32>
        %select_n3A_774 = arith.select %eq3A_769, %broadcast_in_dim3A_772, %broadcast_in_dim3A_773 : vector<16xi1>, vector<16xf32>
        %add3A_775 = arith.constant 2176 : i32
        %add3A_776 = arith.addi %add3A_775, %add3A_518 : i32
        %swap3A_777 = arith.index_cast %add3A_776 : i32 to index
        %swap3A_778 = tpu.vector_load %arg21[%swap3A_777] {strides = array<i32>} : memref<4096xf32, #tpu.memory_space<vmem>>, vector<16xf32>,
        tpu.vector_store %arg21[%swap3A_777], %select_n3A_774 {strides = array<i32>} : memref<4096xf32, #tpu.memory_space<vmem>>, vector<16xf32>,
        %eq3A_779 = arith.constant 10 : i32
        %eq3A_780 = vector.broadcast %eq3A_779 : i32 to vector<16xi32>
        %eq3A_781 = arith.cmpi eq, %select_n3A_659, %eq3A_780 : vector<16xi32>
        %jit3A_782 = arith.constant 1.000000e+00 : f32
        %jit3A_783 = arith.constant 0.000000e+00 : f32
        %broadcast_in_dim3A_784 = vector.broadcast %jit3A_782 : f32 to vector<16xf32>
        %broadcast_in_dim3A_785 = vector.broadcast %jit3A_783 : f32 to vector<16xf32>
        %select_n3A_786 = arith.select %eq3A_781, %broadcast_in_dim3A_784, %broadcast_in_dim3A_785 : vector<16xi1>, vector<16xf32>
        %add3A_787 = arith.constant 2304 : i32
        %add3A_788 = arith.addi %add3A_787, %add3A_518 : i32
        %swap3A_789 = arith.index_cast %add3A_788 : i32 to index
        %swap3A_790 = tpu.vector_load %arg21[%swap3A_789] {strides = array<i32>} : memref<4096xf32, #tpu.memory_space<vmem>>, vector<16xf32>,
        tpu.vector_store %arg21[%swap3A_789], %select_n3A_786 {strides = array<i32>} : memref<4096xf32, #tpu.memory_space<vmem>>, vector<16xf32>,
        %eq3A_791 = arith.constant 11 : i32
        %eq3A_792 = vector.broadcast %eq3A_791 : i32 to vector<16xi32>
        %eq3A_793 = arith.cmpi eq, %select_n3A_659, %eq3A_792 : vector<16xi32>
        %jit3A_794 = arith.constant 1.000000e+00 : f32
        %jit3A_795 = arith.constant 0.000000e+00 : f32
        %broadcast_in_dim3A_796 = vector.broadcast %jit3A_794 : f32 to vector<16xf32>
        %broadcast_in_dim3A_797 = vector.broadcast %jit3A_795 : f32 to vector<16xf32>
        %select_n3A_798 = arith.select %eq3A_793, %broadcast_in_dim3A_796, %broadcast_in_dim3A_797 : vector<16xi1>, vector<16xf32>
        %add3A_799 = arith.constant 2432 : i32
        %add3A_800 = arith.addi %add3A_799, %add3A_518 : i32
        %swap3A_801 = arith.index_cast %add3A_800 : i32 to index
        %swap3A_802 = tpu.vector_load %arg21[%swap3A_801] {strides = array<i32>} : memref<4096xf32, #tpu.memory_space<vmem>>, vector<16xf32>,
        tpu.vector_store %arg21[%swap3A_801], %select_n3A_798 {strides = array<i32>} : memref<4096xf32, #tpu.memory_space<vmem>>, vector<16xf32>,
        %eq3A_803 = arith.constant 12 : i32
        %eq3A_804 = vector.broadcast %eq3A_803 : i32 to vector<16xi32>
        %eq3A_805 = arith.cmpi eq, %select_n3A_659, %eq3A_804 : vector<16xi32>
        %jit3A_806 = arith.constant 1.000000e+00 : f32
        %jit3A_807 = arith.constant 0.000000e+00 : f32
        %broadcast_in_dim3A_808 = vector.broadcast %jit3A_806 : f32 to vector<16xf32>
        %broadcast_in_dim3A_809 = vector.broadcast %jit3A_807 : f32 to vector<16xf32>
        %select_n3A_810 = arith.select %eq3A_805, %broadcast_in_dim3A_808, %broadcast_in_dim3A_809 : vector<16xi1>, vector<16xf32>
        %add3A_811 = arith.constant 2560 : i32
        %add3A_812 = arith.addi %add3A_811, %add3A_518 : i32
        %swap3A_813 = arith.index_cast %add3A_812 : i32 to index
        %swap3A_814 = tpu.vector_load %arg21[%swap3A_813] {strides = array<i32>} : memref<4096xf32, #tpu.memory_space<vmem>>, vector<16xf32>,
        tpu.vector_store %arg21[%swap3A_813], %select_n3A_810 {strides = array<i32>} : memref<4096xf32, #tpu.memory_space<vmem>>, vector<16xf32>,
        %eq3A_815 = arith.constant 13 : i32
        %eq3A_816 = vector.broadcast %eq3A_815 : i32 to vector<16xi32>
        %eq3A_817 = arith.cmpi eq, %select_n3A_659, %eq3A_816 : vector<16xi32>
        %jit3A_818 = arith.constant 1.000000e+00 : f32
        %jit3A_819 = arith.constant 0.000000e+00 : f32
        %broadcast_in_dim3A_820 = vector.broadcast %jit3A_818 : f32 to vector<16xf32>
        %broadcast_in_dim3A_821 = vector.broadcast %jit3A_819 : f32 to vector<16xf32>
        %select_n3A_822 = arith.select %eq3A_817, %broadcast_in_dim3A_820, %broadcast_in_dim3A_821 : vector<16xi1>, vector<16xf32>
        %add3A_823 = arith.constant 2688 : i32
        %add3A_824 = arith.addi %add3A_823, %add3A_518 : i32
        %swap3A_825 = arith.index_cast %add3A_824 : i32 to index
        %swap3A_826 = tpu.vector_load %arg21[%swap3A_825] {strides = array<i32>} : memref<4096xf32, #tpu.memory_space<vmem>>, vector<16xf32>,
        tpu.vector_store %arg21[%swap3A_825], %select_n3A_822 {strides = array<i32>} : memref<4096xf32, #tpu.memory_space<vmem>>, vector<16xf32>,
        %eq3A_827 = arith.constant 14 : i32
        %eq3A_828 = vector.broadcast %eq3A_827 : i32 to vector<16xi32>
        %eq3A_829 = arith.cmpi eq, %select_n3A_659, %eq3A_828 : vector<16xi32>
        %jit3A_830 = arith.constant 1.000000e+00 : f32
        %jit3A_831 = arith.constant 0.000000e+00 : f32
        %broadcast_in_dim3A_832 = vector.broadcast %jit3A_830 : f32 to vector<16xf32>
        %broadcast_in_dim3A_833 = vector.broadcast %jit3A_831 : f32 to vector<16xf32>
        %select_n3A_834 = arith.select %eq3A_829, %broadcast_in_dim3A_832, %broadcast_in_dim3A_833 : vector<16xi1>, vector<16xf32>
        %add3A_835 = arith.constant 2816 : i32
        %add3A_836 = arith.addi %add3A_835, %add3A_518 : i32
        %swap3A_837 = arith.index_cast %add3A_836 : i32 to index
        %swap3A_838 = tpu.vector_load %arg21[%swap3A_837] {strides = array<i32>} : memref<4096xf32, #tpu.memory_space<vmem>>, vector<16xf32>,
        tpu.vector_store %arg21[%swap3A_837], %select_n3A_834 {strides = array<i32>} : memref<4096xf32, #tpu.memory_space<vmem>>, vector<16xf32>,
        %eq3A_839 = arith.constant 15 : i32
        %eq3A_840 = vector.broadcast %eq3A_839 : i32 to vector<16xi32>
        %eq3A_841 = arith.cmpi eq, %select_n3A_659, %eq3A_840 : vector<16xi32>
        %jit3A_842 = arith.constant 1.000000e+00 : f32
        %jit3A_843 = arith.constant 0.000000e+00 : f32
        %broadcast_in_dim3A_844 = vector.broadcast %jit3A_842 : f32 to vector<16xf32>
        %broadcast_in_dim3A_845 = vector.broadcast %jit3A_843 : f32 to vector<16xf32>
        %select_n3A_846 = arith.select %eq3A_841, %broadcast_in_dim3A_844, %broadcast_in_dim3A_845 : vector<16xi1>, vector<16xf32>
        %add3A_847 = arith.constant 2944 : i32
        %add3A_848 = arith.addi %add3A_847, %add3A_518 : i32
        %swap3A_849 = arith.index_cast %add3A_848 : i32 to index
        %swap3A_850 = tpu.vector_load %arg21[%swap3A_849] {strides = array<i32>} : memref<4096xf32, #tpu.memory_space<vmem>>, vector<16xf32>,
        tpu.vector_store %arg21[%swap3A_849], %select_n3A_846 {strides = array<i32>} : memref<4096xf32, #tpu.memory_space<vmem>>, vector<16xf32>,
        %add3A_851 = arith.constant 0 : i32
        %add3A_852 = vector.broadcast %add3A_851 : i32 to vector<16xi32>
        %add3A_853 = arith.addi %select_n3A_659, %add3A_852 : vector<16xi32>
        %gather3A_854 = tpu.vector_load_idx %arg20[%add3A_853] : memref<64xf32, #tpu.memory_space<vmem>>[vector<16xi32>], vector<16xf32>,
        %gather3A_855 = tpu.vector_load_idx %arg14[%select_n3A_659, %add3A_478] : memref<16x256xf32, #tpu.memory_space<vmem>>[vector<16xi32>, vector<16xi32>], vector<16xf32>,
        %mul3A_856 = arith.mulf %gather3A_854, %gather3A_855 : vector<16xf32>
        %add3A_857 = arith.addf %broadcast_in_dim3A_567, %mul3A_856 : vector<16xf32>
        %gather3A_858 = tpu.vector_load_idx %arg11[%add3A_521] : memref<4096xf32, #tpu.memory_space<vmem>>[vector<16xi32>], vector<16xf32>,
        %eq3A_859 = arith.constant 0 : i32
        %eq3A_860 = vector.broadcast %eq3A_859 : i32 to vector<16xi32>
        %eq3A_861 = arith.cmpi eq, %select_n3A_659, %eq3A_860 : vector<16xi32>
        %jit3A_862 = arith.constant -1.000000e+09 : f32
        %broadcast_in_dim3A_863 = vector.broadcast %jit3A_862 : f32 to vector<16xf32>
        %select_n3A_864 = arith.select %eq3A_861, %broadcast_in_dim3A_863, %gather3A_858 : vector<16xi1>, vector<16xf32>
        %gather3A_865 = tpu.vector_load_idx %arg11[%add3A_524] : memref<4096xf32, #tpu.memory_space<vmem>>[vector<16xi32>], vector<16xf32>,
        %eq3A_866 = arith.constant 1 : i32
        %eq3A_867 = vector.broadcast %eq3A_866 : i32 to vector<16xi32>
        %eq3A_868 = arith.cmpi eq, %select_n3A_659, %eq3A_867 : vector<16xi32>
        %jit3A_869 = arith.constant -1.000000e+09 : f32
        %broadcast_in_dim3A_870 = vector.broadcast %jit3A_869 : f32 to vector<16xf32>
        %select_n3A_871 = arith.select %eq3A_868, %broadcast_in_dim3A_870, %gather3A_865 : vector<16xi1>, vector<16xf32>
        %gather3A_872 = tpu.vector_load_idx %arg11[%add3A_527] : memref<4096xf32, #tpu.memory_space<vmem>>[vector<16xi32>], vector<16xf32>,
        %eq3A_873 = arith.constant 2 : i32
        %eq3A_874 = vector.broadcast %eq3A_873 : i32 to vector<16xi32>
        %eq3A_875 = arith.cmpi eq, %select_n3A_659, %eq3A_874 : vector<16xi32>
        %jit3A_876 = arith.constant -1.000000e+09 : f32
        %broadcast_in_dim3A_877 = vector.broadcast %jit3A_876 : f32 to vector<16xf32>
        %select_n3A_878 = arith.select %eq3A_875, %broadcast_in_dim3A_877, %gather3A_872 : vector<16xi1>, vector<16xf32>
        %gather3A_879 = tpu.vector_load_idx %arg11[%add3A_530] : memref<4096xf32, #tpu.memory_space<vmem>>[vector<16xi32>], vector<16xf32>,
        %eq3A_880 = arith.constant 3 : i32
        %eq3A_881 = vector.broadcast %eq3A_880 : i32 to vector<16xi32>
        %eq3A_882 = arith.cmpi eq, %select_n3A_659, %eq3A_881 : vector<16xi32>
        %jit3A_883 = arith.constant -1.000000e+09 : f32
        %broadcast_in_dim3A_884 = vector.broadcast %jit3A_883 : f32 to vector<16xf32>
        %select_n3A_885 = arith.select %eq3A_882, %broadcast_in_dim3A_884, %gather3A_879 : vector<16xi1>, vector<16xf32>
        %gather3A_886 = tpu.vector_load_idx %arg11[%add3A_533] : memref<4096xf32, #tpu.memory_space<vmem>>[vector<16xi32>], vector<16xf32>,
        %eq3A_887 = arith.constant 4 : i32
        %eq3A_888 = vector.broadcast %eq3A_887 : i32 to vector<16xi32>
        %eq3A_889 = arith.cmpi eq, %select_n3A_659, %eq3A_888 : vector<16xi32>
        %jit3A_890 = arith.constant -1.000000e+09 : f32
        %broadcast_in_dim3A_891 = vector.broadcast %jit3A_890 : f32 to vector<16xf32>
        %select_n3A_892 = arith.select %eq3A_889, %broadcast_in_dim3A_891, %gather3A_886 : vector<16xi1>, vector<16xf32>
        %gather3A_893 = tpu.vector_load_idx %arg11[%add3A_536] : memref<4096xf32, #tpu.memory_space<vmem>>[vector<16xi32>], vector<16xf32>,
        %eq3A_894 = arith.constant 5 : i32
        %eq3A_895 = vector.broadcast %eq3A_894 : i32 to vector<16xi32>
        %eq3A_896 = arith.cmpi eq, %select_n3A_659, %eq3A_895 : vector<16xi32>
        %jit3A_897 = arith.constant -1.000000e+09 : f32
        %broadcast_in_dim3A_898 = vector.broadcast %jit3A_897 : f32 to vector<16xf32>
        %select_n3A_899 = arith.select %eq3A_896, %broadcast_in_dim3A_898, %gather3A_893 : vector<16xi1>, vector<16xf32>
        %gather3A_900 = tpu.vector_load_idx %arg11[%add3A_539] : memref<4096xf32, #tpu.memory_space<vmem>>[vector<16xi32>], vector<16xf32>,
        %eq3A_901 = arith.constant 6 : i32
        %eq3A_902 = vector.broadcast %eq3A_901 : i32 to vector<16xi32>
        %eq3A_903 = arith.cmpi eq, %select_n3A_659, %eq3A_902 : vector<16xi32>
        %jit3A_904 = arith.constant -1.000000e+09 : f32
        %broadcast_in_dim3A_905 = vector.broadcast %jit3A_904 : f32 to vector<16xf32>
        %select_n3A_906 = arith.select %eq3A_903, %broadcast_in_dim3A_905, %gather3A_900 : vector<16xi1>, vector<16xf32>
        %gather3A_907 = tpu.vector_load_idx %arg11[%add3A_542] : memref<4096xf32, #tpu.memory_space<vmem>>[vector<16xi32>], vector<16xf32>,
        %eq3A_908 = arith.constant 7 : i32
        %eq3A_909 = vector.broadcast %eq3A_908 : i32 to vector<16xi32>
        %eq3A_910 = arith.cmpi eq, %select_n3A_659, %eq3A_909 : vector<16xi32>
        %jit3A_911 = arith.constant -1.000000e+09 : f32
        %broadcast_in_dim3A_912 = vector.broadcast %jit3A_911 : f32 to vector<16xf32>
        %select_n3A_913 = arith.select %eq3A_910, %broadcast_in_dim3A_912, %gather3A_907 : vector<16xi1>, vector<16xf32>
        %gather3A_914 = tpu.vector_load_idx %arg11[%add3A_545] : memref<4096xf32, #tpu.memory_space<vmem>>[vector<16xi32>], vector<16xf32>,
        %eq3A_915 = arith.constant 8 : i32
        %eq3A_916 = vector.broadcast %eq3A_915 : i32 to vector<16xi32>
        %eq3A_917 = arith.cmpi eq, %select_n3A_659, %eq3A_916 : vector<16xi32>
        %jit3A_918 = arith.constant -1.000000e+09 : f32
        %broadcast_in_dim3A_919 = vector.broadcast %jit3A_918 : f32 to vector<16xf32>
        %select_n3A_920 = arith.select %eq3A_917, %broadcast_in_dim3A_919, %gather3A_914 : vector<16xi1>, vector<16xf32>
        %gather3A_921 = tpu.vector_load_idx %arg11[%add3A_548] : memref<4096xf32, #tpu.memory_space<vmem>>[vector<16xi32>], vector<16xf32>,
        %eq3A_922 = arith.constant 9 : i32
        %eq3A_923 = vector.broadcast %eq3A_922 : i32 to vector<16xi32>
        %eq3A_924 = arith.cmpi eq, %select_n3A_659, %eq3A_923 : vector<16xi32>
        %jit3A_925 = arith.constant -1.000000e+09 : f32
        %broadcast_in_dim3A_926 = vector.broadcast %jit3A_925 : f32 to vector<16xf32>
        %select_n3A_927 = arith.select %eq3A_924, %broadcast_in_dim3A_926, %gather3A_921 : vector<16xi1>, vector<16xf32>
        %gather3A_928 = tpu.vector_load_idx %arg11[%add3A_551] : memref<4096xf32, #tpu.memory_space<vmem>>[vector<16xi32>], vector<16xf32>,
        %eq3A_929 = arith.constant 10 : i32
        %eq3A_930 = vector.broadcast %eq3A_929 : i32 to vector<16xi32>
        %eq3A_931 = arith.cmpi eq, %select_n3A_659, %eq3A_930 : vector<16xi32>
        %jit3A_932 = arith.constant -1.000000e+09 : f32
        %broadcast_in_dim3A_933 = vector.broadcast %jit3A_932 : f32 to vector<16xf32>
        %select_n3A_934 = arith.select %eq3A_931, %broadcast_in_dim3A_933, %gather3A_928 : vector<16xi1>, vector<16xf32>
        %gather3A_935 = tpu.vector_load_idx %arg11[%add3A_554] : memref<4096xf32, #tpu.memory_space<vmem>>[vector<16xi32>], vector<16xf32>,
        %eq3A_936 = arith.constant 11 : i32
        %eq3A_937 = vector.broadcast %eq3A_936 : i32 to vector<16xi32>
        %eq3A_938 = arith.cmpi eq, %select_n3A_659, %eq3A_937 : vector<16xi32>
        %jit3A_939 = arith.constant -1.000000e+09 : f32
        %broadcast_in_dim3A_940 = vector.broadcast %jit3A_939 : f32 to vector<16xf32>
        %select_n3A_941 = arith.select %eq3A_938, %broadcast_in_dim3A_940, %gather3A_935 : vector<16xi1>, vector<16xf32>
        %gather3A_942 = tpu.vector_load_idx %arg11[%add3A_557] : memref<4096xf32, #tpu.memory_space<vmem>>[vector<16xi32>], vector<16xf32>,
        %eq3A_943 = arith.constant 12 : i32
        %eq3A_944 = vector.broadcast %eq3A_943 : i32 to vector<16xi32>
        %eq3A_945 = arith.cmpi eq, %select_n3A_659, %eq3A_944 : vector<16xi32>
        %jit3A_946 = arith.constant -1.000000e+09 : f32
        %broadcast_in_dim3A_947 = vector.broadcast %jit3A_946 : f32 to vector<16xf32>
        %select_n3A_948 = arith.select %eq3A_945, %broadcast_in_dim3A_947, %gather3A_942 : vector<16xi1>, vector<16xf32>
        %gather3A_949 = tpu.vector_load_idx %arg11[%add3A_560] : memref<4096xf32, #tpu.memory_space<vmem>>[vector<16xi32>], vector<16xf32>,
        %eq3A_950 = arith.constant 13 : i32
        %eq3A_951 = vector.broadcast %eq3A_950 : i32 to vector<16xi32>
        %eq3A_952 = arith.cmpi eq, %select_n3A_659, %eq3A_951 : vector<16xi32>
        %jit3A_953 = arith.constant -1.000000e+09 : f32
        %broadcast_in_dim3A_954 = vector.broadcast %jit3A_953 : f32 to vector<16xf32>
        %select_n3A_955 = arith.select %eq3A_952, %broadcast_in_dim3A_954, %gather3A_949 : vector<16xi1>, vector<16xf32>
        %gather3A_956 = tpu.vector_load_idx %arg11[%add3A_563] : memref<4096xf32, #tpu.memory_space<vmem>>[vector<16xi32>], vector<16xf32>,
        %eq3A_957 = arith.constant 14 : i32
        %eq3A_958 = vector.broadcast %eq3A_957 : i32 to vector<16xi32>
        %eq3A_959 = arith.cmpi eq, %select_n3A_659, %eq3A_958 : vector<16xi32>
        %jit3A_960 = arith.constant -1.000000e+09 : f32
        %broadcast_in_dim3A_961 = vector.broadcast %jit3A_960 : f32 to vector<16xf32>
        %select_n3A_962 = arith.select %eq3A_959, %broadcast_in_dim3A_961, %gather3A_956 : vector<16xi1>, vector<16xf32>
        %gather3A_963 = tpu.vector_load_idx %arg11[%add3A_566] : memref<4096xf32, #tpu.memory_space<vmem>>[vector<16xi32>], vector<16xf32>,
        %eq3A_964 = arith.constant 15 : i32
        %eq3A_965 = vector.broadcast %eq3A_964 : i32 to vector<16xi32>
        %eq3A_966 = arith.cmpi eq, %select_n3A_659, %eq3A_965 : vector<16xi32>
        %jit3A_967 = arith.constant -1.000000e+09 : f32
        %broadcast_in_dim3A_968 = vector.broadcast %jit3A_967 : f32 to vector<16xf32>
        %select_n3A_969 = arith.select %eq3A_966, %broadcast_in_dim3A_968, %gather3A_963 : vector<16xi1>, vector<16xf32>
        %gt3A_970 = arith.cmpf ogt, %select_n3A_871, %select_n3A_864 : vector<16xf32>
        %select_n3A_971 = arith.select %gt3A_970, %select_n3A_871, %select_n3A_864 : vector<16xi1>, vector<16xf32>
        %jit3A_972 = arith.constant 1 : i32
        %jit3A_973 = arith.constant 0 : i32
        %broadcast_in_dim3A_974 = vector.broadcast %jit3A_972 : i32 to vector<16xi32>
        %broadcast_in_dim3A_975 = vector.broadcast %jit3A_973 : i32 to vector<16xi32>
        %select_n3A_976 = arith.select %gt3A_970, %broadcast_in_dim3A_974, %broadcast_in_dim3A_975 : vector<16xi1>, vector<16xi32>
        %gt3A_977 = arith.cmpf ogt, %select_n3A_885, %select_n3A_878 : vector<16xf32>
        %select_n3A_978 = arith.select %gt3A_977, %select_n3A_885, %select_n3A_878 : vector<16xi1>, vector<16xf32>
        %jit3A_979 = arith.constant 3 : i32
        %jit3A_980 = arith.constant 2 : i32
        %broadcast_in_dim3A_981 = vector.broadcast %jit3A_979 : i32 to vector<16xi32>
        %broadcast_in_dim3A_982 = vector.broadcast %jit3A_980 : i32 to vector<16xi32>
        %select_n3A_983 = arith.select %gt3A_977, %broadcast_in_dim3A_981, %broadcast_in_dim3A_982 : vector<16xi1>, vector<16xi32>
        %gt3A_984 = arith.cmpf ogt, %select_n3A_899, %select_n3A_892 : vector<16xf32>
        %select_n3A_985 = arith.select %gt3A_984, %select_n3A_899, %select_n3A_892 : vector<16xi1>, vector<16xf32>
        %jit3A_986 = arith.constant 5 : i32
        %jit3A_987 = arith.constant 4 : i32
        %broadcast_in_dim3A_988 = vector.broadcast %jit3A_986 : i32 to vector<16xi32>
        %broadcast_in_dim3A_989 = vector.broadcast %jit3A_987 : i32 to vector<16xi32>
        %select_n3A_990 = arith.select %gt3A_984, %broadcast_in_dim3A_988, %broadcast_in_dim3A_989 : vector<16xi1>, vector<16xi32>
        %gt3A_991 = arith.cmpf ogt, %select_n3A_913, %select_n3A_906 : vector<16xf32>
        %select_n3A_992 = arith.select %gt3A_991, %select_n3A_913, %select_n3A_906 : vector<16xi1>, vector<16xf32>
        %jit3A_993 = arith.constant 7 : i32
        %jit3A_994 = arith.constant 6 : i32
        %broadcast_in_dim3A_995 = vector.broadcast %jit3A_993 : i32 to vector<16xi32>
        %broadcast_in_dim3A_996 = vector.broadcast %jit3A_994 : i32 to vector<16xi32>
        %select_n3A_997 = arith.select %gt3A_991, %broadcast_in_dim3A_995, %broadcast_in_dim3A_996 : vector<16xi1>, vector<16xi32>
        %gt3A_998 = arith.cmpf ogt, %select_n3A_927, %select_n3A_920 : vector<16xf32>
        %select_n3A_999 = arith.select %gt3A_998, %select_n3A_927, %select_n3A_920 : vector<16xi1>, vector<16xf32>
        %jit3A_1000 = arith.constant 9 : i32
        %jit3A_1001 = arith.constant 8 : i32
        %broadcast_in_dim3A_1002 = vector.broadcast %jit3A_1000 : i32 to vector<16xi32>
        %broadcast_in_dim3A_1003 = vector.broadcast %jit3A_1001 : i32 to vector<16xi32>
        %select_n3A_1004 = arith.select %gt3A_998, %broadcast_in_dim3A_1002, %broadcast_in_dim3A_1003 : vector<16xi1>, vector<16xi32>
        %gt3A_1005 = arith.cmpf ogt, %select_n3A_941, %select_n3A_934 : vector<16xf32>
        %select_n3A_1006 = arith.select %gt3A_1005, %select_n3A_941, %select_n3A_934 : vector<16xi1>, vector<16xf32>
        %jit3A_1007 = arith.constant 11 : i32
        %jit3A_1008 = arith.constant 10 : i32
        %broadcast_in_dim3A_1009 = vector.broadcast %jit3A_1007 : i32 to vector<16xi32>
        %broadcast_in_dim3A_1010 = vector.broadcast %jit3A_1008 : i32 to vector<16xi32>
        %select_n3A_1011 = arith.select %gt3A_1005, %broadcast_in_dim3A_1009, %broadcast_in_dim3A_1010 : vector<16xi1>, vector<16xi32>
        %gt3A_1012 = arith.cmpf ogt, %select_n3A_955, %select_n3A_948 : vector<16xf32>
        %select_n3A_1013 = arith.select %gt3A_1012, %select_n3A_955, %select_n3A_948 : vector<16xi1>, vector<16xf32>
        %jit3A_1014 = arith.constant 13 : i32
        %jit3A_1015 = arith.constant 12 : i32
        %broadcast_in_dim3A_1016 = vector.broadcast %jit3A_1014 : i32 to vector<16xi32>
        %broadcast_in_dim3A_1017 = vector.broadcast %jit3A_1015 : i32 to vector<16xi32>
        %select_n3A_1018 = arith.select %gt3A_1012, %broadcast_in_dim3A_1016, %broadcast_in_dim3A_1017 : vector<16xi1>, vector<16xi32>
        %gt3A_1019 = arith.cmpf ogt, %select_n3A_969, %select_n3A_962 : vector<16xf32>
        %select_n3A_1020 = arith.select %gt3A_1019, %select_n3A_969, %select_n3A_962 : vector<16xi1>, vector<16xf32>
        %jit3A_1021 = arith.constant 15 : i32
        %jit3A_1022 = arith.constant 14 : i32
        %broadcast_in_dim3A_1023 = vector.broadcast %jit3A_1021 : i32 to vector<16xi32>
        %broadcast_in_dim3A_1024 = vector.broadcast %jit3A_1022 : i32 to vector<16xi32>
        %select_n3A_1025 = arith.select %gt3A_1019, %broadcast_in_dim3A_1023, %broadcast_in_dim3A_1024 : vector<16xi1>, vector<16xi32>
        %gt3A_1026 = arith.cmpf ogt, %select_n3A_978, %select_n3A_971 : vector<16xf32>
        %select_n3A_1027 = arith.select %gt3A_1026, %select_n3A_978, %select_n3A_971 : vector<16xi1>, vector<16xf32>
        %select_n3A_1028 = arith.select %gt3A_1026, %select_n3A_983, %select_n3A_976 : vector<16xi1>, vector<16xi32>
        %gt3A_1029 = arith.cmpf ogt, %select_n3A_992, %select_n3A_985 : vector<16xf32>
        %select_n3A_1030 = arith.select %gt3A_1029, %select_n3A_992, %select_n3A_985 : vector<16xi1>, vector<16xf32>
        %select_n3A_1031 = arith.select %gt3A_1029, %select_n3A_997, %select_n3A_990 : vector<16xi1>, vector<16xi32>
        %gt3A_1032 = arith.cmpf ogt, %select_n3A_1006, %select_n3A_999 : vector<16xf32>
        %select_n3A_1033 = arith.select %gt3A_1032, %select_n3A_1006, %select_n3A_999 : vector<16xi1>, vector<16xf32>
        %select_n3A_1034 = arith.select %gt3A_1032, %select_n3A_1011, %select_n3A_1004 : vector<16xi1>, vector<16xi32>
        %gt3A_1035 = arith.cmpf ogt, %select_n3A_1020, %select_n3A_1013 : vector<16xf32>
        %select_n3A_1036 = arith.select %gt3A_1035, %select_n3A_1020, %select_n3A_1013 : vector<16xi1>, vector<16xf32>
        %select_n3A_1037 = arith.select %gt3A_1035, %select_n3A_1025, %select_n3A_1018 : vector<16xi1>, vector<16xi32>
        %gt3A_1038 = arith.cmpf ogt, %select_n3A_1030, %select_n3A_1027 : vector<16xf32>
        %select_n3A_1039 = arith.select %gt3A_1038, %select_n3A_1030, %select_n3A_1027 : vector<16xi1>, vector<16xf32>
        %select_n3A_1040 = arith.select %gt3A_1038, %select_n3A_1031, %select_n3A_1028 : vector<16xi1>, vector<16xi32>
        %gt3A_1041 = arith.cmpf ogt, %select_n3A_1036, %select_n3A_1033 : vector<16xf32>
        %select_n3A_1042 = arith.select %gt3A_1041, %select_n3A_1036, %select_n3A_1033 : vector<16xi1>, vector<16xf32>
        %select_n3A_1043 = arith.select %gt3A_1041, %select_n3A_1037, %select_n3A_1034 : vector<16xi1>, vector<16xi32>
        %gt3A_1044 = arith.cmpf ogt, %select_n3A_1042, %select_n3A_1039 : vector<16xf32>
        %select_n3A_1045 = arith.select %gt3A_1044, %select_n3A_1042, %select_n3A_1039 : vector<16xi1>, vector<16xf32>
        %select_n3A_1046 = arith.select %gt3A_1044, %select_n3A_1043, %select_n3A_1040 : vector<16xi1>, vector<16xi32>
        %eq3A_1047 = arith.constant 0 : i32
        %eq3A_1048 = vector.broadcast %eq3A_1047 : i32 to vector<16xi32>
        %eq3A_1049 = arith.cmpi eq, %select_n3A_1046, %eq3A_1048 : vector<16xi32>
        %jit3A_1050 = arith.constant 1.000000e+00 : f32
        %jit3A_1051 = arith.constant 0.000000e+00 : f32
        %broadcast_in_dim3A_1052 = vector.broadcast %jit3A_1050 : f32 to vector<16xf32>
        %broadcast_in_dim3A_1053 = vector.broadcast %jit3A_1051 : f32 to vector<16xf32>
        %select_n3A_1054 = arith.select %eq3A_1049, %broadcast_in_dim3A_1052, %broadcast_in_dim3A_1053 : vector<16xi1>, vector<16xf32>
        %add3A_1055 = arith.constant 0 : i32
        %add3A_1056 = arith.addi %add3A_1055, %add3A_518 : i32
        %swap3A_1057 = arith.index_cast %add3A_1056 : i32 to index
        %swap3A_1058 = tpu.vector_load %arg22[%swap3A_1057] {strides = array<i32>} : memref<4096xf32, #tpu.memory_space<vmem>>, vector<16xf32>,
        tpu.vector_store %arg22[%swap3A_1057], %select_n3A_1054 {strides = array<i32>} : memref<4096xf32, #tpu.memory_space<vmem>>, vector<16xf32>,
        %eq3A_1059 = arith.constant 1 : i32
        %eq3A_1060 = vector.broadcast %eq3A_1059 : i32 to vector<16xi32>
        %eq3A_1061 = arith.cmpi eq, %select_n3A_1046, %eq3A_1060 : vector<16xi32>
        %jit3A_1062 = arith.constant 1.000000e+00 : f32
        %jit3A_1063 = arith.constant 0.000000e+00 : f32
        %broadcast_in_dim3A_1064 = vector.broadcast %jit3A_1062 : f32 to vector<16xf32>
        %broadcast_in_dim3A_1065 = vector.broadcast %jit3A_1063 : f32 to vector<16xf32>
        %select_n3A_1066 = arith.select %eq3A_1061, %broadcast_in_dim3A_1064, %broadcast_in_dim3A_1065 : vector<16xi1>, vector<16xf32>
        %add3A_1067 = arith.constant 128 : i32
        %add3A_1068 = arith.addi %add3A_1067, %add3A_518 : i32
        %swap3A_1069 = arith.index_cast %add3A_1068 : i32 to index
        %swap3A_1070 = tpu.vector_load %arg22[%swap3A_1069] {strides = array<i32>} : memref<4096xf32, #tpu.memory_space<vmem>>, vector<16xf32>,
        tpu.vector_store %arg22[%swap3A_1069], %select_n3A_1066 {strides = array<i32>} : memref<4096xf32, #tpu.memory_space<vmem>>, vector<16xf32>,
        %eq3A_1071 = arith.constant 2 : i32
        %eq3A_1072 = vector.broadcast %eq3A_1071 : i32 to vector<16xi32>
        %eq3A_1073 = arith.cmpi eq, %select_n3A_1046, %eq3A_1072 : vector<16xi32>
        %jit3A_1074 = arith.constant 1.000000e+00 : f32
        %jit3A_1075 = arith.constant 0.000000e+00 : f32
        %broadcast_in_dim3A_1076 = vector.broadcast %jit3A_1074 : f32 to vector<16xf32>
        %broadcast_in_dim3A_1077 = vector.broadcast %jit3A_1075 : f32 to vector<16xf32>
        %select_n3A_1078 = arith.select %eq3A_1073, %broadcast_in_dim3A_1076, %broadcast_in_dim3A_1077 : vector<16xi1>, vector<16xf32>
        %add3A_1079 = arith.constant 256 : i32
        %add3A_1080 = arith.addi %add3A_1079, %add3A_518 : i32
        %swap3A_1081 = arith.index_cast %add3A_1080 : i32 to index
        %swap3A_1082 = tpu.vector_load %arg22[%swap3A_1081] {strides = array<i32>} : memref<4096xf32, #tpu.memory_space<vmem>>, vector<16xf32>,
        tpu.vector_store %arg22[%swap3A_1081], %select_n3A_1078 {strides = array<i32>} : memref<4096xf32, #tpu.memory_space<vmem>>, vector<16xf32>,
        %eq3A_1083 = arith.constant 3 : i32
        %eq3A_1084 = vector.broadcast %eq3A_1083 : i32 to vector<16xi32>
        %eq3A_1085 = arith.cmpi eq, %select_n3A_1046, %eq3A_1084 : vector<16xi32>
        %jit3A_1086 = arith.constant 1.000000e+00 : f32
        %jit3A_1087 = arith.constant 0.000000e+00 : f32
        %broadcast_in_dim3A_1088 = vector.broadcast %jit3A_1086 : f32 to vector<16xf32>
        %broadcast_in_dim3A_1089 = vector.broadcast %jit3A_1087 : f32 to vector<16xf32>
        %select_n3A_1090 = arith.select %eq3A_1085, %broadcast_in_dim3A_1088, %broadcast_in_dim3A_1089 : vector<16xi1>, vector<16xf32>
        %add3A_1091 = arith.constant 384 : i32
        %add3A_1092 = arith.addi %add3A_1091, %add3A_518 : i32
        %swap3A_1093 = arith.index_cast %add3A_1092 : i32 to index
        %swap3A_1094 = tpu.vector_load %arg22[%swap3A_1093] {strides = array<i32>} : memref<4096xf32, #tpu.memory_space<vmem>>, vector<16xf32>,
        tpu.vector_store %arg22[%swap3A_1093], %select_n3A_1090 {strides = array<i32>} : memref<4096xf32, #tpu.memory_space<vmem>>, vector<16xf32>,
        %eq3A_1095 = arith.constant 4 : i32
        %eq3A_1096 = vector.broadcast %eq3A_1095 : i32 to vector<16xi32>
        %eq3A_1097 = arith.cmpi eq, %select_n3A_1046, %eq3A_1096 : vector<16xi32>
        %jit3A_1098 = arith.constant 1.000000e+00 : f32
        %jit3A_1099 = arith.constant 0.000000e+00 : f32
        %broadcast_in_dim3A_1100 = vector.broadcast %jit3A_1098 : f32 to vector<16xf32>
        %broadcast_in_dim3A_1101 = vector.broadcast %jit3A_1099 : f32 to vector<16xf32>
        %select_n3A_1102 = arith.select %eq3A_1097, %broadcast_in_dim3A_1100, %broadcast_in_dim3A_1101 : vector<16xi1>, vector<16xf32>
        %add3A_1103 = arith.constant 512 : i32
        %add3A_1104 = arith.addi %add3A_1103, %add3A_518 : i32
        %swap3A_1105 = arith.index_cast %add3A_1104 : i32 to index
        %swap3A_1106 = tpu.vector_load %arg22[%swap3A_1105] {strides = array<i32>} : memref<4096xf32, #tpu.memory_space<vmem>>, vector<16xf32>,
        tpu.vector_store %arg22[%swap3A_1105], %select_n3A_1102 {strides = array<i32>} : memref<4096xf32, #tpu.memory_space<vmem>>, vector<16xf32>,
        %eq3A_1107 = arith.constant 5 : i32
        %eq3A_1108 = vector.broadcast %eq3A_1107 : i32 to vector<16xi32>
        %eq3A_1109 = arith.cmpi eq, %select_n3A_1046, %eq3A_1108 : vector<16xi32>
        %jit3A_1110 = arith.constant 1.000000e+00 : f32
        %jit3A_1111 = arith.constant 0.000000e+00 : f32
        %broadcast_in_dim3A_1112 = vector.broadcast %jit3A_1110 : f32 to vector<16xf32>
        %broadcast_in_dim3A_1113 = vector.broadcast %jit3A_1111 : f32 to vector<16xf32>
        %select_n3A_1114 = arith.select %eq3A_1109, %broadcast_in_dim3A_1112, %broadcast_in_dim3A_1113 : vector<16xi1>, vector<16xf32>
        %add3A_1115 = arith.constant 640 : i32
        %add3A_1116 = arith.addi %add3A_1115, %add3A_518 : i32
        %swap3A_1117 = arith.index_cast %add3A_1116 : i32 to index
        %swap3A_1118 = tpu.vector_load %arg22[%swap3A_1117] {strides = array<i32>} : memref<4096xf32, #tpu.memory_space<vmem>>, vector<16xf32>,
        tpu.vector_store %arg22[%swap3A_1117], %select_n3A_1114 {strides = array<i32>} : memref<4096xf32, #tpu.memory_space<vmem>>, vector<16xf32>,
        %eq3A_1119 = arith.constant 6 : i32
        %eq3A_1120 = vector.broadcast %eq3A_1119 : i32 to vector<16xi32>
        %eq3A_1121 = arith.cmpi eq, %select_n3A_1046, %eq3A_1120 : vector<16xi32>
        %jit3A_1122 = arith.constant 1.000000e+00 : f32
        %jit3A_1123 = arith.constant 0.000000e+00 : f32
        %broadcast_in_dim3A_1124 = vector.broadcast %jit3A_1122 : f32 to vector<16xf32>
        %broadcast_in_dim3A_1125 = vector.broadcast %jit3A_1123 : f32 to vector<16xf32>
        %select_n3A_1126 = arith.select %eq3A_1121, %broadcast_in_dim3A_1124, %broadcast_in_dim3A_1125 : vector<16xi1>, vector<16xf32>
        %add3A_1127 = arith.constant 768 : i32
        %add3A_1128 = arith.addi %add3A_1127, %add3A_518 : i32
        %swap3A_1129 = arith.index_cast %add3A_1128 : i32 to index
        %swap3A_1130 = tpu.vector_load %arg22[%swap3A_1129] {strides = array<i32>} : memref<4096xf32, #tpu.memory_space<vmem>>, vector<16xf32>,
        tpu.vector_store %arg22[%swap3A_1129], %select_n3A_1126 {strides = array<i32>} : memref<4096xf32, #tpu.memory_space<vmem>>, vector<16xf32>,
        %eq3A_1131 = arith.constant 7 : i32
        %eq3A_1132 = vector.broadcast %eq3A_1131 : i32 to vector<16xi32>
        %eq3A_1133 = arith.cmpi eq, %select_n3A_1046, %eq3A_1132 : vector<16xi32>
        %jit3A_1134 = arith.constant 1.000000e+00 : f32
        %jit3A_1135 = arith.constant 0.000000e+00 : f32
        %broadcast_in_dim3A_1136 = vector.broadcast %jit3A_1134 : f32 to vector<16xf32>
        %broadcast_in_dim3A_1137 = vector.broadcast %jit3A_1135 : f32 to vector<16xf32>
        %select_n3A_1138 = arith.select %eq3A_1133, %broadcast_in_dim3A_1136, %broadcast_in_dim3A_1137 : vector<16xi1>, vector<16xf32>
        %add3A_1139 = arith.constant 896 : i32
        %add3A_1140 = arith.addi %add3A_1139, %add3A_518 : i32
        %swap3A_1141 = arith.index_cast %add3A_1140 : i32 to index
        %swap3A_1142 = tpu.vector_load %arg22[%swap3A_1141] {strides = array<i32>} : memref<4096xf32, #tpu.memory_space<vmem>>, vector<16xf32>,
        tpu.vector_store %arg22[%swap3A_1141], %select_n3A_1138 {strides = array<i32>} : memref<4096xf32, #tpu.memory_space<vmem>>, vector<16xf32>,
        %eq3A_1143 = arith.constant 8 : i32
        %eq3A_1144 = vector.broadcast %eq3A_1143 : i32 to vector<16xi32>
        %eq3A_1145 = arith.cmpi eq, %select_n3A_1046, %eq3A_1144 : vector<16xi32>
        %jit3A_1146 = arith.constant 1.000000e+00 : f32
        %jit3A_1147 = arith.constant 0.000000e+00 : f32
        %broadcast_in_dim3A_1148 = vector.broadcast %jit3A_1146 : f32 to vector<16xf32>
        %broadcast_in_dim3A_1149 = vector.broadcast %jit3A_1147 : f32 to vector<16xf32>
        %select_n3A_1150 = arith.select %eq3A_1145, %broadcast_in_dim3A_1148, %broadcast_in_dim3A_1149 : vector<16xi1>, vector<16xf32>
        %add3A_1151 = arith.constant 2048 : i32
        %add3A_1152 = arith.addi %add3A_1151, %add3A_518 : i32
        %swap3A_1153 = arith.index_cast %add3A_1152 : i32 to index
        %swap3A_1154 = tpu.vector_load %arg22[%swap3A_1153] {strides = array<i32>} : memref<4096xf32, #tpu.memory_space<vmem>>, vector<16xf32>,
        tpu.vector_store %arg22[%swap3A_1153], %select_n3A_1150 {strides = array<i32>} : memref<4096xf32, #tpu.memory_space<vmem>>, vector<16xf32>,
        %eq3A_1155 = arith.constant 9 : i32
        %eq3A_1156 = vector.broadcast %eq3A_1155 : i32 to vector<16xi32>
        %eq3A_1157 = arith.cmpi eq, %select_n3A_1046, %eq3A_1156 : vector<16xi32>
        %jit3A_1158 = arith.constant 1.000000e+00 : f32
        %jit3A_1159 = arith.constant 0.000000e+00 : f32
        %broadcast_in_dim3A_1160 = vector.broadcast %jit3A_1158 : f32 to vector<16xf32>
        %broadcast_in_dim3A_1161 = vector.broadcast %jit3A_1159 : f32 to vector<16xf32>
        %select_n3A_1162 = arith.select %eq3A_1157, %broadcast_in_dim3A_1160, %broadcast_in_dim3A_1161 : vector<16xi1>, vector<16xf32>
        %add3A_1163 = arith.constant 2176 : i32
        %add3A_1164 = arith.addi %add3A_1163, %add3A_518 : i32
        %swap3A_1165 = arith.index_cast %add3A_1164 : i32 to index
        %swap3A_1166 = tpu.vector_load %arg22[%swap3A_1165] {strides = array<i32>} : memref<4096xf32, #tpu.memory_space<vmem>>, vector<16xf32>,
        tpu.vector_store %arg22[%swap3A_1165], %select_n3A_1162 {strides = array<i32>} : memref<4096xf32, #tpu.memory_space<vmem>>, vector<16xf32>,
        %eq3A_1167 = arith.constant 10 : i32
        %eq3A_1168 = vector.broadcast %eq3A_1167 : i32 to vector<16xi32>
        %eq3A_1169 = arith.cmpi eq, %select_n3A_1046, %eq3A_1168 : vector<16xi32>
        %jit3A_1170 = arith.constant 1.000000e+00 : f32
        %jit3A_1171 = arith.constant 0.000000e+00 : f32
        %broadcast_in_dim3A_1172 = vector.broadcast %jit3A_1170 : f32 to vector<16xf32>
        %broadcast_in_dim3A_1173 = vector.broadcast %jit3A_1171 : f32 to vector<16xf32>
        %select_n3A_1174 = arith.select %eq3A_1169, %broadcast_in_dim3A_1172, %broadcast_in_dim3A_1173 : vector<16xi1>, vector<16xf32>
        %add3A_1175 = arith.constant 2304 : i32
        %add3A_1176 = arith.addi %add3A_1175, %add3A_518 : i32
        %swap3A_1177 = arith.index_cast %add3A_1176 : i32 to index
        %swap3A_1178 = tpu.vector_load %arg22[%swap3A_1177] {strides = array<i32>} : memref<4096xf32, #tpu.memory_space<vmem>>, vector<16xf32>,
        tpu.vector_store %arg22[%swap3A_1177], %select_n3A_1174 {strides = array<i32>} : memref<4096xf32, #tpu.memory_space<vmem>>, vector<16xf32>,
        %eq3A_1179 = arith.constant 11 : i32
        %eq3A_1180 = vector.broadcast %eq3A_1179 : i32 to vector<16xi32>
        %eq3A_1181 = arith.cmpi eq, %select_n3A_1046, %eq3A_1180 : vector<16xi32>
        %jit3A_1182 = arith.constant 1.000000e+00 : f32
        %jit3A_1183 = arith.constant 0.000000e+00 : f32
        %broadcast_in_dim3A_1184 = vector.broadcast %jit3A_1182 : f32 to vector<16xf32>
        %broadcast_in_dim3A_1185 = vector.broadcast %jit3A_1183 : f32 to vector<16xf32>
        %select_n3A_1186 = arith.select %eq3A_1181, %broadcast_in_dim3A_1184, %broadcast_in_dim3A_1185 : vector<16xi1>, vector<16xf32>
        %add3A_1187 = arith.constant 2432 : i32
        %add3A_1188 = arith.addi %add3A_1187, %add3A_518 : i32
        %swap3A_1189 = arith.index_cast %add3A_1188 : i32 to index
        %swap3A_1190 = tpu.vector_load %arg22[%swap3A_1189] {strides = array<i32>} : memref<4096xf32, #tpu.memory_space<vmem>>, vector<16xf32>,
        tpu.vector_store %arg22[%swap3A_1189], %select_n3A_1186 {strides = array<i32>} : memref<4096xf32, #tpu.memory_space<vmem>>, vector<16xf32>,
        %eq3A_1191 = arith.constant 12 : i32
        %eq3A_1192 = vector.broadcast %eq3A_1191 : i32 to vector<16xi32>
        %eq3A_1193 = arith.cmpi eq, %select_n3A_1046, %eq3A_1192 : vector<16xi32>
        %jit3A_1194 = arith.constant 1.000000e+00 : f32
        %jit3A_1195 = arith.constant 0.000000e+00 : f32
        %broadcast_in_dim3A_1196 = vector.broadcast %jit3A_1194 : f32 to vector<16xf32>
        %broadcast_in_dim3A_1197 = vector.broadcast %jit3A_1195 : f32 to vector<16xf32>
        %select_n3A_1198 = arith.select %eq3A_1193, %broadcast_in_dim3A_1196, %broadcast_in_dim3A_1197 : vector<16xi1>, vector<16xf32>
        %add3A_1199 = arith.constant 2560 : i32
        %add3A_1200 = arith.addi %add3A_1199, %add3A_518 : i32
        %swap3A_1201 = arith.index_cast %add3A_1200 : i32 to index
        %swap3A_1202 = tpu.vector_load %arg22[%swap3A_1201] {strides = array<i32>} : memref<4096xf32, #tpu.memory_space<vmem>>, vector<16xf32>,
        tpu.vector_store %arg22[%swap3A_1201], %select_n3A_1198 {strides = array<i32>} : memref<4096xf32, #tpu.memory_space<vmem>>, vector<16xf32>,
        %eq3A_1203 = arith.constant 13 : i32
        %eq3A_1204 = vector.broadcast %eq3A_1203 : i32 to vector<16xi32>
        %eq3A_1205 = arith.cmpi eq, %select_n3A_1046, %eq3A_1204 : vector<16xi32>
        %jit3A_1206 = arith.constant 1.000000e+00 : f32
        %jit3A_1207 = arith.constant 0.000000e+00 : f32
        %broadcast_in_dim3A_1208 = vector.broadcast %jit3A_1206 : f32 to vector<16xf32>
        %broadcast_in_dim3A_1209 = vector.broadcast %jit3A_1207 : f32 to vector<16xf32>
        %select_n3A_1210 = arith.select %eq3A_1205, %broadcast_in_dim3A_1208, %broadcast_in_dim3A_1209 : vector<16xi1>, vector<16xf32>
        %add3A_1211 = arith.constant 2688 : i32
        %add3A_1212 = arith.addi %add3A_1211, %add3A_518 : i32
        %swap3A_1213 = arith.index_cast %add3A_1212 : i32 to index
        %swap3A_1214 = tpu.vector_load %arg22[%swap3A_1213] {strides = array<i32>} : memref<4096xf32, #tpu.memory_space<vmem>>, vector<16xf32>,
        tpu.vector_store %arg22[%swap3A_1213], %select_n3A_1210 {strides = array<i32>} : memref<4096xf32, #tpu.memory_space<vmem>>, vector<16xf32>,
        %eq3A_1215 = arith.constant 14 : i32
        %eq3A_1216 = vector.broadcast %eq3A_1215 : i32 to vector<16xi32>
        %eq3A_1217 = arith.cmpi eq, %select_n3A_1046, %eq3A_1216 : vector<16xi32>
        %jit3A_1218 = arith.constant 1.000000e+00 : f32
        %jit3A_1219 = arith.constant 0.000000e+00 : f32
        %broadcast_in_dim3A_1220 = vector.broadcast %jit3A_1218 : f32 to vector<16xf32>
        %broadcast_in_dim3A_1221 = vector.broadcast %jit3A_1219 : f32 to vector<16xf32>
        %select_n3A_1222 = arith.select %eq3A_1217, %broadcast_in_dim3A_1220, %broadcast_in_dim3A_1221 : vector<16xi1>, vector<16xf32>
        %add3A_1223 = arith.constant 2816 : i32
        %add3A_1224 = arith.addi %add3A_1223, %add3A_518 : i32
        %swap3A_1225 = arith.index_cast %add3A_1224 : i32 to index
        %swap3A_1226 = tpu.vector_load %arg22[%swap3A_1225] {strides = array<i32>} : memref<4096xf32, #tpu.memory_space<vmem>>, vector<16xf32>,
        tpu.vector_store %arg22[%swap3A_1225], %select_n3A_1222 {strides = array<i32>} : memref<4096xf32, #tpu.memory_space<vmem>>, vector<16xf32>,
        %eq3A_1227 = arith.constant 15 : i32
        %eq3A_1228 = vector.broadcast %eq3A_1227 : i32 to vector<16xi32>
        %eq3A_1229 = arith.cmpi eq, %select_n3A_1046, %eq3A_1228 : vector<16xi32>
        %jit3A_1230 = arith.constant 1.000000e+00 : f32
        %jit3A_1231 = arith.constant 0.000000e+00 : f32
        %broadcast_in_dim3A_1232 = vector.broadcast %jit3A_1230 : f32 to vector<16xf32>
        %broadcast_in_dim3A_1233 = vector.broadcast %jit3A_1231 : f32 to vector<16xf32>
        %select_n3A_1234 = arith.select %eq3A_1229, %broadcast_in_dim3A_1232, %broadcast_in_dim3A_1233 : vector<16xi1>, vector<16xf32>
        %add3A_1235 = arith.constant 2944 : i32
        %add3A_1236 = arith.addi %add3A_1235, %add3A_518 : i32
        %swap3A_1237 = arith.index_cast %add3A_1236 : i32 to index
        %swap3A_1238 = tpu.vector_load %arg22[%swap3A_1237] {strides = array<i32>} : memref<4096xf32, #tpu.memory_space<vmem>>, vector<16xf32>,
        tpu.vector_store %arg22[%swap3A_1237], %select_n3A_1234 {strides = array<i32>} : memref<4096xf32, #tpu.memory_space<vmem>>, vector<16xf32>,
        %add3A_1239 = arith.constant 16 : i32
        %add3A_1240 = vector.broadcast %add3A_1239 : i32 to vector<16xi32>
        %add3A_1241 = arith.addi %select_n3A_1046, %add3A_1240 : vector<16xi32>
        %gather3A_1242 = tpu.vector_load_idx %arg20[%add3A_1241] : memref<64xf32, #tpu.memory_space<vmem>>[vector<16xi32>], vector<16xf32>,
        %gather3A_1243 = tpu.vector_load_idx %arg14[%select_n3A_1046, %add3A_478] : memref<16x256xf32, #tpu.memory_space<vmem>>[vector<16xi32>, vector<16xi32>], vector<16xf32>,
        %mul3A_1244 = arith.mulf %gather3A_1242, %gather3A_1243 : vector<16xf32>
        %add3A_1245 = arith.addf %add3A_857, %mul3A_1244 : vector<16xf32>
        %jit3A_1246 = arith.constant 8 : i32
        %div3A_1247 = arith.divsi %scan3A_473, %jit3A_1246 : i32
        %sign3A_1248 = arith.constant 0 : i32
        %sign3A_1249 = arith.cmpi sgt, %scan3A_473, %sign3A_1248 : i32
        %sign3A_1250 = arith.extui %sign3A_1249 : i1 to i32
        %sign3A_1251 = arith.constant 0 : i32
        %sign3A_1252 = arith.cmpi slt, %scan3A_473, %sign3A_1251 : i32
        %sign3A_1253 = arith.extui %sign3A_1252 : i1 to i32
        %sign3A_1254 = arith.subi %sign3A_1250, %sign3A_1253 : i32
        %sign3A_1255 = arith.constant 0 : i32
        %sign3A_1256 = arith.cmpi sgt, %jit3A_1246, %sign3A_1255 : i32
        %sign3A_1257 = arith.extui %sign3A_1256 : i1 to i32
        %sign3A_1258 = arith.constant 0 : i32
        %sign3A_1259 = arith.cmpi slt, %jit3A_1246, %sign3A_1258 : i32
        %sign3A_1260 = arith.extui %sign3A_1259 : i1 to i32
        %sign3A_1261 = arith.subi %sign3A_1257, %sign3A_1260 : i32
        %ne3A_1262 = arith.cmpi ne, %sign3A_1254, %sign3A_1261 : i32
        %rem3A_1263 = arith.remsi %scan3A_473, %jit3A_1246 : i32
        %ne3A_1264 = arith.constant 0 : i32
        %ne3A_1265 = arith.cmpi ne, %rem3A_1263, %ne3A_1264 : i32
        %and3A_1266 = arith.andi %ne3A_1262, %ne3A_1265 : i1
        %sub3A_1267 = arith.constant 1 : i32
        %sub3A_1268 = arith.subi %div3A_1247, %sub3A_1267 : i32
        %select_n3A_1269 = arith.select %and3A_1266, %sub3A_1268, %div3A_1247 : i32
        %mul3A_1270 = arith.constant 256 : i32
        %mul3A_1271 = arith.muli %select_n3A_1269, %mul3A_1270 : i32
        %add3A_1272 = arith.constant 0 : i32
        %add3A_1273 = arith.addi %mul3A_1271, %add3A_1272 : i32
        %jit3A_1274 = arith.constant 8 : i32
        %eq3A_1275 = arith.constant 0 : i32
        %eq3A_1276 = arith.cmpi eq, %jit3A_1274, %eq3A_1275 : i32
        %jit3A_1277 = arith.constant 1 : i32
        %select_n3A_1278 = arith.select %eq3A_1276, %jit3A_1277, %jit3A_1274 : i32
        %rem3A_1279 = arith.remsi %scan3A_473, %select_n3A_1278 : i32
        %ne3A_1280 = arith.constant 0 : i32
        %ne3A_1281 = arith.cmpi ne, %rem3A_1279, %ne3A_1280 : i32
        %lt3A_1282 = arith.constant 0 : i32
        %lt3A_1283 = arith.cmpi slt, %rem3A_1279, %lt3A_1282 : i32
        %lt3A_1284 = arith.constant 0 : i32
        %lt3A_1285 = arith.cmpi slt, %select_n3A_1278, %lt3A_1284 : i32
        %ne3A_1286 = arith.xori %lt3A_1283, %lt3A_1285 : i1
        %and3A_1287 = arith.andi %ne3A_1286, %ne3A_1281 : i1
        %add3A_1288 = arith.addi %rem3A_1279, %select_n3A_1278 : i32
        %select_n3A_1289 = arith.select %and3A_1287, %add3A_1288, %rem3A_1279 : i32
        %mul3A_1290 = arith.constant 16 : i32
        %mul3A_1291 = arith.muli %select_n3A_1289, %mul3A_1290 : i32
        %add3A_1292 = arith.addi %add3A_1273, %mul3A_1291 : i32
        %swap3A_1293 = arith.index_cast %add3A_1292 : i32 to index
        %swap3A_1294 = tpu.vector_load %arg25[%swap3A_1293] {strides = array<i32>} : memref<512xf32, #tpu.memory_space<vmem>>, vector<16xf32>,
        tpu.vector_store %arg25[%swap3A_1293], %add3A_1245 {strides = array<i32>} : memref<512xf32, #tpu.memory_space<vmem>>, vector<16xf32>,
        %broadcast_in_dim3A_1295 = arith.constant 0.000000e+00 : f32
        %broadcast_in_dim3A_1296 = vector.broadcast %broadcast_in_dim3A_1295 : f32 to vector<16xf32>
        %gather3A_1297 = tpu.vector_load_idx %arg12[%add3A_521] : memref<4096xf32, #tpu.memory_space<vmem>>[vector<16xi32>], vector<16xf32>,
        %gather3A_1298 = tpu.vector_load_idx %arg12[%add3A_524] : memref<4096xf32, #tpu.memory_space<vmem>>[vector<16xi32>], vector<16xf32>,
        %gather3A_1299 = tpu.vector_load_idx %arg12[%add3A_527] : memref<4096xf32, #tpu.memory_space<vmem>>[vector<16xi32>], vector<16xf32>,
        %gather3A_1300 = tpu.vector_load_idx %arg12[%add3A_530] : memref<4096xf32, #tpu.memory_space<vmem>>[vector<16xi32>], vector<16xf32>,
        %gather3A_1301 = tpu.vector_load_idx %arg12[%add3A_533] : memref<4096xf32, #tpu.memory_space<vmem>>[vector<16xi32>], vector<16xf32>,
        %gather3A_1302 = tpu.vector_load_idx %arg12[%add3A_536] : memref<4096xf32, #tpu.memory_space<vmem>>[vector<16xi32>], vector<16xf32>,
        %gather3A_1303 = tpu.vector_load_idx %arg12[%add3A_539] : memref<4096xf32, #tpu.memory_space<vmem>>[vector<16xi32>], vector<16xf32>,
        %gather3A_1304 = tpu.vector_load_idx %arg12[%add3A_542] : memref<4096xf32, #tpu.memory_space<vmem>>[vector<16xi32>], vector<16xf32>,
        %gather3A_1305 = tpu.vector_load_idx %arg12[%add3A_545] : memref<4096xf32, #tpu.memory_space<vmem>>[vector<16xi32>], vector<16xf32>,
        %gather3A_1306 = tpu.vector_load_idx %arg12[%add3A_548] : memref<4096xf32, #tpu.memory_space<vmem>>[vector<16xi32>], vector<16xf32>,
        %gather3A_1307 = tpu.vector_load_idx %arg12[%add3A_551] : memref<4096xf32, #tpu.memory_space<vmem>>[vector<16xi32>], vector<16xf32>,
        %gather3A_1308 = tpu.vector_load_idx %arg12[%add3A_554] : memref<4096xf32, #tpu.memory_space<vmem>>[vector<16xi32>], vector<16xf32>,
        %gather3A_1309 = tpu.vector_load_idx %arg12[%add3A_557] : memref<4096xf32, #tpu.memory_space<vmem>>[vector<16xi32>], vector<16xf32>,
        %gather3A_1310 = tpu.vector_load_idx %arg12[%add3A_560] : memref<4096xf32, #tpu.memory_space<vmem>>[vector<16xi32>], vector<16xf32>,
        %gather3A_1311 = tpu.vector_load_idx %arg12[%add3A_563] : memref<4096xf32, #tpu.memory_space<vmem>>[vector<16xi32>], vector<16xf32>,
        %gather3A_1312 = tpu.vector_load_idx %arg12[%add3A_566] : memref<4096xf32, #tpu.memory_space<vmem>>[vector<16xi32>], vector<16xf32>,
        %gt3A_1313 = arith.cmpf ogt, %gather3A_1298, %gather3A_1297 : vector<16xf32>
        %select_n3A_1314 = arith.select %gt3A_1313, %gather3A_1298, %gather3A_1297 : vector<16xi1>, vector<16xf32>
        %jit3A_1315 = arith.constant 1 : i32
        %jit3A_1316 = arith.constant 0 : i32
        %broadcast_in_dim3A_1317 = vector.broadcast %jit3A_1315 : i32 to vector<16xi32>
        %broadcast_in_dim3A_1318 = vector.broadcast %jit3A_1316 : i32 to vector<16xi32>
        %select_n3A_1319 = arith.select %gt3A_1313, %broadcast_in_dim3A_1317, %broadcast_in_dim3A_1318 : vector<16xi1>, vector<16xi32>
        %gt3A_1320 = arith.cmpf ogt, %gather3A_1300, %gather3A_1299 : vector<16xf32>
        %select_n3A_1321 = arith.select %gt3A_1320, %gather3A_1300, %gather3A_1299 : vector<16xi1>, vector<16xf32>
        %jit3A_1322 = arith.constant 3 : i32
        %jit3A_1323 = arith.constant 2 : i32
        %broadcast_in_dim3A_1324 = vector.broadcast %jit3A_1322 : i32 to vector<16xi32>
        %broadcast_in_dim3A_1325 = vector.broadcast %jit3A_1323 : i32 to vector<16xi32>
        %select_n3A_1326 = arith.select %gt3A_1320, %broadcast_in_dim3A_1324, %broadcast_in_dim3A_1325 : vector<16xi1>, vector<16xi32>
        %gt3A_1327 = arith.cmpf ogt, %gather3A_1302, %gather3A_1301 : vector<16xf32>
        %select_n3A_1328 = arith.select %gt3A_1327, %gather3A_1302, %gather3A_1301 : vector<16xi1>, vector<16xf32>
        %jit3A_1329 = arith.constant 5 : i32
        %jit3A_1330 = arith.constant 4 : i32
        %broadcast_in_dim3A_1331 = vector.broadcast %jit3A_1329 : i32 to vector<16xi32>
        %broadcast_in_dim3A_1332 = vector.broadcast %jit3A_1330 : i32 to vector<16xi32>
        %select_n3A_1333 = arith.select %gt3A_1327, %broadcast_in_dim3A_1331, %broadcast_in_dim3A_1332 : vector<16xi1>, vector<16xi32>
        %gt3A_1334 = arith.cmpf ogt, %gather3A_1304, %gather3A_1303 : vector<16xf32>
        %select_n3A_1335 = arith.select %gt3A_1334, %gather3A_1304, %gather3A_1303 : vector<16xi1>, vector<16xf32>
        %jit3A_1336 = arith.constant 7 : i32
        %jit3A_1337 = arith.constant 6 : i32
        %broadcast_in_dim3A_1338 = vector.broadcast %jit3A_1336 : i32 to vector<16xi32>
        %broadcast_in_dim3A_1339 = vector.broadcast %jit3A_1337 : i32 to vector<16xi32>
        %select_n3A_1340 = arith.select %gt3A_1334, %broadcast_in_dim3A_1338, %broadcast_in_dim3A_1339 : vector<16xi1>, vector<16xi32>
        %gt3A_1341 = arith.cmpf ogt, %gather3A_1306, %gather3A_1305 : vector<16xf32>
        %select_n3A_1342 = arith.select %gt3A_1341, %gather3A_1306, %gather3A_1305 : vector<16xi1>, vector<16xf32>
        %jit3A_1343 = arith.constant 9 : i32
        %jit3A_1344 = arith.constant 8 : i32
        %broadcast_in_dim3A_1345 = vector.broadcast %jit3A_1343 : i32 to vector<16xi32>
        %broadcast_in_dim3A_1346 = vector.broadcast %jit3A_1344 : i32 to vector<16xi32>
        %select_n3A_1347 = arith.select %gt3A_1341, %broadcast_in_dim3A_1345, %broadcast_in_dim3A_1346 : vector<16xi1>, vector<16xi32>
        %gt3A_1348 = arith.cmpf ogt, %gather3A_1308, %gather3A_1307 : vector<16xf32>
        %select_n3A_1349 = arith.select %gt3A_1348, %gather3A_1308, %gather3A_1307 : vector<16xi1>, vector<16xf32>
        %jit3A_1350 = arith.constant 11 : i32
        %jit3A_1351 = arith.constant 10 : i32
        %broadcast_in_dim3A_1352 = vector.broadcast %jit3A_1350 : i32 to vector<16xi32>
        %broadcast_in_dim3A_1353 = vector.broadcast %jit3A_1351 : i32 to vector<16xi32>
        %select_n3A_1354 = arith.select %gt3A_1348, %broadcast_in_dim3A_1352, %broadcast_in_dim3A_1353 : vector<16xi1>, vector<16xi32>
        %gt3A_1355 = arith.cmpf ogt, %gather3A_1310, %gather3A_1309 : vector<16xf32>
        %select_n3A_1356 = arith.select %gt3A_1355, %gather3A_1310, %gather3A_1309 : vector<16xi1>, vector<16xf32>
        %jit3A_1357 = arith.constant 13 : i32
        %jit3A_1358 = arith.constant 12 : i32
        %broadcast_in_dim3A_1359 = vector.broadcast %jit3A_1357 : i32 to vector<16xi32>
        %broadcast_in_dim3A_1360 = vector.broadcast %jit3A_1358 : i32 to vector<16xi32>
        %select_n3A_1361 = arith.select %gt3A_1355, %broadcast_in_dim3A_1359, %broadcast_in_dim3A_1360 : vector<16xi1>, vector<16xi32>
        %gt3A_1362 = arith.cmpf ogt, %gather3A_1312, %gather3A_1311 : vector<16xf32>
        %select_n3A_1363 = arith.select %gt3A_1362, %gather3A_1312, %gather3A_1311 : vector<16xi1>, vector<16xf32>
        %jit3A_1364 = arith.constant 15 : i32
        %jit3A_1365 = arith.constant 14 : i32
        %broadcast_in_dim3A_1366 = vector.broadcast %jit3A_1364 : i32 to vector<16xi32>
        %broadcast_in_dim3A_1367 = vector.broadcast %jit3A_1365 : i32 to vector<16xi32>
        %select_n3A_1368 = arith.select %gt3A_1362, %broadcast_in_dim3A_1366, %broadcast_in_dim3A_1367 : vector<16xi1>, vector<16xi32>
        %gt3A_1369 = arith.cmpf ogt, %select_n3A_1321, %select_n3A_1314 : vector<16xf32>
        %select_n3A_1370 = arith.select %gt3A_1369, %select_n3A_1321, %select_n3A_1314 : vector<16xi1>, vector<16xf32>
        %select_n3A_1371 = arith.select %gt3A_1369, %select_n3A_1326, %select_n3A_1319 : vector<16xi1>, vector<16xi32>
        %gt3A_1372 = arith.cmpf ogt, %select_n3A_1335, %select_n3A_1328 : vector<16xf32>
        %select_n3A_1373 = arith.select %gt3A_1372, %select_n3A_1335, %select_n3A_1328 : vector<16xi1>, vector<16xf32>
        %select_n3A_1374 = arith.select %gt3A_1372, %select_n3A_1340, %select_n3A_1333 : vector<16xi1>, vector<16xi32>
        %gt3A_1375 = arith.cmpf ogt, %select_n3A_1349, %select_n3A_1342 : vector<16xf32>
        %select_n3A_1376 = arith.select %gt3A_1375, %select_n3A_1349, %select_n3A_1342 : vector<16xi1>, vector<16xf32>
        %select_n3A_1377 = arith.select %gt3A_1375, %select_n3A_1354, %select_n3A_1347 : vector<16xi1>, vector<16xi32>
        %gt3A_1378 = arith.cmpf ogt, %select_n3A_1363, %select_n3A_1356 : vector<16xf32>
        %select_n3A_1379 = arith.select %gt3A_1378, %select_n3A_1363, %select_n3A_1356 : vector<16xi1>, vector<16xf32>
        %select_n3A_1380 = arith.select %gt3A_1378, %select_n3A_1368, %select_n3A_1361 : vector<16xi1>, vector<16xi32>
        %gt3A_1381 = arith.cmpf ogt, %select_n3A_1373, %select_n3A_1370 : vector<16xf32>
        %select_n3A_1382 = arith.select %gt3A_1381, %select_n3A_1373, %select_n3A_1370 : vector<16xi1>, vector<16xf32>
        %select_n3A_1383 = arith.select %gt3A_1381, %select_n3A_1374, %select_n3A_1371 : vector<16xi1>, vector<16xi32>
        %gt3A_1384 = arith.cmpf ogt, %select_n3A_1379, %select_n3A_1376 : vector<16xf32>
        %select_n3A_1385 = arith.select %gt3A_1384, %select_n3A_1379, %select_n3A_1376 : vector<16xi1>, vector<16xf32>
        %select_n3A_1386 = arith.select %gt3A_1384, %select_n3A_1380, %select_n3A_1377 : vector<16xi1>, vector<16xi32>
        %gt3A_1387 = arith.cmpf ogt, %select_n3A_1385, %select_n3A_1382 : vector<16xf32>
        %select_n3A_1388 = arith.select %gt3A_1387, %select_n3A_1385, %select_n3A_1382 : vector<16xi1>, vector<16xf32>
        %select_n3A_1389 = arith.select %gt3A_1387, %select_n3A_1386, %select_n3A_1383 : vector<16xi1>, vector<16xi32>
        %eq3A_1390 = arith.constant 0 : i32
        %eq3A_1391 = vector.broadcast %eq3A_1390 : i32 to vector<16xi32>
        %eq3A_1392 = arith.cmpi eq, %select_n3A_1389, %eq3A_1391 : vector<16xi32>
        %jit3A_1393 = arith.constant 1.000000e+00 : f32
        %jit3A_1394 = arith.constant 0.000000e+00 : f32
        %broadcast_in_dim3A_1395 = vector.broadcast %jit3A_1393 : f32 to vector<16xf32>
        %broadcast_in_dim3A_1396 = vector.broadcast %jit3A_1394 : f32 to vector<16xf32>
        %select_n3A_1397 = arith.select %eq3A_1392, %broadcast_in_dim3A_1395, %broadcast_in_dim3A_1396 : vector<16xi1>, vector<16xf32>
        %add3A_1398 = arith.constant 0 : i32
        %add3A_1399 = arith.addi %add3A_1398, %add3A_518 : i32
        %swap3A_1400 = arith.index_cast %add3A_1399 : i32 to index
        %swap3A_1401 = tpu.vector_load %arg23[%swap3A_1400] {strides = array<i32>} : memref<4096xf32, #tpu.memory_space<vmem>>, vector<16xf32>,
        tpu.vector_store %arg23[%swap3A_1400], %select_n3A_1397 {strides = array<i32>} : memref<4096xf32, #tpu.memory_space<vmem>>, vector<16xf32>,
        %eq3A_1402 = arith.constant 1 : i32
        %eq3A_1403 = vector.broadcast %eq3A_1402 : i32 to vector<16xi32>
        %eq3A_1404 = arith.cmpi eq, %select_n3A_1389, %eq3A_1403 : vector<16xi32>
        %jit3A_1405 = arith.constant 1.000000e+00 : f32
        %jit3A_1406 = arith.constant 0.000000e+00 : f32
        %broadcast_in_dim3A_1407 = vector.broadcast %jit3A_1405 : f32 to vector<16xf32>
        %broadcast_in_dim3A_1408 = vector.broadcast %jit3A_1406 : f32 to vector<16xf32>
        %select_n3A_1409 = arith.select %eq3A_1404, %broadcast_in_dim3A_1407, %broadcast_in_dim3A_1408 : vector<16xi1>, vector<16xf32>
        %add3A_1410 = arith.constant 128 : i32
        %add3A_1411 = arith.addi %add3A_1410, %add3A_518 : i32
        %swap3A_1412 = arith.index_cast %add3A_1411 : i32 to index
        %swap3A_1413 = tpu.vector_load %arg23[%swap3A_1412] {strides = array<i32>} : memref<4096xf32, #tpu.memory_space<vmem>>, vector<16xf32>,
        tpu.vector_store %arg23[%swap3A_1412], %select_n3A_1409 {strides = array<i32>} : memref<4096xf32, #tpu.memory_space<vmem>>, vector<16xf32>,
        %eq3A_1414 = arith.constant 2 : i32
        %eq3A_1415 = vector.broadcast %eq3A_1414 : i32 to vector<16xi32>
        %eq3A_1416 = arith.cmpi eq, %select_n3A_1389, %eq3A_1415 : vector<16xi32>
        %jit3A_1417 = arith.constant 1.000000e+00 : f32
        %jit3A_1418 = arith.constant 0.000000e+00 : f32
        %broadcast_in_dim3A_1419 = vector.broadcast %jit3A_1417 : f32 to vector<16xf32>
        %broadcast_in_dim3A_1420 = vector.broadcast %jit3A_1418 : f32 to vector<16xf32>
        %select_n3A_1421 = arith.select %eq3A_1416, %broadcast_in_dim3A_1419, %broadcast_in_dim3A_1420 : vector<16xi1>, vector<16xf32>
        %add3A_1422 = arith.constant 256 : i32
        %add3A_1423 = arith.addi %add3A_1422, %add3A_518 : i32
        %swap3A_1424 = arith.index_cast %add3A_1423 : i32 to index
        %swap3A_1425 = tpu.vector_load %arg23[%swap3A_1424] {strides = array<i32>} : memref<4096xf32, #tpu.memory_space<vmem>>, vector<16xf32>,
        tpu.vector_store %arg23[%swap3A_1424], %select_n3A_1421 {strides = array<i32>} : memref<4096xf32, #tpu.memory_space<vmem>>, vector<16xf32>,
        %eq3A_1426 = arith.constant 3 : i32
        %eq3A_1427 = vector.broadcast %eq3A_1426 : i32 to vector<16xi32>
        %eq3A_1428 = arith.cmpi eq, %select_n3A_1389, %eq3A_1427 : vector<16xi32>
        %jit3A_1429 = arith.constant 1.000000e+00 : f32
        %jit3A_1430 = arith.constant 0.000000e+00 : f32
        %broadcast_in_dim3A_1431 = vector.broadcast %jit3A_1429 : f32 to vector<16xf32>
        %broadcast_in_dim3A_1432 = vector.broadcast %jit3A_1430 : f32 to vector<16xf32>
        %select_n3A_1433 = arith.select %eq3A_1428, %broadcast_in_dim3A_1431, %broadcast_in_dim3A_1432 : vector<16xi1>, vector<16xf32>
        %add3A_1434 = arith.constant 384 : i32
        %add3A_1435 = arith.addi %add3A_1434, %add3A_518 : i32
        %swap3A_1436 = arith.index_cast %add3A_1435 : i32 to index
        %swap3A_1437 = tpu.vector_load %arg23[%swap3A_1436] {strides = array<i32>} : memref<4096xf32, #tpu.memory_space<vmem>>, vector<16xf32>,
        tpu.vector_store %arg23[%swap3A_1436], %select_n3A_1433 {strides = array<i32>} : memref<4096xf32, #tpu.memory_space<vmem>>, vector<16xf32>,
        %eq3A_1438 = arith.constant 4 : i32
        %eq3A_1439 = vector.broadcast %eq3A_1438 : i32 to vector<16xi32>
        %eq3A_1440 = arith.cmpi eq, %select_n3A_1389, %eq3A_1439 : vector<16xi32>
        %jit3A_1441 = arith.constant 1.000000e+00 : f32
        %jit3A_1442 = arith.constant 0.000000e+00 : f32
        %broadcast_in_dim3A_1443 = vector.broadcast %jit3A_1441 : f32 to vector<16xf32>
        %broadcast_in_dim3A_1444 = vector.broadcast %jit3A_1442 : f32 to vector<16xf32>
        %select_n3A_1445 = arith.select %eq3A_1440, %broadcast_in_dim3A_1443, %broadcast_in_dim3A_1444 : vector<16xi1>, vector<16xf32>
        %add3A_1446 = arith.constant 512 : i32
        %add3A_1447 = arith.addi %add3A_1446, %add3A_518 : i32
        %swap3A_1448 = arith.index_cast %add3A_1447 : i32 to index
        %swap3A_1449 = tpu.vector_load %arg23[%swap3A_1448] {strides = array<i32>} : memref<4096xf32, #tpu.memory_space<vmem>>, vector<16xf32>,
        tpu.vector_store %arg23[%swap3A_1448], %select_n3A_1445 {strides = array<i32>} : memref<4096xf32, #tpu.memory_space<vmem>>, vector<16xf32>,
        %eq3A_1450 = arith.constant 5 : i32
        %eq3A_1451 = vector.broadcast %eq3A_1450 : i32 to vector<16xi32>
        %eq3A_1452 = arith.cmpi eq, %select_n3A_1389, %eq3A_1451 : vector<16xi32>
        %jit3A_1453 = arith.constant 1.000000e+00 : f32
        %jit3A_1454 = arith.constant 0.000000e+00 : f32
        %broadcast_in_dim3A_1455 = vector.broadcast %jit3A_1453 : f32 to vector<16xf32>
        %broadcast_in_dim3A_1456 = vector.broadcast %jit3A_1454 : f32 to vector<16xf32>
        %select_n3A_1457 = arith.select %eq3A_1452, %broadcast_in_dim3A_1455, %broadcast_in_dim3A_1456 : vector<16xi1>, vector<16xf32>
        %add3A_1458 = arith.constant 640 : i32
        %add3A_1459 = arith.addi %add3A_1458, %add3A_518 : i32
        %swap3A_1460 = arith.index_cast %add3A_1459 : i32 to index
        %swap3A_1461 = tpu.vector_load %arg23[%swap3A_1460] {strides = array<i32>} : memref<4096xf32, #tpu.memory_space<vmem>>, vector<16xf32>,
        tpu.vector_store %arg23[%swap3A_1460], %select_n3A_1457 {strides = array<i32>} : memref<4096xf32, #tpu.memory_space<vmem>>, vector<16xf32>,
        %eq3A_1462 = arith.constant 6 : i32
        %eq3A_1463 = vector.broadcast %eq3A_1462 : i32 to vector<16xi32>
        %eq3A_1464 = arith.cmpi eq, %select_n3A_1389, %eq3A_1463 : vector<16xi32>
        %jit3A_1465 = arith.constant 1.000000e+00 : f32
        %jit3A_1466 = arith.constant 0.000000e+00 : f32
        %broadcast_in_dim3A_1467 = vector.broadcast %jit3A_1465 : f32 to vector<16xf32>
        %broadcast_in_dim3A_1468 = vector.broadcast %jit3A_1466 : f32 to vector<16xf32>
        %select_n3A_1469 = arith.select %eq3A_1464, %broadcast_in_dim3A_1467, %broadcast_in_dim3A_1468 : vector<16xi1>, vector<16xf32>
        %add3A_1470 = arith.constant 768 : i32
        %add3A_1471 = arith.addi %add3A_1470, %add3A_518 : i32
        %swap3A_1472 = arith.index_cast %add3A_1471 : i32 to index
        %swap3A_1473 = tpu.vector_load %arg23[%swap3A_1472] {strides = array<i32>} : memref<4096xf32, #tpu.memory_space<vmem>>, vector<16xf32>,
        tpu.vector_store %arg23[%swap3A_1472], %select_n3A_1469 {strides = array<i32>} : memref<4096xf32, #tpu.memory_space<vmem>>, vector<16xf32>,
        %eq3A_1474 = arith.constant 7 : i32
        %eq3A_1475 = vector.broadcast %eq3A_1474 : i32 to vector<16xi32>
        %eq3A_1476 = arith.cmpi eq, %select_n3A_1389, %eq3A_1475 : vector<16xi32>
        %jit3A_1477 = arith.constant 1.000000e+00 : f32
        %jit3A_1478 = arith.constant 0.000000e+00 : f32
        %broadcast_in_dim3A_1479 = vector.broadcast %jit3A_1477 : f32 to vector<16xf32>
        %broadcast_in_dim3A_1480 = vector.broadcast %jit3A_1478 : f32 to vector<16xf32>
        %select_n3A_1481 = arith.select %eq3A_1476, %broadcast_in_dim3A_1479, %broadcast_in_dim3A_1480 : vector<16xi1>, vector<16xf32>
        %add3A_1482 = arith.constant 896 : i32
        %add3A_1483 = arith.addi %add3A_1482, %add3A_518 : i32
        %swap3A_1484 = arith.index_cast %add3A_1483 : i32 to index
        %swap3A_1485 = tpu.vector_load %arg23[%swap3A_1484] {strides = array<i32>} : memref<4096xf32, #tpu.memory_space<vmem>>, vector<16xf32>,
        tpu.vector_store %arg23[%swap3A_1484], %select_n3A_1481 {strides = array<i32>} : memref<4096xf32, #tpu.memory_space<vmem>>, vector<16xf32>,
        %eq3A_1486 = arith.constant 8 : i32
        %eq3A_1487 = vector.broadcast %eq3A_1486 : i32 to vector<16xi32>
        %eq3A_1488 = arith.cmpi eq, %select_n3A_1389, %eq3A_1487 : vector<16xi32>
        %jit3A_1489 = arith.constant 1.000000e+00 : f32
        %jit3A_1490 = arith.constant 0.000000e+00 : f32
        %broadcast_in_dim3A_1491 = vector.broadcast %jit3A_1489 : f32 to vector<16xf32>
        %broadcast_in_dim3A_1492 = vector.broadcast %jit3A_1490 : f32 to vector<16xf32>
        %select_n3A_1493 = arith.select %eq3A_1488, %broadcast_in_dim3A_1491, %broadcast_in_dim3A_1492 : vector<16xi1>, vector<16xf32>
        %add3A_1494 = arith.constant 2048 : i32
        %add3A_1495 = arith.addi %add3A_1494, %add3A_518 : i32
        %swap3A_1496 = arith.index_cast %add3A_1495 : i32 to index
        %swap3A_1497 = tpu.vector_load %arg23[%swap3A_1496] {strides = array<i32>} : memref<4096xf32, #tpu.memory_space<vmem>>, vector<16xf32>,
        tpu.vector_store %arg23[%swap3A_1496], %select_n3A_1493 {strides = array<i32>} : memref<4096xf32, #tpu.memory_space<vmem>>, vector<16xf32>,
        %eq3A_1498 = arith.constant 9 : i32
        %eq3A_1499 = vector.broadcast %eq3A_1498 : i32 to vector<16xi32>
        %eq3A_1500 = arith.cmpi eq, %select_n3A_1389, %eq3A_1499 : vector<16xi32>
        %jit3A_1501 = arith.constant 1.000000e+00 : f32
        %jit3A_1502 = arith.constant 0.000000e+00 : f32
        %broadcast_in_dim3A_1503 = vector.broadcast %jit3A_1501 : f32 to vector<16xf32>
        %broadcast_in_dim3A_1504 = vector.broadcast %jit3A_1502 : f32 to vector<16xf32>
        %select_n3A_1505 = arith.select %eq3A_1500, %broadcast_in_dim3A_1503, %broadcast_in_dim3A_1504 : vector<16xi1>, vector<16xf32>
        %add3A_1506 = arith.constant 2176 : i32
        %add3A_1507 = arith.addi %add3A_1506, %add3A_518 : i32
        %swap3A_1508 = arith.index_cast %add3A_1507 : i32 to index
        %swap3A_1509 = tpu.vector_load %arg23[%swap3A_1508] {strides = array<i32>} : memref<4096xf32, #tpu.memory_space<vmem>>, vector<16xf32>,
        tpu.vector_store %arg23[%swap3A_1508], %select_n3A_1505 {strides = array<i32>} : memref<4096xf32, #tpu.memory_space<vmem>>, vector<16xf32>,
        %eq3A_1510 = arith.constant 10 : i32
        %eq3A_1511 = vector.broadcast %eq3A_1510 : i32 to vector<16xi32>
        %eq3A_1512 = arith.cmpi eq, %select_n3A_1389, %eq3A_1511 : vector<16xi32>
        %jit3A_1513 = arith.constant 1.000000e+00 : f32
        %jit3A_1514 = arith.constant 0.000000e+00 : f32
        %broadcast_in_dim3A_1515 = vector.broadcast %jit3A_1513 : f32 to vector<16xf32>
        %broadcast_in_dim3A_1516 = vector.broadcast %jit3A_1514 : f32 to vector<16xf32>
        %select_n3A_1517 = arith.select %eq3A_1512, %broadcast_in_dim3A_1515, %broadcast_in_dim3A_1516 : vector<16xi1>, vector<16xf32>
        %add3A_1518 = arith.constant 2304 : i32
        %add3A_1519 = arith.addi %add3A_1518, %add3A_518 : i32
        %swap3A_1520 = arith.index_cast %add3A_1519 : i32 to index
        %swap3A_1521 = tpu.vector_load %arg23[%swap3A_1520] {strides = array<i32>} : memref<4096xf32, #tpu.memory_space<vmem>>, vector<16xf32>,
        tpu.vector_store %arg23[%swap3A_1520], %select_n3A_1517 {strides = array<i32>} : memref<4096xf32, #tpu.memory_space<vmem>>, vector<16xf32>,
        %eq3A_1522 = arith.constant 11 : i32
        %eq3A_1523 = vector.broadcast %eq3A_1522 : i32 to vector<16xi32>
        %eq3A_1524 = arith.cmpi eq, %select_n3A_1389, %eq3A_1523 : vector<16xi32>
        %jit3A_1525 = arith.constant 1.000000e+00 : f32
        %jit3A_1526 = arith.constant 0.000000e+00 : f32
        %broadcast_in_dim3A_1527 = vector.broadcast %jit3A_1525 : f32 to vector<16xf32>
        %broadcast_in_dim3A_1528 = vector.broadcast %jit3A_1526 : f32 to vector<16xf32>
        %select_n3A_1529 = arith.select %eq3A_1524, %broadcast_in_dim3A_1527, %broadcast_in_dim3A_1528 : vector<16xi1>, vector<16xf32>
        %add3A_1530 = arith.constant 2432 : i32
        %add3A_1531 = arith.addi %add3A_1530, %add3A_518 : i32
        %swap3A_1532 = arith.index_cast %add3A_1531 : i32 to index
        %swap3A_1533 = tpu.vector_load %arg23[%swap3A_1532] {strides = array<i32>} : memref<4096xf32, #tpu.memory_space<vmem>>, vector<16xf32>,
        tpu.vector_store %arg23[%swap3A_1532], %select_n3A_1529 {strides = array<i32>} : memref<4096xf32, #tpu.memory_space<vmem>>, vector<16xf32>,
        %eq3A_1534 = arith.constant 12 : i32
        %eq3A_1535 = vector.broadcast %eq3A_1534 : i32 to vector<16xi32>
        %eq3A_1536 = arith.cmpi eq, %select_n3A_1389, %eq3A_1535 : vector<16xi32>
        %jit3A_1537 = arith.constant 1.000000e+00 : f32
        %jit3A_1538 = arith.constant 0.000000e+00 : f32
        %broadcast_in_dim3A_1539 = vector.broadcast %jit3A_1537 : f32 to vector<16xf32>
        %broadcast_in_dim3A_1540 = vector.broadcast %jit3A_1538 : f32 to vector<16xf32>
        %select_n3A_1541 = arith.select %eq3A_1536, %broadcast_in_dim3A_1539, %broadcast_in_dim3A_1540 : vector<16xi1>, vector<16xf32>
        %add3A_1542 = arith.constant 2560 : i32
        %add3A_1543 = arith.addi %add3A_1542, %add3A_518 : i32
        %swap3A_1544 = arith.index_cast %add3A_1543 : i32 to index
        %swap3A_1545 = tpu.vector_load %arg23[%swap3A_1544] {strides = array<i32>} : memref<4096xf32, #tpu.memory_space<vmem>>, vector<16xf32>,
        tpu.vector_store %arg23[%swap3A_1544], %select_n3A_1541 {strides = array<i32>} : memref<4096xf32, #tpu.memory_space<vmem>>, vector<16xf32>,
        %eq3A_1546 = arith.constant 13 : i32
        %eq3A_1547 = vector.broadcast %eq3A_1546 : i32 to vector<16xi32>
        %eq3A_1548 = arith.cmpi eq, %select_n3A_1389, %eq3A_1547 : vector<16xi32>
        %jit3A_1549 = arith.constant 1.000000e+00 : f32
        %jit3A_1550 = arith.constant 0.000000e+00 : f32
        %broadcast_in_dim3A_1551 = vector.broadcast %jit3A_1549 : f32 to vector<16xf32>
        %broadcast_in_dim3A_1552 = vector.broadcast %jit3A_1550 : f32 to vector<16xf32>
        %select_n3A_1553 = arith.select %eq3A_1548, %broadcast_in_dim3A_1551, %broadcast_in_dim3A_1552 : vector<16xi1>, vector<16xf32>
        %add3A_1554 = arith.constant 2688 : i32
        %add3A_1555 = arith.addi %add3A_1554, %add3A_518 : i32
        %swap3A_1556 = arith.index_cast %add3A_1555 : i32 to index
        %swap3A_1557 = tpu.vector_load %arg23[%swap3A_1556] {strides = array<i32>} : memref<4096xf32, #tpu.memory_space<vmem>>, vector<16xf32>,
        tpu.vector_store %arg23[%swap3A_1556], %select_n3A_1553 {strides = array<i32>} : memref<4096xf32, #tpu.memory_space<vmem>>, vector<16xf32>,
        %eq3A_1558 = arith.constant 14 : i32
        %eq3A_1559 = vector.broadcast %eq3A_1558 : i32 to vector<16xi32>
        %eq3A_1560 = arith.cmpi eq, %select_n3A_1389, %eq3A_1559 : vector<16xi32>
        %jit3A_1561 = arith.constant 1.000000e+00 : f32
        %jit3A_1562 = arith.constant 0.000000e+00 : f32
        %broadcast_in_dim3A_1563 = vector.broadcast %jit3A_1561 : f32 to vector<16xf32>
        %broadcast_in_dim3A_1564 = vector.broadcast %jit3A_1562 : f32 to vector<16xf32>
        %select_n3A_1565 = arith.select %eq3A_1560, %broadcast_in_dim3A_1563, %broadcast_in_dim3A_1564 : vector<16xi1>, vector<16xf32>
        %add3A_1566 = arith.constant 2816 : i32
        %add3A_1567 = arith.addi %add3A_1566, %add3A_518 : i32
        %swap3A_1568 = arith.index_cast %add3A_1567 : i32 to index
        %swap3A_1569 = tpu.vector_load %arg23[%swap3A_1568] {strides = array<i32>} : memref<4096xf32, #tpu.memory_space<vmem>>, vector<16xf32>,
        tpu.vector_store %arg23[%swap3A_1568], %select_n3A_1565 {strides = array<i32>} : memref<4096xf32, #tpu.memory_space<vmem>>, vector<16xf32>,
        %eq3A_1570 = arith.constant 15 : i32
        %eq3A_1571 = vector.broadcast %eq3A_1570 : i32 to vector<16xi32>
        %eq3A_1572 = arith.cmpi eq, %select_n3A_1389, %eq3A_1571 : vector<16xi32>
        %jit3A_1573 = arith.constant 1.000000e+00 : f32
        %jit3A_1574 = arith.constant 0.000000e+00 : f32
        %broadcast_in_dim3A_1575 = vector.broadcast %jit3A_1573 : f32 to vector<16xf32>
        %broadcast_in_dim3A_1576 = vector.broadcast %jit3A_1574 : f32 to vector<16xf32>
        %select_n3A_1577 = arith.select %eq3A_1572, %broadcast_in_dim3A_1575, %broadcast_in_dim3A_1576 : vector<16xi1>, vector<16xf32>
        %add3A_1578 = arith.constant 2944 : i32
        %add3A_1579 = arith.addi %add3A_1578, %add3A_518 : i32
        %swap3A_1580 = arith.index_cast %add3A_1579 : i32 to index
        %swap3A_1581 = tpu.vector_load %arg23[%swap3A_1580] {strides = array<i32>} : memref<4096xf32, #tpu.memory_space<vmem>>, vector<16xf32>,
        tpu.vector_store %arg23[%swap3A_1580], %select_n3A_1577 {strides = array<i32>} : memref<4096xf32, #tpu.memory_space<vmem>>, vector<16xf32>,
        %add3A_1582 = arith.constant 32 : i32
        %add3A_1583 = vector.broadcast %add3A_1582 : i32 to vector<16xi32>
        %add3A_1584 = arith.addi %select_n3A_1389, %add3A_1583 : vector<16xi32>
        %gather3A_1585 = tpu.vector_load_idx %arg20[%add3A_1584] : memref<64xf32, #tpu.memory_space<vmem>>[vector<16xi32>], vector<16xf32>,
        %gather3A_1586 = tpu.vector_load_idx %arg14[%select_n3A_1389, %add3A_478] : memref<16x256xf32, #tpu.memory_space<vmem>>[vector<16xi32>, vector<16xi32>], vector<16xf32>,
        %mul3A_1587 = arith.mulf %gather3A_1585, %gather3A_1586 : vector<16xf32>
        %add3A_1588 = arith.addf %broadcast_in_dim3A_1296, %mul3A_1587 : vector<16xf32>
        %gather3A_1589 = tpu.vector_load_idx %arg13[%add3A_521] : memref<4096xf32, #tpu.memory_space<vmem>>[vector<16xi32>], vector<16xf32>,
        %eq3A_1590 = arith.constant 0 : i32
        %eq3A_1591 = vector.broadcast %eq3A_1590 : i32 to vector<16xi32>
        %eq3A_1592 = arith.cmpi eq, %select_n3A_1389, %eq3A_1591 : vector<16xi32>
        %jit3A_1593 = arith.constant -1.000000e+09 : f32
        %broadcast_in_dim3A_1594 = vector.broadcast %jit3A_1593 : f32 to vector<16xf32>
        %select_n3A_1595 = arith.select %eq3A_1592, %broadcast_in_dim3A_1594, %gather3A_1589 : vector<16xi1>, vector<16xf32>
        %gather3A_1596 = tpu.vector_load_idx %arg13[%add3A_524] : memref<4096xf32, #tpu.memory_space<vmem>>[vector<16xi32>], vector<16xf32>,
        %eq3A_1597 = arith.constant 1 : i32
        %eq3A_1598 = vector.broadcast %eq3A_1597 : i32 to vector<16xi32>
        %eq3A_1599 = arith.cmpi eq, %select_n3A_1389, %eq3A_1598 : vector<16xi32>
        %jit3A_1600 = arith.constant -1.000000e+09 : f32
        %broadcast_in_dim3A_1601 = vector.broadcast %jit3A_1600 : f32 to vector<16xf32>
        %select_n3A_1602 = arith.select %eq3A_1599, %broadcast_in_dim3A_1601, %gather3A_1596 : vector<16xi1>, vector<16xf32>
        %gather3A_1603 = tpu.vector_load_idx %arg13[%add3A_527] : memref<4096xf32, #tpu.memory_space<vmem>>[vector<16xi32>], vector<16xf32>,
        %eq3A_1604 = arith.constant 2 : i32
        %eq3A_1605 = vector.broadcast %eq3A_1604 : i32 to vector<16xi32>
        %eq3A_1606 = arith.cmpi eq, %select_n3A_1389, %eq3A_1605 : vector<16xi32>
        %jit3A_1607 = arith.constant -1.000000e+09 : f32
        %broadcast_in_dim3A_1608 = vector.broadcast %jit3A_1607 : f32 to vector<16xf32>
        %select_n3A_1609 = arith.select %eq3A_1606, %broadcast_in_dim3A_1608, %gather3A_1603 : vector<16xi1>, vector<16xf32>
        %gather3A_1610 = tpu.vector_load_idx %arg13[%add3A_530] : memref<4096xf32, #tpu.memory_space<vmem>>[vector<16xi32>], vector<16xf32>,
        %eq3A_1611 = arith.constant 3 : i32
        %eq3A_1612 = vector.broadcast %eq3A_1611 : i32 to vector<16xi32>
        %eq3A_1613 = arith.cmpi eq, %select_n3A_1389, %eq3A_1612 : vector<16xi32>
        %jit3A_1614 = arith.constant -1.000000e+09 : f32
        %broadcast_in_dim3A_1615 = vector.broadcast %jit3A_1614 : f32 to vector<16xf32>
        %select_n3A_1616 = arith.select %eq3A_1613, %broadcast_in_dim3A_1615, %gather3A_1610 : vector<16xi1>, vector<16xf32>
        %gather3A_1617 = tpu.vector_load_idx %arg13[%add3A_533] : memref<4096xf32, #tpu.memory_space<vmem>>[vector<16xi32>], vector<16xf32>,
        %eq3A_1618 = arith.constant 4 : i32
        %eq3A_1619 = vector.broadcast %eq3A_1618 : i32 to vector<16xi32>
        %eq3A_1620 = arith.cmpi eq, %select_n3A_1389, %eq3A_1619 : vector<16xi32>
        %jit3A_1621 = arith.constant -1.000000e+09 : f32
        %broadcast_in_dim3A_1622 = vector.broadcast %jit3A_1621 : f32 to vector<16xf32>
        %select_n3A_1623 = arith.select %eq3A_1620, %broadcast_in_dim3A_1622, %gather3A_1617 : vector<16xi1>, vector<16xf32>
        %gather3A_1624 = tpu.vector_load_idx %arg13[%add3A_536] : memref<4096xf32, #tpu.memory_space<vmem>>[vector<16xi32>], vector<16xf32>,
        %eq3A_1625 = arith.constant 5 : i32
        %eq3A_1626 = vector.broadcast %eq3A_1625 : i32 to vector<16xi32>
        %eq3A_1627 = arith.cmpi eq, %select_n3A_1389, %eq3A_1626 : vector<16xi32>
        %jit3A_1628 = arith.constant -1.000000e+09 : f32
        %broadcast_in_dim3A_1629 = vector.broadcast %jit3A_1628 : f32 to vector<16xf32>
        %select_n3A_1630 = arith.select %eq3A_1627, %broadcast_in_dim3A_1629, %gather3A_1624 : vector<16xi1>, vector<16xf32>
        %gather3A_1631 = tpu.vector_load_idx %arg13[%add3A_539] : memref<4096xf32, #tpu.memory_space<vmem>>[vector<16xi32>], vector<16xf32>,
        %eq3A_1632 = arith.constant 6 : i32
        %eq3A_1633 = vector.broadcast %eq3A_1632 : i32 to vector<16xi32>
        %eq3A_1634 = arith.cmpi eq, %select_n3A_1389, %eq3A_1633 : vector<16xi32>
        %jit3A_1635 = arith.constant -1.000000e+09 : f32
        %broadcast_in_dim3A_1636 = vector.broadcast %jit3A_1635 : f32 to vector<16xf32>
        %select_n3A_1637 = arith.select %eq3A_1634, %broadcast_in_dim3A_1636, %gather3A_1631 : vector<16xi1>, vector<16xf32>
        %gather3A_1638 = tpu.vector_load_idx %arg13[%add3A_542] : memref<4096xf32, #tpu.memory_space<vmem>>[vector<16xi32>], vector<16xf32>,
        %eq3A_1639 = arith.constant 7 : i32
        %eq3A_1640 = vector.broadcast %eq3A_1639 : i32 to vector<16xi32>
        %eq3A_1641 = arith.cmpi eq, %select_n3A_1389, %eq3A_1640 : vector<16xi32>
        %jit3A_1642 = arith.constant -1.000000e+09 : f32
        %broadcast_in_dim3A_1643 = vector.broadcast %jit3A_1642 : f32 to vector<16xf32>
        %select_n3A_1644 = arith.select %eq3A_1641, %broadcast_in_dim3A_1643, %gather3A_1638 : vector<16xi1>, vector<16xf32>
        %gather3A_1645 = tpu.vector_load_idx %arg13[%add3A_545] : memref<4096xf32, #tpu.memory_space<vmem>>[vector<16xi32>], vector<16xf32>,
        %eq3A_1646 = arith.constant 8 : i32
        %eq3A_1647 = vector.broadcast %eq3A_1646 : i32 to vector<16xi32>
        %eq3A_1648 = arith.cmpi eq, %select_n3A_1389, %eq3A_1647 : vector<16xi32>
        %jit3A_1649 = arith.constant -1.000000e+09 : f32
        %broadcast_in_dim3A_1650 = vector.broadcast %jit3A_1649 : f32 to vector<16xf32>
        %select_n3A_1651 = arith.select %eq3A_1648, %broadcast_in_dim3A_1650, %gather3A_1645 : vector<16xi1>, vector<16xf32>
        %gather3A_1652 = tpu.vector_load_idx %arg13[%add3A_548] : memref<4096xf32, #tpu.memory_space<vmem>>[vector<16xi32>], vector<16xf32>,
        %eq3A_1653 = arith.constant 9 : i32
        %eq3A_1654 = vector.broadcast %eq3A_1653 : i32 to vector<16xi32>
        %eq3A_1655 = arith.cmpi eq, %select_n3A_1389, %eq3A_1654 : vector<16xi32>
        %jit3A_1656 = arith.constant -1.000000e+09 : f32
        %broadcast_in_dim3A_1657 = vector.broadcast %jit3A_1656 : f32 to vector<16xf32>
        %select_n3A_1658 = arith.select %eq3A_1655, %broadcast_in_dim3A_1657, %gather3A_1652 : vector<16xi1>, vector<16xf32>
        %gather3A_1659 = tpu.vector_load_idx %arg13[%add3A_551] : memref<4096xf32, #tpu.memory_space<vmem>>[vector<16xi32>], vector<16xf32>,
        %eq3A_1660 = arith.constant 10 : i32
        %eq3A_1661 = vector.broadcast %eq3A_1660 : i32 to vector<16xi32>
        %eq3A_1662 = arith.cmpi eq, %select_n3A_1389, %eq3A_1661 : vector<16xi32>
        %jit3A_1663 = arith.constant -1.000000e+09 : f32
        %broadcast_in_dim3A_1664 = vector.broadcast %jit3A_1663 : f32 to vector<16xf32>
        %select_n3A_1665 = arith.select %eq3A_1662, %broadcast_in_dim3A_1664, %gather3A_1659 : vector<16xi1>, vector<16xf32>
        %gather3A_1666 = tpu.vector_load_idx %arg13[%add3A_554] : memref<4096xf32, #tpu.memory_space<vmem>>[vector<16xi32>], vector<16xf32>,
        %eq3A_1667 = arith.constant 11 : i32
        %eq3A_1668 = vector.broadcast %eq3A_1667 : i32 to vector<16xi32>
        %eq3A_1669 = arith.cmpi eq, %select_n3A_1389, %eq3A_1668 : vector<16xi32>
        %jit3A_1670 = arith.constant -1.000000e+09 : f32
        %broadcast_in_dim3A_1671 = vector.broadcast %jit3A_1670 : f32 to vector<16xf32>
        %select_n3A_1672 = arith.select %eq3A_1669, %broadcast_in_dim3A_1671, %gather3A_1666 : vector<16xi1>, vector<16xf32>
        %gather3A_1673 = tpu.vector_load_idx %arg13[%add3A_557] : memref<4096xf32, #tpu.memory_space<vmem>>[vector<16xi32>], vector<16xf32>,
        %eq3A_1674 = arith.constant 12 : i32
        %eq3A_1675 = vector.broadcast %eq3A_1674 : i32 to vector<16xi32>
        %eq3A_1676 = arith.cmpi eq, %select_n3A_1389, %eq3A_1675 : vector<16xi32>
        %jit3A_1677 = arith.constant -1.000000e+09 : f32
        %broadcast_in_dim3A_1678 = vector.broadcast %jit3A_1677 : f32 to vector<16xf32>
        %select_n3A_1679 = arith.select %eq3A_1676, %broadcast_in_dim3A_1678, %gather3A_1673 : vector<16xi1>, vector<16xf32>
        %gather3A_1680 = tpu.vector_load_idx %arg13[%add3A_560] : memref<4096xf32, #tpu.memory_space<vmem>>[vector<16xi32>], vector<16xf32>,
        %eq3A_1681 = arith.constant 13 : i32
        %eq3A_1682 = vector.broadcast %eq3A_1681 : i32 to vector<16xi32>
        %eq3A_1683 = arith.cmpi eq, %select_n3A_1389, %eq3A_1682 : vector<16xi32>
        %jit3A_1684 = arith.constant -1.000000e+09 : f32
        %broadcast_in_dim3A_1685 = vector.broadcast %jit3A_1684 : f32 to vector<16xf32>
        %select_n3A_1686 = arith.select %eq3A_1683, %broadcast_in_dim3A_1685, %gather3A_1680 : vector<16xi1>, vector<16xf32>
        %gather3A_1687 = tpu.vector_load_idx %arg13[%add3A_563] : memref<4096xf32, #tpu.memory_space<vmem>>[vector<16xi32>], vector<16xf32>,
        %eq3A_1688 = arith.constant 14 : i32
        %eq3A_1689 = vector.broadcast %eq3A_1688 : i32 to vector<16xi32>
        %eq3A_1690 = arith.cmpi eq, %select_n3A_1389, %eq3A_1689 : vector<16xi32>
        %jit3A_1691 = arith.constant -1.000000e+09 : f32
        %broadcast_in_dim3A_1692 = vector.broadcast %jit3A_1691 : f32 to vector<16xf32>
        %select_n3A_1693 = arith.select %eq3A_1690, %broadcast_in_dim3A_1692, %gather3A_1687 : vector<16xi1>, vector<16xf32>
        %gather3A_1694 = tpu.vector_load_idx %arg13[%add3A_566] : memref<4096xf32, #tpu.memory_space<vmem>>[vector<16xi32>], vector<16xf32>,
        %eq3A_1695 = arith.constant 15 : i32
        %eq3A_1696 = vector.broadcast %eq3A_1695 : i32 to vector<16xi32>
        %eq3A_1697 = arith.cmpi eq, %select_n3A_1389, %eq3A_1696 : vector<16xi32>
        %jit3A_1698 = arith.constant -1.000000e+09 : f32
        %broadcast_in_dim3A_1699 = vector.broadcast %jit3A_1698 : f32 to vector<16xf32>
        %select_n3A_1700 = arith.select %eq3A_1697, %broadcast_in_dim3A_1699, %gather3A_1694 : vector<16xi1>, vector<16xf32>
        %gt3A_1701 = arith.cmpf ogt, %select_n3A_1602, %select_n3A_1595 : vector<16xf32>
        %select_n3A_1702 = arith.select %gt3A_1701, %select_n3A_1602, %select_n3A_1595 : vector<16xi1>, vector<16xf32>
        %jit3A_1703 = arith.constant 1 : i32
        %jit3A_1704 = arith.constant 0 : i32
        %broadcast_in_dim3A_1705 = vector.broadcast %jit3A_1703 : i32 to vector<16xi32>
        %broadcast_in_dim3A_1706 = vector.broadcast %jit3A_1704 : i32 to vector<16xi32>
        %select_n3A_1707 = arith.select %gt3A_1701, %broadcast_in_dim3A_1705, %broadcast_in_dim3A_1706 : vector<16xi1>, vector<16xi32>
        %gt3A_1708 = arith.cmpf ogt, %select_n3A_1616, %select_n3A_1609 : vector<16xf32>
        %select_n3A_1709 = arith.select %gt3A_1708, %select_n3A_1616, %select_n3A_1609 : vector<16xi1>, vector<16xf32>
        %jit3A_1710 = arith.constant 3 : i32
        %jit3A_1711 = arith.constant 2 : i32
        %broadcast_in_dim3A_1712 = vector.broadcast %jit3A_1710 : i32 to vector<16xi32>
        %broadcast_in_dim3A_1713 = vector.broadcast %jit3A_1711 : i32 to vector<16xi32>
        %select_n3A_1714 = arith.select %gt3A_1708, %broadcast_in_dim3A_1712, %broadcast_in_dim3A_1713 : vector<16xi1>, vector<16xi32>
        %gt3A_1715 = arith.cmpf ogt, %select_n3A_1630, %select_n3A_1623 : vector<16xf32>
        %select_n3A_1716 = arith.select %gt3A_1715, %select_n3A_1630, %select_n3A_1623 : vector<16xi1>, vector<16xf32>
        %jit3A_1717 = arith.constant 5 : i32
        %jit3A_1718 = arith.constant 4 : i32
        %broadcast_in_dim3A_1719 = vector.broadcast %jit3A_1717 : i32 to vector<16xi32>
        %broadcast_in_dim3A_1720 = vector.broadcast %jit3A_1718 : i32 to vector<16xi32>
        %select_n3A_1721 = arith.select %gt3A_1715, %broadcast_in_dim3A_1719, %broadcast_in_dim3A_1720 : vector<16xi1>, vector<16xi32>
        %gt3A_1722 = arith.cmpf ogt, %select_n3A_1644, %select_n3A_1637 : vector<16xf32>
        %select_n3A_1723 = arith.select %gt3A_1722, %select_n3A_1644, %select_n3A_1637 : vector<16xi1>, vector<16xf32>
        %jit3A_1724 = arith.constant 7 : i32
        %jit3A_1725 = arith.constant 6 : i32
        %broadcast_in_dim3A_1726 = vector.broadcast %jit3A_1724 : i32 to vector<16xi32>
        %broadcast_in_dim3A_1727 = vector.broadcast %jit3A_1725 : i32 to vector<16xi32>
        %select_n3A_1728 = arith.select %gt3A_1722, %broadcast_in_dim3A_1726, %broadcast_in_dim3A_1727 : vector<16xi1>, vector<16xi32>
        %gt3A_1729 = arith.cmpf ogt, %select_n3A_1658, %select_n3A_1651 : vector<16xf32>
        %select_n3A_1730 = arith.select %gt3A_1729, %select_n3A_1658, %select_n3A_1651 : vector<16xi1>, vector<16xf32>
        %jit3A_1731 = arith.constant 9 : i32
        %jit3A_1732 = arith.constant 8 : i32
        %broadcast_in_dim3A_1733 = vector.broadcast %jit3A_1731 : i32 to vector<16xi32>
        %broadcast_in_dim3A_1734 = vector.broadcast %jit3A_1732 : i32 to vector<16xi32>
        %select_n3A_1735 = arith.select %gt3A_1729, %broadcast_in_dim3A_1733, %broadcast_in_dim3A_1734 : vector<16xi1>, vector<16xi32>
        %gt3A_1736 = arith.cmpf ogt, %select_n3A_1672, %select_n3A_1665 : vector<16xf32>
        %select_n3A_1737 = arith.select %gt3A_1736, %select_n3A_1672, %select_n3A_1665 : vector<16xi1>, vector<16xf32>
        %jit3A_1738 = arith.constant 11 : i32
        %jit3A_1739 = arith.constant 10 : i32
        %broadcast_in_dim3A_1740 = vector.broadcast %jit3A_1738 : i32 to vector<16xi32>
        %broadcast_in_dim3A_1741 = vector.broadcast %jit3A_1739 : i32 to vector<16xi32>
        %select_n3A_1742 = arith.select %gt3A_1736, %broadcast_in_dim3A_1740, %broadcast_in_dim3A_1741 : vector<16xi1>, vector<16xi32>
        %gt3A_1743 = arith.cmpf ogt, %select_n3A_1686, %select_n3A_1679 : vector<16xf32>
        %select_n3A_1744 = arith.select %gt3A_1743, %select_n3A_1686, %select_n3A_1679 : vector<16xi1>, vector<16xf32>
        %jit3A_1745 = arith.constant 13 : i32
        %jit3A_1746 = arith.constant 12 : i32
        %broadcast_in_dim3A_1747 = vector.broadcast %jit3A_1745 : i32 to vector<16xi32>
        %broadcast_in_dim3A_1748 = vector.broadcast %jit3A_1746 : i32 to vector<16xi32>
        %select_n3A_1749 = arith.select %gt3A_1743, %broadcast_in_dim3A_1747, %broadcast_in_dim3A_1748 : vector<16xi1>, vector<16xi32>
        %gt3A_1750 = arith.cmpf ogt, %select_n3A_1700, %select_n3A_1693 : vector<16xf32>
        %select_n3A_1751 = arith.select %gt3A_1750, %select_n3A_1700, %select_n3A_1693 : vector<16xi1>, vector<16xf32>
        %jit3A_1752 = arith.constant 15 : i32
        %jit3A_1753 = arith.constant 14 : i32
        %broadcast_in_dim3A_1754 = vector.broadcast %jit3A_1752 : i32 to vector<16xi32>
        %broadcast_in_dim3A_1755 = vector.broadcast %jit3A_1753 : i32 to vector<16xi32>
        %select_n3A_1756 = arith.select %gt3A_1750, %broadcast_in_dim3A_1754, %broadcast_in_dim3A_1755 : vector<16xi1>, vector<16xi32>
        %gt3A_1757 = arith.cmpf ogt, %select_n3A_1709, %select_n3A_1702 : vector<16xf32>
        %select_n3A_1758 = arith.select %gt3A_1757, %select_n3A_1709, %select_n3A_1702 : vector<16xi1>, vector<16xf32>
        %select_n3A_1759 = arith.select %gt3A_1757, %select_n3A_1714, %select_n3A_1707 : vector<16xi1>, vector<16xi32>
        %gt3A_1760 = arith.cmpf ogt, %select_n3A_1723, %select_n3A_1716 : vector<16xf32>
        %select_n3A_1761 = arith.select %gt3A_1760, %select_n3A_1723, %select_n3A_1716 : vector<16xi1>, vector<16xf32>
        %select_n3A_1762 = arith.select %gt3A_1760, %select_n3A_1728, %select_n3A_1721 : vector<16xi1>, vector<16xi32>
        %gt3A_1763 = arith.cmpf ogt, %select_n3A_1737, %select_n3A_1730 : vector<16xf32>
        %select_n3A_1764 = arith.select %gt3A_1763, %select_n3A_1737, %select_n3A_1730 : vector<16xi1>, vector<16xf32>
        %select_n3A_1765 = arith.select %gt3A_1763, %select_n3A_1742, %select_n3A_1735 : vector<16xi1>, vector<16xi32>
        %gt3A_1766 = arith.cmpf ogt, %select_n3A_1751, %select_n3A_1744 : vector<16xf32>
        %select_n3A_1767 = arith.select %gt3A_1766, %select_n3A_1751, %select_n3A_1744 : vector<16xi1>, vector<16xf32>
        %select_n3A_1768 = arith.select %gt3A_1766, %select_n3A_1756, %select_n3A_1749 : vector<16xi1>, vector<16xi32>
        %gt3A_1769 = arith.cmpf ogt, %select_n3A_1761, %select_n3A_1758 : vector<16xf32>
        %select_n3A_1770 = arith.select %gt3A_1769, %select_n3A_1761, %select_n3A_1758 : vector<16xi1>, vector<16xf32>
        %select_n3A_1771 = arith.select %gt3A_1769, %select_n3A_1762, %select_n3A_1759 : vector<16xi1>, vector<16xi32>
        %gt3A_1772 = arith.cmpf ogt, %select_n3A_1767, %select_n3A_1764 : vector<16xf32>
        %select_n3A_1773 = arith.select %gt3A_1772, %select_n3A_1767, %select_n3A_1764 : vector<16xi1>, vector<16xf32>
        %select_n3A_1774 = arith.select %gt3A_1772, %select_n3A_1768, %select_n3A_1765 : vector<16xi1>, vector<16xi32>
        %gt3A_1775 = arith.cmpf ogt, %select_n3A_1773, %select_n3A_1770 : vector<16xf32>
        %select_n3A_1776 = arith.select %gt3A_1775, %select_n3A_1773, %select_n3A_1770 : vector<16xi1>, vector<16xf32>
        %select_n3A_1777 = arith.select %gt3A_1775, %select_n3A_1774, %select_n3A_1771 : vector<16xi1>, vector<16xi32>
        %eq3A_1778 = arith.constant 0 : i32
        %eq3A_1779 = vector.broadcast %eq3A_1778 : i32 to vector<16xi32>
        %eq3A_1780 = arith.cmpi eq, %select_n3A_1777, %eq3A_1779 : vector<16xi32>
        %jit3A_1781 = arith.constant 1.000000e+00 : f32
        %jit3A_1782 = arith.constant 0.000000e+00 : f32
        %broadcast_in_dim3A_1783 = vector.broadcast %jit3A_1781 : f32 to vector<16xf32>
        %broadcast_in_dim3A_1784 = vector.broadcast %jit3A_1782 : f32 to vector<16xf32>
        %select_n3A_1785 = arith.select %eq3A_1780, %broadcast_in_dim3A_1783, %broadcast_in_dim3A_1784 : vector<16xi1>, vector<16xf32>
        %add3A_1786 = arith.constant 0 : i32
        %add3A_1787 = arith.addi %add3A_1786, %add3A_518 : i32
        %swap3A_1788 = arith.index_cast %add3A_1787 : i32 to index
        %swap3A_1789 = tpu.vector_load %arg24[%swap3A_1788] {strides = array<i32>} : memref<4096xf32, #tpu.memory_space<vmem>>, vector<16xf32>,
        tpu.vector_store %arg24[%swap3A_1788], %select_n3A_1785 {strides = array<i32>} : memref<4096xf32, #tpu.memory_space<vmem>>, vector<16xf32>,
        %eq3A_1790 = arith.constant 1 : i32
        %eq3A_1791 = vector.broadcast %eq3A_1790 : i32 to vector<16xi32>
        %eq3A_1792 = arith.cmpi eq, %select_n3A_1777, %eq3A_1791 : vector<16xi32>
        %jit3A_1793 = arith.constant 1.000000e+00 : f32
        %jit3A_1794 = arith.constant 0.000000e+00 : f32
        %broadcast_in_dim3A_1795 = vector.broadcast %jit3A_1793 : f32 to vector<16xf32>
        %broadcast_in_dim3A_1796 = vector.broadcast %jit3A_1794 : f32 to vector<16xf32>
        %select_n3A_1797 = arith.select %eq3A_1792, %broadcast_in_dim3A_1795, %broadcast_in_dim3A_1796 : vector<16xi1>, vector<16xf32>
        %add3A_1798 = arith.constant 128 : i32
        %add3A_1799 = arith.addi %add3A_1798, %add3A_518 : i32
        %swap3A_1800 = arith.index_cast %add3A_1799 : i32 to index
        %swap3A_1801 = tpu.vector_load %arg24[%swap3A_1800] {strides = array<i32>} : memref<4096xf32, #tpu.memory_space<vmem>>, vector<16xf32>,
        tpu.vector_store %arg24[%swap3A_1800], %select_n3A_1797 {strides = array<i32>} : memref<4096xf32, #tpu.memory_space<vmem>>, vector<16xf32>,
        %eq3A_1802 = arith.constant 2 : i32
        %eq3A_1803 = vector.broadcast %eq3A_1802 : i32 to vector<16xi32>
        %eq3A_1804 = arith.cmpi eq, %select_n3A_1777, %eq3A_1803 : vector<16xi32>
        %jit3A_1805 = arith.constant 1.000000e+00 : f32
        %jit3A_1806 = arith.constant 0.000000e+00 : f32
        %broadcast_in_dim3A_1807 = vector.broadcast %jit3A_1805 : f32 to vector<16xf32>
        %broadcast_in_dim3A_1808 = vector.broadcast %jit3A_1806 : f32 to vector<16xf32>
        %select_n3A_1809 = arith.select %eq3A_1804, %broadcast_in_dim3A_1807, %broadcast_in_dim3A_1808 : vector<16xi1>, vector<16xf32>
        %add3A_1810 = arith.constant 256 : i32
        %add3A_1811 = arith.addi %add3A_1810, %add3A_518 : i32
        %swap3A_1812 = arith.index_cast %add3A_1811 : i32 to index
        %swap3A_1813 = tpu.vector_load %arg24[%swap3A_1812] {strides = array<i32>} : memref<4096xf32, #tpu.memory_space<vmem>>, vector<16xf32>,
        tpu.vector_store %arg24[%swap3A_1812], %select_n3A_1809 {strides = array<i32>} : memref<4096xf32, #tpu.memory_space<vmem>>, vector<16xf32>,
        %eq3A_1814 = arith.constant 3 : i32
        %eq3A_1815 = vector.broadcast %eq3A_1814 : i32 to vector<16xi32>
        %eq3A_1816 = arith.cmpi eq, %select_n3A_1777, %eq3A_1815 : vector<16xi32>
        %jit3A_1817 = arith.constant 1.000000e+00 : f32
        %jit3A_1818 = arith.constant 0.000000e+00 : f32
        %broadcast_in_dim3A_1819 = vector.broadcast %jit3A_1817 : f32 to vector<16xf32>
        %broadcast_in_dim3A_1820 = vector.broadcast %jit3A_1818 : f32 to vector<16xf32>
        %select_n3A_1821 = arith.select %eq3A_1816, %broadcast_in_dim3A_1819, %broadcast_in_dim3A_1820 : vector<16xi1>, vector<16xf32>
        %add3A_1822 = arith.constant 384 : i32
        %add3A_1823 = arith.addi %add3A_1822, %add3A_518 : i32
        %swap3A_1824 = arith.index_cast %add3A_1823 : i32 to index
        %swap3A_1825 = tpu.vector_load %arg24[%swap3A_1824] {strides = array<i32>} : memref<4096xf32, #tpu.memory_space<vmem>>, vector<16xf32>,
        tpu.vector_store %arg24[%swap3A_1824], %select_n3A_1821 {strides = array<i32>} : memref<4096xf32, #tpu.memory_space<vmem>>, vector<16xf32>,
        %eq3A_1826 = arith.constant 4 : i32
        %eq3A_1827 = vector.broadcast %eq3A_1826 : i32 to vector<16xi32>
        %eq3A_1828 = arith.cmpi eq, %select_n3A_1777, %eq3A_1827 : vector<16xi32>
        %jit3A_1829 = arith.constant 1.000000e+00 : f32
        %jit3A_1830 = arith.constant 0.000000e+00 : f32
        %broadcast_in_dim3A_1831 = vector.broadcast %jit3A_1829 : f32 to vector<16xf32>
        %broadcast_in_dim3A_1832 = vector.broadcast %jit3A_1830 : f32 to vector<16xf32>
        %select_n3A_1833 = arith.select %eq3A_1828, %broadcast_in_dim3A_1831, %broadcast_in_dim3A_1832 : vector<16xi1>, vector<16xf32>
        %add3A_1834 = arith.constant 512 : i32
        %add3A_1835 = arith.addi %add3A_1834, %add3A_518 : i32
        %swap3A_1836 = arith.index_cast %add3A_1835 : i32 to index
        %swap3A_1837 = tpu.vector_load %arg24[%swap3A_1836] {strides = array<i32>} : memref<4096xf32, #tpu.memory_space<vmem>>, vector<16xf32>,
        tpu.vector_store %arg24[%swap3A_1836], %select_n3A_1833 {strides = array<i32>} : memref<4096xf32, #tpu.memory_space<vmem>>, vector<16xf32>,
        %eq3A_1838 = arith.constant 5 : i32
        %eq3A_1839 = vector.broadcast %eq3A_1838 : i32 to vector<16xi32>
        %eq3A_1840 = arith.cmpi eq, %select_n3A_1777, %eq3A_1839 : vector<16xi32>
        %jit3A_1841 = arith.constant 1.000000e+00 : f32
        %jit3A_1842 = arith.constant 0.000000e+00 : f32
        %broadcast_in_dim3A_1843 = vector.broadcast %jit3A_1841 : f32 to vector<16xf32>
        %broadcast_in_dim3A_1844 = vector.broadcast %jit3A_1842 : f32 to vector<16xf32>
        %select_n3A_1845 = arith.select %eq3A_1840, %broadcast_in_dim3A_1843, %broadcast_in_dim3A_1844 : vector<16xi1>, vector<16xf32>
        %add3A_1846 = arith.constant 640 : i32
        %add3A_1847 = arith.addi %add3A_1846, %add3A_518 : i32
        %swap3A_1848 = arith.index_cast %add3A_1847 : i32 to index
        %swap3A_1849 = tpu.vector_load %arg24[%swap3A_1848] {strides = array<i32>} : memref<4096xf32, #tpu.memory_space<vmem>>, vector<16xf32>,
        tpu.vector_store %arg24[%swap3A_1848], %select_n3A_1845 {strides = array<i32>} : memref<4096xf32, #tpu.memory_space<vmem>>, vector<16xf32>,
        %eq3A_1850 = arith.constant 6 : i32
        %eq3A_1851 = vector.broadcast %eq3A_1850 : i32 to vector<16xi32>
        %eq3A_1852 = arith.cmpi eq, %select_n3A_1777, %eq3A_1851 : vector<16xi32>
        %jit3A_1853 = arith.constant 1.000000e+00 : f32
        %jit3A_1854 = arith.constant 0.000000e+00 : f32
        %broadcast_in_dim3A_1855 = vector.broadcast %jit3A_1853 : f32 to vector<16xf32>
        %broadcast_in_dim3A_1856 = vector.broadcast %jit3A_1854 : f32 to vector<16xf32>
        %select_n3A_1857 = arith.select %eq3A_1852, %broadcast_in_dim3A_1855, %broadcast_in_dim3A_1856 : vector<16xi1>, vector<16xf32>
        %add3A_1858 = arith.constant 768 : i32
        %add3A_1859 = arith.addi %add3A_1858, %add3A_518 : i32
        %swap3A_1860 = arith.index_cast %add3A_1859 : i32 to index
        %swap3A_1861 = tpu.vector_load %arg24[%swap3A_1860] {strides = array<i32>} : memref<4096xf32, #tpu.memory_space<vmem>>, vector<16xf32>,
        tpu.vector_store %arg24[%swap3A_1860], %select_n3A_1857 {strides = array<i32>} : memref<4096xf32, #tpu.memory_space<vmem>>, vector<16xf32>,
        %eq3A_1862 = arith.constant 7 : i32
        %eq3A_1863 = vector.broadcast %eq3A_1862 : i32 to vector<16xi32>
        %eq3A_1864 = arith.cmpi eq, %select_n3A_1777, %eq3A_1863 : vector<16xi32>
        %jit3A_1865 = arith.constant 1.000000e+00 : f32
        %jit3A_1866 = arith.constant 0.000000e+00 : f32
        %broadcast_in_dim3A_1867 = vector.broadcast %jit3A_1865 : f32 to vector<16xf32>
        %broadcast_in_dim3A_1868 = vector.broadcast %jit3A_1866 : f32 to vector<16xf32>
        %select_n3A_1869 = arith.select %eq3A_1864, %broadcast_in_dim3A_1867, %broadcast_in_dim3A_1868 : vector<16xi1>, vector<16xf32>
        %add3A_1870 = arith.constant 896 : i32
        %add3A_1871 = arith.addi %add3A_1870, %add3A_518 : i32
        %swap3A_1872 = arith.index_cast %add3A_1871 : i32 to index
        %swap3A_1873 = tpu.vector_load %arg24[%swap3A_1872] {strides = array<i32>} : memref<4096xf32, #tpu.memory_space<vmem>>, vector<16xf32>,
        tpu.vector_store %arg24[%swap3A_1872], %select_n3A_1869 {strides = array<i32>} : memref<4096xf32, #tpu.memory_space<vmem>>, vector<16xf32>,
        %eq3A_1874 = arith.constant 8 : i32
        %eq3A_1875 = vector.broadcast %eq3A_1874 : i32 to vector<16xi32>
        %eq3A_1876 = arith.cmpi eq, %select_n3A_1777, %eq3A_1875 : vector<16xi32>
        %jit3A_1877 = arith.constant 1.000000e+00 : f32
        %jit3A_1878 = arith.constant 0.000000e+00 : f32
        %broadcast_in_dim3A_1879 = vector.broadcast %jit3A_1877 : f32 to vector<16xf32>
        %broadcast_in_dim3A_1880 = vector.broadcast %jit3A_1878 : f32 to vector<16xf32>
        %select_n3A_1881 = arith.select %eq3A_1876, %broadcast_in_dim3A_1879, %broadcast_in_dim3A_1880 : vector<16xi1>, vector<16xf32>
        %add3A_1882 = arith.constant 2048 : i32
        %add3A_1883 = arith.addi %add3A_1882, %add3A_518 : i32
        %swap3A_1884 = arith.index_cast %add3A_1883 : i32 to index
        %swap3A_1885 = tpu.vector_load %arg24[%swap3A_1884] {strides = array<i32>} : memref<4096xf32, #tpu.memory_space<vmem>>, vector<16xf32>,
        tpu.vector_store %arg24[%swap3A_1884], %select_n3A_1881 {strides = array<i32>} : memref<4096xf32, #tpu.memory_space<vmem>>, vector<16xf32>,
        %eq3A_1886 = arith.constant 9 : i32
        %eq3A_1887 = vector.broadcast %eq3A_1886 : i32 to vector<16xi32>
        %eq3A_1888 = arith.cmpi eq, %select_n3A_1777, %eq3A_1887 : vector<16xi32>
        %jit3A_1889 = arith.constant 1.000000e+00 : f32
        %jit3A_1890 = arith.constant 0.000000e+00 : f32
        %broadcast_in_dim3A_1891 = vector.broadcast %jit3A_1889 : f32 to vector<16xf32>
        %broadcast_in_dim3A_1892 = vector.broadcast %jit3A_1890 : f32 to vector<16xf32>
        %select_n3A_1893 = arith.select %eq3A_1888, %broadcast_in_dim3A_1891, %broadcast_in_dim3A_1892 : vector<16xi1>, vector<16xf32>
        %add3A_1894 = arith.constant 2176 : i32
        %add3A_1895 = arith.addi %add3A_1894, %add3A_518 : i32
        %swap3A_1896 = arith.index_cast %add3A_1895 : i32 to index
        %swap3A_1897 = tpu.vector_load %arg24[%swap3A_1896] {strides = array<i32>} : memref<4096xf32, #tpu.memory_space<vmem>>, vector<16xf32>,
        tpu.vector_store %arg24[%swap3A_1896], %select_n3A_1893 {strides = array<i32>} : memref<4096xf32, #tpu.memory_space<vmem>>, vector<16xf32>,
        %eq3A_1898 = arith.constant 10 : i32
        %eq3A_1899 = vector.broadcast %eq3A_1898 : i32 to vector<16xi32>
        %eq3A_1900 = arith.cmpi eq, %select_n3A_1777, %eq3A_1899 : vector<16xi32>
        %jit3A_1901 = arith.constant 1.000000e+00 : f32
        %jit3A_1902 = arith.constant 0.000000e+00 : f32
        %broadcast_in_dim3A_1903 = vector.broadcast %jit3A_1901 : f32 to vector<16xf32>
        %broadcast_in_dim3A_1904 = vector.broadcast %jit3A_1902 : f32 to vector<16xf32>
        %select_n3A_1905 = arith.select %eq3A_1900, %broadcast_in_dim3A_1903, %broadcast_in_dim3A_1904 : vector<16xi1>, vector<16xf32>
        %add3A_1906 = arith.constant 2304 : i32
        %add3A_1907 = arith.addi %add3A_1906, %add3A_518 : i32
        %swap3A_1908 = arith.index_cast %add3A_1907 : i32 to index
        %swap3A_1909 = tpu.vector_load %arg24[%swap3A_1908] {strides = array<i32>} : memref<4096xf32, #tpu.memory_space<vmem>>, vector<16xf32>,
        tpu.vector_store %arg24[%swap3A_1908], %select_n3A_1905 {strides = array<i32>} : memref<4096xf32, #tpu.memory_space<vmem>>, vector<16xf32>,
        %eq3A_1910 = arith.constant 11 : i32
        %eq3A_1911 = vector.broadcast %eq3A_1910 : i32 to vector<16xi32>
        %eq3A_1912 = arith.cmpi eq, %select_n3A_1777, %eq3A_1911 : vector<16xi32>
        %jit3A_1913 = arith.constant 1.000000e+00 : f32
        %jit3A_1914 = arith.constant 0.000000e+00 : f32
        %broadcast_in_dim3A_1915 = vector.broadcast %jit3A_1913 : f32 to vector<16xf32>
        %broadcast_in_dim3A_1916 = vector.broadcast %jit3A_1914 : f32 to vector<16xf32>
        %select_n3A_1917 = arith.select %eq3A_1912, %broadcast_in_dim3A_1915, %broadcast_in_dim3A_1916 : vector<16xi1>, vector<16xf32>
        %add3A_1918 = arith.constant 2432 : i32
        %add3A_1919 = arith.addi %add3A_1918, %add3A_518 : i32
        %swap3A_1920 = arith.index_cast %add3A_1919 : i32 to index
        %swap3A_1921 = tpu.vector_load %arg24[%swap3A_1920] {strides = array<i32>} : memref<4096xf32, #tpu.memory_space<vmem>>, vector<16xf32>,
        tpu.vector_store %arg24[%swap3A_1920], %select_n3A_1917 {strides = array<i32>} : memref<4096xf32, #tpu.memory_space<vmem>>, vector<16xf32>,
        %eq3A_1922 = arith.constant 12 : i32
        %eq3A_1923 = vector.broadcast %eq3A_1922 : i32 to vector<16xi32>
        %eq3A_1924 = arith.cmpi eq, %select_n3A_1777, %eq3A_1923 : vector<16xi32>
        %jit3A_1925 = arith.constant 1.000000e+00 : f32
        %jit3A_1926 = arith.constant 0.000000e+00 : f32
        %broadcast_in_dim3A_1927 = vector.broadcast %jit3A_1925 : f32 to vector<16xf32>
        %broadcast_in_dim3A_1928 = vector.broadcast %jit3A_1926 : f32 to vector<16xf32>
        %select_n3A_1929 = arith.select %eq3A_1924, %broadcast_in_dim3A_1927, %broadcast_in_dim3A_1928 : vector<16xi1>, vector<16xf32>
        %add3A_1930 = arith.constant 2560 : i32
        %add3A_1931 = arith.addi %add3A_1930, %add3A_518 : i32
        %swap3A_1932 = arith.index_cast %add3A_1931 : i32 to index
        %swap3A_1933 = tpu.vector_load %arg24[%swap3A_1932] {strides = array<i32>} : memref<4096xf32, #tpu.memory_space<vmem>>, vector<16xf32>,
        tpu.vector_store %arg24[%swap3A_1932], %select_n3A_1929 {strides = array<i32>} : memref<4096xf32, #tpu.memory_space<vmem>>, vector<16xf32>,
        %eq3A_1934 = arith.constant 13 : i32
        %eq3A_1935 = vector.broadcast %eq3A_1934 : i32 to vector<16xi32>
        %eq3A_1936 = arith.cmpi eq, %select_n3A_1777, %eq3A_1935 : vector<16xi32>
        %jit3A_1937 = arith.constant 1.000000e+00 : f32
        %jit3A_1938 = arith.constant 0.000000e+00 : f32
        %broadcast_in_dim3A_1939 = vector.broadcast %jit3A_1937 : f32 to vector<16xf32>
        %broadcast_in_dim3A_1940 = vector.broadcast %jit3A_1938 : f32 to vector<16xf32>
        %select_n3A_1941 = arith.select %eq3A_1936, %broadcast_in_dim3A_1939, %broadcast_in_dim3A_1940 : vector<16xi1>, vector<16xf32>
        %add3A_1942 = arith.constant 2688 : i32
        %add3A_1943 = arith.addi %add3A_1942, %add3A_518 : i32
        %swap3A_1944 = arith.index_cast %add3A_1943 : i32 to index
        %swap3A_1945 = tpu.vector_load %arg24[%swap3A_1944] {strides = array<i32>} : memref<4096xf32, #tpu.memory_space<vmem>>, vector<16xf32>,
        tpu.vector_store %arg24[%swap3A_1944], %select_n3A_1941 {strides = array<i32>} : memref<4096xf32, #tpu.memory_space<vmem>>, vector<16xf32>,
        %eq3A_1946 = arith.constant 14 : i32
        %eq3A_1947 = vector.broadcast %eq3A_1946 : i32 to vector<16xi32>
        %eq3A_1948 = arith.cmpi eq, %select_n3A_1777, %eq3A_1947 : vector<16xi32>
        %jit3A_1949 = arith.constant 1.000000e+00 : f32
        %jit3A_1950 = arith.constant 0.000000e+00 : f32
        %broadcast_in_dim3A_1951 = vector.broadcast %jit3A_1949 : f32 to vector<16xf32>
        %broadcast_in_dim3A_1952 = vector.broadcast %jit3A_1950 : f32 to vector<16xf32>
        %select_n3A_1953 = arith.select %eq3A_1948, %broadcast_in_dim3A_1951, %broadcast_in_dim3A_1952 : vector<16xi1>, vector<16xf32>
        %add3A_1954 = arith.constant 2816 : i32
        %add3A_1955 = arith.addi %add3A_1954, %add3A_518 : i32
        %swap3A_1956 = arith.index_cast %add3A_1955 : i32 to index
        %swap3A_1957 = tpu.vector_load %arg24[%swap3A_1956] {strides = array<i32>} : memref<4096xf32, #tpu.memory_space<vmem>>, vector<16xf32>,
        tpu.vector_store %arg24[%swap3A_1956], %select_n3A_1953 {strides = array<i32>} : memref<4096xf32, #tpu.memory_space<vmem>>, vector<16xf32>,
        %eq3A_1958 = arith.constant 15 : i32
        %eq3A_1959 = vector.broadcast %eq3A_1958 : i32 to vector<16xi32>
        %eq3A_1960 = arith.cmpi eq, %select_n3A_1777, %eq3A_1959 : vector<16xi32>
        %jit3A_1961 = arith.constant 1.000000e+00 : f32
        %jit3A_1962 = arith.constant 0.000000e+00 : f32
        %broadcast_in_dim3A_1963 = vector.broadcast %jit3A_1961 : f32 to vector<16xf32>
        %broadcast_in_dim3A_1964 = vector.broadcast %jit3A_1962 : f32 to vector<16xf32>
        %select_n3A_1965 = arith.select %eq3A_1960, %broadcast_in_dim3A_1963, %broadcast_in_dim3A_1964 : vector<16xi1>, vector<16xf32>
        %add3A_1966 = arith.constant 2944 : i32
        %add3A_1967 = arith.addi %add3A_1966, %add3A_518 : i32
        %swap3A_1968 = arith.index_cast %add3A_1967 : i32 to index
        %swap3A_1969 = tpu.vector_load %arg24[%swap3A_1968] {strides = array<i32>} : memref<4096xf32, #tpu.memory_space<vmem>>, vector<16xf32>,
        tpu.vector_store %arg24[%swap3A_1968], %select_n3A_1965 {strides = array<i32>} : memref<4096xf32, #tpu.memory_space<vmem>>, vector<16xf32>,
        %add3A_1970 = arith.constant 48 : i32
        %add3A_1971 = vector.broadcast %add3A_1970 : i32 to vector<16xi32>
        %add3A_1972 = arith.addi %select_n3A_1777, %add3A_1971 : vector<16xi32>
        %gather3A_1973 = tpu.vector_load_idx %arg20[%add3A_1972] : memref<64xf32, #tpu.memory_space<vmem>>[vector<16xi32>], vector<16xf32>,
        %gather3A_1974 = tpu.vector_load_idx %arg14[%select_n3A_1777, %add3A_478] : memref<16x256xf32, #tpu.memory_space<vmem>>[vector<16xi32>, vector<16xi32>], vector<16xf32>,
        %mul3A_1975 = arith.mulf %gather3A_1973, %gather3A_1974 : vector<16xf32>
        %add3A_1976 = arith.addf %add3A_1588, %mul3A_1975 : vector<16xf32>
        %jit3A_1977 = arith.constant 8 : i32
        %div3A_1978 = arith.divsi %scan3A_473, %jit3A_1977 : i32
        %sign3A_1979 = arith.constant 0 : i32
        %sign3A_1980 = arith.cmpi sgt, %scan3A_473, %sign3A_1979 : i32
        %sign3A_1981 = arith.extui %sign3A_1980 : i1 to i32
        %sign3A_1982 = arith.constant 0 : i32
        %sign3A_1983 = arith.cmpi slt, %scan3A_473, %sign3A_1982 : i32
        %sign3A_1984 = arith.extui %sign3A_1983 : i1 to i32
        %sign3A_1985 = arith.subi %sign3A_1981, %sign3A_1984 : i32
        %sign3A_1986 = arith.constant 0 : i32
        %sign3A_1987 = arith.cmpi sgt, %jit3A_1977, %sign3A_1986 : i32
        %sign3A_1988 = arith.extui %sign3A_1987 : i1 to i32
        %sign3A_1989 = arith.constant 0 : i32
        %sign3A_1990 = arith.cmpi slt, %jit3A_1977, %sign3A_1989 : i32
        %sign3A_1991 = arith.extui %sign3A_1990 : i1 to i32
        %sign3A_1992 = arith.subi %sign3A_1988, %sign3A_1991 : i32
        %ne3A_1993 = arith.cmpi ne, %sign3A_1985, %sign3A_1992 : i32
        %rem3A_1994 = arith.remsi %scan3A_473, %jit3A_1977 : i32
        %ne3A_1995 = arith.constant 0 : i32
        %ne3A_1996 = arith.cmpi ne, %rem3A_1994, %ne3A_1995 : i32
        %and3A_1997 = arith.andi %ne3A_1993, %ne3A_1996 : i1
        %sub3A_1998 = arith.constant 1 : i32
        %sub3A_1999 = arith.subi %div3A_1978, %sub3A_1998 : i32
        %select_n3A_2000 = arith.select %and3A_1997, %sub3A_1999, %div3A_1978 : i32
        %mul3A_2001 = arith.constant 256 : i32
        %mul3A_2002 = arith.muli %select_n3A_2000, %mul3A_2001 : i32
        %add3A_2003 = arith.constant 128 : i32
        %add3A_2004 = arith.addi %mul3A_2002, %add3A_2003 : i32
        %jit3A_2005 = arith.constant 8 : i32
        %eq3A_2006 = arith.constant 0 : i32
        %eq3A_2007 = arith.cmpi eq, %jit3A_2005, %eq3A_2006 : i32
        %jit3A_2008 = arith.constant 1 : i32
        %select_n3A_2009 = arith.select %eq3A_2007, %jit3A_2008, %jit3A_2005 : i32
        %rem3A_2010 = arith.remsi %scan3A_473, %select_n3A_2009 : i32
        %ne3A_2011 = arith.constant 0 : i32
        %ne3A_2012 = arith.cmpi ne, %rem3A_2010, %ne3A_2011 : i32
        %lt3A_2013 = arith.constant 0 : i32
        %lt3A_2014 = arith.cmpi slt, %rem3A_2010, %lt3A_2013 : i32
        %lt3A_2015 = arith.constant 0 : i32
        %lt3A_2016 = arith.cmpi slt, %select_n3A_2009, %lt3A_2015 : i32
        %ne3A_2017 = arith.xori %lt3A_2014, %lt3A_2016 : i1
        %and3A_2018 = arith.andi %ne3A_2017, %ne3A_2012 : i1
        %add3A_2019 = arith.addi %rem3A_2010, %select_n3A_2009 : i32
        %select_n3A_2020 = arith.select %and3A_2018, %add3A_2019, %rem3A_2010 : i32
        %mul3A_2021 = arith.constant 16 : i32
        %mul3A_2022 = arith.muli %select_n3A_2020, %mul3A_2021 : i32
        %add3A_2023 = arith.addi %add3A_2004, %mul3A_2022 : i32
        %swap3A_2024 = arith.index_cast %add3A_2023 : i32 to index
        %swap3A_2025 = tpu.vector_load %arg25[%swap3A_2024] {strides = array<i32>} : memref<512xf32, #tpu.memory_space<vmem>>, vector<16xf32>,
        tpu.vector_store %arg25[%swap3A_2024], %add3A_1976 {strides = array<i32>} : memref<512xf32, #tpu.memory_space<vmem>>, vector<16xf32>,
        %scan3A_2026 = arith.constant 0 : i32
        scf.yield %scan3A_2026 : i32
      }
      %scan3A_263 = arith.constant 16 : i32
      %mul3A_264 = arith.constant 2048 : i32
      %mul3A_265 = arith.muli %add3A_208, %mul3A_264 : i32
      %add3A_266 = arith.constant 0 : i32
      %add3A_267 = arith.addi %add3A_266, %mul3A_265 : i32
      %mul3A_268 = arith.constant 2048 : i32
      %mul3A_269 = arith.muli %add3A_208, %mul3A_268 : i32
      %add3A_270 = arith.constant 262144 : i32
      %add3A_271 = arith.addi %add3A_270, %mul3A_269 : i32
      %mul3A_272 = arith.constant 2048 : i32
      %mul3A_273 = arith.muli %add3A_208, %mul3A_272 : i32
      %add3A_274 = arith.constant 524288 : i32
      %add3A_275 = arith.addi %add3A_274, %mul3A_273 : i32
      %mul3A_276 = arith.constant 2048 : i32
      %mul3A_277 = arith.muli %add3A_208, %mul3A_276 : i32
      %add3A_278 = arith.constant 786432 : i32
      %add3A_279 = arith.addi %add3A_278, %mul3A_277 : i32
      %mul3A_280 = arith.constant 2048 : i32
      %mul3A_281 = arith.muli %add3A_208, %mul3A_280 : i32
      %add3A_282 = arith.constant 1048576 : i32
      %add3A_283 = arith.addi %add3A_282, %mul3A_281 : i32
      %mul3A_284 = arith.constant 2048 : i32
      %mul3A_285 = arith.muli %add3A_208, %mul3A_284 : i32
      %add3A_286 = arith.constant 1310720 : i32
      %add3A_287 = arith.addi %add3A_286, %mul3A_285 : i32
      %mul3A_288 = arith.constant 2048 : i32
      %mul3A_289 = arith.muli %add3A_208, %mul3A_288 : i32
      %add3A_290 = arith.constant 1572864 : i32
      %add3A_291 = arith.addi %add3A_290, %mul3A_289 : i32
      %mul3A_292 = arith.constant 2048 : i32
      %mul3A_293 = arith.muli %add3A_208, %mul3A_292 : i32
      %add3A_294 = arith.constant 1835008 : i32
      %add3A_295 = arith.addi %add3A_294, %mul3A_293 : i32
      %mul3A_296 = arith.constant 512 : i32
      %mul3A_297 = arith.muli %add3A_208, %mul3A_296 : i32
      %dma_start3A_298 = arith.constant 0 : i32
      %dma_start3A_299 = tpu.memref_slice %arg21[%dma_start3A_298] : memref<4096xf32, #tpu.memory_space<vmem>> -> memref<2048xf32, #tpu.memory_space<vmem>>
      %dma_start3A_300 = tpu.memref_slice %arg8[%add3A_267] : memref<2097152xf32, #tpu.memory_space<hbm>> -> memref<2048xf32, #tpu.memory_space<hbm>>
      %dma_start3A_301 = tpu.memref_slice %arg8[%add3A_267] : memref<2097152xf32, #tpu.memory_space<hbm>> -> memref<2048xf32, #tpu.memory_space<hbm>>
      %dma_start3A_302 = arith.constant 0 : i32
      %dma_start3A_303 = tpu.memref_slice %arg21[%dma_start3A_302] : memref<4096xf32, #tpu.memory_space<vmem>> -> memref<2048xf32, #tpu.memory_space<vmem>>
      tpu.enqueue_dma source(%dma_start3A_303 : memref<2048xf32, #tpu.memory_space<vmem>>) target(%dma_start3A_301 : memref<2048xf32, #tpu.memory_space<hbm>>) target_semaphore(%arg33 : memref<!tpu.dma_semaphore, #tpu.memory_space<semaphore_mem>>)
      %dma_start3A_304 = arith.constant 2048 : i32
      %dma_start3A_305 = tpu.memref_slice %arg21[%dma_start3A_304] : memref<4096xf32, #tpu.memory_space<vmem>> -> memref<2048xf32, #tpu.memory_space<vmem>>
      %dma_start3A_306 = tpu.memref_slice %arg8[%add3A_271] : memref<2097152xf32, #tpu.memory_space<hbm>> -> memref<2048xf32, #tpu.memory_space<hbm>>
      %dma_start3A_307 = tpu.memref_slice %arg8[%add3A_271] : memref<2097152xf32, #tpu.memory_space<hbm>> -> memref<2048xf32, #tpu.memory_space<hbm>>
      %dma_start3A_308 = arith.constant 2048 : i32
      %dma_start3A_309 = tpu.memref_slice %arg21[%dma_start3A_308] : memref<4096xf32, #tpu.memory_space<vmem>> -> memref<2048xf32, #tpu.memory_space<vmem>>
      tpu.enqueue_dma source(%dma_start3A_309 : memref<2048xf32, #tpu.memory_space<vmem>>) target(%dma_start3A_307 : memref<2048xf32, #tpu.memory_space<hbm>>) target_semaphore(%arg33 : memref<!tpu.dma_semaphore, #tpu.memory_space<semaphore_mem>>)
      %dma_start3A_310 = arith.constant 0 : i32
      %dma_start3A_311 = tpu.memref_slice %arg22[%dma_start3A_310] : memref<4096xf32, #tpu.memory_space<vmem>> -> memref<2048xf32, #tpu.memory_space<vmem>>
      %dma_start3A_312 = tpu.memref_slice %arg8[%add3A_275] : memref<2097152xf32, #tpu.memory_space<hbm>> -> memref<2048xf32, #tpu.memory_space<hbm>>
      %dma_start3A_313 = tpu.memref_slice %arg8[%add3A_275] : memref<2097152xf32, #tpu.memory_space<hbm>> -> memref<2048xf32, #tpu.memory_space<hbm>>
      %dma_start3A_314 = arith.constant 0 : i32
      %dma_start3A_315 = tpu.memref_slice %arg22[%dma_start3A_314] : memref<4096xf32, #tpu.memory_space<vmem>> -> memref<2048xf32, #tpu.memory_space<vmem>>
      tpu.enqueue_dma source(%dma_start3A_315 : memref<2048xf32, #tpu.memory_space<vmem>>) target(%dma_start3A_313 : memref<2048xf32, #tpu.memory_space<hbm>>) target_semaphore(%arg33 : memref<!tpu.dma_semaphore, #tpu.memory_space<semaphore_mem>>)
      %dma_start3A_316 = arith.constant 2048 : i32
      %dma_start3A_317 = tpu.memref_slice %arg22[%dma_start3A_316] : memref<4096xf32, #tpu.memory_space<vmem>> -> memref<2048xf32, #tpu.memory_space<vmem>>
      %dma_start3A_318 = tpu.memref_slice %arg8[%add3A_279] : memref<2097152xf32, #tpu.memory_space<hbm>> -> memref<2048xf32, #tpu.memory_space<hbm>>
      %dma_start3A_319 = tpu.memref_slice %arg8[%add3A_279] : memref<2097152xf32, #tpu.memory_space<hbm>> -> memref<2048xf32, #tpu.memory_space<hbm>>
      %dma_start3A_320 = arith.constant 2048 : i32
      %dma_start3A_321 = tpu.memref_slice %arg22[%dma_start3A_320] : memref<4096xf32, #tpu.memory_space<vmem>> -> memref<2048xf32, #tpu.memory_space<vmem>>
      tpu.enqueue_dma source(%dma_start3A_321 : memref<2048xf32, #tpu.memory_space<vmem>>) target(%dma_start3A_319 : memref<2048xf32, #tpu.memory_space<hbm>>) target_semaphore(%arg33 : memref<!tpu.dma_semaphore, #tpu.memory_space<semaphore_mem>>)
      %dma_start3A_322 = arith.constant 0 : i32
      %dma_start3A_323 = tpu.memref_slice %arg23[%dma_start3A_322] : memref<4096xf32, #tpu.memory_space<vmem>> -> memref<2048xf32, #tpu.memory_space<vmem>>
      %dma_start3A_324 = tpu.memref_slice %arg8[%add3A_283] : memref<2097152xf32, #tpu.memory_space<hbm>> -> memref<2048xf32, #tpu.memory_space<hbm>>
      %dma_start3A_325 = tpu.memref_slice %arg8[%add3A_283] : memref<2097152xf32, #tpu.memory_space<hbm>> -> memref<2048xf32, #tpu.memory_space<hbm>>
      %dma_start3A_326 = arith.constant 0 : i32
      %dma_start3A_327 = tpu.memref_slice %arg23[%dma_start3A_326] : memref<4096xf32, #tpu.memory_space<vmem>> -> memref<2048xf32, #tpu.memory_space<vmem>>
      tpu.enqueue_dma source(%dma_start3A_327 : memref<2048xf32, #tpu.memory_space<vmem>>) target(%dma_start3A_325 : memref<2048xf32, #tpu.memory_space<hbm>>) target_semaphore(%arg33 : memref<!tpu.dma_semaphore, #tpu.memory_space<semaphore_mem>>)
      %dma_start3A_328 = arith.constant 2048 : i32
      %dma_start3A_329 = tpu.memref_slice %arg23[%dma_start3A_328] : memref<4096xf32, #tpu.memory_space<vmem>> -> memref<2048xf32, #tpu.memory_space<vmem>>
      %dma_start3A_330 = tpu.memref_slice %arg8[%add3A_287] : memref<2097152xf32, #tpu.memory_space<hbm>> -> memref<2048xf32, #tpu.memory_space<hbm>>
      %dma_start3A_331 = tpu.memref_slice %arg8[%add3A_287] : memref<2097152xf32, #tpu.memory_space<hbm>> -> memref<2048xf32, #tpu.memory_space<hbm>>
      %dma_start3A_332 = arith.constant 2048 : i32
      %dma_start3A_333 = tpu.memref_slice %arg23[%dma_start3A_332] : memref<4096xf32, #tpu.memory_space<vmem>> -> memref<2048xf32, #tpu.memory_space<vmem>>
      tpu.enqueue_dma source(%dma_start3A_333 : memref<2048xf32, #tpu.memory_space<vmem>>) target(%dma_start3A_331 : memref<2048xf32, #tpu.memory_space<hbm>>) target_semaphore(%arg33 : memref<!tpu.dma_semaphore, #tpu.memory_space<semaphore_mem>>)
      %dma_start3A_334 = arith.constant 0 : i32
      %dma_start3A_335 = tpu.memref_slice %arg24[%dma_start3A_334] : memref<4096xf32, #tpu.memory_space<vmem>> -> memref<2048xf32, #tpu.memory_space<vmem>>
      %dma_start3A_336 = tpu.memref_slice %arg8[%add3A_291] : memref<2097152xf32, #tpu.memory_space<hbm>> -> memref<2048xf32, #tpu.memory_space<hbm>>
      %dma_start3A_337 = tpu.memref_slice %arg8[%add3A_291] : memref<2097152xf32, #tpu.memory_space<hbm>> -> memref<2048xf32, #tpu.memory_space<hbm>>
      %dma_start3A_338 = arith.constant 0 : i32
      %dma_start3A_339 = tpu.memref_slice %arg24[%dma_start3A_338] : memref<4096xf32, #tpu.memory_space<vmem>> -> memref<2048xf32, #tpu.memory_space<vmem>>
      tpu.enqueue_dma source(%dma_start3A_339 : memref<2048xf32, #tpu.memory_space<vmem>>) target(%dma_start3A_337 : memref<2048xf32, #tpu.memory_space<hbm>>) target_semaphore(%arg33 : memref<!tpu.dma_semaphore, #tpu.memory_space<semaphore_mem>>)
      %dma_start3A_340 = arith.constant 2048 : i32
      %dma_start3A_341 = tpu.memref_slice %arg24[%dma_start3A_340] : memref<4096xf32, #tpu.memory_space<vmem>> -> memref<2048xf32, #tpu.memory_space<vmem>>
      %dma_start3A_342 = tpu.memref_slice %arg8[%add3A_295] : memref<2097152xf32, #tpu.memory_space<hbm>> -> memref<2048xf32, #tpu.memory_space<hbm>>
      %dma_start3A_343 = tpu.memref_slice %arg8[%add3A_295] : memref<2097152xf32, #tpu.memory_space<hbm>> -> memref<2048xf32, #tpu.memory_space<hbm>>
      %dma_start3A_344 = arith.constant 2048 : i32
      %dma_start3A_345 = tpu.memref_slice %arg24[%dma_start3A_344] : memref<4096xf32, #tpu.memory_space<vmem>> -> memref<2048xf32, #tpu.memory_space<vmem>>
      tpu.enqueue_dma source(%dma_start3A_345 : memref<2048xf32, #tpu.memory_space<vmem>>) target(%dma_start3A_343 : memref<2048xf32, #tpu.memory_space<hbm>>) target_semaphore(%arg33 : memref<!tpu.dma_semaphore, #tpu.memory_space<semaphore_mem>>)
      %dma_start3A_346 = tpu.memref_slice %arg9[%mul3A_297] : memref<65536xf32, #tpu.memory_space<hbm>> -> memref<512xf32, #tpu.memory_space<hbm>>
      %dma_start3A_347 = tpu.memref_slice %arg9[%mul3A_297] : memref<65536xf32, #tpu.memory_space<hbm>> -> memref<512xf32, #tpu.memory_space<hbm>>
      tpu.enqueue_dma source(%arg25 : memref<512xf32, #tpu.memory_space<vmem>>) target(%dma_start3A_347 : memref<512xf32, #tpu.memory_space<hbm>>) target_semaphore(%arg33 : memref<!tpu.dma_semaphore, #tpu.memory_space<semaphore_mem>>)
      %add3A_348 = arith.constant 1 : i32
      %add3A_349 = arith.addi %scan3A_204, %add3A_348 : i32
      %lt3A = arith.constant 2 : i32
      %lt3A_350 = arith.cmpi slt, %add3A_349, %lt3A : i32
      %convert_element_type3A_351 = arith.extui %lt3A_350 : i1 to i32
      %cond3A_352 = arith.constant 0 : i32
      %cond3A_353 = arith.cmpi ne, %convert_element_type3A_351, %cond3A_352 : i32
      scf.if %cond3A_353 {
        %add3A_473 = arith.constant 2 : i32
        %add3A_474 = arith.addi %add3A_208, %add3A_473 : i32
        %mul3A_475 = arith.constant 256 : i32
        %mul3A_476 = arith.muli %add3A_474, %mul3A_475 : i32
        %mul3A_477 = arith.constant 16 : i32
        %mul3A_478 = arith.muli %mul3A_476, %mul3A_477 : i32
        %mul3A_479 = arith.constant 16 : i32
        %mul3A_480 = arith.muli %mul3A_476, %mul3A_479 : i32
        %mul3A_481 = arith.constant 16 : i32
        %mul3A_482 = arith.muli %mul3A_476, %mul3A_481 : i32
        %mul3A_483 = arith.constant 16 : i32
        %mul3A_484 = arith.muli %mul3A_476, %mul3A_483 : i32
        %dma_start3A_485 = tpu.memref_slice %arg2[%mul3A_478] : memref<524288xf32, #tpu.memory_space<hbm>> -> memref<4096xf32, #tpu.memory_space<hbm>>
        %dma_start3A_486 = tpu.memref_slice %arg2[%mul3A_478] : memref<524288xf32, #tpu.memory_space<hbm>> -> memref<4096xf32, #tpu.memory_space<hbm>>
        tpu.enqueue_dma source(%dma_start3A_486 : memref<4096xf32, #tpu.memory_space<hbm>>) target(%arg10 : memref<4096xf32, #tpu.memory_space<vmem>>) target_semaphore(%arg31 : memref<!tpu.dma_semaphore, #tpu.memory_space<semaphore_mem>>)
        %dma_start3A_487 = tpu.memref_slice %arg3[%mul3A_480] : memref<524288xf32, #tpu.memory_space<hbm>> -> memref<4096xf32, #tpu.memory_space<hbm>>
        %dma_start3A_488 = tpu.memref_slice %arg3[%mul3A_480] : memref<524288xf32, #tpu.memory_space<hbm>> -> memref<4096xf32, #tpu.memory_space<hbm>>
        tpu.enqueue_dma source(%dma_start3A_488 : memref<4096xf32, #tpu.memory_space<hbm>>) target(%arg11 : memref<4096xf32, #tpu.memory_space<vmem>>) target_semaphore(%arg31 : memref<!tpu.dma_semaphore, #tpu.memory_space<semaphore_mem>>)
        %dma_start3A_489 = tpu.memref_slice %arg4[%mul3A_482] : memref<524288xf32, #tpu.memory_space<hbm>> -> memref<4096xf32, #tpu.memory_space<hbm>>
        %dma_start3A_490 = tpu.memref_slice %arg4[%mul3A_482] : memref<524288xf32, #tpu.memory_space<hbm>> -> memref<4096xf32, #tpu.memory_space<hbm>>
        tpu.enqueue_dma source(%dma_start3A_490 : memref<4096xf32, #tpu.memory_space<hbm>>) target(%arg12 : memref<4096xf32, #tpu.memory_space<vmem>>) target_semaphore(%arg31 : memref<!tpu.dma_semaphore, #tpu.memory_space<semaphore_mem>>)
        %dma_start3A_491 = tpu.memref_slice %arg5[%mul3A_484] : memref<524288xf32, #tpu.memory_space<hbm>> -> memref<4096xf32, #tpu.memory_space<hbm>>
        %dma_start3A_492 = tpu.memref_slice %arg5[%mul3A_484] : memref<524288xf32, #tpu.memory_space<hbm>> -> memref<4096xf32, #tpu.memory_space<hbm>>
        tpu.enqueue_dma source(%dma_start3A_492 : memref<4096xf32, #tpu.memory_space<hbm>>) target(%arg13 : memref<4096xf32, #tpu.memory_space<vmem>>) target_semaphore(%arg31 : memref<!tpu.dma_semaphore, #tpu.memory_space<semaphore_mem>>)
        %dma_start3A_493 = arith.constant 0 : i32
        %dma_start3A_494 = tpu.memref_slice %arg6[%dma_start3A_493, %mul3A_476] : memref<16x32768xf32, #tpu.memory_space<hbm>> -> memref<16x256xf32, #tpu.memory_space<hbm>>
        %dma_start3A_495 = arith.constant 0 : i32
        %dma_start3A_496 = tpu.memref_slice %arg6[%dma_start3A_495, %mul3A_476] : memref<16x32768xf32, #tpu.memory_space<hbm>> -> memref<16x256xf32, #tpu.memory_space<hbm>>
        tpu.enqueue_dma source(%dma_start3A_496 : memref<16x256xf32, #tpu.memory_space<hbm>>) target(%arg14 : memref<16x256xf32, #tpu.memory_space<vmem>>) target_semaphore(%arg31 : memref<!tpu.dma_semaphore, #tpu.memory_space<semaphore_mem>>)
      } else {
      }
      %mul3A_354 = arith.constant 256 : i32
      %mul3A_355 = arith.muli %add3A_210, %mul3A_354 : i32
      %mul3A_356 = arith.constant 16 : i32
      %mul3A_357 = arith.muli %mul3A_355, %mul3A_356 : i32
      %mul3A_358 = arith.constant 16 : i32
      %mul3A_359 = arith.muli %mul3A_355, %mul3A_358 : i32
      %mul3A_360 = arith.constant 16 : i32
      %mul3A_361 = arith.muli %mul3A_355, %mul3A_360 : i32
      %mul3A_362 = arith.constant 16 : i32
      %mul3A_363 = arith.muli %mul3A_355, %mul3A_362 : i32
      %dma_wait3A_364 = tpu.memref_slice %arg2[%mul3A_357] : memref<524288xf32, #tpu.memory_space<hbm>> -> memref<4096xf32, #tpu.memory_space<hbm>>
      %dma_wait3A_365 = tpu.memref_slice %arg2[%mul3A_357] : memref<524288xf32, #tpu.memory_space<hbm>> -> memref<4096xf32, #tpu.memory_space<hbm>>
      tpu.wait_dma2 semaphore(%arg32 : memref<!tpu.dma_semaphore, #tpu.memory_space<semaphore_mem>>) src(%dma_wait3A_365 : memref<4096xf32, #tpu.memory_space<hbm>>) dst(%arg15 : memref<4096xf32, #tpu.memory_space<vmem>>)
      %dma_wait3A_366 = tpu.memref_slice %arg3[%mul3A_359] : memref<524288xf32, #tpu.memory_space<hbm>> -> memref<4096xf32, #tpu.memory_space<hbm>>
      %dma_wait3A_367 = tpu.memref_slice %arg3[%mul3A_359] : memref<524288xf32, #tpu.memory_space<hbm>> -> memref<4096xf32, #tpu.memory_space<hbm>>
      tpu.wait_dma2 semaphore(%arg32 : memref<!tpu.dma_semaphore, #tpu.memory_space<semaphore_mem>>) src(%dma_wait3A_367 : memref<4096xf32, #tpu.memory_space<hbm>>) dst(%arg16 : memref<4096xf32, #tpu.memory_space<vmem>>)
      %dma_wait3A_368 = tpu.memref_slice %arg4[%mul3A_361] : memref<524288xf32, #tpu.memory_space<hbm>> -> memref<4096xf32, #tpu.memory_space<hbm>>
      %dma_wait3A_369 = tpu.memref_slice %arg4[%mul3A_361] : memref<524288xf32, #tpu.memory_space<hbm>> -> memref<4096xf32, #tpu.memory_space<hbm>>
      tpu.wait_dma2 semaphore(%arg32 : memref<!tpu.dma_semaphore, #tpu.memory_space<semaphore_mem>>) src(%dma_wait3A_369 : memref<4096xf32, #tpu.memory_space<hbm>>) dst(%arg17 : memref<4096xf32, #tpu.memory_space<vmem>>)
      %dma_wait3A_370 = tpu.memref_slice %arg5[%mul3A_363] : memref<524288xf32, #tpu.memory_space<hbm>> -> memref<4096xf32, #tpu.memory_space<hbm>>
      %dma_wait3A_371 = tpu.memref_slice %arg5[%mul3A_363] : memref<524288xf32, #tpu.memory_space<hbm>> -> memref<4096xf32, #tpu.memory_space<hbm>>
      tpu.wait_dma2 semaphore(%arg32 : memref<!tpu.dma_semaphore, #tpu.memory_space<semaphore_mem>>) src(%dma_wait3A_371 : memref<4096xf32, #tpu.memory_space<hbm>>) dst(%arg18 : memref<4096xf32, #tpu.memory_space<vmem>>)
      %dma_wait3A_372 = arith.constant 0 : i32
      %dma_wait3A_373 = tpu.memref_slice %arg6[%dma_wait3A_372, %mul3A_355] : memref<16x32768xf32, #tpu.memory_space<hbm>> -> memref<16x256xf32, #tpu.memory_space<hbm>>
      %dma_wait3A_374 = arith.constant 0 : i32
      %dma_wait3A_375 = tpu.memref_slice %arg6[%dma_wait3A_374, %mul3A_355] : memref<16x32768xf32, #tpu.memory_space<hbm>> -> memref<16x256xf32, #tpu.memory_space<hbm>>
      tpu.wait_dma2 semaphore(%arg32 : memref<!tpu.dma_semaphore, #tpu.memory_space<semaphore_mem>>) src(%dma_wait3A_375 : memref<16x256xf32, #tpu.memory_space<hbm>>) dst(%arg19 : memref<16x256xf32, #tpu.memory_space<vmem>>)
      %gt3A_376 = arith.constant 0 : i32
      %gt3A_377 = arith.cmpi sgt, %scan3A_204, %gt3A_376 : i32
      %convert_element_type3A_378 = arith.extui %gt3A_377 : i1 to i32
      %cond3A_379 = arith.constant 0 : i32
      %cond3A_380 = arith.cmpi ne, %convert_element_type3A_378, %cond3A_379 : i32
      scf.if %cond3A_380 {
        %mul3A_473 = arith.constant 2048 : i32
        %mul3A_474 = arith.muli %add3A_210, %mul3A_473 : i32
        %add3A_475 = arith.constant 0 : i32
        %add3A_476 = arith.addi %add3A_475, %mul3A_474 : i32
        %mul3A_477 = arith.constant 2048 : i32
        %mul3A_478 = arith.muli %add3A_210, %mul3A_477 : i32
        %add3A_479 = arith.constant 262144 : i32
        %add3A_480 = arith.addi %add3A_479, %mul3A_478 : i32
        %mul3A_481 = arith.constant 2048 : i32
        %mul3A_482 = arith.muli %add3A_210, %mul3A_481 : i32
        %add3A_483 = arith.constant 524288 : i32
        %add3A_484 = arith.addi %add3A_483, %mul3A_482 : i32
        %mul3A_485 = arith.constant 2048 : i32
        %mul3A_486 = arith.muli %add3A_210, %mul3A_485 : i32
        %add3A_487 = arith.constant 786432 : i32
        %add3A_488 = arith.addi %add3A_487, %mul3A_486 : i32
        %mul3A_489 = arith.constant 2048 : i32
        %mul3A_490 = arith.muli %add3A_210, %mul3A_489 : i32
        %add3A_491 = arith.constant 1048576 : i32
        %add3A_492 = arith.addi %add3A_491, %mul3A_490 : i32
        %mul3A_493 = arith.constant 2048 : i32
        %mul3A_494 = arith.muli %add3A_210, %mul3A_493 : i32
        %add3A_495 = arith.constant 1310720 : i32
        %add3A_496 = arith.addi %add3A_495, %mul3A_494 : i32
        %mul3A_497 = arith.constant 2048 : i32
        %mul3A_498 = arith.muli %add3A_210, %mul3A_497 : i32
        %add3A_499 = arith.constant 1572864 : i32
        %add3A_500 = arith.addi %add3A_499, %mul3A_498 : i32
        %mul3A_501 = arith.constant 2048 : i32
        %mul3A_502 = arith.muli %add3A_210, %mul3A_501 : i32
        %add3A_503 = arith.constant 1835008 : i32
        %add3A_504 = arith.addi %add3A_503, %mul3A_502 : i32
        %mul3A_505 = arith.constant 512 : i32
        %mul3A_506 = arith.muli %add3A_210, %mul3A_505 : i32
        %dma_wait3A_507 = arith.constant 0 : i32
        %dma_wait3A_508 = tpu.memref_slice %arg26[%dma_wait3A_507] : memref<4096xf32, #tpu.memory_space<vmem>> -> memref<2048xf32, #tpu.memory_space<vmem>>
        %dma_wait3A_509 = tpu.memref_slice %arg8[%add3A_476] : memref<2097152xf32, #tpu.memory_space<hbm>> -> memref<2048xf32, #tpu.memory_space<hbm>>
        %dma_wait3A_510 = tpu.memref_slice %arg8[%add3A_476] : memref<2097152xf32, #tpu.memory_space<hbm>> -> memref<2048xf32, #tpu.memory_space<hbm>>
        %dma_wait3A_511 = arith.constant 0 : i32
        %dma_wait3A_512 = tpu.memref_slice %arg26[%dma_wait3A_511] : memref<4096xf32, #tpu.memory_space<vmem>> -> memref<2048xf32, #tpu.memory_space<vmem>>
        tpu.wait_dma2 semaphore(%arg34 : memref<!tpu.dma_semaphore, #tpu.memory_space<semaphore_mem>>) src(%dma_wait3A_512 : memref<2048xf32, #tpu.memory_space<vmem>>) dst(%dma_wait3A_510 : memref<2048xf32, #tpu.memory_space<hbm>>)
        %dma_wait3A_513 = arith.constant 2048 : i32
        %dma_wait3A_514 = tpu.memref_slice %arg26[%dma_wait3A_513] : memref<4096xf32, #tpu.memory_space<vmem>> -> memref<2048xf32, #tpu.memory_space<vmem>>
        %dma_wait3A_515 = tpu.memref_slice %arg8[%add3A_480] : memref<2097152xf32, #tpu.memory_space<hbm>> -> memref<2048xf32, #tpu.memory_space<hbm>>
        %dma_wait3A_516 = tpu.memref_slice %arg8[%add3A_480] : memref<2097152xf32, #tpu.memory_space<hbm>> -> memref<2048xf32, #tpu.memory_space<hbm>>
        %dma_wait3A_517 = arith.constant 2048 : i32
        %dma_wait3A_518 = tpu.memref_slice %arg26[%dma_wait3A_517] : memref<4096xf32, #tpu.memory_space<vmem>> -> memref<2048xf32, #tpu.memory_space<vmem>>
        tpu.wait_dma2 semaphore(%arg34 : memref<!tpu.dma_semaphore, #tpu.memory_space<semaphore_mem>>) src(%dma_wait3A_518 : memref<2048xf32, #tpu.memory_space<vmem>>) dst(%dma_wait3A_516 : memref<2048xf32, #tpu.memory_space<hbm>>)
        %dma_wait3A_519 = arith.constant 0 : i32
        %dma_wait3A_520 = tpu.memref_slice %arg27[%dma_wait3A_519] : memref<4096xf32, #tpu.memory_space<vmem>> -> memref<2048xf32, #tpu.memory_space<vmem>>
        %dma_wait3A_521 = tpu.memref_slice %arg8[%add3A_484] : memref<2097152xf32, #tpu.memory_space<hbm>> -> memref<2048xf32, #tpu.memory_space<hbm>>
        %dma_wait3A_522 = tpu.memref_slice %arg8[%add3A_484] : memref<2097152xf32, #tpu.memory_space<hbm>> -> memref<2048xf32, #tpu.memory_space<hbm>>
        %dma_wait3A_523 = arith.constant 0 : i32
        %dma_wait3A_524 = tpu.memref_slice %arg27[%dma_wait3A_523] : memref<4096xf32, #tpu.memory_space<vmem>> -> memref<2048xf32, #tpu.memory_space<vmem>>
        tpu.wait_dma2 semaphore(%arg34 : memref<!tpu.dma_semaphore, #tpu.memory_space<semaphore_mem>>) src(%dma_wait3A_524 : memref<2048xf32, #tpu.memory_space<vmem>>) dst(%dma_wait3A_522 : memref<2048xf32, #tpu.memory_space<hbm>>)
        %dma_wait3A_525 = arith.constant 2048 : i32
        %dma_wait3A_526 = tpu.memref_slice %arg27[%dma_wait3A_525] : memref<4096xf32, #tpu.memory_space<vmem>> -> memref<2048xf32, #tpu.memory_space<vmem>>
        %dma_wait3A_527 = tpu.memref_slice %arg8[%add3A_488] : memref<2097152xf32, #tpu.memory_space<hbm>> -> memref<2048xf32, #tpu.memory_space<hbm>>
        %dma_wait3A_528 = tpu.memref_slice %arg8[%add3A_488] : memref<2097152xf32, #tpu.memory_space<hbm>> -> memref<2048xf32, #tpu.memory_space<hbm>>
        %dma_wait3A_529 = arith.constant 2048 : i32
        %dma_wait3A_530 = tpu.memref_slice %arg27[%dma_wait3A_529] : memref<4096xf32, #tpu.memory_space<vmem>> -> memref<2048xf32, #tpu.memory_space<vmem>>
        tpu.wait_dma2 semaphore(%arg34 : memref<!tpu.dma_semaphore, #tpu.memory_space<semaphore_mem>>) src(%dma_wait3A_530 : memref<2048xf32, #tpu.memory_space<vmem>>) dst(%dma_wait3A_528 : memref<2048xf32, #tpu.memory_space<hbm>>)
        %dma_wait3A_531 = arith.constant 0 : i32
        %dma_wait3A_532 = tpu.memref_slice %arg28[%dma_wait3A_531] : memref<4096xf32, #tpu.memory_space<vmem>> -> memref<2048xf32, #tpu.memory_space<vmem>>
        %dma_wait3A_533 = tpu.memref_slice %arg8[%add3A_492] : memref<2097152xf32, #tpu.memory_space<hbm>> -> memref<2048xf32, #tpu.memory_space<hbm>>
        %dma_wait3A_534 = tpu.memref_slice %arg8[%add3A_492] : memref<2097152xf32, #tpu.memory_space<hbm>> -> memref<2048xf32, #tpu.memory_space<hbm>>
        %dma_wait3A_535 = arith.constant 0 : i32
        %dma_wait3A_536 = tpu.memref_slice %arg28[%dma_wait3A_535] : memref<4096xf32, #tpu.memory_space<vmem>> -> memref<2048xf32, #tpu.memory_space<vmem>>
        tpu.wait_dma2 semaphore(%arg34 : memref<!tpu.dma_semaphore, #tpu.memory_space<semaphore_mem>>) src(%dma_wait3A_536 : memref<2048xf32, #tpu.memory_space<vmem>>) dst(%dma_wait3A_534 : memref<2048xf32, #tpu.memory_space<hbm>>)
        %dma_wait3A_537 = arith.constant 2048 : i32
        %dma_wait3A_538 = tpu.memref_slice %arg28[%dma_wait3A_537] : memref<4096xf32, #tpu.memory_space<vmem>> -> memref<2048xf32, #tpu.memory_space<vmem>>
        %dma_wait3A_539 = tpu.memref_slice %arg8[%add3A_496] : memref<2097152xf32, #tpu.memory_space<hbm>> -> memref<2048xf32, #tpu.memory_space<hbm>>
        %dma_wait3A_540 = tpu.memref_slice %arg8[%add3A_496] : memref<2097152xf32, #tpu.memory_space<hbm>> -> memref<2048xf32, #tpu.memory_space<hbm>>
        %dma_wait3A_541 = arith.constant 2048 : i32
        %dma_wait3A_542 = tpu.memref_slice %arg28[%dma_wait3A_541] : memref<4096xf32, #tpu.memory_space<vmem>> -> memref<2048xf32, #tpu.memory_space<vmem>>
        tpu.wait_dma2 semaphore(%arg34 : memref<!tpu.dma_semaphore, #tpu.memory_space<semaphore_mem>>) src(%dma_wait3A_542 : memref<2048xf32, #tpu.memory_space<vmem>>) dst(%dma_wait3A_540 : memref<2048xf32, #tpu.memory_space<hbm>>)
        %dma_wait3A_543 = arith.constant 0 : i32
        %dma_wait3A_544 = tpu.memref_slice %arg29[%dma_wait3A_543] : memref<4096xf32, #tpu.memory_space<vmem>> -> memref<2048xf32, #tpu.memory_space<vmem>>
        %dma_wait3A_545 = tpu.memref_slice %arg8[%add3A_500] : memref<2097152xf32, #tpu.memory_space<hbm>> -> memref<2048xf32, #tpu.memory_space<hbm>>
        %dma_wait3A_546 = tpu.memref_slice %arg8[%add3A_500] : memref<2097152xf32, #tpu.memory_space<hbm>> -> memref<2048xf32, #tpu.memory_space<hbm>>
        %dma_wait3A_547 = arith.constant 0 : i32
        %dma_wait3A_548 = tpu.memref_slice %arg29[%dma_wait3A_547] : memref<4096xf32, #tpu.memory_space<vmem>> -> memref<2048xf32, #tpu.memory_space<vmem>>
        tpu.wait_dma2 semaphore(%arg34 : memref<!tpu.dma_semaphore, #tpu.memory_space<semaphore_mem>>) src(%dma_wait3A_548 : memref<2048xf32, #tpu.memory_space<vmem>>) dst(%dma_wait3A_546 : memref<2048xf32, #tpu.memory_space<hbm>>)
        %dma_wait3A_549 = arith.constant 2048 : i32
        %dma_wait3A_550 = tpu.memref_slice %arg29[%dma_wait3A_549] : memref<4096xf32, #tpu.memory_space<vmem>> -> memref<2048xf32, #tpu.memory_space<vmem>>
        %dma_wait3A_551 = tpu.memref_slice %arg8[%add3A_504] : memref<2097152xf32, #tpu.memory_space<hbm>> -> memref<2048xf32, #tpu.memory_space<hbm>>
        %dma_wait3A_552 = tpu.memref_slice %arg8[%add3A_504] : memref<2097152xf32, #tpu.memory_space<hbm>> -> memref<2048xf32, #tpu.memory_space<hbm>>
        %dma_wait3A_553 = arith.constant 2048 : i32
        %dma_wait3A_554 = tpu.memref_slice %arg29[%dma_wait3A_553] : memref<4096xf32, #tpu.memory_space<vmem>> -> memref<2048xf32, #tpu.memory_space<vmem>>
        tpu.wait_dma2 semaphore(%arg34 : memref<!tpu.dma_semaphore, #tpu.memory_space<semaphore_mem>>) src(%dma_wait3A_554 : memref<2048xf32, #tpu.memory_space<vmem>>) dst(%dma_wait3A_552 : memref<2048xf32, #tpu.memory_space<hbm>>)
        %dma_wait3A_555 = tpu.memref_slice %arg9[%mul3A_506] : memref<65536xf32, #tpu.memory_space<hbm>> -> memref<512xf32, #tpu.memory_space<hbm>>
        %dma_wait3A_556 = tpu.memref_slice %arg9[%mul3A_506] : memref<65536xf32, #tpu.memory_space<hbm>> -> memref<512xf32, #tpu.memory_space<hbm>>
        tpu.wait_dma2 semaphore(%arg34 : memref<!tpu.dma_semaphore, #tpu.memory_space<semaphore_mem>>) src(%arg30 : memref<512xf32, #tpu.memory_space<vmem>>) dst(%dma_wait3A_556 : memref<512xf32, #tpu.memory_space<hbm>>)
      } else {
      }
      %scan3A_381 = arith.constant 0 : i32
      %scan3A_382 = arith.constant 0 : i32
      %scan3A_383 = arith.constant 16 : i32
      %scan3A_384 = arith.addi %scan3A_382, %scan3A_383 : i32
      %scan3A_385 = arith.constant 1 : i32
      %scan3A_386 = scf.for %scan3A_473 = %scan3A_382 to %scan3A_384 step %scan3A_385 iter_args(%scan3A_474 = %scan3A_381) -> (i32)  : i32 {
        %mul3A_475 = arith.constant 16 : i32
        %mul3A_476 = arith.muli %scan3A_473, %mul3A_475 : i32
        %add3A_477 = vector.broadcast %mul3A_476 : i32 to vector<16xi32>
        %add3A_478 = arith.addi %add3A_477, %iota3A : vector<16xi32>
        %mul3A_479 = arith.constant 16 : i32
        %mul3A_480 = vector.broadcast %mul3A_479 : i32 to vector<16xi32>
        %mul3A_481 = arith.muli %add3A_478, %mul3A_480 : vector<16xi32>
        %jit3A = arith.constant 8 : i32
        %div3A = arith.divsi %scan3A_473, %jit3A : i32
        %sign3A = arith.constant 0 : i32
        %sign3A_482 = arith.cmpi sgt, %scan3A_473, %sign3A : i32
        %sign3A_483 = arith.extui %sign3A_482 : i1 to i32
        %sign3A_484 = arith.constant 0 : i32
        %sign3A_485 = arith.cmpi slt, %scan3A_473, %sign3A_484 : i32
        %sign3A_486 = arith.extui %sign3A_485 : i1 to i32
        %sign3A_487 = arith.subi %sign3A_483, %sign3A_486 : i32
        %sign3A_488 = arith.constant 0 : i32
        %sign3A_489 = arith.cmpi sgt, %jit3A, %sign3A_488 : i32
        %sign3A_490 = arith.extui %sign3A_489 : i1 to i32
        %sign3A_491 = arith.constant 0 : i32
        %sign3A_492 = arith.cmpi slt, %jit3A, %sign3A_491 : i32
        %sign3A_493 = arith.extui %sign3A_492 : i1 to i32
        %sign3A_494 = arith.subi %sign3A_490, %sign3A_493 : i32
        %ne3A = arith.cmpi ne, %sign3A_487, %sign3A_494 : i32
        %rem3A = arith.remsi %scan3A_473, %jit3A : i32
        %ne3A_495 = arith.constant 0 : i32
        %ne3A_496 = arith.cmpi ne, %rem3A, %ne3A_495 : i32
        %and3A = arith.andi %ne3A, %ne3A_496 : i1
        %sub3A_497 = arith.constant 1 : i32
        %sub3A_498 = arith.subi %div3A, %sub3A_497 : i32
        %select_n3A = arith.select %and3A, %sub3A_498, %div3A : i32
        %mul3A_499 = arith.constant 1024 : i32
        %mul3A_500 = arith.muli %select_n3A, %mul3A_499 : i32
        %jit3A_501 = arith.constant 8 : i32
        %eq3A = arith.constant 0 : i32
        %eq3A_502 = arith.cmpi eq, %jit3A_501, %eq3A : i32
        %jit3A_503 = arith.constant 1 : i32
        %select_n3A_504 = arith.select %eq3A_502, %jit3A_503, %jit3A_501 : i32
        %rem3A_505 = arith.remsi %scan3A_473, %select_n3A_504 : i32
        %ne3A_506 = arith.constant 0 : i32
        %ne3A_507 = arith.cmpi ne, %rem3A_505, %ne3A_506 : i32
        %lt3A_508 = arith.constant 0 : i32
        %lt3A_509 = arith.cmpi slt, %rem3A_505, %lt3A_508 : i32
        %lt3A_510 = arith.constant 0 : i32
        %lt3A_511 = arith.cmpi slt, %select_n3A_504, %lt3A_510 : i32
        %ne3A_512 = arith.xori %lt3A_509, %lt3A_511 : i1
        %and3A_513 = arith.andi %ne3A_512, %ne3A_507 : i1
        %add3A_514 = arith.addi %rem3A_505, %select_n3A_504 : i32
        %select_n3A_515 = arith.select %and3A_513, %add3A_514, %rem3A_505 : i32
        %mul3A_516 = arith.constant 16 : i32
        %mul3A_517 = arith.muli %select_n3A_515, %mul3A_516 : i32
        %add3A_518 = arith.addi %mul3A_500, %mul3A_517 : i32
        %add3A_519 = arith.constant 0 : i32
        %add3A_520 = vector.broadcast %add3A_519 : i32 to vector<16xi32>
        %add3A_521 = arith.addi %mul3A_481, %add3A_520 : vector<16xi32>
        %add3A_522 = arith.constant 1 : i32
        %add3A_523 = vector.broadcast %add3A_522 : i32 to vector<16xi32>
        %add3A_524 = arith.addi %mul3A_481, %add3A_523 : vector<16xi32>
        %add3A_525 = arith.constant 2 : i32
        %add3A_526 = vector.broadcast %add3A_525 : i32 to vector<16xi32>
        %add3A_527 = arith.addi %mul3A_481, %add3A_526 : vector<16xi32>
        %add3A_528 = arith.constant 3 : i32
        %add3A_529 = vector.broadcast %add3A_528 : i32 to vector<16xi32>
        %add3A_530 = arith.addi %mul3A_481, %add3A_529 : vector<16xi32>
        %add3A_531 = arith.constant 4 : i32
        %add3A_532 = vector.broadcast %add3A_531 : i32 to vector<16xi32>
        %add3A_533 = arith.addi %mul3A_481, %add3A_532 : vector<16xi32>
        %add3A_534 = arith.constant 5 : i32
        %add3A_535 = vector.broadcast %add3A_534 : i32 to vector<16xi32>
        %add3A_536 = arith.addi %mul3A_481, %add3A_535 : vector<16xi32>
        %add3A_537 = arith.constant 6 : i32
        %add3A_538 = vector.broadcast %add3A_537 : i32 to vector<16xi32>
        %add3A_539 = arith.addi %mul3A_481, %add3A_538 : vector<16xi32>
        %add3A_540 = arith.constant 7 : i32
        %add3A_541 = vector.broadcast %add3A_540 : i32 to vector<16xi32>
        %add3A_542 = arith.addi %mul3A_481, %add3A_541 : vector<16xi32>
        %add3A_543 = arith.constant 8 : i32
        %add3A_544 = vector.broadcast %add3A_543 : i32 to vector<16xi32>
        %add3A_545 = arith.addi %mul3A_481, %add3A_544 : vector<16xi32>
        %add3A_546 = arith.constant 9 : i32
        %add3A_547 = vector.broadcast %add3A_546 : i32 to vector<16xi32>
        %add3A_548 = arith.addi %mul3A_481, %add3A_547 : vector<16xi32>
        %add3A_549 = arith.constant 10 : i32
        %add3A_550 = vector.broadcast %add3A_549 : i32 to vector<16xi32>
        %add3A_551 = arith.addi %mul3A_481, %add3A_550 : vector<16xi32>
        %add3A_552 = arith.constant 11 : i32
        %add3A_553 = vector.broadcast %add3A_552 : i32 to vector<16xi32>
        %add3A_554 = arith.addi %mul3A_481, %add3A_553 : vector<16xi32>
        %add3A_555 = arith.constant 12 : i32
        %add3A_556 = vector.broadcast %add3A_555 : i32 to vector<16xi32>
        %add3A_557 = arith.addi %mul3A_481, %add3A_556 : vector<16xi32>
        %add3A_558 = arith.constant 13 : i32
        %add3A_559 = vector.broadcast %add3A_558 : i32 to vector<16xi32>
        %add3A_560 = arith.addi %mul3A_481, %add3A_559 : vector<16xi32>
        %add3A_561 = arith.constant 14 : i32
        %add3A_562 = vector.broadcast %add3A_561 : i32 to vector<16xi32>
        %add3A_563 = arith.addi %mul3A_481, %add3A_562 : vector<16xi32>
        %add3A_564 = arith.constant 15 : i32
        %add3A_565 = vector.broadcast %add3A_564 : i32 to vector<16xi32>
        %add3A_566 = arith.addi %mul3A_481, %add3A_565 : vector<16xi32>
        %broadcast_in_dim3A = arith.constant 0.000000e+00 : f32
        %broadcast_in_dim3A_567 = vector.broadcast %broadcast_in_dim3A : f32 to vector<16xf32>
        %gather3A = tpu.vector_load_idx %arg15[%add3A_521] : memref<4096xf32, #tpu.memory_space<vmem>>[vector<16xi32>], vector<16xf32>,
        %gather3A_568 = tpu.vector_load_idx %arg15[%add3A_524] : memref<4096xf32, #tpu.memory_space<vmem>>[vector<16xi32>], vector<16xf32>,
        %gather3A_569 = tpu.vector_load_idx %arg15[%add3A_527] : memref<4096xf32, #tpu.memory_space<vmem>>[vector<16xi32>], vector<16xf32>,
        %gather3A_570 = tpu.vector_load_idx %arg15[%add3A_530] : memref<4096xf32, #tpu.memory_space<vmem>>[vector<16xi32>], vector<16xf32>,
        %gather3A_571 = tpu.vector_load_idx %arg15[%add3A_533] : memref<4096xf32, #tpu.memory_space<vmem>>[vector<16xi32>], vector<16xf32>,
        %gather3A_572 = tpu.vector_load_idx %arg15[%add3A_536] : memref<4096xf32, #tpu.memory_space<vmem>>[vector<16xi32>], vector<16xf32>,
        %gather3A_573 = tpu.vector_load_idx %arg15[%add3A_539] : memref<4096xf32, #tpu.memory_space<vmem>>[vector<16xi32>], vector<16xf32>,
        %gather3A_574 = tpu.vector_load_idx %arg15[%add3A_542] : memref<4096xf32, #tpu.memory_space<vmem>>[vector<16xi32>], vector<16xf32>,
        %gather3A_575 = tpu.vector_load_idx %arg15[%add3A_545] : memref<4096xf32, #tpu.memory_space<vmem>>[vector<16xi32>], vector<16xf32>,
        %gather3A_576 = tpu.vector_load_idx %arg15[%add3A_548] : memref<4096xf32, #tpu.memory_space<vmem>>[vector<16xi32>], vector<16xf32>,
        %gather3A_577 = tpu.vector_load_idx %arg15[%add3A_551] : memref<4096xf32, #tpu.memory_space<vmem>>[vector<16xi32>], vector<16xf32>,
        %gather3A_578 = tpu.vector_load_idx %arg15[%add3A_554] : memref<4096xf32, #tpu.memory_space<vmem>>[vector<16xi32>], vector<16xf32>,
        %gather3A_579 = tpu.vector_load_idx %arg15[%add3A_557] : memref<4096xf32, #tpu.memory_space<vmem>>[vector<16xi32>], vector<16xf32>,
        %gather3A_580 = tpu.vector_load_idx %arg15[%add3A_560] : memref<4096xf32, #tpu.memory_space<vmem>>[vector<16xi32>], vector<16xf32>,
        %gather3A_581 = tpu.vector_load_idx %arg15[%add3A_563] : memref<4096xf32, #tpu.memory_space<vmem>>[vector<16xi32>], vector<16xf32>,
        %gather3A_582 = tpu.vector_load_idx %arg15[%add3A_566] : memref<4096xf32, #tpu.memory_space<vmem>>[vector<16xi32>], vector<16xf32>,
        %gt3A_583 = arith.cmpf ogt, %gather3A_568, %gather3A : vector<16xf32>
        %select_n3A_584 = arith.select %gt3A_583, %gather3A_568, %gather3A : vector<16xi1>, vector<16xf32>
        %jit3A_585 = arith.constant 1 : i32
        %jit3A_586 = arith.constant 0 : i32
        %broadcast_in_dim3A_587 = vector.broadcast %jit3A_585 : i32 to vector<16xi32>
        %broadcast_in_dim3A_588 = vector.broadcast %jit3A_586 : i32 to vector<16xi32>
        %select_n3A_589 = arith.select %gt3A_583, %broadcast_in_dim3A_587, %broadcast_in_dim3A_588 : vector<16xi1>, vector<16xi32>
        %gt3A_590 = arith.cmpf ogt, %gather3A_570, %gather3A_569 : vector<16xf32>
        %select_n3A_591 = arith.select %gt3A_590, %gather3A_570, %gather3A_569 : vector<16xi1>, vector<16xf32>
        %jit3A_592 = arith.constant 3 : i32
        %jit3A_593 = arith.constant 2 : i32
        %broadcast_in_dim3A_594 = vector.broadcast %jit3A_592 : i32 to vector<16xi32>
        %broadcast_in_dim3A_595 = vector.broadcast %jit3A_593 : i32 to vector<16xi32>
        %select_n3A_596 = arith.select %gt3A_590, %broadcast_in_dim3A_594, %broadcast_in_dim3A_595 : vector<16xi1>, vector<16xi32>
        %gt3A_597 = arith.cmpf ogt, %gather3A_572, %gather3A_571 : vector<16xf32>
        %select_n3A_598 = arith.select %gt3A_597, %gather3A_572, %gather3A_571 : vector<16xi1>, vector<16xf32>
        %jit3A_599 = arith.constant 5 : i32
        %jit3A_600 = arith.constant 4 : i32
        %broadcast_in_dim3A_601 = vector.broadcast %jit3A_599 : i32 to vector<16xi32>
        %broadcast_in_dim3A_602 = vector.broadcast %jit3A_600 : i32 to vector<16xi32>
        %select_n3A_603 = arith.select %gt3A_597, %broadcast_in_dim3A_601, %broadcast_in_dim3A_602 : vector<16xi1>, vector<16xi32>
        %gt3A_604 = arith.cmpf ogt, %gather3A_574, %gather3A_573 : vector<16xf32>
        %select_n3A_605 = arith.select %gt3A_604, %gather3A_574, %gather3A_573 : vector<16xi1>, vector<16xf32>
        %jit3A_606 = arith.constant 7 : i32
        %jit3A_607 = arith.constant 6 : i32
        %broadcast_in_dim3A_608 = vector.broadcast %jit3A_606 : i32 to vector<16xi32>
        %broadcast_in_dim3A_609 = vector.broadcast %jit3A_607 : i32 to vector<16xi32>
        %select_n3A_610 = arith.select %gt3A_604, %broadcast_in_dim3A_608, %broadcast_in_dim3A_609 : vector<16xi1>, vector<16xi32>
        %gt3A_611 = arith.cmpf ogt, %gather3A_576, %gather3A_575 : vector<16xf32>
        %select_n3A_612 = arith.select %gt3A_611, %gather3A_576, %gather3A_575 : vector<16xi1>, vector<16xf32>
        %jit3A_613 = arith.constant 9 : i32
        %jit3A_614 = arith.constant 8 : i32
        %broadcast_in_dim3A_615 = vector.broadcast %jit3A_613 : i32 to vector<16xi32>
        %broadcast_in_dim3A_616 = vector.broadcast %jit3A_614 : i32 to vector<16xi32>
        %select_n3A_617 = arith.select %gt3A_611, %broadcast_in_dim3A_615, %broadcast_in_dim3A_616 : vector<16xi1>, vector<16xi32>
        %gt3A_618 = arith.cmpf ogt, %gather3A_578, %gather3A_577 : vector<16xf32>
        %select_n3A_619 = arith.select %gt3A_618, %gather3A_578, %gather3A_577 : vector<16xi1>, vector<16xf32>
        %jit3A_620 = arith.constant 11 : i32
        %jit3A_621 = arith.constant 10 : i32
        %broadcast_in_dim3A_622 = vector.broadcast %jit3A_620 : i32 to vector<16xi32>
        %broadcast_in_dim3A_623 = vector.broadcast %jit3A_621 : i32 to vector<16xi32>
        %select_n3A_624 = arith.select %gt3A_618, %broadcast_in_dim3A_622, %broadcast_in_dim3A_623 : vector<16xi1>, vector<16xi32>
        %gt3A_625 = arith.cmpf ogt, %gather3A_580, %gather3A_579 : vector<16xf32>
        %select_n3A_626 = arith.select %gt3A_625, %gather3A_580, %gather3A_579 : vector<16xi1>, vector<16xf32>
        %jit3A_627 = arith.constant 13 : i32
        %jit3A_628 = arith.constant 12 : i32
        %broadcast_in_dim3A_629 = vector.broadcast %jit3A_627 : i32 to vector<16xi32>
        %broadcast_in_dim3A_630 = vector.broadcast %jit3A_628 : i32 to vector<16xi32>
        %select_n3A_631 = arith.select %gt3A_625, %broadcast_in_dim3A_629, %broadcast_in_dim3A_630 : vector<16xi1>, vector<16xi32>
        %gt3A_632 = arith.cmpf ogt, %gather3A_582, %gather3A_581 : vector<16xf32>
        %select_n3A_633 = arith.select %gt3A_632, %gather3A_582, %gather3A_581 : vector<16xi1>, vector<16xf32>
        %jit3A_634 = arith.constant 15 : i32
        %jit3A_635 = arith.constant 14 : i32
        %broadcast_in_dim3A_636 = vector.broadcast %jit3A_634 : i32 to vector<16xi32>
        %broadcast_in_dim3A_637 = vector.broadcast %jit3A_635 : i32 to vector<16xi32>
        %select_n3A_638 = arith.select %gt3A_632, %broadcast_in_dim3A_636, %broadcast_in_dim3A_637 : vector<16xi1>, vector<16xi32>
        %gt3A_639 = arith.cmpf ogt, %select_n3A_591, %select_n3A_584 : vector<16xf32>
        %select_n3A_640 = arith.select %gt3A_639, %select_n3A_591, %select_n3A_584 : vector<16xi1>, vector<16xf32>
        %select_n3A_641 = arith.select %gt3A_639, %select_n3A_596, %select_n3A_589 : vector<16xi1>, vector<16xi32>
        %gt3A_642 = arith.cmpf ogt, %select_n3A_605, %select_n3A_598 : vector<16xf32>
        %select_n3A_643 = arith.select %gt3A_642, %select_n3A_605, %select_n3A_598 : vector<16xi1>, vector<16xf32>
        %select_n3A_644 = arith.select %gt3A_642, %select_n3A_610, %select_n3A_603 : vector<16xi1>, vector<16xi32>
        %gt3A_645 = arith.cmpf ogt, %select_n3A_619, %select_n3A_612 : vector<16xf32>
        %select_n3A_646 = arith.select %gt3A_645, %select_n3A_619, %select_n3A_612 : vector<16xi1>, vector<16xf32>
        %select_n3A_647 = arith.select %gt3A_645, %select_n3A_624, %select_n3A_617 : vector<16xi1>, vector<16xi32>
        %gt3A_648 = arith.cmpf ogt, %select_n3A_633, %select_n3A_626 : vector<16xf32>
        %select_n3A_649 = arith.select %gt3A_648, %select_n3A_633, %select_n3A_626 : vector<16xi1>, vector<16xf32>
        %select_n3A_650 = arith.select %gt3A_648, %select_n3A_638, %select_n3A_631 : vector<16xi1>, vector<16xi32>
        %gt3A_651 = arith.cmpf ogt, %select_n3A_643, %select_n3A_640 : vector<16xf32>
        %select_n3A_652 = arith.select %gt3A_651, %select_n3A_643, %select_n3A_640 : vector<16xi1>, vector<16xf32>
        %select_n3A_653 = arith.select %gt3A_651, %select_n3A_644, %select_n3A_641 : vector<16xi1>, vector<16xi32>
        %gt3A_654 = arith.cmpf ogt, %select_n3A_649, %select_n3A_646 : vector<16xf32>
        %select_n3A_655 = arith.select %gt3A_654, %select_n3A_649, %select_n3A_646 : vector<16xi1>, vector<16xf32>
        %select_n3A_656 = arith.select %gt3A_654, %select_n3A_650, %select_n3A_647 : vector<16xi1>, vector<16xi32>
        %gt3A_657 = arith.cmpf ogt, %select_n3A_655, %select_n3A_652 : vector<16xf32>
        %select_n3A_658 = arith.select %gt3A_657, %select_n3A_655, %select_n3A_652 : vector<16xi1>, vector<16xf32>
        %select_n3A_659 = arith.select %gt3A_657, %select_n3A_656, %select_n3A_653 : vector<16xi1>, vector<16xi32>
        %eq3A_660 = arith.constant 0 : i32
        %eq3A_661 = vector.broadcast %eq3A_660 : i32 to vector<16xi32>
        %eq3A_662 = arith.cmpi eq, %select_n3A_659, %eq3A_661 : vector<16xi32>
        %jit3A_663 = arith.constant 1.000000e+00 : f32
        %jit3A_664 = arith.constant 0.000000e+00 : f32
        %broadcast_in_dim3A_665 = vector.broadcast %jit3A_663 : f32 to vector<16xf32>
        %broadcast_in_dim3A_666 = vector.broadcast %jit3A_664 : f32 to vector<16xf32>
        %select_n3A_667 = arith.select %eq3A_662, %broadcast_in_dim3A_665, %broadcast_in_dim3A_666 : vector<16xi1>, vector<16xf32>
        %add3A_668 = arith.constant 0 : i32
        %add3A_669 = arith.addi %add3A_668, %add3A_518 : i32
        %swap3A = arith.index_cast %add3A_669 : i32 to index
        %swap3A_670 = tpu.vector_load %arg26[%swap3A] {strides = array<i32>} : memref<4096xf32, #tpu.memory_space<vmem>>, vector<16xf32>,
        tpu.vector_store %arg26[%swap3A], %select_n3A_667 {strides = array<i32>} : memref<4096xf32, #tpu.memory_space<vmem>>, vector<16xf32>,
        %eq3A_671 = arith.constant 1 : i32
        %eq3A_672 = vector.broadcast %eq3A_671 : i32 to vector<16xi32>
        %eq3A_673 = arith.cmpi eq, %select_n3A_659, %eq3A_672 : vector<16xi32>
        %jit3A_674 = arith.constant 1.000000e+00 : f32
        %jit3A_675 = arith.constant 0.000000e+00 : f32
        %broadcast_in_dim3A_676 = vector.broadcast %jit3A_674 : f32 to vector<16xf32>
        %broadcast_in_dim3A_677 = vector.broadcast %jit3A_675 : f32 to vector<16xf32>
        %select_n3A_678 = arith.select %eq3A_673, %broadcast_in_dim3A_676, %broadcast_in_dim3A_677 : vector<16xi1>, vector<16xf32>
        %add3A_679 = arith.constant 128 : i32
        %add3A_680 = arith.addi %add3A_679, %add3A_518 : i32
        %swap3A_681 = arith.index_cast %add3A_680 : i32 to index
        %swap3A_682 = tpu.vector_load %arg26[%swap3A_681] {strides = array<i32>} : memref<4096xf32, #tpu.memory_space<vmem>>, vector<16xf32>,
        tpu.vector_store %arg26[%swap3A_681], %select_n3A_678 {strides = array<i32>} : memref<4096xf32, #tpu.memory_space<vmem>>, vector<16xf32>,
        %eq3A_683 = arith.constant 2 : i32
        %eq3A_684 = vector.broadcast %eq3A_683 : i32 to vector<16xi32>
        %eq3A_685 = arith.cmpi eq, %select_n3A_659, %eq3A_684 : vector<16xi32>
        %jit3A_686 = arith.constant 1.000000e+00 : f32
        %jit3A_687 = arith.constant 0.000000e+00 : f32
        %broadcast_in_dim3A_688 = vector.broadcast %jit3A_686 : f32 to vector<16xf32>
        %broadcast_in_dim3A_689 = vector.broadcast %jit3A_687 : f32 to vector<16xf32>
        %select_n3A_690 = arith.select %eq3A_685, %broadcast_in_dim3A_688, %broadcast_in_dim3A_689 : vector<16xi1>, vector<16xf32>
        %add3A_691 = arith.constant 256 : i32
        %add3A_692 = arith.addi %add3A_691, %add3A_518 : i32
        %swap3A_693 = arith.index_cast %add3A_692 : i32 to index
        %swap3A_694 = tpu.vector_load %arg26[%swap3A_693] {strides = array<i32>} : memref<4096xf32, #tpu.memory_space<vmem>>, vector<16xf32>,
        tpu.vector_store %arg26[%swap3A_693], %select_n3A_690 {strides = array<i32>} : memref<4096xf32, #tpu.memory_space<vmem>>, vector<16xf32>,
        %eq3A_695 = arith.constant 3 : i32
        %eq3A_696 = vector.broadcast %eq3A_695 : i32 to vector<16xi32>
        %eq3A_697 = arith.cmpi eq, %select_n3A_659, %eq3A_696 : vector<16xi32>
        %jit3A_698 = arith.constant 1.000000e+00 : f32
        %jit3A_699 = arith.constant 0.000000e+00 : f32
        %broadcast_in_dim3A_700 = vector.broadcast %jit3A_698 : f32 to vector<16xf32>
        %broadcast_in_dim3A_701 = vector.broadcast %jit3A_699 : f32 to vector<16xf32>
        %select_n3A_702 = arith.select %eq3A_697, %broadcast_in_dim3A_700, %broadcast_in_dim3A_701 : vector<16xi1>, vector<16xf32>
        %add3A_703 = arith.constant 384 : i32
        %add3A_704 = arith.addi %add3A_703, %add3A_518 : i32
        %swap3A_705 = arith.index_cast %add3A_704 : i32 to index
        %swap3A_706 = tpu.vector_load %arg26[%swap3A_705] {strides = array<i32>} : memref<4096xf32, #tpu.memory_space<vmem>>, vector<16xf32>,
        tpu.vector_store %arg26[%swap3A_705], %select_n3A_702 {strides = array<i32>} : memref<4096xf32, #tpu.memory_space<vmem>>, vector<16xf32>,
        %eq3A_707 = arith.constant 4 : i32
        %eq3A_708 = vector.broadcast %eq3A_707 : i32 to vector<16xi32>
        %eq3A_709 = arith.cmpi eq, %select_n3A_659, %eq3A_708 : vector<16xi32>
        %jit3A_710 = arith.constant 1.000000e+00 : f32
        %jit3A_711 = arith.constant 0.000000e+00 : f32
        %broadcast_in_dim3A_712 = vector.broadcast %jit3A_710 : f32 to vector<16xf32>
        %broadcast_in_dim3A_713 = vector.broadcast %jit3A_711 : f32 to vector<16xf32>
        %select_n3A_714 = arith.select %eq3A_709, %broadcast_in_dim3A_712, %broadcast_in_dim3A_713 : vector<16xi1>, vector<16xf32>
        %add3A_715 = arith.constant 512 : i32
        %add3A_716 = arith.addi %add3A_715, %add3A_518 : i32
        %swap3A_717 = arith.index_cast %add3A_716 : i32 to index
        %swap3A_718 = tpu.vector_load %arg26[%swap3A_717] {strides = array<i32>} : memref<4096xf32, #tpu.memory_space<vmem>>, vector<16xf32>,
        tpu.vector_store %arg26[%swap3A_717], %select_n3A_714 {strides = array<i32>} : memref<4096xf32, #tpu.memory_space<vmem>>, vector<16xf32>,
        %eq3A_719 = arith.constant 5 : i32
        %eq3A_720 = vector.broadcast %eq3A_719 : i32 to vector<16xi32>
        %eq3A_721 = arith.cmpi eq, %select_n3A_659, %eq3A_720 : vector<16xi32>
        %jit3A_722 = arith.constant 1.000000e+00 : f32
        %jit3A_723 = arith.constant 0.000000e+00 : f32
        %broadcast_in_dim3A_724 = vector.broadcast %jit3A_722 : f32 to vector<16xf32>
        %broadcast_in_dim3A_725 = vector.broadcast %jit3A_723 : f32 to vector<16xf32>
        %select_n3A_726 = arith.select %eq3A_721, %broadcast_in_dim3A_724, %broadcast_in_dim3A_725 : vector<16xi1>, vector<16xf32>
        %add3A_727 = arith.constant 640 : i32
        %add3A_728 = arith.addi %add3A_727, %add3A_518 : i32
        %swap3A_729 = arith.index_cast %add3A_728 : i32 to index
        %swap3A_730 = tpu.vector_load %arg26[%swap3A_729] {strides = array<i32>} : memref<4096xf32, #tpu.memory_space<vmem>>, vector<16xf32>,
        tpu.vector_store %arg26[%swap3A_729], %select_n3A_726 {strides = array<i32>} : memref<4096xf32, #tpu.memory_space<vmem>>, vector<16xf32>,
        %eq3A_731 = arith.constant 6 : i32
        %eq3A_732 = vector.broadcast %eq3A_731 : i32 to vector<16xi32>
        %eq3A_733 = arith.cmpi eq, %select_n3A_659, %eq3A_732 : vector<16xi32>
        %jit3A_734 = arith.constant 1.000000e+00 : f32
        %jit3A_735 = arith.constant 0.000000e+00 : f32
        %broadcast_in_dim3A_736 = vector.broadcast %jit3A_734 : f32 to vector<16xf32>
        %broadcast_in_dim3A_737 = vector.broadcast %jit3A_735 : f32 to vector<16xf32>
        %select_n3A_738 = arith.select %eq3A_733, %broadcast_in_dim3A_736, %broadcast_in_dim3A_737 : vector<16xi1>, vector<16xf32>
        %add3A_739 = arith.constant 768 : i32
        %add3A_740 = arith.addi %add3A_739, %add3A_518 : i32
        %swap3A_741 = arith.index_cast %add3A_740 : i32 to index
        %swap3A_742 = tpu.vector_load %arg26[%swap3A_741] {strides = array<i32>} : memref<4096xf32, #tpu.memory_space<vmem>>, vector<16xf32>,
        tpu.vector_store %arg26[%swap3A_741], %select_n3A_738 {strides = array<i32>} : memref<4096xf32, #tpu.memory_space<vmem>>, vector<16xf32>,
        %eq3A_743 = arith.constant 7 : i32
        %eq3A_744 = vector.broadcast %eq3A_743 : i32 to vector<16xi32>
        %eq3A_745 = arith.cmpi eq, %select_n3A_659, %eq3A_744 : vector<16xi32>
        %jit3A_746 = arith.constant 1.000000e+00 : f32
        %jit3A_747 = arith.constant 0.000000e+00 : f32
        %broadcast_in_dim3A_748 = vector.broadcast %jit3A_746 : f32 to vector<16xf32>
        %broadcast_in_dim3A_749 = vector.broadcast %jit3A_747 : f32 to vector<16xf32>
        %select_n3A_750 = arith.select %eq3A_745, %broadcast_in_dim3A_748, %broadcast_in_dim3A_749 : vector<16xi1>, vector<16xf32>
        %add3A_751 = arith.constant 896 : i32
        %add3A_752 = arith.addi %add3A_751, %add3A_518 : i32
        %swap3A_753 = arith.index_cast %add3A_752 : i32 to index
        %swap3A_754 = tpu.vector_load %arg26[%swap3A_753] {strides = array<i32>} : memref<4096xf32, #tpu.memory_space<vmem>>, vector<16xf32>,
        tpu.vector_store %arg26[%swap3A_753], %select_n3A_750 {strides = array<i32>} : memref<4096xf32, #tpu.memory_space<vmem>>, vector<16xf32>,
        %eq3A_755 = arith.constant 8 : i32
        %eq3A_756 = vector.broadcast %eq3A_755 : i32 to vector<16xi32>
        %eq3A_757 = arith.cmpi eq, %select_n3A_659, %eq3A_756 : vector<16xi32>
        %jit3A_758 = arith.constant 1.000000e+00 : f32
        %jit3A_759 = arith.constant 0.000000e+00 : f32
        %broadcast_in_dim3A_760 = vector.broadcast %jit3A_758 : f32 to vector<16xf32>
        %broadcast_in_dim3A_761 = vector.broadcast %jit3A_759 : f32 to vector<16xf32>
        %select_n3A_762 = arith.select %eq3A_757, %broadcast_in_dim3A_760, %broadcast_in_dim3A_761 : vector<16xi1>, vector<16xf32>
        %add3A_763 = arith.constant 2048 : i32
        %add3A_764 = arith.addi %add3A_763, %add3A_518 : i32
        %swap3A_765 = arith.index_cast %add3A_764 : i32 to index
        %swap3A_766 = tpu.vector_load %arg26[%swap3A_765] {strides = array<i32>} : memref<4096xf32, #tpu.memory_space<vmem>>, vector<16xf32>,
        tpu.vector_store %arg26[%swap3A_765], %select_n3A_762 {strides = array<i32>} : memref<4096xf32, #tpu.memory_space<vmem>>, vector<16xf32>,
        %eq3A_767 = arith.constant 9 : i32
        %eq3A_768 = vector.broadcast %eq3A_767 : i32 to vector<16xi32>
        %eq3A_769 = arith.cmpi eq, %select_n3A_659, %eq3A_768 : vector<16xi32>
        %jit3A_770 = arith.constant 1.000000e+00 : f32
        %jit3A_771 = arith.constant 0.000000e+00 : f32
        %broadcast_in_dim3A_772 = vector.broadcast %jit3A_770 : f32 to vector<16xf32>
        %broadcast_in_dim3A_773 = vector.broadcast %jit3A_771 : f32 to vector<16xf32>
        %select_n3A_774 = arith.select %eq3A_769, %broadcast_in_dim3A_772, %broadcast_in_dim3A_773 : vector<16xi1>, vector<16xf32>
        %add3A_775 = arith.constant 2176 : i32
        %add3A_776 = arith.addi %add3A_775, %add3A_518 : i32
        %swap3A_777 = arith.index_cast %add3A_776 : i32 to index
        %swap3A_778 = tpu.vector_load %arg26[%swap3A_777] {strides = array<i32>} : memref<4096xf32, #tpu.memory_space<vmem>>, vector<16xf32>,
        tpu.vector_store %arg26[%swap3A_777], %select_n3A_774 {strides = array<i32>} : memref<4096xf32, #tpu.memory_space<vmem>>, vector<16xf32>,
        %eq3A_779 = arith.constant 10 : i32
        %eq3A_780 = vector.broadcast %eq3A_779 : i32 to vector<16xi32>
        %eq3A_781 = arith.cmpi eq, %select_n3A_659, %eq3A_780 : vector<16xi32>
        %jit3A_782 = arith.constant 1.000000e+00 : f32
        %jit3A_783 = arith.constant 0.000000e+00 : f32
        %broadcast_in_dim3A_784 = vector.broadcast %jit3A_782 : f32 to vector<16xf32>
        %broadcast_in_dim3A_785 = vector.broadcast %jit3A_783 : f32 to vector<16xf32>
        %select_n3A_786 = arith.select %eq3A_781, %broadcast_in_dim3A_784, %broadcast_in_dim3A_785 : vector<16xi1>, vector<16xf32>
        %add3A_787 = arith.constant 2304 : i32
        %add3A_788 = arith.addi %add3A_787, %add3A_518 : i32
        %swap3A_789 = arith.index_cast %add3A_788 : i32 to index
        %swap3A_790 = tpu.vector_load %arg26[%swap3A_789] {strides = array<i32>} : memref<4096xf32, #tpu.memory_space<vmem>>, vector<16xf32>,
        tpu.vector_store %arg26[%swap3A_789], %select_n3A_786 {strides = array<i32>} : memref<4096xf32, #tpu.memory_space<vmem>>, vector<16xf32>,
        %eq3A_791 = arith.constant 11 : i32
        %eq3A_792 = vector.broadcast %eq3A_791 : i32 to vector<16xi32>
        %eq3A_793 = arith.cmpi eq, %select_n3A_659, %eq3A_792 : vector<16xi32>
        %jit3A_794 = arith.constant 1.000000e+00 : f32
        %jit3A_795 = arith.constant 0.000000e+00 : f32
        %broadcast_in_dim3A_796 = vector.broadcast %jit3A_794 : f32 to vector<16xf32>
        %broadcast_in_dim3A_797 = vector.broadcast %jit3A_795 : f32 to vector<16xf32>
        %select_n3A_798 = arith.select %eq3A_793, %broadcast_in_dim3A_796, %broadcast_in_dim3A_797 : vector<16xi1>, vector<16xf32>
        %add3A_799 = arith.constant 2432 : i32
        %add3A_800 = arith.addi %add3A_799, %add3A_518 : i32
        %swap3A_801 = arith.index_cast %add3A_800 : i32 to index
        %swap3A_802 = tpu.vector_load %arg26[%swap3A_801] {strides = array<i32>} : memref<4096xf32, #tpu.memory_space<vmem>>, vector<16xf32>,
        tpu.vector_store %arg26[%swap3A_801], %select_n3A_798 {strides = array<i32>} : memref<4096xf32, #tpu.memory_space<vmem>>, vector<16xf32>,
        %eq3A_803 = arith.constant 12 : i32
        %eq3A_804 = vector.broadcast %eq3A_803 : i32 to vector<16xi32>
        %eq3A_805 = arith.cmpi eq, %select_n3A_659, %eq3A_804 : vector<16xi32>
        %jit3A_806 = arith.constant 1.000000e+00 : f32
        %jit3A_807 = arith.constant 0.000000e+00 : f32
        %broadcast_in_dim3A_808 = vector.broadcast %jit3A_806 : f32 to vector<16xf32>
        %broadcast_in_dim3A_809 = vector.broadcast %jit3A_807 : f32 to vector<16xf32>
        %select_n3A_810 = arith.select %eq3A_805, %broadcast_in_dim3A_808, %broadcast_in_dim3A_809 : vector<16xi1>, vector<16xf32>
        %add3A_811 = arith.constant 2560 : i32
        %add3A_812 = arith.addi %add3A_811, %add3A_518 : i32
        %swap3A_813 = arith.index_cast %add3A_812 : i32 to index
        %swap3A_814 = tpu.vector_load %arg26[%swap3A_813] {strides = array<i32>} : memref<4096xf32, #tpu.memory_space<vmem>>, vector<16xf32>,
        tpu.vector_store %arg26[%swap3A_813], %select_n3A_810 {strides = array<i32>} : memref<4096xf32, #tpu.memory_space<vmem>>, vector<16xf32>,
        %eq3A_815 = arith.constant 13 : i32
        %eq3A_816 = vector.broadcast %eq3A_815 : i32 to vector<16xi32>
        %eq3A_817 = arith.cmpi eq, %select_n3A_659, %eq3A_816 : vector<16xi32>
        %jit3A_818 = arith.constant 1.000000e+00 : f32
        %jit3A_819 = arith.constant 0.000000e+00 : f32
        %broadcast_in_dim3A_820 = vector.broadcast %jit3A_818 : f32 to vector<16xf32>
        %broadcast_in_dim3A_821 = vector.broadcast %jit3A_819 : f32 to vector<16xf32>
        %select_n3A_822 = arith.select %eq3A_817, %broadcast_in_dim3A_820, %broadcast_in_dim3A_821 : vector<16xi1>, vector<16xf32>
        %add3A_823 = arith.constant 2688 : i32
        %add3A_824 = arith.addi %add3A_823, %add3A_518 : i32
        %swap3A_825 = arith.index_cast %add3A_824 : i32 to index
        %swap3A_826 = tpu.vector_load %arg26[%swap3A_825] {strides = array<i32>} : memref<4096xf32, #tpu.memory_space<vmem>>, vector<16xf32>,
        tpu.vector_store %arg26[%swap3A_825], %select_n3A_822 {strides = array<i32>} : memref<4096xf32, #tpu.memory_space<vmem>>, vector<16xf32>,
        %eq3A_827 = arith.constant 14 : i32
        %eq3A_828 = vector.broadcast %eq3A_827 : i32 to vector<16xi32>
        %eq3A_829 = arith.cmpi eq, %select_n3A_659, %eq3A_828 : vector<16xi32>
        %jit3A_830 = arith.constant 1.000000e+00 : f32
        %jit3A_831 = arith.constant 0.000000e+00 : f32
        %broadcast_in_dim3A_832 = vector.broadcast %jit3A_830 : f32 to vector<16xf32>
        %broadcast_in_dim3A_833 = vector.broadcast %jit3A_831 : f32 to vector<16xf32>
        %select_n3A_834 = arith.select %eq3A_829, %broadcast_in_dim3A_832, %broadcast_in_dim3A_833 : vector<16xi1>, vector<16xf32>
        %add3A_835 = arith.constant 2816 : i32
        %add3A_836 = arith.addi %add3A_835, %add3A_518 : i32
        %swap3A_837 = arith.index_cast %add3A_836 : i32 to index
        %swap3A_838 = tpu.vector_load %arg26[%swap3A_837] {strides = array<i32>} : memref<4096xf32, #tpu.memory_space<vmem>>, vector<16xf32>,
        tpu.vector_store %arg26[%swap3A_837], %select_n3A_834 {strides = array<i32>} : memref<4096xf32, #tpu.memory_space<vmem>>, vector<16xf32>,
        %eq3A_839 = arith.constant 15 : i32
        %eq3A_840 = vector.broadcast %eq3A_839 : i32 to vector<16xi32>
        %eq3A_841 = arith.cmpi eq, %select_n3A_659, %eq3A_840 : vector<16xi32>
        %jit3A_842 = arith.constant 1.000000e+00 : f32
        %jit3A_843 = arith.constant 0.000000e+00 : f32
        %broadcast_in_dim3A_844 = vector.broadcast %jit3A_842 : f32 to vector<16xf32>
        %broadcast_in_dim3A_845 = vector.broadcast %jit3A_843 : f32 to vector<16xf32>
        %select_n3A_846 = arith.select %eq3A_841, %broadcast_in_dim3A_844, %broadcast_in_dim3A_845 : vector<16xi1>, vector<16xf32>
        %add3A_847 = arith.constant 2944 : i32
        %add3A_848 = arith.addi %add3A_847, %add3A_518 : i32
        %swap3A_849 = arith.index_cast %add3A_848 : i32 to index
        %swap3A_850 = tpu.vector_load %arg26[%swap3A_849] {strides = array<i32>} : memref<4096xf32, #tpu.memory_space<vmem>>, vector<16xf32>,
        tpu.vector_store %arg26[%swap3A_849], %select_n3A_846 {strides = array<i32>} : memref<4096xf32, #tpu.memory_space<vmem>>, vector<16xf32>,
        %add3A_851 = arith.constant 0 : i32
        %add3A_852 = vector.broadcast %add3A_851 : i32 to vector<16xi32>
        %add3A_853 = arith.addi %select_n3A_659, %add3A_852 : vector<16xi32>
        %gather3A_854 = tpu.vector_load_idx %arg20[%add3A_853] : memref<64xf32, #tpu.memory_space<vmem>>[vector<16xi32>], vector<16xf32>,
        %gather3A_855 = tpu.vector_load_idx %arg19[%select_n3A_659, %add3A_478] : memref<16x256xf32, #tpu.memory_space<vmem>>[vector<16xi32>, vector<16xi32>], vector<16xf32>,
        %mul3A_856 = arith.mulf %gather3A_854, %gather3A_855 : vector<16xf32>
        %add3A_857 = arith.addf %broadcast_in_dim3A_567, %mul3A_856 : vector<16xf32>
        %gather3A_858 = tpu.vector_load_idx %arg16[%add3A_521] : memref<4096xf32, #tpu.memory_space<vmem>>[vector<16xi32>], vector<16xf32>,
        %eq3A_859 = arith.constant 0 : i32
        %eq3A_860 = vector.broadcast %eq3A_859 : i32 to vector<16xi32>
        %eq3A_861 = arith.cmpi eq, %select_n3A_659, %eq3A_860 : vector<16xi32>
        %jit3A_862 = arith.constant -1.000000e+09 : f32
        %broadcast_in_dim3A_863 = vector.broadcast %jit3A_862 : f32 to vector<16xf32>
        %select_n3A_864 = arith.select %eq3A_861, %broadcast_in_dim3A_863, %gather3A_858 : vector<16xi1>, vector<16xf32>
        %gather3A_865 = tpu.vector_load_idx %arg16[%add3A_524] : memref<4096xf32, #tpu.memory_space<vmem>>[vector<16xi32>], vector<16xf32>,
        %eq3A_866 = arith.constant 1 : i32
        %eq3A_867 = vector.broadcast %eq3A_866 : i32 to vector<16xi32>
        %eq3A_868 = arith.cmpi eq, %select_n3A_659, %eq3A_867 : vector<16xi32>
        %jit3A_869 = arith.constant -1.000000e+09 : f32
        %broadcast_in_dim3A_870 = vector.broadcast %jit3A_869 : f32 to vector<16xf32>
        %select_n3A_871 = arith.select %eq3A_868, %broadcast_in_dim3A_870, %gather3A_865 : vector<16xi1>, vector<16xf32>
        %gather3A_872 = tpu.vector_load_idx %arg16[%add3A_527] : memref<4096xf32, #tpu.memory_space<vmem>>[vector<16xi32>], vector<16xf32>,
        %eq3A_873 = arith.constant 2 : i32
        %eq3A_874 = vector.broadcast %eq3A_873 : i32 to vector<16xi32>
        %eq3A_875 = arith.cmpi eq, %select_n3A_659, %eq3A_874 : vector<16xi32>
        %jit3A_876 = arith.constant -1.000000e+09 : f32
        %broadcast_in_dim3A_877 = vector.broadcast %jit3A_876 : f32 to vector<16xf32>
        %select_n3A_878 = arith.select %eq3A_875, %broadcast_in_dim3A_877, %gather3A_872 : vector<16xi1>, vector<16xf32>
        %gather3A_879 = tpu.vector_load_idx %arg16[%add3A_530] : memref<4096xf32, #tpu.memory_space<vmem>>[vector<16xi32>], vector<16xf32>,
        %eq3A_880 = arith.constant 3 : i32
        %eq3A_881 = vector.broadcast %eq3A_880 : i32 to vector<16xi32>
        %eq3A_882 = arith.cmpi eq, %select_n3A_659, %eq3A_881 : vector<16xi32>
        %jit3A_883 = arith.constant -1.000000e+09 : f32
        %broadcast_in_dim3A_884 = vector.broadcast %jit3A_883 : f32 to vector<16xf32>
        %select_n3A_885 = arith.select %eq3A_882, %broadcast_in_dim3A_884, %gather3A_879 : vector<16xi1>, vector<16xf32>
        %gather3A_886 = tpu.vector_load_idx %arg16[%add3A_533] : memref<4096xf32, #tpu.memory_space<vmem>>[vector<16xi32>], vector<16xf32>,
        %eq3A_887 = arith.constant 4 : i32
        %eq3A_888 = vector.broadcast %eq3A_887 : i32 to vector<16xi32>
        %eq3A_889 = arith.cmpi eq, %select_n3A_659, %eq3A_888 : vector<16xi32>
        %jit3A_890 = arith.constant -1.000000e+09 : f32
        %broadcast_in_dim3A_891 = vector.broadcast %jit3A_890 : f32 to vector<16xf32>
        %select_n3A_892 = arith.select %eq3A_889, %broadcast_in_dim3A_891, %gather3A_886 : vector<16xi1>, vector<16xf32>
        %gather3A_893 = tpu.vector_load_idx %arg16[%add3A_536] : memref<4096xf32, #tpu.memory_space<vmem>>[vector<16xi32>], vector<16xf32>,
        %eq3A_894 = arith.constant 5 : i32
        %eq3A_895 = vector.broadcast %eq3A_894 : i32 to vector<16xi32>
        %eq3A_896 = arith.cmpi eq, %select_n3A_659, %eq3A_895 : vector<16xi32>
        %jit3A_897 = arith.constant -1.000000e+09 : f32
        %broadcast_in_dim3A_898 = vector.broadcast %jit3A_897 : f32 to vector<16xf32>
        %select_n3A_899 = arith.select %eq3A_896, %broadcast_in_dim3A_898, %gather3A_893 : vector<16xi1>, vector<16xf32>
        %gather3A_900 = tpu.vector_load_idx %arg16[%add3A_539] : memref<4096xf32, #tpu.memory_space<vmem>>[vector<16xi32>], vector<16xf32>,
        %eq3A_901 = arith.constant 6 : i32
        %eq3A_902 = vector.broadcast %eq3A_901 : i32 to vector<16xi32>
        %eq3A_903 = arith.cmpi eq, %select_n3A_659, %eq3A_902 : vector<16xi32>
        %jit3A_904 = arith.constant -1.000000e+09 : f32
        %broadcast_in_dim3A_905 = vector.broadcast %jit3A_904 : f32 to vector<16xf32>
        %select_n3A_906 = arith.select %eq3A_903, %broadcast_in_dim3A_905, %gather3A_900 : vector<16xi1>, vector<16xf32>
        %gather3A_907 = tpu.vector_load_idx %arg16[%add3A_542] : memref<4096xf32, #tpu.memory_space<vmem>>[vector<16xi32>], vector<16xf32>,
        %eq3A_908 = arith.constant 7 : i32
        %eq3A_909 = vector.broadcast %eq3A_908 : i32 to vector<16xi32>
        %eq3A_910 = arith.cmpi eq, %select_n3A_659, %eq3A_909 : vector<16xi32>
        %jit3A_911 = arith.constant -1.000000e+09 : f32
        %broadcast_in_dim3A_912 = vector.broadcast %jit3A_911 : f32 to vector<16xf32>
        %select_n3A_913 = arith.select %eq3A_910, %broadcast_in_dim3A_912, %gather3A_907 : vector<16xi1>, vector<16xf32>
        %gather3A_914 = tpu.vector_load_idx %arg16[%add3A_545] : memref<4096xf32, #tpu.memory_space<vmem>>[vector<16xi32>], vector<16xf32>,
        %eq3A_915 = arith.constant 8 : i32
        %eq3A_916 = vector.broadcast %eq3A_915 : i32 to vector<16xi32>
        %eq3A_917 = arith.cmpi eq, %select_n3A_659, %eq3A_916 : vector<16xi32>
        %jit3A_918 = arith.constant -1.000000e+09 : f32
        %broadcast_in_dim3A_919 = vector.broadcast %jit3A_918 : f32 to vector<16xf32>
        %select_n3A_920 = arith.select %eq3A_917, %broadcast_in_dim3A_919, %gather3A_914 : vector<16xi1>, vector<16xf32>
        %gather3A_921 = tpu.vector_load_idx %arg16[%add3A_548] : memref<4096xf32, #tpu.memory_space<vmem>>[vector<16xi32>], vector<16xf32>,
        %eq3A_922 = arith.constant 9 : i32
        %eq3A_923 = vector.broadcast %eq3A_922 : i32 to vector<16xi32>
        %eq3A_924 = arith.cmpi eq, %select_n3A_659, %eq3A_923 : vector<16xi32>
        %jit3A_925 = arith.constant -1.000000e+09 : f32
        %broadcast_in_dim3A_926 = vector.broadcast %jit3A_925 : f32 to vector<16xf32>
        %select_n3A_927 = arith.select %eq3A_924, %broadcast_in_dim3A_926, %gather3A_921 : vector<16xi1>, vector<16xf32>
        %gather3A_928 = tpu.vector_load_idx %arg16[%add3A_551] : memref<4096xf32, #tpu.memory_space<vmem>>[vector<16xi32>], vector<16xf32>,
        %eq3A_929 = arith.constant 10 : i32
        %eq3A_930 = vector.broadcast %eq3A_929 : i32 to vector<16xi32>
        %eq3A_931 = arith.cmpi eq, %select_n3A_659, %eq3A_930 : vector<16xi32>
        %jit3A_932 = arith.constant -1.000000e+09 : f32
        %broadcast_in_dim3A_933 = vector.broadcast %jit3A_932 : f32 to vector<16xf32>
        %select_n3A_934 = arith.select %eq3A_931, %broadcast_in_dim3A_933, %gather3A_928 : vector<16xi1>, vector<16xf32>
        %gather3A_935 = tpu.vector_load_idx %arg16[%add3A_554] : memref<4096xf32, #tpu.memory_space<vmem>>[vector<16xi32>], vector<16xf32>,
        %eq3A_936 = arith.constant 11 : i32
        %eq3A_937 = vector.broadcast %eq3A_936 : i32 to vector<16xi32>
        %eq3A_938 = arith.cmpi eq, %select_n3A_659, %eq3A_937 : vector<16xi32>
        %jit3A_939 = arith.constant -1.000000e+09 : f32
        %broadcast_in_dim3A_940 = vector.broadcast %jit3A_939 : f32 to vector<16xf32>
        %select_n3A_941 = arith.select %eq3A_938, %broadcast_in_dim3A_940, %gather3A_935 : vector<16xi1>, vector<16xf32>
        %gather3A_942 = tpu.vector_load_idx %arg16[%add3A_557] : memref<4096xf32, #tpu.memory_space<vmem>>[vector<16xi32>], vector<16xf32>,
        %eq3A_943 = arith.constant 12 : i32
        %eq3A_944 = vector.broadcast %eq3A_943 : i32 to vector<16xi32>
        %eq3A_945 = arith.cmpi eq, %select_n3A_659, %eq3A_944 : vector<16xi32>
        %jit3A_946 = arith.constant -1.000000e+09 : f32
        %broadcast_in_dim3A_947 = vector.broadcast %jit3A_946 : f32 to vector<16xf32>
        %select_n3A_948 = arith.select %eq3A_945, %broadcast_in_dim3A_947, %gather3A_942 : vector<16xi1>, vector<16xf32>
        %gather3A_949 = tpu.vector_load_idx %arg16[%add3A_560] : memref<4096xf32, #tpu.memory_space<vmem>>[vector<16xi32>], vector<16xf32>,
        %eq3A_950 = arith.constant 13 : i32
        %eq3A_951 = vector.broadcast %eq3A_950 : i32 to vector<16xi32>
        %eq3A_952 = arith.cmpi eq, %select_n3A_659, %eq3A_951 : vector<16xi32>
        %jit3A_953 = arith.constant -1.000000e+09 : f32
        %broadcast_in_dim3A_954 = vector.broadcast %jit3A_953 : f32 to vector<16xf32>
        %select_n3A_955 = arith.select %eq3A_952, %broadcast_in_dim3A_954, %gather3A_949 : vector<16xi1>, vector<16xf32>
        %gather3A_956 = tpu.vector_load_idx %arg16[%add3A_563] : memref<4096xf32, #tpu.memory_space<vmem>>[vector<16xi32>], vector<16xf32>,
        %eq3A_957 = arith.constant 14 : i32
        %eq3A_958 = vector.broadcast %eq3A_957 : i32 to vector<16xi32>
        %eq3A_959 = arith.cmpi eq, %select_n3A_659, %eq3A_958 : vector<16xi32>
        %jit3A_960 = arith.constant -1.000000e+09 : f32
        %broadcast_in_dim3A_961 = vector.broadcast %jit3A_960 : f32 to vector<16xf32>
        %select_n3A_962 = arith.select %eq3A_959, %broadcast_in_dim3A_961, %gather3A_956 : vector<16xi1>, vector<16xf32>
        %gather3A_963 = tpu.vector_load_idx %arg16[%add3A_566] : memref<4096xf32, #tpu.memory_space<vmem>>[vector<16xi32>], vector<16xf32>,
        %eq3A_964 = arith.constant 15 : i32
        %eq3A_965 = vector.broadcast %eq3A_964 : i32 to vector<16xi32>
        %eq3A_966 = arith.cmpi eq, %select_n3A_659, %eq3A_965 : vector<16xi32>
        %jit3A_967 = arith.constant -1.000000e+09 : f32
        %broadcast_in_dim3A_968 = vector.broadcast %jit3A_967 : f32 to vector<16xf32>
        %select_n3A_969 = arith.select %eq3A_966, %broadcast_in_dim3A_968, %gather3A_963 : vector<16xi1>, vector<16xf32>
        %gt3A_970 = arith.cmpf ogt, %select_n3A_871, %select_n3A_864 : vector<16xf32>
        %select_n3A_971 = arith.select %gt3A_970, %select_n3A_871, %select_n3A_864 : vector<16xi1>, vector<16xf32>
        %jit3A_972 = arith.constant 1 : i32
        %jit3A_973 = arith.constant 0 : i32
        %broadcast_in_dim3A_974 = vector.broadcast %jit3A_972 : i32 to vector<16xi32>
        %broadcast_in_dim3A_975 = vector.broadcast %jit3A_973 : i32 to vector<16xi32>
        %select_n3A_976 = arith.select %gt3A_970, %broadcast_in_dim3A_974, %broadcast_in_dim3A_975 : vector<16xi1>, vector<16xi32>
        %gt3A_977 = arith.cmpf ogt, %select_n3A_885, %select_n3A_878 : vector<16xf32>
        %select_n3A_978 = arith.select %gt3A_977, %select_n3A_885, %select_n3A_878 : vector<16xi1>, vector<16xf32>
        %jit3A_979 = arith.constant 3 : i32
        %jit3A_980 = arith.constant 2 : i32
        %broadcast_in_dim3A_981 = vector.broadcast %jit3A_979 : i32 to vector<16xi32>
        %broadcast_in_dim3A_982 = vector.broadcast %jit3A_980 : i32 to vector<16xi32>
        %select_n3A_983 = arith.select %gt3A_977, %broadcast_in_dim3A_981, %broadcast_in_dim3A_982 : vector<16xi1>, vector<16xi32>
        %gt3A_984 = arith.cmpf ogt, %select_n3A_899, %select_n3A_892 : vector<16xf32>
        %select_n3A_985 = arith.select %gt3A_984, %select_n3A_899, %select_n3A_892 : vector<16xi1>, vector<16xf32>
        %jit3A_986 = arith.constant 5 : i32
        %jit3A_987 = arith.constant 4 : i32
        %broadcast_in_dim3A_988 = vector.broadcast %jit3A_986 : i32 to vector<16xi32>
        %broadcast_in_dim3A_989 = vector.broadcast %jit3A_987 : i32 to vector<16xi32>
        %select_n3A_990 = arith.select %gt3A_984, %broadcast_in_dim3A_988, %broadcast_in_dim3A_989 : vector<16xi1>, vector<16xi32>
        %gt3A_991 = arith.cmpf ogt, %select_n3A_913, %select_n3A_906 : vector<16xf32>
        %select_n3A_992 = arith.select %gt3A_991, %select_n3A_913, %select_n3A_906 : vector<16xi1>, vector<16xf32>
        %jit3A_993 = arith.constant 7 : i32
        %jit3A_994 = arith.constant 6 : i32
        %broadcast_in_dim3A_995 = vector.broadcast %jit3A_993 : i32 to vector<16xi32>
        %broadcast_in_dim3A_996 = vector.broadcast %jit3A_994 : i32 to vector<16xi32>
        %select_n3A_997 = arith.select %gt3A_991, %broadcast_in_dim3A_995, %broadcast_in_dim3A_996 : vector<16xi1>, vector<16xi32>
        %gt3A_998 = arith.cmpf ogt, %select_n3A_927, %select_n3A_920 : vector<16xf32>
        %select_n3A_999 = arith.select %gt3A_998, %select_n3A_927, %select_n3A_920 : vector<16xi1>, vector<16xf32>
        %jit3A_1000 = arith.constant 9 : i32
        %jit3A_1001 = arith.constant 8 : i32
        %broadcast_in_dim3A_1002 = vector.broadcast %jit3A_1000 : i32 to vector<16xi32>
        %broadcast_in_dim3A_1003 = vector.broadcast %jit3A_1001 : i32 to vector<16xi32>
        %select_n3A_1004 = arith.select %gt3A_998, %broadcast_in_dim3A_1002, %broadcast_in_dim3A_1003 : vector<16xi1>, vector<16xi32>
        %gt3A_1005 = arith.cmpf ogt, %select_n3A_941, %select_n3A_934 : vector<16xf32>
        %select_n3A_1006 = arith.select %gt3A_1005, %select_n3A_941, %select_n3A_934 : vector<16xi1>, vector<16xf32>
        %jit3A_1007 = arith.constant 11 : i32
        %jit3A_1008 = arith.constant 10 : i32
        %broadcast_in_dim3A_1009 = vector.broadcast %jit3A_1007 : i32 to vector<16xi32>
        %broadcast_in_dim3A_1010 = vector.broadcast %jit3A_1008 : i32 to vector<16xi32>
        %select_n3A_1011 = arith.select %gt3A_1005, %broadcast_in_dim3A_1009, %broadcast_in_dim3A_1010 : vector<16xi1>, vector<16xi32>
        %gt3A_1012 = arith.cmpf ogt, %select_n3A_955, %select_n3A_948 : vector<16xf32>
        %select_n3A_1013 = arith.select %gt3A_1012, %select_n3A_955, %select_n3A_948 : vector<16xi1>, vector<16xf32>
        %jit3A_1014 = arith.constant 13 : i32
        %jit3A_1015 = arith.constant 12 : i32
        %broadcast_in_dim3A_1016 = vector.broadcast %jit3A_1014 : i32 to vector<16xi32>
        %broadcast_in_dim3A_1017 = vector.broadcast %jit3A_1015 : i32 to vector<16xi32>
        %select_n3A_1018 = arith.select %gt3A_1012, %broadcast_in_dim3A_1016, %broadcast_in_dim3A_1017 : vector<16xi1>, vector<16xi32>
        %gt3A_1019 = arith.cmpf ogt, %select_n3A_969, %select_n3A_962 : vector<16xf32>
        %select_n3A_1020 = arith.select %gt3A_1019, %select_n3A_969, %select_n3A_962 : vector<16xi1>, vector<16xf32>
        %jit3A_1021 = arith.constant 15 : i32
        %jit3A_1022 = arith.constant 14 : i32
        %broadcast_in_dim3A_1023 = vector.broadcast %jit3A_1021 : i32 to vector<16xi32>
        %broadcast_in_dim3A_1024 = vector.broadcast %jit3A_1022 : i32 to vector<16xi32>
        %select_n3A_1025 = arith.select %gt3A_1019, %broadcast_in_dim3A_1023, %broadcast_in_dim3A_1024 : vector<16xi1>, vector<16xi32>
        %gt3A_1026 = arith.cmpf ogt, %select_n3A_978, %select_n3A_971 : vector<16xf32>
        %select_n3A_1027 = arith.select %gt3A_1026, %select_n3A_978, %select_n3A_971 : vector<16xi1>, vector<16xf32>
        %select_n3A_1028 = arith.select %gt3A_1026, %select_n3A_983, %select_n3A_976 : vector<16xi1>, vector<16xi32>
        %gt3A_1029 = arith.cmpf ogt, %select_n3A_992, %select_n3A_985 : vector<16xf32>
        %select_n3A_1030 = arith.select %gt3A_1029, %select_n3A_992, %select_n3A_985 : vector<16xi1>, vector<16xf32>
        %select_n3A_1031 = arith.select %gt3A_1029, %select_n3A_997, %select_n3A_990 : vector<16xi1>, vector<16xi32>
        %gt3A_1032 = arith.cmpf ogt, %select_n3A_1006, %select_n3A_999 : vector<16xf32>
        %select_n3A_1033 = arith.select %gt3A_1032, %select_n3A_1006, %select_n3A_999 : vector<16xi1>, vector<16xf32>
        %select_n3A_1034 = arith.select %gt3A_1032, %select_n3A_1011, %select_n3A_1004 : vector<16xi1>, vector<16xi32>
        %gt3A_1035 = arith.cmpf ogt, %select_n3A_1020, %select_n3A_1013 : vector<16xf32>
        %select_n3A_1036 = arith.select %gt3A_1035, %select_n3A_1020, %select_n3A_1013 : vector<16xi1>, vector<16xf32>
        %select_n3A_1037 = arith.select %gt3A_1035, %select_n3A_1025, %select_n3A_1018 : vector<16xi1>, vector<16xi32>
        %gt3A_1038 = arith.cmpf ogt, %select_n3A_1030, %select_n3A_1027 : vector<16xf32>
        %select_n3A_1039 = arith.select %gt3A_1038, %select_n3A_1030, %select_n3A_1027 : vector<16xi1>, vector<16xf32>
        %select_n3A_1040 = arith.select %gt3A_1038, %select_n3A_1031, %select_n3A_1028 : vector<16xi1>, vector<16xi32>
        %gt3A_1041 = arith.cmpf ogt, %select_n3A_1036, %select_n3A_1033 : vector<16xf32>
        %select_n3A_1042 = arith.select %gt3A_1041, %select_n3A_1036, %select_n3A_1033 : vector<16xi1>, vector<16xf32>
        %select_n3A_1043 = arith.select %gt3A_1041, %select_n3A_1037, %select_n3A_1034 : vector<16xi1>, vector<16xi32>
        %gt3A_1044 = arith.cmpf ogt, %select_n3A_1042, %select_n3A_1039 : vector<16xf32>
        %select_n3A_1045 = arith.select %gt3A_1044, %select_n3A_1042, %select_n3A_1039 : vector<16xi1>, vector<16xf32>
        %select_n3A_1046 = arith.select %gt3A_1044, %select_n3A_1043, %select_n3A_1040 : vector<16xi1>, vector<16xi32>
        %eq3A_1047 = arith.constant 0 : i32
        %eq3A_1048 = vector.broadcast %eq3A_1047 : i32 to vector<16xi32>
        %eq3A_1049 = arith.cmpi eq, %select_n3A_1046, %eq3A_1048 : vector<16xi32>
        %jit3A_1050 = arith.constant 1.000000e+00 : f32
        %jit3A_1051 = arith.constant 0.000000e+00 : f32
        %broadcast_in_dim3A_1052 = vector.broadcast %jit3A_1050 : f32 to vector<16xf32>
        %broadcast_in_dim3A_1053 = vector.broadcast %jit3A_1051 : f32 to vector<16xf32>
        %select_n3A_1054 = arith.select %eq3A_1049, %broadcast_in_dim3A_1052, %broadcast_in_dim3A_1053 : vector<16xi1>, vector<16xf32>
        %add3A_1055 = arith.constant 0 : i32
        %add3A_1056 = arith.addi %add3A_1055, %add3A_518 : i32
        %swap3A_1057 = arith.index_cast %add3A_1056 : i32 to index
        %swap3A_1058 = tpu.vector_load %arg27[%swap3A_1057] {strides = array<i32>} : memref<4096xf32, #tpu.memory_space<vmem>>, vector<16xf32>,
        tpu.vector_store %arg27[%swap3A_1057], %select_n3A_1054 {strides = array<i32>} : memref<4096xf32, #tpu.memory_space<vmem>>, vector<16xf32>,
        %eq3A_1059 = arith.constant 1 : i32
        %eq3A_1060 = vector.broadcast %eq3A_1059 : i32 to vector<16xi32>
        %eq3A_1061 = arith.cmpi eq, %select_n3A_1046, %eq3A_1060 : vector<16xi32>
        %jit3A_1062 = arith.constant 1.000000e+00 : f32
        %jit3A_1063 = arith.constant 0.000000e+00 : f32
        %broadcast_in_dim3A_1064 = vector.broadcast %jit3A_1062 : f32 to vector<16xf32>
        %broadcast_in_dim3A_1065 = vector.broadcast %jit3A_1063 : f32 to vector<16xf32>
        %select_n3A_1066 = arith.select %eq3A_1061, %broadcast_in_dim3A_1064, %broadcast_in_dim3A_1065 : vector<16xi1>, vector<16xf32>
        %add3A_1067 = arith.constant 128 : i32
        %add3A_1068 = arith.addi %add3A_1067, %add3A_518 : i32
        %swap3A_1069 = arith.index_cast %add3A_1068 : i32 to index
        %swap3A_1070 = tpu.vector_load %arg27[%swap3A_1069] {strides = array<i32>} : memref<4096xf32, #tpu.memory_space<vmem>>, vector<16xf32>,
        tpu.vector_store %arg27[%swap3A_1069], %select_n3A_1066 {strides = array<i32>} : memref<4096xf32, #tpu.memory_space<vmem>>, vector<16xf32>,
        %eq3A_1071 = arith.constant 2 : i32
        %eq3A_1072 = vector.broadcast %eq3A_1071 : i32 to vector<16xi32>
        %eq3A_1073 = arith.cmpi eq, %select_n3A_1046, %eq3A_1072 : vector<16xi32>
        %jit3A_1074 = arith.constant 1.000000e+00 : f32
        %jit3A_1075 = arith.constant 0.000000e+00 : f32
        %broadcast_in_dim3A_1076 = vector.broadcast %jit3A_1074 : f32 to vector<16xf32>
        %broadcast_in_dim3A_1077 = vector.broadcast %jit3A_1075 : f32 to vector<16xf32>
        %select_n3A_1078 = arith.select %eq3A_1073, %broadcast_in_dim3A_1076, %broadcast_in_dim3A_1077 : vector<16xi1>, vector<16xf32>
        %add3A_1079 = arith.constant 256 : i32
        %add3A_1080 = arith.addi %add3A_1079, %add3A_518 : i32
        %swap3A_1081 = arith.index_cast %add3A_1080 : i32 to index
        %swap3A_1082 = tpu.vector_load %arg27[%swap3A_1081] {strides = array<i32>} : memref<4096xf32, #tpu.memory_space<vmem>>, vector<16xf32>,
        tpu.vector_store %arg27[%swap3A_1081], %select_n3A_1078 {strides = array<i32>} : memref<4096xf32, #tpu.memory_space<vmem>>, vector<16xf32>,
        %eq3A_1083 = arith.constant 3 : i32
        %eq3A_1084 = vector.broadcast %eq3A_1083 : i32 to vector<16xi32>
        %eq3A_1085 = arith.cmpi eq, %select_n3A_1046, %eq3A_1084 : vector<16xi32>
        %jit3A_1086 = arith.constant 1.000000e+00 : f32
        %jit3A_1087 = arith.constant 0.000000e+00 : f32
        %broadcast_in_dim3A_1088 = vector.broadcast %jit3A_1086 : f32 to vector<16xf32>
        %broadcast_in_dim3A_1089 = vector.broadcast %jit3A_1087 : f32 to vector<16xf32>
        %select_n3A_1090 = arith.select %eq3A_1085, %broadcast_in_dim3A_1088, %broadcast_in_dim3A_1089 : vector<16xi1>, vector<16xf32>
        %add3A_1091 = arith.constant 384 : i32
        %add3A_1092 = arith.addi %add3A_1091, %add3A_518 : i32
        %swap3A_1093 = arith.index_cast %add3A_1092 : i32 to index
        %swap3A_1094 = tpu.vector_load %arg27[%swap3A_1093] {strides = array<i32>} : memref<4096xf32, #tpu.memory_space<vmem>>, vector<16xf32>,
        tpu.vector_store %arg27[%swap3A_1093], %select_n3A_1090 {strides = array<i32>} : memref<4096xf32, #tpu.memory_space<vmem>>, vector<16xf32>,
        %eq3A_1095 = arith.constant 4 : i32
        %eq3A_1096 = vector.broadcast %eq3A_1095 : i32 to vector<16xi32>
        %eq3A_1097 = arith.cmpi eq, %select_n3A_1046, %eq3A_1096 : vector<16xi32>
        %jit3A_1098 = arith.constant 1.000000e+00 : f32
        %jit3A_1099 = arith.constant 0.000000e+00 : f32
        %broadcast_in_dim3A_1100 = vector.broadcast %jit3A_1098 : f32 to vector<16xf32>
        %broadcast_in_dim3A_1101 = vector.broadcast %jit3A_1099 : f32 to vector<16xf32>
        %select_n3A_1102 = arith.select %eq3A_1097, %broadcast_in_dim3A_1100, %broadcast_in_dim3A_1101 : vector<16xi1>, vector<16xf32>
        %add3A_1103 = arith.constant 512 : i32
        %add3A_1104 = arith.addi %add3A_1103, %add3A_518 : i32
        %swap3A_1105 = arith.index_cast %add3A_1104 : i32 to index
        %swap3A_1106 = tpu.vector_load %arg27[%swap3A_1105] {strides = array<i32>} : memref<4096xf32, #tpu.memory_space<vmem>>, vector<16xf32>,
        tpu.vector_store %arg27[%swap3A_1105], %select_n3A_1102 {strides = array<i32>} : memref<4096xf32, #tpu.memory_space<vmem>>, vector<16xf32>,
        %eq3A_1107 = arith.constant 5 : i32
        %eq3A_1108 = vector.broadcast %eq3A_1107 : i32 to vector<16xi32>
        %eq3A_1109 = arith.cmpi eq, %select_n3A_1046, %eq3A_1108 : vector<16xi32>
        %jit3A_1110 = arith.constant 1.000000e+00 : f32
        %jit3A_1111 = arith.constant 0.000000e+00 : f32
        %broadcast_in_dim3A_1112 = vector.broadcast %jit3A_1110 : f32 to vector<16xf32>
        %broadcast_in_dim3A_1113 = vector.broadcast %jit3A_1111 : f32 to vector<16xf32>
        %select_n3A_1114 = arith.select %eq3A_1109, %broadcast_in_dim3A_1112, %broadcast_in_dim3A_1113 : vector<16xi1>, vector<16xf32>
        %add3A_1115 = arith.constant 640 : i32
        %add3A_1116 = arith.addi %add3A_1115, %add3A_518 : i32
        %swap3A_1117 = arith.index_cast %add3A_1116 : i32 to index
        %swap3A_1118 = tpu.vector_load %arg27[%swap3A_1117] {strides = array<i32>} : memref<4096xf32, #tpu.memory_space<vmem>>, vector<16xf32>,
        tpu.vector_store %arg27[%swap3A_1117], %select_n3A_1114 {strides = array<i32>} : memref<4096xf32, #tpu.memory_space<vmem>>, vector<16xf32>,
        %eq3A_1119 = arith.constant 6 : i32
        %eq3A_1120 = vector.broadcast %eq3A_1119 : i32 to vector<16xi32>
        %eq3A_1121 = arith.cmpi eq, %select_n3A_1046, %eq3A_1120 : vector<16xi32>
        %jit3A_1122 = arith.constant 1.000000e+00 : f32
        %jit3A_1123 = arith.constant 0.000000e+00 : f32
        %broadcast_in_dim3A_1124 = vector.broadcast %jit3A_1122 : f32 to vector<16xf32>
        %broadcast_in_dim3A_1125 = vector.broadcast %jit3A_1123 : f32 to vector<16xf32>
        %select_n3A_1126 = arith.select %eq3A_1121, %broadcast_in_dim3A_1124, %broadcast_in_dim3A_1125 : vector<16xi1>, vector<16xf32>
        %add3A_1127 = arith.constant 768 : i32
        %add3A_1128 = arith.addi %add3A_1127, %add3A_518 : i32
        %swap3A_1129 = arith.index_cast %add3A_1128 : i32 to index
        %swap3A_1130 = tpu.vector_load %arg27[%swap3A_1129] {strides = array<i32>} : memref<4096xf32, #tpu.memory_space<vmem>>, vector<16xf32>,
        tpu.vector_store %arg27[%swap3A_1129], %select_n3A_1126 {strides = array<i32>} : memref<4096xf32, #tpu.memory_space<vmem>>, vector<16xf32>,
        %eq3A_1131 = arith.constant 7 : i32
        %eq3A_1132 = vector.broadcast %eq3A_1131 : i32 to vector<16xi32>
        %eq3A_1133 = arith.cmpi eq, %select_n3A_1046, %eq3A_1132 : vector<16xi32>
        %jit3A_1134 = arith.constant 1.000000e+00 : f32
        %jit3A_1135 = arith.constant 0.000000e+00 : f32
        %broadcast_in_dim3A_1136 = vector.broadcast %jit3A_1134 : f32 to vector<16xf32>
        %broadcast_in_dim3A_1137 = vector.broadcast %jit3A_1135 : f32 to vector<16xf32>
        %select_n3A_1138 = arith.select %eq3A_1133, %broadcast_in_dim3A_1136, %broadcast_in_dim3A_1137 : vector<16xi1>, vector<16xf32>
        %add3A_1139 = arith.constant 896 : i32
        %add3A_1140 = arith.addi %add3A_1139, %add3A_518 : i32
        %swap3A_1141 = arith.index_cast %add3A_1140 : i32 to index
        %swap3A_1142 = tpu.vector_load %arg27[%swap3A_1141] {strides = array<i32>} : memref<4096xf32, #tpu.memory_space<vmem>>, vector<16xf32>,
        tpu.vector_store %arg27[%swap3A_1141], %select_n3A_1138 {strides = array<i32>} : memref<4096xf32, #tpu.memory_space<vmem>>, vector<16xf32>,
        %eq3A_1143 = arith.constant 8 : i32
        %eq3A_1144 = vector.broadcast %eq3A_1143 : i32 to vector<16xi32>
        %eq3A_1145 = arith.cmpi eq, %select_n3A_1046, %eq3A_1144 : vector<16xi32>
        %jit3A_1146 = arith.constant 1.000000e+00 : f32
        %jit3A_1147 = arith.constant 0.000000e+00 : f32
        %broadcast_in_dim3A_1148 = vector.broadcast %jit3A_1146 : f32 to vector<16xf32>
        %broadcast_in_dim3A_1149 = vector.broadcast %jit3A_1147 : f32 to vector<16xf32>
        %select_n3A_1150 = arith.select %eq3A_1145, %broadcast_in_dim3A_1148, %broadcast_in_dim3A_1149 : vector<16xi1>, vector<16xf32>
        %add3A_1151 = arith.constant 2048 : i32
        %add3A_1152 = arith.addi %add3A_1151, %add3A_518 : i32
        %swap3A_1153 = arith.index_cast %add3A_1152 : i32 to index
        %swap3A_1154 = tpu.vector_load %arg27[%swap3A_1153] {strides = array<i32>} : memref<4096xf32, #tpu.memory_space<vmem>>, vector<16xf32>,
        tpu.vector_store %arg27[%swap3A_1153], %select_n3A_1150 {strides = array<i32>} : memref<4096xf32, #tpu.memory_space<vmem>>, vector<16xf32>,
        %eq3A_1155 = arith.constant 9 : i32
        %eq3A_1156 = vector.broadcast %eq3A_1155 : i32 to vector<16xi32>
        %eq3A_1157 = arith.cmpi eq, %select_n3A_1046, %eq3A_1156 : vector<16xi32>
        %jit3A_1158 = arith.constant 1.000000e+00 : f32
        %jit3A_1159 = arith.constant 0.000000e+00 : f32
        %broadcast_in_dim3A_1160 = vector.broadcast %jit3A_1158 : f32 to vector<16xf32>
        %broadcast_in_dim3A_1161 = vector.broadcast %jit3A_1159 : f32 to vector<16xf32>
        %select_n3A_1162 = arith.select %eq3A_1157, %broadcast_in_dim3A_1160, %broadcast_in_dim3A_1161 : vector<16xi1>, vector<16xf32>
        %add3A_1163 = arith.constant 2176 : i32
        %add3A_1164 = arith.addi %add3A_1163, %add3A_518 : i32
        %swap3A_1165 = arith.index_cast %add3A_1164 : i32 to index
        %swap3A_1166 = tpu.vector_load %arg27[%swap3A_1165] {strides = array<i32>} : memref<4096xf32, #tpu.memory_space<vmem>>, vector<16xf32>,
        tpu.vector_store %arg27[%swap3A_1165], %select_n3A_1162 {strides = array<i32>} : memref<4096xf32, #tpu.memory_space<vmem>>, vector<16xf32>,
        %eq3A_1167 = arith.constant 10 : i32
        %eq3A_1168 = vector.broadcast %eq3A_1167 : i32 to vector<16xi32>
        %eq3A_1169 = arith.cmpi eq, %select_n3A_1046, %eq3A_1168 : vector<16xi32>
        %jit3A_1170 = arith.constant 1.000000e+00 : f32
        %jit3A_1171 = arith.constant 0.000000e+00 : f32
        %broadcast_in_dim3A_1172 = vector.broadcast %jit3A_1170 : f32 to vector<16xf32>
        %broadcast_in_dim3A_1173 = vector.broadcast %jit3A_1171 : f32 to vector<16xf32>
        %select_n3A_1174 = arith.select %eq3A_1169, %broadcast_in_dim3A_1172, %broadcast_in_dim3A_1173 : vector<16xi1>, vector<16xf32>
        %add3A_1175 = arith.constant 2304 : i32
        %add3A_1176 = arith.addi %add3A_1175, %add3A_518 : i32
        %swap3A_1177 = arith.index_cast %add3A_1176 : i32 to index
        %swap3A_1178 = tpu.vector_load %arg27[%swap3A_1177] {strides = array<i32>} : memref<4096xf32, #tpu.memory_space<vmem>>, vector<16xf32>,
        tpu.vector_store %arg27[%swap3A_1177], %select_n3A_1174 {strides = array<i32>} : memref<4096xf32, #tpu.memory_space<vmem>>, vector<16xf32>,
        %eq3A_1179 = arith.constant 11 : i32
        %eq3A_1180 = vector.broadcast %eq3A_1179 : i32 to vector<16xi32>
        %eq3A_1181 = arith.cmpi eq, %select_n3A_1046, %eq3A_1180 : vector<16xi32>
        %jit3A_1182 = arith.constant 1.000000e+00 : f32
        %jit3A_1183 = arith.constant 0.000000e+00 : f32
        %broadcast_in_dim3A_1184 = vector.broadcast %jit3A_1182 : f32 to vector<16xf32>
        %broadcast_in_dim3A_1185 = vector.broadcast %jit3A_1183 : f32 to vector<16xf32>
        %select_n3A_1186 = arith.select %eq3A_1181, %broadcast_in_dim3A_1184, %broadcast_in_dim3A_1185 : vector<16xi1>, vector<16xf32>
        %add3A_1187 = arith.constant 2432 : i32
        %add3A_1188 = arith.addi %add3A_1187, %add3A_518 : i32
        %swap3A_1189 = arith.index_cast %add3A_1188 : i32 to index
        %swap3A_1190 = tpu.vector_load %arg27[%swap3A_1189] {strides = array<i32>} : memref<4096xf32, #tpu.memory_space<vmem>>, vector<16xf32>,
        tpu.vector_store %arg27[%swap3A_1189], %select_n3A_1186 {strides = array<i32>} : memref<4096xf32, #tpu.memory_space<vmem>>, vector<16xf32>,
        %eq3A_1191 = arith.constant 12 : i32
        %eq3A_1192 = vector.broadcast %eq3A_1191 : i32 to vector<16xi32>
        %eq3A_1193 = arith.cmpi eq, %select_n3A_1046, %eq3A_1192 : vector<16xi32>
        %jit3A_1194 = arith.constant 1.000000e+00 : f32
        %jit3A_1195 = arith.constant 0.000000e+00 : f32
        %broadcast_in_dim3A_1196 = vector.broadcast %jit3A_1194 : f32 to vector<16xf32>
        %broadcast_in_dim3A_1197 = vector.broadcast %jit3A_1195 : f32 to vector<16xf32>
        %select_n3A_1198 = arith.select %eq3A_1193, %broadcast_in_dim3A_1196, %broadcast_in_dim3A_1197 : vector<16xi1>, vector<16xf32>
        %add3A_1199 = arith.constant 2560 : i32
        %add3A_1200 = arith.addi %add3A_1199, %add3A_518 : i32
        %swap3A_1201 = arith.index_cast %add3A_1200 : i32 to index
        %swap3A_1202 = tpu.vector_load %arg27[%swap3A_1201] {strides = array<i32>} : memref<4096xf32, #tpu.memory_space<vmem>>, vector<16xf32>,
        tpu.vector_store %arg27[%swap3A_1201], %select_n3A_1198 {strides = array<i32>} : memref<4096xf32, #tpu.memory_space<vmem>>, vector<16xf32>,
        %eq3A_1203 = arith.constant 13 : i32
        %eq3A_1204 = vector.broadcast %eq3A_1203 : i32 to vector<16xi32>
        %eq3A_1205 = arith.cmpi eq, %select_n3A_1046, %eq3A_1204 : vector<16xi32>
        %jit3A_1206 = arith.constant 1.000000e+00 : f32
        %jit3A_1207 = arith.constant 0.000000e+00 : f32
        %broadcast_in_dim3A_1208 = vector.broadcast %jit3A_1206 : f32 to vector<16xf32>
        %broadcast_in_dim3A_1209 = vector.broadcast %jit3A_1207 : f32 to vector<16xf32>
        %select_n3A_1210 = arith.select %eq3A_1205, %broadcast_in_dim3A_1208, %broadcast_in_dim3A_1209 : vector<16xi1>, vector<16xf32>
        %add3A_1211 = arith.constant 2688 : i32
        %add3A_1212 = arith.addi %add3A_1211, %add3A_518 : i32
        %swap3A_1213 = arith.index_cast %add3A_1212 : i32 to index
        %swap3A_1214 = tpu.vector_load %arg27[%swap3A_1213] {strides = array<i32>} : memref<4096xf32, #tpu.memory_space<vmem>>, vector<16xf32>,
        tpu.vector_store %arg27[%swap3A_1213], %select_n3A_1210 {strides = array<i32>} : memref<4096xf32, #tpu.memory_space<vmem>>, vector<16xf32>,
        %eq3A_1215 = arith.constant 14 : i32
        %eq3A_1216 = vector.broadcast %eq3A_1215 : i32 to vector<16xi32>
        %eq3A_1217 = arith.cmpi eq, %select_n3A_1046, %eq3A_1216 : vector<16xi32>
        %jit3A_1218 = arith.constant 1.000000e+00 : f32
        %jit3A_1219 = arith.constant 0.000000e+00 : f32
        %broadcast_in_dim3A_1220 = vector.broadcast %jit3A_1218 : f32 to vector<16xf32>
        %broadcast_in_dim3A_1221 = vector.broadcast %jit3A_1219 : f32 to vector<16xf32>
        %select_n3A_1222 = arith.select %eq3A_1217, %broadcast_in_dim3A_1220, %broadcast_in_dim3A_1221 : vector<16xi1>, vector<16xf32>
        %add3A_1223 = arith.constant 2816 : i32
        %add3A_1224 = arith.addi %add3A_1223, %add3A_518 : i32
        %swap3A_1225 = arith.index_cast %add3A_1224 : i32 to index
        %swap3A_1226 = tpu.vector_load %arg27[%swap3A_1225] {strides = array<i32>} : memref<4096xf32, #tpu.memory_space<vmem>>, vector<16xf32>,
        tpu.vector_store %arg27[%swap3A_1225], %select_n3A_1222 {strides = array<i32>} : memref<4096xf32, #tpu.memory_space<vmem>>, vector<16xf32>,
        %eq3A_1227 = arith.constant 15 : i32
        %eq3A_1228 = vector.broadcast %eq3A_1227 : i32 to vector<16xi32>
        %eq3A_1229 = arith.cmpi eq, %select_n3A_1046, %eq3A_1228 : vector<16xi32>
        %jit3A_1230 = arith.constant 1.000000e+00 : f32
        %jit3A_1231 = arith.constant 0.000000e+00 : f32
        %broadcast_in_dim3A_1232 = vector.broadcast %jit3A_1230 : f32 to vector<16xf32>
        %broadcast_in_dim3A_1233 = vector.broadcast %jit3A_1231 : f32 to vector<16xf32>
        %select_n3A_1234 = arith.select %eq3A_1229, %broadcast_in_dim3A_1232, %broadcast_in_dim3A_1233 : vector<16xi1>, vector<16xf32>
        %add3A_1235 = arith.constant 2944 : i32
        %add3A_1236 = arith.addi %add3A_1235, %add3A_518 : i32
        %swap3A_1237 = arith.index_cast %add3A_1236 : i32 to index
        %swap3A_1238 = tpu.vector_load %arg27[%swap3A_1237] {strides = array<i32>} : memref<4096xf32, #tpu.memory_space<vmem>>, vector<16xf32>,
        tpu.vector_store %arg27[%swap3A_1237], %select_n3A_1234 {strides = array<i32>} : memref<4096xf32, #tpu.memory_space<vmem>>, vector<16xf32>,
        %add3A_1239 = arith.constant 16 : i32
        %add3A_1240 = vector.broadcast %add3A_1239 : i32 to vector<16xi32>
        %add3A_1241 = arith.addi %select_n3A_1046, %add3A_1240 : vector<16xi32>
        %gather3A_1242 = tpu.vector_load_idx %arg20[%add3A_1241] : memref<64xf32, #tpu.memory_space<vmem>>[vector<16xi32>], vector<16xf32>,
        %gather3A_1243 = tpu.vector_load_idx %arg19[%select_n3A_1046, %add3A_478] : memref<16x256xf32, #tpu.memory_space<vmem>>[vector<16xi32>, vector<16xi32>], vector<16xf32>,
        %mul3A_1244 = arith.mulf %gather3A_1242, %gather3A_1243 : vector<16xf32>
        %add3A_1245 = arith.addf %add3A_857, %mul3A_1244 : vector<16xf32>
        %jit3A_1246 = arith.constant 8 : i32
        %div3A_1247 = arith.divsi %scan3A_473, %jit3A_1246 : i32
        %sign3A_1248 = arith.constant 0 : i32
        %sign3A_1249 = arith.cmpi sgt, %scan3A_473, %sign3A_1248 : i32
        %sign3A_1250 = arith.extui %sign3A_1249 : i1 to i32
        %sign3A_1251 = arith.constant 0 : i32
        %sign3A_1252 = arith.cmpi slt, %scan3A_473, %sign3A_1251 : i32
        %sign3A_1253 = arith.extui %sign3A_1252 : i1 to i32
        %sign3A_1254 = arith.subi %sign3A_1250, %sign3A_1253 : i32
        %sign3A_1255 = arith.constant 0 : i32
        %sign3A_1256 = arith.cmpi sgt, %jit3A_1246, %sign3A_1255 : i32
        %sign3A_1257 = arith.extui %sign3A_1256 : i1 to i32
        %sign3A_1258 = arith.constant 0 : i32
        %sign3A_1259 = arith.cmpi slt, %jit3A_1246, %sign3A_1258 : i32
        %sign3A_1260 = arith.extui %sign3A_1259 : i1 to i32
        %sign3A_1261 = arith.subi %sign3A_1257, %sign3A_1260 : i32
        %ne3A_1262 = arith.cmpi ne, %sign3A_1254, %sign3A_1261 : i32
        %rem3A_1263 = arith.remsi %scan3A_473, %jit3A_1246 : i32
        %ne3A_1264 = arith.constant 0 : i32
        %ne3A_1265 = arith.cmpi ne, %rem3A_1263, %ne3A_1264 : i32
        %and3A_1266 = arith.andi %ne3A_1262, %ne3A_1265 : i1
        %sub3A_1267 = arith.constant 1 : i32
        %sub3A_1268 = arith.subi %div3A_1247, %sub3A_1267 : i32
        %select_n3A_1269 = arith.select %and3A_1266, %sub3A_1268, %div3A_1247 : i32
        %mul3A_1270 = arith.constant 256 : i32
        %mul3A_1271 = arith.muli %select_n3A_1269, %mul3A_1270 : i32
        %add3A_1272 = arith.constant 0 : i32
        %add3A_1273 = arith.addi %mul3A_1271, %add3A_1272 : i32
        %jit3A_1274 = arith.constant 8 : i32
        %eq3A_1275 = arith.constant 0 : i32
        %eq3A_1276 = arith.cmpi eq, %jit3A_1274, %eq3A_1275 : i32
        %jit3A_1277 = arith.constant 1 : i32
        %select_n3A_1278 = arith.select %eq3A_1276, %jit3A_1277, %jit3A_1274 : i32
        %rem3A_1279 = arith.remsi %scan3A_473, %select_n3A_1278 : i32
        %ne3A_1280 = arith.constant 0 : i32
        %ne3A_1281 = arith.cmpi ne, %rem3A_1279, %ne3A_1280 : i32
        %lt3A_1282 = arith.constant 0 : i32
        %lt3A_1283 = arith.cmpi slt, %rem3A_1279, %lt3A_1282 : i32
        %lt3A_1284 = arith.constant 0 : i32
        %lt3A_1285 = arith.cmpi slt, %select_n3A_1278, %lt3A_1284 : i32
        %ne3A_1286 = arith.xori %lt3A_1283, %lt3A_1285 : i1
        %and3A_1287 = arith.andi %ne3A_1286, %ne3A_1281 : i1
        %add3A_1288 = arith.addi %rem3A_1279, %select_n3A_1278 : i32
        %select_n3A_1289 = arith.select %and3A_1287, %add3A_1288, %rem3A_1279 : i32
        %mul3A_1290 = arith.constant 16 : i32
        %mul3A_1291 = arith.muli %select_n3A_1289, %mul3A_1290 : i32
        %add3A_1292 = arith.addi %add3A_1273, %mul3A_1291 : i32
        %swap3A_1293 = arith.index_cast %add3A_1292 : i32 to index
        %swap3A_1294 = tpu.vector_load %arg30[%swap3A_1293] {strides = array<i32>} : memref<512xf32, #tpu.memory_space<vmem>>, vector<16xf32>,
        tpu.vector_store %arg30[%swap3A_1293], %add3A_1245 {strides = array<i32>} : memref<512xf32, #tpu.memory_space<vmem>>, vector<16xf32>,
        %broadcast_in_dim3A_1295 = arith.constant 0.000000e+00 : f32
        %broadcast_in_dim3A_1296 = vector.broadcast %broadcast_in_dim3A_1295 : f32 to vector<16xf32>
        %gather3A_1297 = tpu.vector_load_idx %arg17[%add3A_521] : memref<4096xf32, #tpu.memory_space<vmem>>[vector<16xi32>], vector<16xf32>,
        %gather3A_1298 = tpu.vector_load_idx %arg17[%add3A_524] : memref<4096xf32, #tpu.memory_space<vmem>>[vector<16xi32>], vector<16xf32>,
        %gather3A_1299 = tpu.vector_load_idx %arg17[%add3A_527] : memref<4096xf32, #tpu.memory_space<vmem>>[vector<16xi32>], vector<16xf32>,
        %gather3A_1300 = tpu.vector_load_idx %arg17[%add3A_530] : memref<4096xf32, #tpu.memory_space<vmem>>[vector<16xi32>], vector<16xf32>,
        %gather3A_1301 = tpu.vector_load_idx %arg17[%add3A_533] : memref<4096xf32, #tpu.memory_space<vmem>>[vector<16xi32>], vector<16xf32>,
        %gather3A_1302 = tpu.vector_load_idx %arg17[%add3A_536] : memref<4096xf32, #tpu.memory_space<vmem>>[vector<16xi32>], vector<16xf32>,
        %gather3A_1303 = tpu.vector_load_idx %arg17[%add3A_539] : memref<4096xf32, #tpu.memory_space<vmem>>[vector<16xi32>], vector<16xf32>,
        %gather3A_1304 = tpu.vector_load_idx %arg17[%add3A_542] : memref<4096xf32, #tpu.memory_space<vmem>>[vector<16xi32>], vector<16xf32>,
        %gather3A_1305 = tpu.vector_load_idx %arg17[%add3A_545] : memref<4096xf32, #tpu.memory_space<vmem>>[vector<16xi32>], vector<16xf32>,
        %gather3A_1306 = tpu.vector_load_idx %arg17[%add3A_548] : memref<4096xf32, #tpu.memory_space<vmem>>[vector<16xi32>], vector<16xf32>,
        %gather3A_1307 = tpu.vector_load_idx %arg17[%add3A_551] : memref<4096xf32, #tpu.memory_space<vmem>>[vector<16xi32>], vector<16xf32>,
        %gather3A_1308 = tpu.vector_load_idx %arg17[%add3A_554] : memref<4096xf32, #tpu.memory_space<vmem>>[vector<16xi32>], vector<16xf32>,
        %gather3A_1309 = tpu.vector_load_idx %arg17[%add3A_557] : memref<4096xf32, #tpu.memory_space<vmem>>[vector<16xi32>], vector<16xf32>,
        %gather3A_1310 = tpu.vector_load_idx %arg17[%add3A_560] : memref<4096xf32, #tpu.memory_space<vmem>>[vector<16xi32>], vector<16xf32>,
        %gather3A_1311 = tpu.vector_load_idx %arg17[%add3A_563] : memref<4096xf32, #tpu.memory_space<vmem>>[vector<16xi32>], vector<16xf32>,
        %gather3A_1312 = tpu.vector_load_idx %arg17[%add3A_566] : memref<4096xf32, #tpu.memory_space<vmem>>[vector<16xi32>], vector<16xf32>,
        %gt3A_1313 = arith.cmpf ogt, %gather3A_1298, %gather3A_1297 : vector<16xf32>
        %select_n3A_1314 = arith.select %gt3A_1313, %gather3A_1298, %gather3A_1297 : vector<16xi1>, vector<16xf32>
        %jit3A_1315 = arith.constant 1 : i32
        %jit3A_1316 = arith.constant 0 : i32
        %broadcast_in_dim3A_1317 = vector.broadcast %jit3A_1315 : i32 to vector<16xi32>
        %broadcast_in_dim3A_1318 = vector.broadcast %jit3A_1316 : i32 to vector<16xi32>
        %select_n3A_1319 = arith.select %gt3A_1313, %broadcast_in_dim3A_1317, %broadcast_in_dim3A_1318 : vector<16xi1>, vector<16xi32>
        %gt3A_1320 = arith.cmpf ogt, %gather3A_1300, %gather3A_1299 : vector<16xf32>
        %select_n3A_1321 = arith.select %gt3A_1320, %gather3A_1300, %gather3A_1299 : vector<16xi1>, vector<16xf32>
        %jit3A_1322 = arith.constant 3 : i32
        %jit3A_1323 = arith.constant 2 : i32
        %broadcast_in_dim3A_1324 = vector.broadcast %jit3A_1322 : i32 to vector<16xi32>
        %broadcast_in_dim3A_1325 = vector.broadcast %jit3A_1323 : i32 to vector<16xi32>
        %select_n3A_1326 = arith.select %gt3A_1320, %broadcast_in_dim3A_1324, %broadcast_in_dim3A_1325 : vector<16xi1>, vector<16xi32>
        %gt3A_1327 = arith.cmpf ogt, %gather3A_1302, %gather3A_1301 : vector<16xf32>
        %select_n3A_1328 = arith.select %gt3A_1327, %gather3A_1302, %gather3A_1301 : vector<16xi1>, vector<16xf32>
        %jit3A_1329 = arith.constant 5 : i32
        %jit3A_1330 = arith.constant 4 : i32
        %broadcast_in_dim3A_1331 = vector.broadcast %jit3A_1329 : i32 to vector<16xi32>
        %broadcast_in_dim3A_1332 = vector.broadcast %jit3A_1330 : i32 to vector<16xi32>
        %select_n3A_1333 = arith.select %gt3A_1327, %broadcast_in_dim3A_1331, %broadcast_in_dim3A_1332 : vector<16xi1>, vector<16xi32>
        %gt3A_1334 = arith.cmpf ogt, %gather3A_1304, %gather3A_1303 : vector<16xf32>
        %select_n3A_1335 = arith.select %gt3A_1334, %gather3A_1304, %gather3A_1303 : vector<16xi1>, vector<16xf32>
        %jit3A_1336 = arith.constant 7 : i32
        %jit3A_1337 = arith.constant 6 : i32
        %broadcast_in_dim3A_1338 = vector.broadcast %jit3A_1336 : i32 to vector<16xi32>
        %broadcast_in_dim3A_1339 = vector.broadcast %jit3A_1337 : i32 to vector<16xi32>
        %select_n3A_1340 = arith.select %gt3A_1334, %broadcast_in_dim3A_1338, %broadcast_in_dim3A_1339 : vector<16xi1>, vector<16xi32>
        %gt3A_1341 = arith.cmpf ogt, %gather3A_1306, %gather3A_1305 : vector<16xf32>
        %select_n3A_1342 = arith.select %gt3A_1341, %gather3A_1306, %gather3A_1305 : vector<16xi1>, vector<16xf32>
        %jit3A_1343 = arith.constant 9 : i32
        %jit3A_1344 = arith.constant 8 : i32
        %broadcast_in_dim3A_1345 = vector.broadcast %jit3A_1343 : i32 to vector<16xi32>
        %broadcast_in_dim3A_1346 = vector.broadcast %jit3A_1344 : i32 to vector<16xi32>
        %select_n3A_1347 = arith.select %gt3A_1341, %broadcast_in_dim3A_1345, %broadcast_in_dim3A_1346 : vector<16xi1>, vector<16xi32>
        %gt3A_1348 = arith.cmpf ogt, %gather3A_1308, %gather3A_1307 : vector<16xf32>
        %select_n3A_1349 = arith.select %gt3A_1348, %gather3A_1308, %gather3A_1307 : vector<16xi1>, vector<16xf32>
        %jit3A_1350 = arith.constant 11 : i32
        %jit3A_1351 = arith.constant 10 : i32
        %broadcast_in_dim3A_1352 = vector.broadcast %jit3A_1350 : i32 to vector<16xi32>
        %broadcast_in_dim3A_1353 = vector.broadcast %jit3A_1351 : i32 to vector<16xi32>
        %select_n3A_1354 = arith.select %gt3A_1348, %broadcast_in_dim3A_1352, %broadcast_in_dim3A_1353 : vector<16xi1>, vector<16xi32>
        %gt3A_1355 = arith.cmpf ogt, %gather3A_1310, %gather3A_1309 : vector<16xf32>
        %select_n3A_1356 = arith.select %gt3A_1355, %gather3A_1310, %gather3A_1309 : vector<16xi1>, vector<16xf32>
        %jit3A_1357 = arith.constant 13 : i32
        %jit3A_1358 = arith.constant 12 : i32
        %broadcast_in_dim3A_1359 = vector.broadcast %jit3A_1357 : i32 to vector<16xi32>
        %broadcast_in_dim3A_1360 = vector.broadcast %jit3A_1358 : i32 to vector<16xi32>
        %select_n3A_1361 = arith.select %gt3A_1355, %broadcast_in_dim3A_1359, %broadcast_in_dim3A_1360 : vector<16xi1>, vector<16xi32>
        %gt3A_1362 = arith.cmpf ogt, %gather3A_1312, %gather3A_1311 : vector<16xf32>
        %select_n3A_1363 = arith.select %gt3A_1362, %gather3A_1312, %gather3A_1311 : vector<16xi1>, vector<16xf32>
        %jit3A_1364 = arith.constant 15 : i32
        %jit3A_1365 = arith.constant 14 : i32
        %broadcast_in_dim3A_1366 = vector.broadcast %jit3A_1364 : i32 to vector<16xi32>
        %broadcast_in_dim3A_1367 = vector.broadcast %jit3A_1365 : i32 to vector<16xi32>
        %select_n3A_1368 = arith.select %gt3A_1362, %broadcast_in_dim3A_1366, %broadcast_in_dim3A_1367 : vector<16xi1>, vector<16xi32>
        %gt3A_1369 = arith.cmpf ogt, %select_n3A_1321, %select_n3A_1314 : vector<16xf32>
        %select_n3A_1370 = arith.select %gt3A_1369, %select_n3A_1321, %select_n3A_1314 : vector<16xi1>, vector<16xf32>
        %select_n3A_1371 = arith.select %gt3A_1369, %select_n3A_1326, %select_n3A_1319 : vector<16xi1>, vector<16xi32>
        %gt3A_1372 = arith.cmpf ogt, %select_n3A_1335, %select_n3A_1328 : vector<16xf32>
        %select_n3A_1373 = arith.select %gt3A_1372, %select_n3A_1335, %select_n3A_1328 : vector<16xi1>, vector<16xf32>
        %select_n3A_1374 = arith.select %gt3A_1372, %select_n3A_1340, %select_n3A_1333 : vector<16xi1>, vector<16xi32>
        %gt3A_1375 = arith.cmpf ogt, %select_n3A_1349, %select_n3A_1342 : vector<16xf32>
        %select_n3A_1376 = arith.select %gt3A_1375, %select_n3A_1349, %select_n3A_1342 : vector<16xi1>, vector<16xf32>
        %select_n3A_1377 = arith.select %gt3A_1375, %select_n3A_1354, %select_n3A_1347 : vector<16xi1>, vector<16xi32>
        %gt3A_1378 = arith.cmpf ogt, %select_n3A_1363, %select_n3A_1356 : vector<16xf32>
        %select_n3A_1379 = arith.select %gt3A_1378, %select_n3A_1363, %select_n3A_1356 : vector<16xi1>, vector<16xf32>
        %select_n3A_1380 = arith.select %gt3A_1378, %select_n3A_1368, %select_n3A_1361 : vector<16xi1>, vector<16xi32>
        %gt3A_1381 = arith.cmpf ogt, %select_n3A_1373, %select_n3A_1370 : vector<16xf32>
        %select_n3A_1382 = arith.select %gt3A_1381, %select_n3A_1373, %select_n3A_1370 : vector<16xi1>, vector<16xf32>
        %select_n3A_1383 = arith.select %gt3A_1381, %select_n3A_1374, %select_n3A_1371 : vector<16xi1>, vector<16xi32>
        %gt3A_1384 = arith.cmpf ogt, %select_n3A_1379, %select_n3A_1376 : vector<16xf32>
        %select_n3A_1385 = arith.select %gt3A_1384, %select_n3A_1379, %select_n3A_1376 : vector<16xi1>, vector<16xf32>
        %select_n3A_1386 = arith.select %gt3A_1384, %select_n3A_1380, %select_n3A_1377 : vector<16xi1>, vector<16xi32>
        %gt3A_1387 = arith.cmpf ogt, %select_n3A_1385, %select_n3A_1382 : vector<16xf32>
        %select_n3A_1388 = arith.select %gt3A_1387, %select_n3A_1385, %select_n3A_1382 : vector<16xi1>, vector<16xf32>
        %select_n3A_1389 = arith.select %gt3A_1387, %select_n3A_1386, %select_n3A_1383 : vector<16xi1>, vector<16xi32>
        %eq3A_1390 = arith.constant 0 : i32
        %eq3A_1391 = vector.broadcast %eq3A_1390 : i32 to vector<16xi32>
        %eq3A_1392 = arith.cmpi eq, %select_n3A_1389, %eq3A_1391 : vector<16xi32>
        %jit3A_1393 = arith.constant 1.000000e+00 : f32
        %jit3A_1394 = arith.constant 0.000000e+00 : f32
        %broadcast_in_dim3A_1395 = vector.broadcast %jit3A_1393 : f32 to vector<16xf32>
        %broadcast_in_dim3A_1396 = vector.broadcast %jit3A_1394 : f32 to vector<16xf32>
        %select_n3A_1397 = arith.select %eq3A_1392, %broadcast_in_dim3A_1395, %broadcast_in_dim3A_1396 : vector<16xi1>, vector<16xf32>
        %add3A_1398 = arith.constant 0 : i32
        %add3A_1399 = arith.addi %add3A_1398, %add3A_518 : i32
        %swap3A_1400 = arith.index_cast %add3A_1399 : i32 to index
        %swap3A_1401 = tpu.vector_load %arg28[%swap3A_1400] {strides = array<i32>} : memref<4096xf32, #tpu.memory_space<vmem>>, vector<16xf32>,
        tpu.vector_store %arg28[%swap3A_1400], %select_n3A_1397 {strides = array<i32>} : memref<4096xf32, #tpu.memory_space<vmem>>, vector<16xf32>,
        %eq3A_1402 = arith.constant 1 : i32
        %eq3A_1403 = vector.broadcast %eq3A_1402 : i32 to vector<16xi32>
        %eq3A_1404 = arith.cmpi eq, %select_n3A_1389, %eq3A_1403 : vector<16xi32>
        %jit3A_1405 = arith.constant 1.000000e+00 : f32
        %jit3A_1406 = arith.constant 0.000000e+00 : f32
        %broadcast_in_dim3A_1407 = vector.broadcast %jit3A_1405 : f32 to vector<16xf32>
        %broadcast_in_dim3A_1408 = vector.broadcast %jit3A_1406 : f32 to vector<16xf32>
        %select_n3A_1409 = arith.select %eq3A_1404, %broadcast_in_dim3A_1407, %broadcast_in_dim3A_1408 : vector<16xi1>, vector<16xf32>
        %add3A_1410 = arith.constant 128 : i32
        %add3A_1411 = arith.addi %add3A_1410, %add3A_518 : i32
        %swap3A_1412 = arith.index_cast %add3A_1411 : i32 to index
        %swap3A_1413 = tpu.vector_load %arg28[%swap3A_1412] {strides = array<i32>} : memref<4096xf32, #tpu.memory_space<vmem>>, vector<16xf32>,
        tpu.vector_store %arg28[%swap3A_1412], %select_n3A_1409 {strides = array<i32>} : memref<4096xf32, #tpu.memory_space<vmem>>, vector<16xf32>,
        %eq3A_1414 = arith.constant 2 : i32
        %eq3A_1415 = vector.broadcast %eq3A_1414 : i32 to vector<16xi32>
        %eq3A_1416 = arith.cmpi eq, %select_n3A_1389, %eq3A_1415 : vector<16xi32>
        %jit3A_1417 = arith.constant 1.000000e+00 : f32
        %jit3A_1418 = arith.constant 0.000000e+00 : f32
        %broadcast_in_dim3A_1419 = vector.broadcast %jit3A_1417 : f32 to vector<16xf32>
        %broadcast_in_dim3A_1420 = vector.broadcast %jit3A_1418 : f32 to vector<16xf32>
        %select_n3A_1421 = arith.select %eq3A_1416, %broadcast_in_dim3A_1419, %broadcast_in_dim3A_1420 : vector<16xi1>, vector<16xf32>
        %add3A_1422 = arith.constant 256 : i32
        %add3A_1423 = arith.addi %add3A_1422, %add3A_518 : i32
        %swap3A_1424 = arith.index_cast %add3A_1423 : i32 to index
        %swap3A_1425 = tpu.vector_load %arg28[%swap3A_1424] {strides = array<i32>} : memref<4096xf32, #tpu.memory_space<vmem>>, vector<16xf32>,
        tpu.vector_store %arg28[%swap3A_1424], %select_n3A_1421 {strides = array<i32>} : memref<4096xf32, #tpu.memory_space<vmem>>, vector<16xf32>,
        %eq3A_1426 = arith.constant 3 : i32
        %eq3A_1427 = vector.broadcast %eq3A_1426 : i32 to vector<16xi32>
        %eq3A_1428 = arith.cmpi eq, %select_n3A_1389, %eq3A_1427 : vector<16xi32>
        %jit3A_1429 = arith.constant 1.000000e+00 : f32
        %jit3A_1430 = arith.constant 0.000000e+00 : f32
        %broadcast_in_dim3A_1431 = vector.broadcast %jit3A_1429 : f32 to vector<16xf32>
        %broadcast_in_dim3A_1432 = vector.broadcast %jit3A_1430 : f32 to vector<16xf32>
        %select_n3A_1433 = arith.select %eq3A_1428, %broadcast_in_dim3A_1431, %broadcast_in_dim3A_1432 : vector<16xi1>, vector<16xf32>
        %add3A_1434 = arith.constant 384 : i32
        %add3A_1435 = arith.addi %add3A_1434, %add3A_518 : i32
        %swap3A_1436 = arith.index_cast %add3A_1435 : i32 to index
        %swap3A_1437 = tpu.vector_load %arg28[%swap3A_1436] {strides = array<i32>} : memref<4096xf32, #tpu.memory_space<vmem>>, vector<16xf32>,
        tpu.vector_store %arg28[%swap3A_1436], %select_n3A_1433 {strides = array<i32>} : memref<4096xf32, #tpu.memory_space<vmem>>, vector<16xf32>,
        %eq3A_1438 = arith.constant 4 : i32
        %eq3A_1439 = vector.broadcast %eq3A_1438 : i32 to vector<16xi32>
        %eq3A_1440 = arith.cmpi eq, %select_n3A_1389, %eq3A_1439 : vector<16xi32>
        %jit3A_1441 = arith.constant 1.000000e+00 : f32
        %jit3A_1442 = arith.constant 0.000000e+00 : f32
        %broadcast_in_dim3A_1443 = vector.broadcast %jit3A_1441 : f32 to vector<16xf32>
        %broadcast_in_dim3A_1444 = vector.broadcast %jit3A_1442 : f32 to vector<16xf32>
        %select_n3A_1445 = arith.select %eq3A_1440, %broadcast_in_dim3A_1443, %broadcast_in_dim3A_1444 : vector<16xi1>, vector<16xf32>
        %add3A_1446 = arith.constant 512 : i32
        %add3A_1447 = arith.addi %add3A_1446, %add3A_518 : i32
        %swap3A_1448 = arith.index_cast %add3A_1447 : i32 to index
        %swap3A_1449 = tpu.vector_load %arg28[%swap3A_1448] {strides = array<i32>} : memref<4096xf32, #tpu.memory_space<vmem>>, vector<16xf32>,
        tpu.vector_store %arg28[%swap3A_1448], %select_n3A_1445 {strides = array<i32>} : memref<4096xf32, #tpu.memory_space<vmem>>, vector<16xf32>,
        %eq3A_1450 = arith.constant 5 : i32
        %eq3A_1451 = vector.broadcast %eq3A_1450 : i32 to vector<16xi32>
        %eq3A_1452 = arith.cmpi eq, %select_n3A_1389, %eq3A_1451 : vector<16xi32>
        %jit3A_1453 = arith.constant 1.000000e+00 : f32
        %jit3A_1454 = arith.constant 0.000000e+00 : f32
        %broadcast_in_dim3A_1455 = vector.broadcast %jit3A_1453 : f32 to vector<16xf32>
        %broadcast_in_dim3A_1456 = vector.broadcast %jit3A_1454 : f32 to vector<16xf32>
        %select_n3A_1457 = arith.select %eq3A_1452, %broadcast_in_dim3A_1455, %broadcast_in_dim3A_1456 : vector<16xi1>, vector<16xf32>
        %add3A_1458 = arith.constant 640 : i32
        %add3A_1459 = arith.addi %add3A_1458, %add3A_518 : i32
        %swap3A_1460 = arith.index_cast %add3A_1459 : i32 to index
        %swap3A_1461 = tpu.vector_load %arg28[%swap3A_1460] {strides = array<i32>} : memref<4096xf32, #tpu.memory_space<vmem>>, vector<16xf32>,
        tpu.vector_store %arg28[%swap3A_1460], %select_n3A_1457 {strides = array<i32>} : memref<4096xf32, #tpu.memory_space<vmem>>, vector<16xf32>,
        %eq3A_1462 = arith.constant 6 : i32
        %eq3A_1463 = vector.broadcast %eq3A_1462 : i32 to vector<16xi32>
        %eq3A_1464 = arith.cmpi eq, %select_n3A_1389, %eq3A_1463 : vector<16xi32>
        %jit3A_1465 = arith.constant 1.000000e+00 : f32
        %jit3A_1466 = arith.constant 0.000000e+00 : f32
        %broadcast_in_dim3A_1467 = vector.broadcast %jit3A_1465 : f32 to vector<16xf32>
        %broadcast_in_dim3A_1468 = vector.broadcast %jit3A_1466 : f32 to vector<16xf32>
        %select_n3A_1469 = arith.select %eq3A_1464, %broadcast_in_dim3A_1467, %broadcast_in_dim3A_1468 : vector<16xi1>, vector<16xf32>
        %add3A_1470 = arith.constant 768 : i32
        %add3A_1471 = arith.addi %add3A_1470, %add3A_518 : i32
        %swap3A_1472 = arith.index_cast %add3A_1471 : i32 to index
        %swap3A_1473 = tpu.vector_load %arg28[%swap3A_1472] {strides = array<i32>} : memref<4096xf32, #tpu.memory_space<vmem>>, vector<16xf32>,
        tpu.vector_store %arg28[%swap3A_1472], %select_n3A_1469 {strides = array<i32>} : memref<4096xf32, #tpu.memory_space<vmem>>, vector<16xf32>,
        %eq3A_1474 = arith.constant 7 : i32
        %eq3A_1475 = vector.broadcast %eq3A_1474 : i32 to vector<16xi32>
        %eq3A_1476 = arith.cmpi eq, %select_n3A_1389, %eq3A_1475 : vector<16xi32>
        %jit3A_1477 = arith.constant 1.000000e+00 : f32
        %jit3A_1478 = arith.constant 0.000000e+00 : f32
        %broadcast_in_dim3A_1479 = vector.broadcast %jit3A_1477 : f32 to vector<16xf32>
        %broadcast_in_dim3A_1480 = vector.broadcast %jit3A_1478 : f32 to vector<16xf32>
        %select_n3A_1481 = arith.select %eq3A_1476, %broadcast_in_dim3A_1479, %broadcast_in_dim3A_1480 : vector<16xi1>, vector<16xf32>
        %add3A_1482 = arith.constant 896 : i32
        %add3A_1483 = arith.addi %add3A_1482, %add3A_518 : i32
        %swap3A_1484 = arith.index_cast %add3A_1483 : i32 to index
        %swap3A_1485 = tpu.vector_load %arg28[%swap3A_1484] {strides = array<i32>} : memref<4096xf32, #tpu.memory_space<vmem>>, vector<16xf32>,
        tpu.vector_store %arg28[%swap3A_1484], %select_n3A_1481 {strides = array<i32>} : memref<4096xf32, #tpu.memory_space<vmem>>, vector<16xf32>,
        %eq3A_1486 = arith.constant 8 : i32
        %eq3A_1487 = vector.broadcast %eq3A_1486 : i32 to vector<16xi32>
        %eq3A_1488 = arith.cmpi eq, %select_n3A_1389, %eq3A_1487 : vector<16xi32>
        %jit3A_1489 = arith.constant 1.000000e+00 : f32
        %jit3A_1490 = arith.constant 0.000000e+00 : f32
        %broadcast_in_dim3A_1491 = vector.broadcast %jit3A_1489 : f32 to vector<16xf32>
        %broadcast_in_dim3A_1492 = vector.broadcast %jit3A_1490 : f32 to vector<16xf32>
        %select_n3A_1493 = arith.select %eq3A_1488, %broadcast_in_dim3A_1491, %broadcast_in_dim3A_1492 : vector<16xi1>, vector<16xf32>
        %add3A_1494 = arith.constant 2048 : i32
        %add3A_1495 = arith.addi %add3A_1494, %add3A_518 : i32
        %swap3A_1496 = arith.index_cast %add3A_1495 : i32 to index
        %swap3A_1497 = tpu.vector_load %arg28[%swap3A_1496] {strides = array<i32>} : memref<4096xf32, #tpu.memory_space<vmem>>, vector<16xf32>,
        tpu.vector_store %arg28[%swap3A_1496], %select_n3A_1493 {strides = array<i32>} : memref<4096xf32, #tpu.memory_space<vmem>>, vector<16xf32>,
        %eq3A_1498 = arith.constant 9 : i32
        %eq3A_1499 = vector.broadcast %eq3A_1498 : i32 to vector<16xi32>
        %eq3A_1500 = arith.cmpi eq, %select_n3A_1389, %eq3A_1499 : vector<16xi32>
        %jit3A_1501 = arith.constant 1.000000e+00 : f32
        %jit3A_1502 = arith.constant 0.000000e+00 : f32
        %broadcast_in_dim3A_1503 = vector.broadcast %jit3A_1501 : f32 to vector<16xf32>
        %broadcast_in_dim3A_1504 = vector.broadcast %jit3A_1502 : f32 to vector<16xf32>
        %select_n3A_1505 = arith.select %eq3A_1500, %broadcast_in_dim3A_1503, %broadcast_in_dim3A_1504 : vector<16xi1>, vector<16xf32>
        %add3A_1506 = arith.constant 2176 : i32
        %add3A_1507 = arith.addi %add3A_1506, %add3A_518 : i32
        %swap3A_1508 = arith.index_cast %add3A_1507 : i32 to index
        %swap3A_1509 = tpu.vector_load %arg28[%swap3A_1508] {strides = array<i32>} : memref<4096xf32, #tpu.memory_space<vmem>>, vector<16xf32>,
        tpu.vector_store %arg28[%swap3A_1508], %select_n3A_1505 {strides = array<i32>} : memref<4096xf32, #tpu.memory_space<vmem>>, vector<16xf32>,
        %eq3A_1510 = arith.constant 10 : i32
        %eq3A_1511 = vector.broadcast %eq3A_1510 : i32 to vector<16xi32>
        %eq3A_1512 = arith.cmpi eq, %select_n3A_1389, %eq3A_1511 : vector<16xi32>
        %jit3A_1513 = arith.constant 1.000000e+00 : f32
        %jit3A_1514 = arith.constant 0.000000e+00 : f32
        %broadcast_in_dim3A_1515 = vector.broadcast %jit3A_1513 : f32 to vector<16xf32>
        %broadcast_in_dim3A_1516 = vector.broadcast %jit3A_1514 : f32 to vector<16xf32>
        %select_n3A_1517 = arith.select %eq3A_1512, %broadcast_in_dim3A_1515, %broadcast_in_dim3A_1516 : vector<16xi1>, vector<16xf32>
        %add3A_1518 = arith.constant 2304 : i32
        %add3A_1519 = arith.addi %add3A_1518, %add3A_518 : i32
        %swap3A_1520 = arith.index_cast %add3A_1519 : i32 to index
        %swap3A_1521 = tpu.vector_load %arg28[%swap3A_1520] {strides = array<i32>} : memref<4096xf32, #tpu.memory_space<vmem>>, vector<16xf32>,
        tpu.vector_store %arg28[%swap3A_1520], %select_n3A_1517 {strides = array<i32>} : memref<4096xf32, #tpu.memory_space<vmem>>, vector<16xf32>,
        %eq3A_1522 = arith.constant 11 : i32
        %eq3A_1523 = vector.broadcast %eq3A_1522 : i32 to vector<16xi32>
        %eq3A_1524 = arith.cmpi eq, %select_n3A_1389, %eq3A_1523 : vector<16xi32>
        %jit3A_1525 = arith.constant 1.000000e+00 : f32
        %jit3A_1526 = arith.constant 0.000000e+00 : f32
        %broadcast_in_dim3A_1527 = vector.broadcast %jit3A_1525 : f32 to vector<16xf32>
        %broadcast_in_dim3A_1528 = vector.broadcast %jit3A_1526 : f32 to vector<16xf32>
        %select_n3A_1529 = arith.select %eq3A_1524, %broadcast_in_dim3A_1527, %broadcast_in_dim3A_1528 : vector<16xi1>, vector<16xf32>
        %add3A_1530 = arith.constant 2432 : i32
        %add3A_1531 = arith.addi %add3A_1530, %add3A_518 : i32
        %swap3A_1532 = arith.index_cast %add3A_1531 : i32 to index
        %swap3A_1533 = tpu.vector_load %arg28[%swap3A_1532] {strides = array<i32>} : memref<4096xf32, #tpu.memory_space<vmem>>, vector<16xf32>,
        tpu.vector_store %arg28[%swap3A_1532], %select_n3A_1529 {strides = array<i32>} : memref<4096xf32, #tpu.memory_space<vmem>>, vector<16xf32>,
        %eq3A_1534 = arith.constant 12 : i32
        %eq3A_1535 = vector.broadcast %eq3A_1534 : i32 to vector<16xi32>
        %eq3A_1536 = arith.cmpi eq, %select_n3A_1389, %eq3A_1535 : vector<16xi32>
        %jit3A_1537 = arith.constant 1.000000e+00 : f32
        %jit3A_1538 = arith.constant 0.000000e+00 : f32
        %broadcast_in_dim3A_1539 = vector.broadcast %jit3A_1537 : f32 to vector<16xf32>
        %broadcast_in_dim3A_1540 = vector.broadcast %jit3A_1538 : f32 to vector<16xf32>
        %select_n3A_1541 = arith.select %eq3A_1536, %broadcast_in_dim3A_1539, %broadcast_in_dim3A_1540 : vector<16xi1>, vector<16xf32>
        %add3A_1542 = arith.constant 2560 : i32
        %add3A_1543 = arith.addi %add3A_1542, %add3A_518 : i32
        %swap3A_1544 = arith.index_cast %add3A_1543 : i32 to index
        %swap3A_1545 = tpu.vector_load %arg28[%swap3A_1544] {strides = array<i32>} : memref<4096xf32, #tpu.memory_space<vmem>>, vector<16xf32>,
        tpu.vector_store %arg28[%swap3A_1544], %select_n3A_1541 {strides = array<i32>} : memref<4096xf32, #tpu.memory_space<vmem>>, vector<16xf32>,
        %eq3A_1546 = arith.constant 13 : i32
        %eq3A_1547 = vector.broadcast %eq3A_1546 : i32 to vector<16xi32>
        %eq3A_1548 = arith.cmpi eq, %select_n3A_1389, %eq3A_1547 : vector<16xi32>
        %jit3A_1549 = arith.constant 1.000000e+00 : f32
        %jit3A_1550 = arith.constant 0.000000e+00 : f32
        %broadcast_in_dim3A_1551 = vector.broadcast %jit3A_1549 : f32 to vector<16xf32>
        %broadcast_in_dim3A_1552 = vector.broadcast %jit3A_1550 : f32 to vector<16xf32>
        %select_n3A_1553 = arith.select %eq3A_1548, %broadcast_in_dim3A_1551, %broadcast_in_dim3A_1552 : vector<16xi1>, vector<16xf32>
        %add3A_1554 = arith.constant 2688 : i32
        %add3A_1555 = arith.addi %add3A_1554, %add3A_518 : i32
        %swap3A_1556 = arith.index_cast %add3A_1555 : i32 to index
        %swap3A_1557 = tpu.vector_load %arg28[%swap3A_1556] {strides = array<i32>} : memref<4096xf32, #tpu.memory_space<vmem>>, vector<16xf32>,
        tpu.vector_store %arg28[%swap3A_1556], %select_n3A_1553 {strides = array<i32>} : memref<4096xf32, #tpu.memory_space<vmem>>, vector<16xf32>,
        %eq3A_1558 = arith.constant 14 : i32
        %eq3A_1559 = vector.broadcast %eq3A_1558 : i32 to vector<16xi32>
        %eq3A_1560 = arith.cmpi eq, %select_n3A_1389, %eq3A_1559 : vector<16xi32>
        %jit3A_1561 = arith.constant 1.000000e+00 : f32
        %jit3A_1562 = arith.constant 0.000000e+00 : f32
        %broadcast_in_dim3A_1563 = vector.broadcast %jit3A_1561 : f32 to vector<16xf32>
        %broadcast_in_dim3A_1564 = vector.broadcast %jit3A_1562 : f32 to vector<16xf32>
        %select_n3A_1565 = arith.select %eq3A_1560, %broadcast_in_dim3A_1563, %broadcast_in_dim3A_1564 : vector<16xi1>, vector<16xf32>
        %add3A_1566 = arith.constant 2816 : i32
        %add3A_1567 = arith.addi %add3A_1566, %add3A_518 : i32
        %swap3A_1568 = arith.index_cast %add3A_1567 : i32 to index
        %swap3A_1569 = tpu.vector_load %arg28[%swap3A_1568] {strides = array<i32>} : memref<4096xf32, #tpu.memory_space<vmem>>, vector<16xf32>,
        tpu.vector_store %arg28[%swap3A_1568], %select_n3A_1565 {strides = array<i32>} : memref<4096xf32, #tpu.memory_space<vmem>>, vector<16xf32>,
        %eq3A_1570 = arith.constant 15 : i32
        %eq3A_1571 = vector.broadcast %eq3A_1570 : i32 to vector<16xi32>
        %eq3A_1572 = arith.cmpi eq, %select_n3A_1389, %eq3A_1571 : vector<16xi32>
        %jit3A_1573 = arith.constant 1.000000e+00 : f32
        %jit3A_1574 = arith.constant 0.000000e+00 : f32
        %broadcast_in_dim3A_1575 = vector.broadcast %jit3A_1573 : f32 to vector<16xf32>
        %broadcast_in_dim3A_1576 = vector.broadcast %jit3A_1574 : f32 to vector<16xf32>
        %select_n3A_1577 = arith.select %eq3A_1572, %broadcast_in_dim3A_1575, %broadcast_in_dim3A_1576 : vector<16xi1>, vector<16xf32>
        %add3A_1578 = arith.constant 2944 : i32
        %add3A_1579 = arith.addi %add3A_1578, %add3A_518 : i32
        %swap3A_1580 = arith.index_cast %add3A_1579 : i32 to index
        %swap3A_1581 = tpu.vector_load %arg28[%swap3A_1580] {strides = array<i32>} : memref<4096xf32, #tpu.memory_space<vmem>>, vector<16xf32>,
        tpu.vector_store %arg28[%swap3A_1580], %select_n3A_1577 {strides = array<i32>} : memref<4096xf32, #tpu.memory_space<vmem>>, vector<16xf32>,
        %add3A_1582 = arith.constant 32 : i32
        %add3A_1583 = vector.broadcast %add3A_1582 : i32 to vector<16xi32>
        %add3A_1584 = arith.addi %select_n3A_1389, %add3A_1583 : vector<16xi32>
        %gather3A_1585 = tpu.vector_load_idx %arg20[%add3A_1584] : memref<64xf32, #tpu.memory_space<vmem>>[vector<16xi32>], vector<16xf32>,
        %gather3A_1586 = tpu.vector_load_idx %arg19[%select_n3A_1389, %add3A_478] : memref<16x256xf32, #tpu.memory_space<vmem>>[vector<16xi32>, vector<16xi32>], vector<16xf32>,
        %mul3A_1587 = arith.mulf %gather3A_1585, %gather3A_1586 : vector<16xf32>
        %add3A_1588 = arith.addf %broadcast_in_dim3A_1296, %mul3A_1587 : vector<16xf32>
        %gather3A_1589 = tpu.vector_load_idx %arg18[%add3A_521] : memref<4096xf32, #tpu.memory_space<vmem>>[vector<16xi32>], vector<16xf32>,
        %eq3A_1590 = arith.constant 0 : i32
        %eq3A_1591 = vector.broadcast %eq3A_1590 : i32 to vector<16xi32>
        %eq3A_1592 = arith.cmpi eq, %select_n3A_1389, %eq3A_1591 : vector<16xi32>
        %jit3A_1593 = arith.constant -1.000000e+09 : f32
        %broadcast_in_dim3A_1594 = vector.broadcast %jit3A_1593 : f32 to vector<16xf32>
        %select_n3A_1595 = arith.select %eq3A_1592, %broadcast_in_dim3A_1594, %gather3A_1589 : vector<16xi1>, vector<16xf32>
        %gather3A_1596 = tpu.vector_load_idx %arg18[%add3A_524] : memref<4096xf32, #tpu.memory_space<vmem>>[vector<16xi32>], vector<16xf32>,
        %eq3A_1597 = arith.constant 1 : i32
        %eq3A_1598 = vector.broadcast %eq3A_1597 : i32 to vector<16xi32>
        %eq3A_1599 = arith.cmpi eq, %select_n3A_1389, %eq3A_1598 : vector<16xi32>
        %jit3A_1600 = arith.constant -1.000000e+09 : f32
        %broadcast_in_dim3A_1601 = vector.broadcast %jit3A_1600 : f32 to vector<16xf32>
        %select_n3A_1602 = arith.select %eq3A_1599, %broadcast_in_dim3A_1601, %gather3A_1596 : vector<16xi1>, vector<16xf32>
        %gather3A_1603 = tpu.vector_load_idx %arg18[%add3A_527] : memref<4096xf32, #tpu.memory_space<vmem>>[vector<16xi32>], vector<16xf32>,
        %eq3A_1604 = arith.constant 2 : i32
        %eq3A_1605 = vector.broadcast %eq3A_1604 : i32 to vector<16xi32>
        %eq3A_1606 = arith.cmpi eq, %select_n3A_1389, %eq3A_1605 : vector<16xi32>
        %jit3A_1607 = arith.constant -1.000000e+09 : f32
        %broadcast_in_dim3A_1608 = vector.broadcast %jit3A_1607 : f32 to vector<16xf32>
        %select_n3A_1609 = arith.select %eq3A_1606, %broadcast_in_dim3A_1608, %gather3A_1603 : vector<16xi1>, vector<16xf32>
        %gather3A_1610 = tpu.vector_load_idx %arg18[%add3A_530] : memref<4096xf32, #tpu.memory_space<vmem>>[vector<16xi32>], vector<16xf32>,
        %eq3A_1611 = arith.constant 3 : i32
        %eq3A_1612 = vector.broadcast %eq3A_1611 : i32 to vector<16xi32>
        %eq3A_1613 = arith.cmpi eq, %select_n3A_1389, %eq3A_1612 : vector<16xi32>
        %jit3A_1614 = arith.constant -1.000000e+09 : f32
        %broadcast_in_dim3A_1615 = vector.broadcast %jit3A_1614 : f32 to vector<16xf32>
        %select_n3A_1616 = arith.select %eq3A_1613, %broadcast_in_dim3A_1615, %gather3A_1610 : vector<16xi1>, vector<16xf32>
        %gather3A_1617 = tpu.vector_load_idx %arg18[%add3A_533] : memref<4096xf32, #tpu.memory_space<vmem>>[vector<16xi32>], vector<16xf32>,
        %eq3A_1618 = arith.constant 4 : i32
        %eq3A_1619 = vector.broadcast %eq3A_1618 : i32 to vector<16xi32>
        %eq3A_1620 = arith.cmpi eq, %select_n3A_1389, %eq3A_1619 : vector<16xi32>
        %jit3A_1621 = arith.constant -1.000000e+09 : f32
        %broadcast_in_dim3A_1622 = vector.broadcast %jit3A_1621 : f32 to vector<16xf32>
        %select_n3A_1623 = arith.select %eq3A_1620, %broadcast_in_dim3A_1622, %gather3A_1617 : vector<16xi1>, vector<16xf32>
        %gather3A_1624 = tpu.vector_load_idx %arg18[%add3A_536] : memref<4096xf32, #tpu.memory_space<vmem>>[vector<16xi32>], vector<16xf32>,
        %eq3A_1625 = arith.constant 5 : i32
        %eq3A_1626 = vector.broadcast %eq3A_1625 : i32 to vector<16xi32>
        %eq3A_1627 = arith.cmpi eq, %select_n3A_1389, %eq3A_1626 : vector<16xi32>
        %jit3A_1628 = arith.constant -1.000000e+09 : f32
        %broadcast_in_dim3A_1629 = vector.broadcast %jit3A_1628 : f32 to vector<16xf32>
        %select_n3A_1630 = arith.select %eq3A_1627, %broadcast_in_dim3A_1629, %gather3A_1624 : vector<16xi1>, vector<16xf32>
        %gather3A_1631 = tpu.vector_load_idx %arg18[%add3A_539] : memref<4096xf32, #tpu.memory_space<vmem>>[vector<16xi32>], vector<16xf32>,
        %eq3A_1632 = arith.constant 6 : i32
        %eq3A_1633 = vector.broadcast %eq3A_1632 : i32 to vector<16xi32>
        %eq3A_1634 = arith.cmpi eq, %select_n3A_1389, %eq3A_1633 : vector<16xi32>
        %jit3A_1635 = arith.constant -1.000000e+09 : f32
        %broadcast_in_dim3A_1636 = vector.broadcast %jit3A_1635 : f32 to vector<16xf32>
        %select_n3A_1637 = arith.select %eq3A_1634, %broadcast_in_dim3A_1636, %gather3A_1631 : vector<16xi1>, vector<16xf32>
        %gather3A_1638 = tpu.vector_load_idx %arg18[%add3A_542] : memref<4096xf32, #tpu.memory_space<vmem>>[vector<16xi32>], vector<16xf32>,
        %eq3A_1639 = arith.constant 7 : i32
        %eq3A_1640 = vector.broadcast %eq3A_1639 : i32 to vector<16xi32>
        %eq3A_1641 = arith.cmpi eq, %select_n3A_1389, %eq3A_1640 : vector<16xi32>
        %jit3A_1642 = arith.constant -1.000000e+09 : f32
        %broadcast_in_dim3A_1643 = vector.broadcast %jit3A_1642 : f32 to vector<16xf32>
        %select_n3A_1644 = arith.select %eq3A_1641, %broadcast_in_dim3A_1643, %gather3A_1638 : vector<16xi1>, vector<16xf32>
        %gather3A_1645 = tpu.vector_load_idx %arg18[%add3A_545] : memref<4096xf32, #tpu.memory_space<vmem>>[vector<16xi32>], vector<16xf32>,
        %eq3A_1646 = arith.constant 8 : i32
        %eq3A_1647 = vector.broadcast %eq3A_1646 : i32 to vector<16xi32>
        %eq3A_1648 = arith.cmpi eq, %select_n3A_1389, %eq3A_1647 : vector<16xi32>
        %jit3A_1649 = arith.constant -1.000000e+09 : f32
        %broadcast_in_dim3A_1650 = vector.broadcast %jit3A_1649 : f32 to vector<16xf32>
        %select_n3A_1651 = arith.select %eq3A_1648, %broadcast_in_dim3A_1650, %gather3A_1645 : vector<16xi1>, vector<16xf32>
        %gather3A_1652 = tpu.vector_load_idx %arg18[%add3A_548] : memref<4096xf32, #tpu.memory_space<vmem>>[vector<16xi32>], vector<16xf32>,
        %eq3A_1653 = arith.constant 9 : i32
        %eq3A_1654 = vector.broadcast %eq3A_1653 : i32 to vector<16xi32>
        %eq3A_1655 = arith.cmpi eq, %select_n3A_1389, %eq3A_1654 : vector<16xi32>
        %jit3A_1656 = arith.constant -1.000000e+09 : f32
        %broadcast_in_dim3A_1657 = vector.broadcast %jit3A_1656 : f32 to vector<16xf32>
        %select_n3A_1658 = arith.select %eq3A_1655, %broadcast_in_dim3A_1657, %gather3A_1652 : vector<16xi1>, vector<16xf32>
        %gather3A_1659 = tpu.vector_load_idx %arg18[%add3A_551] : memref<4096xf32, #tpu.memory_space<vmem>>[vector<16xi32>], vector<16xf32>,
        %eq3A_1660 = arith.constant 10 : i32
        %eq3A_1661 = vector.broadcast %eq3A_1660 : i32 to vector<16xi32>
        %eq3A_1662 = arith.cmpi eq, %select_n3A_1389, %eq3A_1661 : vector<16xi32>
        %jit3A_1663 = arith.constant -1.000000e+09 : f32
        %broadcast_in_dim3A_1664 = vector.broadcast %jit3A_1663 : f32 to vector<16xf32>
        %select_n3A_1665 = arith.select %eq3A_1662, %broadcast_in_dim3A_1664, %gather3A_1659 : vector<16xi1>, vector<16xf32>
        %gather3A_1666 = tpu.vector_load_idx %arg18[%add3A_554] : memref<4096xf32, #tpu.memory_space<vmem>>[vector<16xi32>], vector<16xf32>,
        %eq3A_1667 = arith.constant 11 : i32
        %eq3A_1668 = vector.broadcast %eq3A_1667 : i32 to vector<16xi32>
        %eq3A_1669 = arith.cmpi eq, %select_n3A_1389, %eq3A_1668 : vector<16xi32>
        %jit3A_1670 = arith.constant -1.000000e+09 : f32
        %broadcast_in_dim3A_1671 = vector.broadcast %jit3A_1670 : f32 to vector<16xf32>
        %select_n3A_1672 = arith.select %eq3A_1669, %broadcast_in_dim3A_1671, %gather3A_1666 : vector<16xi1>, vector<16xf32>
        %gather3A_1673 = tpu.vector_load_idx %arg18[%add3A_557] : memref<4096xf32, #tpu.memory_space<vmem>>[vector<16xi32>], vector<16xf32>,
        %eq3A_1674 = arith.constant 12 : i32
        %eq3A_1675 = vector.broadcast %eq3A_1674 : i32 to vector<16xi32>
        %eq3A_1676 = arith.cmpi eq, %select_n3A_1389, %eq3A_1675 : vector<16xi32>
        %jit3A_1677 = arith.constant -1.000000e+09 : f32
        %broadcast_in_dim3A_1678 = vector.broadcast %jit3A_1677 : f32 to vector<16xf32>
        %select_n3A_1679 = arith.select %eq3A_1676, %broadcast_in_dim3A_1678, %gather3A_1673 : vector<16xi1>, vector<16xf32>
        %gather3A_1680 = tpu.vector_load_idx %arg18[%add3A_560] : memref<4096xf32, #tpu.memory_space<vmem>>[vector<16xi32>], vector<16xf32>,
        %eq3A_1681 = arith.constant 13 : i32
        %eq3A_1682 = vector.broadcast %eq3A_1681 : i32 to vector<16xi32>
        %eq3A_1683 = arith.cmpi eq, %select_n3A_1389, %eq3A_1682 : vector<16xi32>
        %jit3A_1684 = arith.constant -1.000000e+09 : f32
        %broadcast_in_dim3A_1685 = vector.broadcast %jit3A_1684 : f32 to vector<16xf32>
        %select_n3A_1686 = arith.select %eq3A_1683, %broadcast_in_dim3A_1685, %gather3A_1680 : vector<16xi1>, vector<16xf32>
        %gather3A_1687 = tpu.vector_load_idx %arg18[%add3A_563] : memref<4096xf32, #tpu.memory_space<vmem>>[vector<16xi32>], vector<16xf32>,
        %eq3A_1688 = arith.constant 14 : i32
        %eq3A_1689 = vector.broadcast %eq3A_1688 : i32 to vector<16xi32>
        %eq3A_1690 = arith.cmpi eq, %select_n3A_1389, %eq3A_1689 : vector<16xi32>
        %jit3A_1691 = arith.constant -1.000000e+09 : f32
        %broadcast_in_dim3A_1692 = vector.broadcast %jit3A_1691 : f32 to vector<16xf32>
        %select_n3A_1693 = arith.select %eq3A_1690, %broadcast_in_dim3A_1692, %gather3A_1687 : vector<16xi1>, vector<16xf32>
        %gather3A_1694 = tpu.vector_load_idx %arg18[%add3A_566] : memref<4096xf32, #tpu.memory_space<vmem>>[vector<16xi32>], vector<16xf32>,
        %eq3A_1695 = arith.constant 15 : i32
        %eq3A_1696 = vector.broadcast %eq3A_1695 : i32 to vector<16xi32>
        %eq3A_1697 = arith.cmpi eq, %select_n3A_1389, %eq3A_1696 : vector<16xi32>
        %jit3A_1698 = arith.constant -1.000000e+09 : f32
        %broadcast_in_dim3A_1699 = vector.broadcast %jit3A_1698 : f32 to vector<16xf32>
        %select_n3A_1700 = arith.select %eq3A_1697, %broadcast_in_dim3A_1699, %gather3A_1694 : vector<16xi1>, vector<16xf32>
        %gt3A_1701 = arith.cmpf ogt, %select_n3A_1602, %select_n3A_1595 : vector<16xf32>
        %select_n3A_1702 = arith.select %gt3A_1701, %select_n3A_1602, %select_n3A_1595 : vector<16xi1>, vector<16xf32>
        %jit3A_1703 = arith.constant 1 : i32
        %jit3A_1704 = arith.constant 0 : i32
        %broadcast_in_dim3A_1705 = vector.broadcast %jit3A_1703 : i32 to vector<16xi32>
        %broadcast_in_dim3A_1706 = vector.broadcast %jit3A_1704 : i32 to vector<16xi32>
        %select_n3A_1707 = arith.select %gt3A_1701, %broadcast_in_dim3A_1705, %broadcast_in_dim3A_1706 : vector<16xi1>, vector<16xi32>
        %gt3A_1708 = arith.cmpf ogt, %select_n3A_1616, %select_n3A_1609 : vector<16xf32>
        %select_n3A_1709 = arith.select %gt3A_1708, %select_n3A_1616, %select_n3A_1609 : vector<16xi1>, vector<16xf32>
        %jit3A_1710 = arith.constant 3 : i32
        %jit3A_1711 = arith.constant 2 : i32
        %broadcast_in_dim3A_1712 = vector.broadcast %jit3A_1710 : i32 to vector<16xi32>
        %broadcast_in_dim3A_1713 = vector.broadcast %jit3A_1711 : i32 to vector<16xi32>
        %select_n3A_1714 = arith.select %gt3A_1708, %broadcast_in_dim3A_1712, %broadcast_in_dim3A_1713 : vector<16xi1>, vector<16xi32>
        %gt3A_1715 = arith.cmpf ogt, %select_n3A_1630, %select_n3A_1623 : vector<16xf32>
        %select_n3A_1716 = arith.select %gt3A_1715, %select_n3A_1630, %select_n3A_1623 : vector<16xi1>, vector<16xf32>
        %jit3A_1717 = arith.constant 5 : i32
        %jit3A_1718 = arith.constant 4 : i32
        %broadcast_in_dim3A_1719 = vector.broadcast %jit3A_1717 : i32 to vector<16xi32>
        %broadcast_in_dim3A_1720 = vector.broadcast %jit3A_1718 : i32 to vector<16xi32>
        %select_n3A_1721 = arith.select %gt3A_1715, %broadcast_in_dim3A_1719, %broadcast_in_dim3A_1720 : vector<16xi1>, vector<16xi32>
        %gt3A_1722 = arith.cmpf ogt, %select_n3A_1644, %select_n3A_1637 : vector<16xf32>
        %select_n3A_1723 = arith.select %gt3A_1722, %select_n3A_1644, %select_n3A_1637 : vector<16xi1>, vector<16xf32>
        %jit3A_1724 = arith.constant 7 : i32
        %jit3A_1725 = arith.constant 6 : i32
        %broadcast_in_dim3A_1726 = vector.broadcast %jit3A_1724 : i32 to vector<16xi32>
        %broadcast_in_dim3A_1727 = vector.broadcast %jit3A_1725 : i32 to vector<16xi32>
        %select_n3A_1728 = arith.select %gt3A_1722, %broadcast_in_dim3A_1726, %broadcast_in_dim3A_1727 : vector<16xi1>, vector<16xi32>
        %gt3A_1729 = arith.cmpf ogt, %select_n3A_1658, %select_n3A_1651 : vector<16xf32>
        %select_n3A_1730 = arith.select %gt3A_1729, %select_n3A_1658, %select_n3A_1651 : vector<16xi1>, vector<16xf32>
        %jit3A_1731 = arith.constant 9 : i32
        %jit3A_1732 = arith.constant 8 : i32
        %broadcast_in_dim3A_1733 = vector.broadcast %jit3A_1731 : i32 to vector<16xi32>
        %broadcast_in_dim3A_1734 = vector.broadcast %jit3A_1732 : i32 to vector<16xi32>
        %select_n3A_1735 = arith.select %gt3A_1729, %broadcast_in_dim3A_1733, %broadcast_in_dim3A_1734 : vector<16xi1>, vector<16xi32>
        %gt3A_1736 = arith.cmpf ogt, %select_n3A_1672, %select_n3A_1665 : vector<16xf32>
        %select_n3A_1737 = arith.select %gt3A_1736, %select_n3A_1672, %select_n3A_1665 : vector<16xi1>, vector<16xf32>
        %jit3A_1738 = arith.constant 11 : i32
        %jit3A_1739 = arith.constant 10 : i32
        %broadcast_in_dim3A_1740 = vector.broadcast %jit3A_1738 : i32 to vector<16xi32>
        %broadcast_in_dim3A_1741 = vector.broadcast %jit3A_1739 : i32 to vector<16xi32>
        %select_n3A_1742 = arith.select %gt3A_1736, %broadcast_in_dim3A_1740, %broadcast_in_dim3A_1741 : vector<16xi1>, vector<16xi32>
        %gt3A_1743 = arith.cmpf ogt, %select_n3A_1686, %select_n3A_1679 : vector<16xf32>
        %select_n3A_1744 = arith.select %gt3A_1743, %select_n3A_1686, %select_n3A_1679 : vector<16xi1>, vector<16xf32>
        %jit3A_1745 = arith.constant 13 : i32
        %jit3A_1746 = arith.constant 12 : i32
        %broadcast_in_dim3A_1747 = vector.broadcast %jit3A_1745 : i32 to vector<16xi32>
        %broadcast_in_dim3A_1748 = vector.broadcast %jit3A_1746 : i32 to vector<16xi32>
        %select_n3A_1749 = arith.select %gt3A_1743, %broadcast_in_dim3A_1747, %broadcast_in_dim3A_1748 : vector<16xi1>, vector<16xi32>
        %gt3A_1750 = arith.cmpf ogt, %select_n3A_1700, %select_n3A_1693 : vector<16xf32>
        %select_n3A_1751 = arith.select %gt3A_1750, %select_n3A_1700, %select_n3A_1693 : vector<16xi1>, vector<16xf32>
        %jit3A_1752 = arith.constant 15 : i32
        %jit3A_1753 = arith.constant 14 : i32
        %broadcast_in_dim3A_1754 = vector.broadcast %jit3A_1752 : i32 to vector<16xi32>
        %broadcast_in_dim3A_1755 = vector.broadcast %jit3A_1753 : i32 to vector<16xi32>
        %select_n3A_1756 = arith.select %gt3A_1750, %broadcast_in_dim3A_1754, %broadcast_in_dim3A_1755 : vector<16xi1>, vector<16xi32>
        %gt3A_1757 = arith.cmpf ogt, %select_n3A_1709, %select_n3A_1702 : vector<16xf32>
        %select_n3A_1758 = arith.select %gt3A_1757, %select_n3A_1709, %select_n3A_1702 : vector<16xi1>, vector<16xf32>
        %select_n3A_1759 = arith.select %gt3A_1757, %select_n3A_1714, %select_n3A_1707 : vector<16xi1>, vector<16xi32>
        %gt3A_1760 = arith.cmpf ogt, %select_n3A_1723, %select_n3A_1716 : vector<16xf32>
        %select_n3A_1761 = arith.select %gt3A_1760, %select_n3A_1723, %select_n3A_1716 : vector<16xi1>, vector<16xf32>
        %select_n3A_1762 = arith.select %gt3A_1760, %select_n3A_1728, %select_n3A_1721 : vector<16xi1>, vector<16xi32>
        %gt3A_1763 = arith.cmpf ogt, %select_n3A_1737, %select_n3A_1730 : vector<16xf32>
        %select_n3A_1764 = arith.select %gt3A_1763, %select_n3A_1737, %select_n3A_1730 : vector<16xi1>, vector<16xf32>
        %select_n3A_1765 = arith.select %gt3A_1763, %select_n3A_1742, %select_n3A_1735 : vector<16xi1>, vector<16xi32>
        %gt3A_1766 = arith.cmpf ogt, %select_n3A_1751, %select_n3A_1744 : vector<16xf32>
        %select_n3A_1767 = arith.select %gt3A_1766, %select_n3A_1751, %select_n3A_1744 : vector<16xi1>, vector<16xf32>
        %select_n3A_1768 = arith.select %gt3A_1766, %select_n3A_1756, %select_n3A_1749 : vector<16xi1>, vector<16xi32>
        %gt3A_1769 = arith.cmpf ogt, %select_n3A_1761, %select_n3A_1758 : vector<16xf32>
        %select_n3A_1770 = arith.select %gt3A_1769, %select_n3A_1761, %select_n3A_1758 : vector<16xi1>, vector<16xf32>
        %select_n3A_1771 = arith.select %gt3A_1769, %select_n3A_1762, %select_n3A_1759 : vector<16xi1>, vector<16xi32>
        %gt3A_1772 = arith.cmpf ogt, %select_n3A_1767, %select_n3A_1764 : vector<16xf32>
        %select_n3A_1773 = arith.select %gt3A_1772, %select_n3A_1767, %select_n3A_1764 : vector<16xi1>, vector<16xf32>
        %select_n3A_1774 = arith.select %gt3A_1772, %select_n3A_1768, %select_n3A_1765 : vector<16xi1>, vector<16xi32>
        %gt3A_1775 = arith.cmpf ogt, %select_n3A_1773, %select_n3A_1770 : vector<16xf32>
        %select_n3A_1776 = arith.select %gt3A_1775, %select_n3A_1773, %select_n3A_1770 : vector<16xi1>, vector<16xf32>
        %select_n3A_1777 = arith.select %gt3A_1775, %select_n3A_1774, %select_n3A_1771 : vector<16xi1>, vector<16xi32>
        %eq3A_1778 = arith.constant 0 : i32
        %eq3A_1779 = vector.broadcast %eq3A_1778 : i32 to vector<16xi32>
        %eq3A_1780 = arith.cmpi eq, %select_n3A_1777, %eq3A_1779 : vector<16xi32>
        %jit3A_1781 = arith.constant 1.000000e+00 : f32
        %jit3A_1782 = arith.constant 0.000000e+00 : f32
        %broadcast_in_dim3A_1783 = vector.broadcast %jit3A_1781 : f32 to vector<16xf32>
        %broadcast_in_dim3A_1784 = vector.broadcast %jit3A_1782 : f32 to vector<16xf32>
        %select_n3A_1785 = arith.select %eq3A_1780, %broadcast_in_dim3A_1783, %broadcast_in_dim3A_1784 : vector<16xi1>, vector<16xf32>
        %add3A_1786 = arith.constant 0 : i32
        %add3A_1787 = arith.addi %add3A_1786, %add3A_518 : i32
        %swap3A_1788 = arith.index_cast %add3A_1787 : i32 to index
        %swap3A_1789 = tpu.vector_load %arg29[%swap3A_1788] {strides = array<i32>} : memref<4096xf32, #tpu.memory_space<vmem>>, vector<16xf32>,
        tpu.vector_store %arg29[%swap3A_1788], %select_n3A_1785 {strides = array<i32>} : memref<4096xf32, #tpu.memory_space<vmem>>, vector<16xf32>,
        %eq3A_1790 = arith.constant 1 : i32
        %eq3A_1791 = vector.broadcast %eq3A_1790 : i32 to vector<16xi32>
        %eq3A_1792 = arith.cmpi eq, %select_n3A_1777, %eq3A_1791 : vector<16xi32>
        %jit3A_1793 = arith.constant 1.000000e+00 : f32
        %jit3A_1794 = arith.constant 0.000000e+00 : f32
        %broadcast_in_dim3A_1795 = vector.broadcast %jit3A_1793 : f32 to vector<16xf32>
        %broadcast_in_dim3A_1796 = vector.broadcast %jit3A_1794 : f32 to vector<16xf32>
        %select_n3A_1797 = arith.select %eq3A_1792, %broadcast_in_dim3A_1795, %broadcast_in_dim3A_1796 : vector<16xi1>, vector<16xf32>
        %add3A_1798 = arith.constant 128 : i32
        %add3A_1799 = arith.addi %add3A_1798, %add3A_518 : i32
        %swap3A_1800 = arith.index_cast %add3A_1799 : i32 to index
        %swap3A_1801 = tpu.vector_load %arg29[%swap3A_1800] {strides = array<i32>} : memref<4096xf32, #tpu.memory_space<vmem>>, vector<16xf32>,
        tpu.vector_store %arg29[%swap3A_1800], %select_n3A_1797 {strides = array<i32>} : memref<4096xf32, #tpu.memory_space<vmem>>, vector<16xf32>,
        %eq3A_1802 = arith.constant 2 : i32
        %eq3A_1803 = vector.broadcast %eq3A_1802 : i32 to vector<16xi32>
        %eq3A_1804 = arith.cmpi eq, %select_n3A_1777, %eq3A_1803 : vector<16xi32>
        %jit3A_1805 = arith.constant 1.000000e+00 : f32
        %jit3A_1806 = arith.constant 0.000000e+00 : f32
        %broadcast_in_dim3A_1807 = vector.broadcast %jit3A_1805 : f32 to vector<16xf32>
        %broadcast_in_dim3A_1808 = vector.broadcast %jit3A_1806 : f32 to vector<16xf32>
        %select_n3A_1809 = arith.select %eq3A_1804, %broadcast_in_dim3A_1807, %broadcast_in_dim3A_1808 : vector<16xi1>, vector<16xf32>
        %add3A_1810 = arith.constant 256 : i32
        %add3A_1811 = arith.addi %add3A_1810, %add3A_518 : i32
        %swap3A_1812 = arith.index_cast %add3A_1811 : i32 to index
        %swap3A_1813 = tpu.vector_load %arg29[%swap3A_1812] {strides = array<i32>} : memref<4096xf32, #tpu.memory_space<vmem>>, vector<16xf32>,
        tpu.vector_store %arg29[%swap3A_1812], %select_n3A_1809 {strides = array<i32>} : memref<4096xf32, #tpu.memory_space<vmem>>, vector<16xf32>,
        %eq3A_1814 = arith.constant 3 : i32
        %eq3A_1815 = vector.broadcast %eq3A_1814 : i32 to vector<16xi32>
        %eq3A_1816 = arith.cmpi eq, %select_n3A_1777, %eq3A_1815 : vector<16xi32>
        %jit3A_1817 = arith.constant 1.000000e+00 : f32
        %jit3A_1818 = arith.constant 0.000000e+00 : f32
        %broadcast_in_dim3A_1819 = vector.broadcast %jit3A_1817 : f32 to vector<16xf32>
        %broadcast_in_dim3A_1820 = vector.broadcast %jit3A_1818 : f32 to vector<16xf32>
        %select_n3A_1821 = arith.select %eq3A_1816, %broadcast_in_dim3A_1819, %broadcast_in_dim3A_1820 : vector<16xi1>, vector<16xf32>
        %add3A_1822 = arith.constant 384 : i32
        %add3A_1823 = arith.addi %add3A_1822, %add3A_518 : i32
        %swap3A_1824 = arith.index_cast %add3A_1823 : i32 to index
        %swap3A_1825 = tpu.vector_load %arg29[%swap3A_1824] {strides = array<i32>} : memref<4096xf32, #tpu.memory_space<vmem>>, vector<16xf32>,
        tpu.vector_store %arg29[%swap3A_1824], %select_n3A_1821 {strides = array<i32>} : memref<4096xf32, #tpu.memory_space<vmem>>, vector<16xf32>,
        %eq3A_1826 = arith.constant 4 : i32
        %eq3A_1827 = vector.broadcast %eq3A_1826 : i32 to vector<16xi32>
        %eq3A_1828 = arith.cmpi eq, %select_n3A_1777, %eq3A_1827 : vector<16xi32>
        %jit3A_1829 = arith.constant 1.000000e+00 : f32
        %jit3A_1830 = arith.constant 0.000000e+00 : f32
        %broadcast_in_dim3A_1831 = vector.broadcast %jit3A_1829 : f32 to vector<16xf32>
        %broadcast_in_dim3A_1832 = vector.broadcast %jit3A_1830 : f32 to vector<16xf32>
        %select_n3A_1833 = arith.select %eq3A_1828, %broadcast_in_dim3A_1831, %broadcast_in_dim3A_1832 : vector<16xi1>, vector<16xf32>
        %add3A_1834 = arith.constant 512 : i32
        %add3A_1835 = arith.addi %add3A_1834, %add3A_518 : i32
        %swap3A_1836 = arith.index_cast %add3A_1835 : i32 to index
        %swap3A_1837 = tpu.vector_load %arg29[%swap3A_1836] {strides = array<i32>} : memref<4096xf32, #tpu.memory_space<vmem>>, vector<16xf32>,
        tpu.vector_store %arg29[%swap3A_1836], %select_n3A_1833 {strides = array<i32>} : memref<4096xf32, #tpu.memory_space<vmem>>, vector<16xf32>,
        %eq3A_1838 = arith.constant 5 : i32
        %eq3A_1839 = vector.broadcast %eq3A_1838 : i32 to vector<16xi32>
        %eq3A_1840 = arith.cmpi eq, %select_n3A_1777, %eq3A_1839 : vector<16xi32>
        %jit3A_1841 = arith.constant 1.000000e+00 : f32
        %jit3A_1842 = arith.constant 0.000000e+00 : f32
        %broadcast_in_dim3A_1843 = vector.broadcast %jit3A_1841 : f32 to vector<16xf32>
        %broadcast_in_dim3A_1844 = vector.broadcast %jit3A_1842 : f32 to vector<16xf32>
        %select_n3A_1845 = arith.select %eq3A_1840, %broadcast_in_dim3A_1843, %broadcast_in_dim3A_1844 : vector<16xi1>, vector<16xf32>
        %add3A_1846 = arith.constant 640 : i32
        %add3A_1847 = arith.addi %add3A_1846, %add3A_518 : i32
        %swap3A_1848 = arith.index_cast %add3A_1847 : i32 to index
        %swap3A_1849 = tpu.vector_load %arg29[%swap3A_1848] {strides = array<i32>} : memref<4096xf32, #tpu.memory_space<vmem>>, vector<16xf32>,
        tpu.vector_store %arg29[%swap3A_1848], %select_n3A_1845 {strides = array<i32>} : memref<4096xf32, #tpu.memory_space<vmem>>, vector<16xf32>,
        %eq3A_1850 = arith.constant 6 : i32
        %eq3A_1851 = vector.broadcast %eq3A_1850 : i32 to vector<16xi32>
        %eq3A_1852 = arith.cmpi eq, %select_n3A_1777, %eq3A_1851 : vector<16xi32>
        %jit3A_1853 = arith.constant 1.000000e+00 : f32
        %jit3A_1854 = arith.constant 0.000000e+00 : f32
        %broadcast_in_dim3A_1855 = vector.broadcast %jit3A_1853 : f32 to vector<16xf32>
        %broadcast_in_dim3A_1856 = vector.broadcast %jit3A_1854 : f32 to vector<16xf32>
        %select_n3A_1857 = arith.select %eq3A_1852, %broadcast_in_dim3A_1855, %broadcast_in_dim3A_1856 : vector<16xi1>, vector<16xf32>
        %add3A_1858 = arith.constant 768 : i32
        %add3A_1859 = arith.addi %add3A_1858, %add3A_518 : i32
        %swap3A_1860 = arith.index_cast %add3A_1859 : i32 to index
        %swap3A_1861 = tpu.vector_load %arg29[%swap3A_1860] {strides = array<i32>} : memref<4096xf32, #tpu.memory_space<vmem>>, vector<16xf32>,
        tpu.vector_store %arg29[%swap3A_1860], %select_n3A_1857 {strides = array<i32>} : memref<4096xf32, #tpu.memory_space<vmem>>, vector<16xf32>,
        %eq3A_1862 = arith.constant 7 : i32
        %eq3A_1863 = vector.broadcast %eq3A_1862 : i32 to vector<16xi32>
        %eq3A_1864 = arith.cmpi eq, %select_n3A_1777, %eq3A_1863 : vector<16xi32>
        %jit3A_1865 = arith.constant 1.000000e+00 : f32
        %jit3A_1866 = arith.constant 0.000000e+00 : f32
        %broadcast_in_dim3A_1867 = vector.broadcast %jit3A_1865 : f32 to vector<16xf32>
        %broadcast_in_dim3A_1868 = vector.broadcast %jit3A_1866 : f32 to vector<16xf32>
        %select_n3A_1869 = arith.select %eq3A_1864, %broadcast_in_dim3A_1867, %broadcast_in_dim3A_1868 : vector<16xi1>, vector<16xf32>
        %add3A_1870 = arith.constant 896 : i32
        %add3A_1871 = arith.addi %add3A_1870, %add3A_518 : i32
        %swap3A_1872 = arith.index_cast %add3A_1871 : i32 to index
        %swap3A_1873 = tpu.vector_load %arg29[%swap3A_1872] {strides = array<i32>} : memref<4096xf32, #tpu.memory_space<vmem>>, vector<16xf32>,
        tpu.vector_store %arg29[%swap3A_1872], %select_n3A_1869 {strides = array<i32>} : memref<4096xf32, #tpu.memory_space<vmem>>, vector<16xf32>,
        %eq3A_1874 = arith.constant 8 : i32
        %eq3A_1875 = vector.broadcast %eq3A_1874 : i32 to vector<16xi32>
        %eq3A_1876 = arith.cmpi eq, %select_n3A_1777, %eq3A_1875 : vector<16xi32>
        %jit3A_1877 = arith.constant 1.000000e+00 : f32
        %jit3A_1878 = arith.constant 0.000000e+00 : f32
        %broadcast_in_dim3A_1879 = vector.broadcast %jit3A_1877 : f32 to vector<16xf32>
        %broadcast_in_dim3A_1880 = vector.broadcast %jit3A_1878 : f32 to vector<16xf32>
        %select_n3A_1881 = arith.select %eq3A_1876, %broadcast_in_dim3A_1879, %broadcast_in_dim3A_1880 : vector<16xi1>, vector<16xf32>
        %add3A_1882 = arith.constant 2048 : i32
        %add3A_1883 = arith.addi %add3A_1882, %add3A_518 : i32
        %swap3A_1884 = arith.index_cast %add3A_1883 : i32 to index
        %swap3A_1885 = tpu.vector_load %arg29[%swap3A_1884] {strides = array<i32>} : memref<4096xf32, #tpu.memory_space<vmem>>, vector<16xf32>,
        tpu.vector_store %arg29[%swap3A_1884], %select_n3A_1881 {strides = array<i32>} : memref<4096xf32, #tpu.memory_space<vmem>>, vector<16xf32>,
        %eq3A_1886 = arith.constant 9 : i32
        %eq3A_1887 = vector.broadcast %eq3A_1886 : i32 to vector<16xi32>
        %eq3A_1888 = arith.cmpi eq, %select_n3A_1777, %eq3A_1887 : vector<16xi32>
        %jit3A_1889 = arith.constant 1.000000e+00 : f32
        %jit3A_1890 = arith.constant 0.000000e+00 : f32
        %broadcast_in_dim3A_1891 = vector.broadcast %jit3A_1889 : f32 to vector<16xf32>
        %broadcast_in_dim3A_1892 = vector.broadcast %jit3A_1890 : f32 to vector<16xf32>
        %select_n3A_1893 = arith.select %eq3A_1888, %broadcast_in_dim3A_1891, %broadcast_in_dim3A_1892 : vector<16xi1>, vector<16xf32>
        %add3A_1894 = arith.constant 2176 : i32
        %add3A_1895 = arith.addi %add3A_1894, %add3A_518 : i32
        %swap3A_1896 = arith.index_cast %add3A_1895 : i32 to index
        %swap3A_1897 = tpu.vector_load %arg29[%swap3A_1896] {strides = array<i32>} : memref<4096xf32, #tpu.memory_space<vmem>>, vector<16xf32>,
        tpu.vector_store %arg29[%swap3A_1896], %select_n3A_1893 {strides = array<i32>} : memref<4096xf32, #tpu.memory_space<vmem>>, vector<16xf32>,
        %eq3A_1898 = arith.constant 10 : i32
        %eq3A_1899 = vector.broadcast %eq3A_1898 : i32 to vector<16xi32>
        %eq3A_1900 = arith.cmpi eq, %select_n3A_1777, %eq3A_1899 : vector<16xi32>
        %jit3A_1901 = arith.constant 1.000000e+00 : f32
        %jit3A_1902 = arith.constant 0.000000e+00 : f32
        %broadcast_in_dim3A_1903 = vector.broadcast %jit3A_1901 : f32 to vector<16xf32>
        %broadcast_in_dim3A_1904 = vector.broadcast %jit3A_1902 : f32 to vector<16xf32>
        %select_n3A_1905 = arith.select %eq3A_1900, %broadcast_in_dim3A_1903, %broadcast_in_dim3A_1904 : vector<16xi1>, vector<16xf32>
        %add3A_1906 = arith.constant 2304 : i32
        %add3A_1907 = arith.addi %add3A_1906, %add3A_518 : i32
        %swap3A_1908 = arith.index_cast %add3A_1907 : i32 to index
        %swap3A_1909 = tpu.vector_load %arg29[%swap3A_1908] {strides = array<i32>} : memref<4096xf32, #tpu.memory_space<vmem>>, vector<16xf32>,
        tpu.vector_store %arg29[%swap3A_1908], %select_n3A_1905 {strides = array<i32>} : memref<4096xf32, #tpu.memory_space<vmem>>, vector<16xf32>,
        %eq3A_1910 = arith.constant 11 : i32
        %eq3A_1911 = vector.broadcast %eq3A_1910 : i32 to vector<16xi32>
        %eq3A_1912 = arith.cmpi eq, %select_n3A_1777, %eq3A_1911 : vector<16xi32>
        %jit3A_1913 = arith.constant 1.000000e+00 : f32
        %jit3A_1914 = arith.constant 0.000000e+00 : f32
        %broadcast_in_dim3A_1915 = vector.broadcast %jit3A_1913 : f32 to vector<16xf32>
        %broadcast_in_dim3A_1916 = vector.broadcast %jit3A_1914 : f32 to vector<16xf32>
        %select_n3A_1917 = arith.select %eq3A_1912, %broadcast_in_dim3A_1915, %broadcast_in_dim3A_1916 : vector<16xi1>, vector<16xf32>
        %add3A_1918 = arith.constant 2432 : i32
        %add3A_1919 = arith.addi %add3A_1918, %add3A_518 : i32
        %swap3A_1920 = arith.index_cast %add3A_1919 : i32 to index
        %swap3A_1921 = tpu.vector_load %arg29[%swap3A_1920] {strides = array<i32>} : memref<4096xf32, #tpu.memory_space<vmem>>, vector<16xf32>,
        tpu.vector_store %arg29[%swap3A_1920], %select_n3A_1917 {strides = array<i32>} : memref<4096xf32, #tpu.memory_space<vmem>>, vector<16xf32>,
        %eq3A_1922 = arith.constant 12 : i32
        %eq3A_1923 = vector.broadcast %eq3A_1922 : i32 to vector<16xi32>
        %eq3A_1924 = arith.cmpi eq, %select_n3A_1777, %eq3A_1923 : vector<16xi32>
        %jit3A_1925 = arith.constant 1.000000e+00 : f32
        %jit3A_1926 = arith.constant 0.000000e+00 : f32
        %broadcast_in_dim3A_1927 = vector.broadcast %jit3A_1925 : f32 to vector<16xf32>
        %broadcast_in_dim3A_1928 = vector.broadcast %jit3A_1926 : f32 to vector<16xf32>
        %select_n3A_1929 = arith.select %eq3A_1924, %broadcast_in_dim3A_1927, %broadcast_in_dim3A_1928 : vector<16xi1>, vector<16xf32>
        %add3A_1930 = arith.constant 2560 : i32
        %add3A_1931 = arith.addi %add3A_1930, %add3A_518 : i32
        %swap3A_1932 = arith.index_cast %add3A_1931 : i32 to index
        %swap3A_1933 = tpu.vector_load %arg29[%swap3A_1932] {strides = array<i32>} : memref<4096xf32, #tpu.memory_space<vmem>>, vector<16xf32>,
        tpu.vector_store %arg29[%swap3A_1932], %select_n3A_1929 {strides = array<i32>} : memref<4096xf32, #tpu.memory_space<vmem>>, vector<16xf32>,
        %eq3A_1934 = arith.constant 13 : i32
        %eq3A_1935 = vector.broadcast %eq3A_1934 : i32 to vector<16xi32>
        %eq3A_1936 = arith.cmpi eq, %select_n3A_1777, %eq3A_1935 : vector<16xi32>
        %jit3A_1937 = arith.constant 1.000000e+00 : f32
        %jit3A_1938 = arith.constant 0.000000e+00 : f32
        %broadcast_in_dim3A_1939 = vector.broadcast %jit3A_1937 : f32 to vector<16xf32>
        %broadcast_in_dim3A_1940 = vector.broadcast %jit3A_1938 : f32 to vector<16xf32>
        %select_n3A_1941 = arith.select %eq3A_1936, %broadcast_in_dim3A_1939, %broadcast_in_dim3A_1940 : vector<16xi1>, vector<16xf32>
        %add3A_1942 = arith.constant 2688 : i32
        %add3A_1943 = arith.addi %add3A_1942, %add3A_518 : i32
        %swap3A_1944 = arith.index_cast %add3A_1943 : i32 to index
        %swap3A_1945 = tpu.vector_load %arg29[%swap3A_1944] {strides = array<i32>} : memref<4096xf32, #tpu.memory_space<vmem>>, vector<16xf32>,
        tpu.vector_store %arg29[%swap3A_1944], %select_n3A_1941 {strides = array<i32>} : memref<4096xf32, #tpu.memory_space<vmem>>, vector<16xf32>,
        %eq3A_1946 = arith.constant 14 : i32
        %eq3A_1947 = vector.broadcast %eq3A_1946 : i32 to vector<16xi32>
        %eq3A_1948 = arith.cmpi eq, %select_n3A_1777, %eq3A_1947 : vector<16xi32>
        %jit3A_1949 = arith.constant 1.000000e+00 : f32
        %jit3A_1950 = arith.constant 0.000000e+00 : f32
        %broadcast_in_dim3A_1951 = vector.broadcast %jit3A_1949 : f32 to vector<16xf32>
        %broadcast_in_dim3A_1952 = vector.broadcast %jit3A_1950 : f32 to vector<16xf32>
        %select_n3A_1953 = arith.select %eq3A_1948, %broadcast_in_dim3A_1951, %broadcast_in_dim3A_1952 : vector<16xi1>, vector<16xf32>
        %add3A_1954 = arith.constant 2816 : i32
        %add3A_1955 = arith.addi %add3A_1954, %add3A_518 : i32
        %swap3A_1956 = arith.index_cast %add3A_1955 : i32 to index
        %swap3A_1957 = tpu.vector_load %arg29[%swap3A_1956] {strides = array<i32>} : memref<4096xf32, #tpu.memory_space<vmem>>, vector<16xf32>,
        tpu.vector_store %arg29[%swap3A_1956], %select_n3A_1953 {strides = array<i32>} : memref<4096xf32, #tpu.memory_space<vmem>>, vector<16xf32>,
        %eq3A_1958 = arith.constant 15 : i32
        %eq3A_1959 = vector.broadcast %eq3A_1958 : i32 to vector<16xi32>
        %eq3A_1960 = arith.cmpi eq, %select_n3A_1777, %eq3A_1959 : vector<16xi32>
        %jit3A_1961 = arith.constant 1.000000e+00 : f32
        %jit3A_1962 = arith.constant 0.000000e+00 : f32
        %broadcast_in_dim3A_1963 = vector.broadcast %jit3A_1961 : f32 to vector<16xf32>
        %broadcast_in_dim3A_1964 = vector.broadcast %jit3A_1962 : f32 to vector<16xf32>
        %select_n3A_1965 = arith.select %eq3A_1960, %broadcast_in_dim3A_1963, %broadcast_in_dim3A_1964 : vector<16xi1>, vector<16xf32>
        %add3A_1966 = arith.constant 2944 : i32
        %add3A_1967 = arith.addi %add3A_1966, %add3A_518 : i32
        %swap3A_1968 = arith.index_cast %add3A_1967 : i32 to index
        %swap3A_1969 = tpu.vector_load %arg29[%swap3A_1968] {strides = array<i32>} : memref<4096xf32, #tpu.memory_space<vmem>>, vector<16xf32>,
        tpu.vector_store %arg29[%swap3A_1968], %select_n3A_1965 {strides = array<i32>} : memref<4096xf32, #tpu.memory_space<vmem>>, vector<16xf32>,
        %add3A_1970 = arith.constant 48 : i32
        %add3A_1971 = vector.broadcast %add3A_1970 : i32 to vector<16xi32>
        %add3A_1972 = arith.addi %select_n3A_1777, %add3A_1971 : vector<16xi32>
        %gather3A_1973 = tpu.vector_load_idx %arg20[%add3A_1972] : memref<64xf32, #tpu.memory_space<vmem>>[vector<16xi32>], vector<16xf32>,
        %gather3A_1974 = tpu.vector_load_idx %arg19[%select_n3A_1777, %add3A_478] : memref<16x256xf32, #tpu.memory_space<vmem>>[vector<16xi32>, vector<16xi32>], vector<16xf32>,
        %mul3A_1975 = arith.mulf %gather3A_1973, %gather3A_1974 : vector<16xf32>
        %add3A_1976 = arith.addf %add3A_1588, %mul3A_1975 : vector<16xf32>
        %jit3A_1977 = arith.constant 8 : i32
        %div3A_1978 = arith.divsi %scan3A_473, %jit3A_1977 : i32
        %sign3A_1979 = arith.constant 0 : i32
        %sign3A_1980 = arith.cmpi sgt, %scan3A_473, %sign3A_1979 : i32
        %sign3A_1981 = arith.extui %sign3A_1980 : i1 to i32
        %sign3A_1982 = arith.constant 0 : i32
        %sign3A_1983 = arith.cmpi slt, %scan3A_473, %sign3A_1982 : i32
        %sign3A_1984 = arith.extui %sign3A_1983 : i1 to i32
        %sign3A_1985 = arith.subi %sign3A_1981, %sign3A_1984 : i32
        %sign3A_1986 = arith.constant 0 : i32
        %sign3A_1987 = arith.cmpi sgt, %jit3A_1977, %sign3A_1986 : i32
        %sign3A_1988 = arith.extui %sign3A_1987 : i1 to i32
        %sign3A_1989 = arith.constant 0 : i32
        %sign3A_1990 = arith.cmpi slt, %jit3A_1977, %sign3A_1989 : i32
        %sign3A_1991 = arith.extui %sign3A_1990 : i1 to i32
        %sign3A_1992 = arith.subi %sign3A_1988, %sign3A_1991 : i32
        %ne3A_1993 = arith.cmpi ne, %sign3A_1985, %sign3A_1992 : i32
        %rem3A_1994 = arith.remsi %scan3A_473, %jit3A_1977 : i32
        %ne3A_1995 = arith.constant 0 : i32
        %ne3A_1996 = arith.cmpi ne, %rem3A_1994, %ne3A_1995 : i32
        %and3A_1997 = arith.andi %ne3A_1993, %ne3A_1996 : i1
        %sub3A_1998 = arith.constant 1 : i32
        %sub3A_1999 = arith.subi %div3A_1978, %sub3A_1998 : i32
        %select_n3A_2000 = arith.select %and3A_1997, %sub3A_1999, %div3A_1978 : i32
        %mul3A_2001 = arith.constant 256 : i32
        %mul3A_2002 = arith.muli %select_n3A_2000, %mul3A_2001 : i32
        %add3A_2003 = arith.constant 128 : i32
        %add3A_2004 = arith.addi %mul3A_2002, %add3A_2003 : i32
        %jit3A_2005 = arith.constant 8 : i32
        %eq3A_2006 = arith.constant 0 : i32
        %eq3A_2007 = arith.cmpi eq, %jit3A_2005, %eq3A_2006 : i32
        %jit3A_2008 = arith.constant 1 : i32
        %select_n3A_2009 = arith.select %eq3A_2007, %jit3A_2008, %jit3A_2005 : i32
        %rem3A_2010 = arith.remsi %scan3A_473, %select_n3A_2009 : i32
        %ne3A_2011 = arith.constant 0 : i32
        %ne3A_2012 = arith.cmpi ne, %rem3A_2010, %ne3A_2011 : i32
        %lt3A_2013 = arith.constant 0 : i32
        %lt3A_2014 = arith.cmpi slt, %rem3A_2010, %lt3A_2013 : i32
        %lt3A_2015 = arith.constant 0 : i32
        %lt3A_2016 = arith.cmpi slt, %select_n3A_2009, %lt3A_2015 : i32
        %ne3A_2017 = arith.xori %lt3A_2014, %lt3A_2016 : i1
        %and3A_2018 = arith.andi %ne3A_2017, %ne3A_2012 : i1
        %add3A_2019 = arith.addi %rem3A_2010, %select_n3A_2009 : i32
        %select_n3A_2020 = arith.select %and3A_2018, %add3A_2019, %rem3A_2010 : i32
        %mul3A_2021 = arith.constant 16 : i32
        %mul3A_2022 = arith.muli %select_n3A_2020, %mul3A_2021 : i32
        %add3A_2023 = arith.addi %add3A_2004, %mul3A_2022 : i32
        %swap3A_2024 = arith.index_cast %add3A_2023 : i32 to index
        %swap3A_2025 = tpu.vector_load %arg30[%swap3A_2024] {strides = array<i32>} : memref<512xf32, #tpu.memory_space<vmem>>, vector<16xf32>,
        tpu.vector_store %arg30[%swap3A_2024], %add3A_1976 {strides = array<i32>} : memref<512xf32, #tpu.memory_space<vmem>>, vector<16xf32>,
        %scan3A_2026 = arith.constant 0 : i32
        scf.yield %scan3A_2026 : i32
      }
      %scan3A_387 = arith.constant 16 : i32
      %mul3A_388 = arith.constant 2048 : i32
      %mul3A_389 = arith.muli %add3A_210, %mul3A_388 : i32
      %add3A_390 = arith.constant 0 : i32
      %add3A_391 = arith.addi %add3A_390, %mul3A_389 : i32
      %mul3A_392 = arith.constant 2048 : i32
      %mul3A_393 = arith.muli %add3A_210, %mul3A_392 : i32
      %add3A_394 = arith.constant 262144 : i32
      %add3A_395 = arith.addi %add3A_394, %mul3A_393 : i32
      %mul3A_396 = arith.constant 2048 : i32
      %mul3A_397 = arith.muli %add3A_210, %mul3A_396 : i32
      %add3A_398 = arith.constant 524288 : i32
      %add3A_399 = arith.addi %add3A_398, %mul3A_397 : i32
      %mul3A_400 = arith.constant 2048 : i32
      %mul3A_401 = arith.muli %add3A_210, %mul3A_400 : i32
      %add3A_402 = arith.constant 786432 : i32
      %add3A_403 = arith.addi %add3A_402, %mul3A_401 : i32
      %mul3A_404 = arith.constant 2048 : i32
      %mul3A_405 = arith.muli %add3A_210, %mul3A_404 : i32
      %add3A_406 = arith.constant 1048576 : i32
      %add3A_407 = arith.addi %add3A_406, %mul3A_405 : i32
      %mul3A_408 = arith.constant 2048 : i32
      %mul3A_409 = arith.muli %add3A_210, %mul3A_408 : i32
      %add3A_410 = arith.constant 1310720 : i32
      %add3A_411 = arith.addi %add3A_410, %mul3A_409 : i32
      %mul3A_412 = arith.constant 2048 : i32
      %mul3A_413 = arith.muli %add3A_210, %mul3A_412 : i32
      %add3A_414 = arith.constant 1572864 : i32
      %add3A_415 = arith.addi %add3A_414, %mul3A_413 : i32
      %mul3A_416 = arith.constant 2048 : i32
      %mul3A_417 = arith.muli %add3A_210, %mul3A_416 : i32
      %add3A_418 = arith.constant 1835008 : i32
      %add3A_419 = arith.addi %add3A_418, %mul3A_417 : i32
      %mul3A_420 = arith.constant 512 : i32
      %mul3A_421 = arith.muli %add3A_210, %mul3A_420 : i32
      %dma_start3A_422 = arith.constant 0 : i32
      %dma_start3A_423 = tpu.memref_slice %arg26[%dma_start3A_422] : memref<4096xf32, #tpu.memory_space<vmem>> -> memref<2048xf32, #tpu.memory_space<vmem>>
      %dma_start3A_424 = tpu.memref_slice %arg8[%add3A_391] : memref<2097152xf32, #tpu.memory_space<hbm>> -> memref<2048xf32, #tpu.memory_space<hbm>>
      %dma_start3A_425 = tpu.memref_slice %arg8[%add3A_391] : memref<2097152xf32, #tpu.memory_space<hbm>> -> memref<2048xf32, #tpu.memory_space<hbm>>
      %dma_start3A_426 = arith.constant 0 : i32
      %dma_start3A_427 = tpu.memref_slice %arg26[%dma_start3A_426] : memref<4096xf32, #tpu.memory_space<vmem>> -> memref<2048xf32, #tpu.memory_space<vmem>>
      tpu.enqueue_dma source(%dma_start3A_427 : memref<2048xf32, #tpu.memory_space<vmem>>) target(%dma_start3A_425 : memref<2048xf32, #tpu.memory_space<hbm>>) target_semaphore(%arg34 : memref<!tpu.dma_semaphore, #tpu.memory_space<semaphore_mem>>)
      %dma_start3A_428 = arith.constant 2048 : i32
      %dma_start3A_429 = tpu.memref_slice %arg26[%dma_start3A_428] : memref<4096xf32, #tpu.memory_space<vmem>> -> memref<2048xf32, #tpu.memory_space<vmem>>
      %dma_start3A_430 = tpu.memref_slice %arg8[%add3A_395] : memref<2097152xf32, #tpu.memory_space<hbm>> -> memref<2048xf32, #tpu.memory_space<hbm>>
      %dma_start3A_431 = tpu.memref_slice %arg8[%add3A_395] : memref<2097152xf32, #tpu.memory_space<hbm>> -> memref<2048xf32, #tpu.memory_space<hbm>>
      %dma_start3A_432 = arith.constant 2048 : i32
      %dma_start3A_433 = tpu.memref_slice %arg26[%dma_start3A_432] : memref<4096xf32, #tpu.memory_space<vmem>> -> memref<2048xf32, #tpu.memory_space<vmem>>
      tpu.enqueue_dma source(%dma_start3A_433 : memref<2048xf32, #tpu.memory_space<vmem>>) target(%dma_start3A_431 : memref<2048xf32, #tpu.memory_space<hbm>>) target_semaphore(%arg34 : memref<!tpu.dma_semaphore, #tpu.memory_space<semaphore_mem>>)
      %dma_start3A_434 = arith.constant 0 : i32
      %dma_start3A_435 = tpu.memref_slice %arg27[%dma_start3A_434] : memref<4096xf32, #tpu.memory_space<vmem>> -> memref<2048xf32, #tpu.memory_space<vmem>>
      %dma_start3A_436 = tpu.memref_slice %arg8[%add3A_399] : memref<2097152xf32, #tpu.memory_space<hbm>> -> memref<2048xf32, #tpu.memory_space<hbm>>
      %dma_start3A_437 = tpu.memref_slice %arg8[%add3A_399] : memref<2097152xf32, #tpu.memory_space<hbm>> -> memref<2048xf32, #tpu.memory_space<hbm>>
      %dma_start3A_438 = arith.constant 0 : i32
      %dma_start3A_439 = tpu.memref_slice %arg27[%dma_start3A_438] : memref<4096xf32, #tpu.memory_space<vmem>> -> memref<2048xf32, #tpu.memory_space<vmem>>
      tpu.enqueue_dma source(%dma_start3A_439 : memref<2048xf32, #tpu.memory_space<vmem>>) target(%dma_start3A_437 : memref<2048xf32, #tpu.memory_space<hbm>>) target_semaphore(%arg34 : memref<!tpu.dma_semaphore, #tpu.memory_space<semaphore_mem>>)
      %dma_start3A_440 = arith.constant 2048 : i32
      %dma_start3A_441 = tpu.memref_slice %arg27[%dma_start3A_440] : memref<4096xf32, #tpu.memory_space<vmem>> -> memref<2048xf32, #tpu.memory_space<vmem>>
      %dma_start3A_442 = tpu.memref_slice %arg8[%add3A_403] : memref<2097152xf32, #tpu.memory_space<hbm>> -> memref<2048xf32, #tpu.memory_space<hbm>>
      %dma_start3A_443 = tpu.memref_slice %arg8[%add3A_403] : memref<2097152xf32, #tpu.memory_space<hbm>> -> memref<2048xf32, #tpu.memory_space<hbm>>
      %dma_start3A_444 = arith.constant 2048 : i32
      %dma_start3A_445 = tpu.memref_slice %arg27[%dma_start3A_444] : memref<4096xf32, #tpu.memory_space<vmem>> -> memref<2048xf32, #tpu.memory_space<vmem>>
      tpu.enqueue_dma source(%dma_start3A_445 : memref<2048xf32, #tpu.memory_space<vmem>>) target(%dma_start3A_443 : memref<2048xf32, #tpu.memory_space<hbm>>) target_semaphore(%arg34 : memref<!tpu.dma_semaphore, #tpu.memory_space<semaphore_mem>>)
      %dma_start3A_446 = arith.constant 0 : i32
      %dma_start3A_447 = tpu.memref_slice %arg28[%dma_start3A_446] : memref<4096xf32, #tpu.memory_space<vmem>> -> memref<2048xf32, #tpu.memory_space<vmem>>
      %dma_start3A_448 = tpu.memref_slice %arg8[%add3A_407] : memref<2097152xf32, #tpu.memory_space<hbm>> -> memref<2048xf32, #tpu.memory_space<hbm>>
      %dma_start3A_449 = tpu.memref_slice %arg8[%add3A_407] : memref<2097152xf32, #tpu.memory_space<hbm>> -> memref<2048xf32, #tpu.memory_space<hbm>>
      %dma_start3A_450 = arith.constant 0 : i32
      %dma_start3A_451 = tpu.memref_slice %arg28[%dma_start3A_450] : memref<4096xf32, #tpu.memory_space<vmem>> -> memref<2048xf32, #tpu.memory_space<vmem>>
      tpu.enqueue_dma source(%dma_start3A_451 : memref<2048xf32, #tpu.memory_space<vmem>>) target(%dma_start3A_449 : memref<2048xf32, #tpu.memory_space<hbm>>) target_semaphore(%arg34 : memref<!tpu.dma_semaphore, #tpu.memory_space<semaphore_mem>>)
      %dma_start3A_452 = arith.constant 2048 : i32
      %dma_start3A_453 = tpu.memref_slice %arg28[%dma_start3A_452] : memref<4096xf32, #tpu.memory_space<vmem>> -> memref<2048xf32, #tpu.memory_space<vmem>>
      %dma_start3A_454 = tpu.memref_slice %arg8[%add3A_411] : memref<2097152xf32, #tpu.memory_space<hbm>> -> memref<2048xf32, #tpu.memory_space<hbm>>
      %dma_start3A_455 = tpu.memref_slice %arg8[%add3A_411] : memref<2097152xf32, #tpu.memory_space<hbm>> -> memref<2048xf32, #tpu.memory_space<hbm>>
      %dma_start3A_456 = arith.constant 2048 : i32
      %dma_start3A_457 = tpu.memref_slice %arg28[%dma_start3A_456] : memref<4096xf32, #tpu.memory_space<vmem>> -> memref<2048xf32, #tpu.memory_space<vmem>>
      tpu.enqueue_dma source(%dma_start3A_457 : memref<2048xf32, #tpu.memory_space<vmem>>) target(%dma_start3A_455 : memref<2048xf32, #tpu.memory_space<hbm>>) target_semaphore(%arg34 : memref<!tpu.dma_semaphore, #tpu.memory_space<semaphore_mem>>)
      %dma_start3A_458 = arith.constant 0 : i32
      %dma_start3A_459 = tpu.memref_slice %arg29[%dma_start3A_458] : memref<4096xf32, #tpu.memory_space<vmem>> -> memref<2048xf32, #tpu.memory_space<vmem>>
      %dma_start3A_460 = tpu.memref_slice %arg8[%add3A_415] : memref<2097152xf32, #tpu.memory_space<hbm>> -> memref<2048xf32, #tpu.memory_space<hbm>>
      %dma_start3A_461 = tpu.memref_slice %arg8[%add3A_415] : memref<2097152xf32, #tpu.memory_space<hbm>> -> memref<2048xf32, #tpu.memory_space<hbm>>
      %dma_start3A_462 = arith.constant 0 : i32
      %dma_start3A_463 = tpu.memref_slice %arg29[%dma_start3A_462] : memref<4096xf32, #tpu.memory_space<vmem>> -> memref<2048xf32, #tpu.memory_space<vmem>>
      tpu.enqueue_dma source(%dma_start3A_463 : memref<2048xf32, #tpu.memory_space<vmem>>) target(%dma_start3A_461 : memref<2048xf32, #tpu.memory_space<hbm>>) target_semaphore(%arg34 : memref<!tpu.dma_semaphore, #tpu.memory_space<semaphore_mem>>)
      %dma_start3A_464 = arith.constant 2048 : i32
      %dma_start3A_465 = tpu.memref_slice %arg29[%dma_start3A_464] : memref<4096xf32, #tpu.memory_space<vmem>> -> memref<2048xf32, #tpu.memory_space<vmem>>
      %dma_start3A_466 = tpu.memref_slice %arg8[%add3A_419] : memref<2097152xf32, #tpu.memory_space<hbm>> -> memref<2048xf32, #tpu.memory_space<hbm>>
      %dma_start3A_467 = tpu.memref_slice %arg8[%add3A_419] : memref<2097152xf32, #tpu.memory_space<hbm>> -> memref<2048xf32, #tpu.memory_space<hbm>>
      %dma_start3A_468 = arith.constant 2048 : i32
      %dma_start3A_469 = tpu.memref_slice %arg29[%dma_start3A_468] : memref<4096xf32, #tpu.memory_space<vmem>> -> memref<2048xf32, #tpu.memory_space<vmem>>
      tpu.enqueue_dma source(%dma_start3A_469 : memref<2048xf32, #tpu.memory_space<vmem>>) target(%dma_start3A_467 : memref<2048xf32, #tpu.memory_space<hbm>>) target_semaphore(%arg34 : memref<!tpu.dma_semaphore, #tpu.memory_space<semaphore_mem>>)
      %dma_start3A_470 = tpu.memref_slice %arg9[%mul3A_421] : memref<65536xf32, #tpu.memory_space<hbm>> -> memref<512xf32, #tpu.memory_space<hbm>>
      %dma_start3A_471 = tpu.memref_slice %arg9[%mul3A_421] : memref<65536xf32, #tpu.memory_space<hbm>> -> memref<512xf32, #tpu.memory_space<hbm>>
      tpu.enqueue_dma source(%arg30 : memref<512xf32, #tpu.memory_space<vmem>>) target(%dma_start3A_471 : memref<512xf32, #tpu.memory_space<hbm>>) target_semaphore(%arg34 : memref<!tpu.dma_semaphore, #tpu.memory_space<semaphore_mem>>)
      %scan3A_472 = arith.constant 0 : i32
      scf.yield %scan3A_472 : i32
    }
    %scan3A_29 = arith.constant 2 : i32
    %add3A_30 = arith.constant 4 : i32
    %add3A_31 = arith.addi %mul3A_2, %add3A_30 : i32
    %sub3A = arith.constant 2 : i32
    %sub3A_32 = arith.subi %add3A_31, %sub3A : i32
    %mul3A_33 = arith.constant 2048 : i32
    %mul3A_34 = arith.muli %sub3A_32, %mul3A_33 : i32
    %add3A_35 = arith.constant 0 : i32
    %add3A_36 = arith.addi %add3A_35, %mul3A_34 : i32
    %mul3A_37 = arith.constant 2048 : i32
    %mul3A_38 = arith.muli %sub3A_32, %mul3A_37 : i32
    %add3A_39 = arith.constant 262144 : i32
    %add3A_40 = arith.addi %add3A_39, %mul3A_38 : i32
    %mul3A_41 = arith.constant 2048 : i32
    %mul3A_42 = arith.muli %sub3A_32, %mul3A_41 : i32
    %add3A_43 = arith.constant 524288 : i32
    %add3A_44 = arith.addi %add3A_43, %mul3A_42 : i32
    %mul3A_45 = arith.constant 2048 : i32
    %mul3A_46 = arith.muli %sub3A_32, %mul3A_45 : i32
    %add3A_47 = arith.constant 786432 : i32
    %add3A_48 = arith.addi %add3A_47, %mul3A_46 : i32
    %mul3A_49 = arith.constant 2048 : i32
    %mul3A_50 = arith.muli %sub3A_32, %mul3A_49 : i32
    %add3A_51 = arith.constant 1048576 : i32
    %add3A_52 = arith.addi %add3A_51, %mul3A_50 : i32
    %mul3A_53 = arith.constant 2048 : i32
    %mul3A_54 = arith.muli %sub3A_32, %mul3A_53 : i32
    %add3A_55 = arith.constant 1310720 : i32
    %add3A_56 = arith.addi %add3A_55, %mul3A_54 : i32
    %mul3A_57 = arith.constant 2048 : i32
    %mul3A_58 = arith.muli %sub3A_32, %mul3A_57 : i32
    %add3A_59 = arith.constant 1572864 : i32
    %add3A_60 = arith.addi %add3A_59, %mul3A_58 : i32
    %mul3A_61 = arith.constant 2048 : i32
    %mul3A_62 = arith.muli %sub3A_32, %mul3A_61 : i32
    %add3A_63 = arith.constant 1835008 : i32
    %add3A_64 = arith.addi %add3A_63, %mul3A_62 : i32
    %mul3A_65 = arith.constant 512 : i32
    %mul3A_66 = arith.muli %sub3A_32, %mul3A_65 : i32
    %dma_wait3A = arith.constant 0 : i32
    %dma_wait3A_67 = tpu.memref_slice %arg21[%dma_wait3A] : memref<4096xf32, #tpu.memory_space<vmem>> -> memref<2048xf32, #tpu.memory_space<vmem>>
    %dma_wait3A_68 = tpu.memref_slice %arg8[%add3A_36] : memref<2097152xf32, #tpu.memory_space<hbm>> -> memref<2048xf32, #tpu.memory_space<hbm>>
    %dma_wait3A_69 = tpu.memref_slice %arg8[%add3A_36] : memref<2097152xf32, #tpu.memory_space<hbm>> -> memref<2048xf32, #tpu.memory_space<hbm>>
    %dma_wait3A_70 = arith.constant 0 : i32
    %dma_wait3A_71 = tpu.memref_slice %arg21[%dma_wait3A_70] : memref<4096xf32, #tpu.memory_space<vmem>> -> memref<2048xf32, #tpu.memory_space<vmem>>
    tpu.wait_dma2 semaphore(%arg33 : memref<!tpu.dma_semaphore, #tpu.memory_space<semaphore_mem>>) src(%dma_wait3A_71 : memref<2048xf32, #tpu.memory_space<vmem>>) dst(%dma_wait3A_69 : memref<2048xf32, #tpu.memory_space<hbm>>)
    %dma_wait3A_72 = arith.constant 2048 : i32
    %dma_wait3A_73 = tpu.memref_slice %arg21[%dma_wait3A_72] : memref<4096xf32, #tpu.memory_space<vmem>> -> memref<2048xf32, #tpu.memory_space<vmem>>
    %dma_wait3A_74 = tpu.memref_slice %arg8[%add3A_40] : memref<2097152xf32, #tpu.memory_space<hbm>> -> memref<2048xf32, #tpu.memory_space<hbm>>
    %dma_wait3A_75 = tpu.memref_slice %arg8[%add3A_40] : memref<2097152xf32, #tpu.memory_space<hbm>> -> memref<2048xf32, #tpu.memory_space<hbm>>
    %dma_wait3A_76 = arith.constant 2048 : i32
    %dma_wait3A_77 = tpu.memref_slice %arg21[%dma_wait3A_76] : memref<4096xf32, #tpu.memory_space<vmem>> -> memref<2048xf32, #tpu.memory_space<vmem>>
    tpu.wait_dma2 semaphore(%arg33 : memref<!tpu.dma_semaphore, #tpu.memory_space<semaphore_mem>>) src(%dma_wait3A_77 : memref<2048xf32, #tpu.memory_space<vmem>>) dst(%dma_wait3A_75 : memref<2048xf32, #tpu.memory_space<hbm>>)
    %dma_wait3A_78 = arith.constant 0 : i32
    %dma_wait3A_79 = tpu.memref_slice %arg22[%dma_wait3A_78] : memref<4096xf32, #tpu.memory_space<vmem>> -> memref<2048xf32, #tpu.memory_space<vmem>>
    %dma_wait3A_80 = tpu.memref_slice %arg8[%add3A_44] : memref<2097152xf32, #tpu.memory_space<hbm>> -> memref<2048xf32, #tpu.memory_space<hbm>>
    %dma_wait3A_81 = tpu.memref_slice %arg8[%add3A_44] : memref<2097152xf32, #tpu.memory_space<hbm>> -> memref<2048xf32, #tpu.memory_space<hbm>>
    %dma_wait3A_82 = arith.constant 0 : i32
    %dma_wait3A_83 = tpu.memref_slice %arg22[%dma_wait3A_82] : memref<4096xf32, #tpu.memory_space<vmem>> -> memref<2048xf32, #tpu.memory_space<vmem>>
    tpu.wait_dma2 semaphore(%arg33 : memref<!tpu.dma_semaphore, #tpu.memory_space<semaphore_mem>>) src(%dma_wait3A_83 : memref<2048xf32, #tpu.memory_space<vmem>>) dst(%dma_wait3A_81 : memref<2048xf32, #tpu.memory_space<hbm>>)
    %dma_wait3A_84 = arith.constant 2048 : i32
    %dma_wait3A_85 = tpu.memref_slice %arg22[%dma_wait3A_84] : memref<4096xf32, #tpu.memory_space<vmem>> -> memref<2048xf32, #tpu.memory_space<vmem>>
    %dma_wait3A_86 = tpu.memref_slice %arg8[%add3A_48] : memref<2097152xf32, #tpu.memory_space<hbm>> -> memref<2048xf32, #tpu.memory_space<hbm>>
    %dma_wait3A_87 = tpu.memref_slice %arg8[%add3A_48] : memref<2097152xf32, #tpu.memory_space<hbm>> -> memref<2048xf32, #tpu.memory_space<hbm>>
    %dma_wait3A_88 = arith.constant 2048 : i32
    %dma_wait3A_89 = tpu.memref_slice %arg22[%dma_wait3A_88] : memref<4096xf32, #tpu.memory_space<vmem>> -> memref<2048xf32, #tpu.memory_space<vmem>>
    tpu.wait_dma2 semaphore(%arg33 : memref<!tpu.dma_semaphore, #tpu.memory_space<semaphore_mem>>) src(%dma_wait3A_89 : memref<2048xf32, #tpu.memory_space<vmem>>) dst(%dma_wait3A_87 : memref<2048xf32, #tpu.memory_space<hbm>>)
    %dma_wait3A_90 = arith.constant 0 : i32
    %dma_wait3A_91 = tpu.memref_slice %arg23[%dma_wait3A_90] : memref<4096xf32, #tpu.memory_space<vmem>> -> memref<2048xf32, #tpu.memory_space<vmem>>
    %dma_wait3A_92 = tpu.memref_slice %arg8[%add3A_52] : memref<2097152xf32, #tpu.memory_space<hbm>> -> memref<2048xf32, #tpu.memory_space<hbm>>
    %dma_wait3A_93 = tpu.memref_slice %arg8[%add3A_52] : memref<2097152xf32, #tpu.memory_space<hbm>> -> memref<2048xf32, #tpu.memory_space<hbm>>
    %dma_wait3A_94 = arith.constant 0 : i32
    %dma_wait3A_95 = tpu.memref_slice %arg23[%dma_wait3A_94] : memref<4096xf32, #tpu.memory_space<vmem>> -> memref<2048xf32, #tpu.memory_space<vmem>>
    tpu.wait_dma2 semaphore(%arg33 : memref<!tpu.dma_semaphore, #tpu.memory_space<semaphore_mem>>) src(%dma_wait3A_95 : memref<2048xf32, #tpu.memory_space<vmem>>) dst(%dma_wait3A_93 : memref<2048xf32, #tpu.memory_space<hbm>>)
    %dma_wait3A_96 = arith.constant 2048 : i32
    %dma_wait3A_97 = tpu.memref_slice %arg23[%dma_wait3A_96] : memref<4096xf32, #tpu.memory_space<vmem>> -> memref<2048xf32, #tpu.memory_space<vmem>>
    %dma_wait3A_98 = tpu.memref_slice %arg8[%add3A_56] : memref<2097152xf32, #tpu.memory_space<hbm>> -> memref<2048xf32, #tpu.memory_space<hbm>>
    %dma_wait3A_99 = tpu.memref_slice %arg8[%add3A_56] : memref<2097152xf32, #tpu.memory_space<hbm>> -> memref<2048xf32, #tpu.memory_space<hbm>>
    %dma_wait3A_100 = arith.constant 2048 : i32
    %dma_wait3A_101 = tpu.memref_slice %arg23[%dma_wait3A_100] : memref<4096xf32, #tpu.memory_space<vmem>> -> memref<2048xf32, #tpu.memory_space<vmem>>
    tpu.wait_dma2 semaphore(%arg33 : memref<!tpu.dma_semaphore, #tpu.memory_space<semaphore_mem>>) src(%dma_wait3A_101 : memref<2048xf32, #tpu.memory_space<vmem>>) dst(%dma_wait3A_99 : memref<2048xf32, #tpu.memory_space<hbm>>)
    %dma_wait3A_102 = arith.constant 0 : i32
    %dma_wait3A_103 = tpu.memref_slice %arg24[%dma_wait3A_102] : memref<4096xf32, #tpu.memory_space<vmem>> -> memref<2048xf32, #tpu.memory_space<vmem>>
    %dma_wait3A_104 = tpu.memref_slice %arg8[%add3A_60] : memref<2097152xf32, #tpu.memory_space<hbm>> -> memref<2048xf32, #tpu.memory_space<hbm>>
    %dma_wait3A_105 = tpu.memref_slice %arg8[%add3A_60] : memref<2097152xf32, #tpu.memory_space<hbm>> -> memref<2048xf32, #tpu.memory_space<hbm>>
    %dma_wait3A_106 = arith.constant 0 : i32
    %dma_wait3A_107 = tpu.memref_slice %arg24[%dma_wait3A_106] : memref<4096xf32, #tpu.memory_space<vmem>> -> memref<2048xf32, #tpu.memory_space<vmem>>
    tpu.wait_dma2 semaphore(%arg33 : memref<!tpu.dma_semaphore, #tpu.memory_space<semaphore_mem>>) src(%dma_wait3A_107 : memref<2048xf32, #tpu.memory_space<vmem>>) dst(%dma_wait3A_105 : memref<2048xf32, #tpu.memory_space<hbm>>)
    %dma_wait3A_108 = arith.constant 2048 : i32
    %dma_wait3A_109 = tpu.memref_slice %arg24[%dma_wait3A_108] : memref<4096xf32, #tpu.memory_space<vmem>> -> memref<2048xf32, #tpu.memory_space<vmem>>
    %dma_wait3A_110 = tpu.memref_slice %arg8[%add3A_64] : memref<2097152xf32, #tpu.memory_space<hbm>> -> memref<2048xf32, #tpu.memory_space<hbm>>
    %dma_wait3A_111 = tpu.memref_slice %arg8[%add3A_64] : memref<2097152xf32, #tpu.memory_space<hbm>> -> memref<2048xf32, #tpu.memory_space<hbm>>
    %dma_wait3A_112 = arith.constant 2048 : i32
    %dma_wait3A_113 = tpu.memref_slice %arg24[%dma_wait3A_112] : memref<4096xf32, #tpu.memory_space<vmem>> -> memref<2048xf32, #tpu.memory_space<vmem>>
    tpu.wait_dma2 semaphore(%arg33 : memref<!tpu.dma_semaphore, #tpu.memory_space<semaphore_mem>>) src(%dma_wait3A_113 : memref<2048xf32, #tpu.memory_space<vmem>>) dst(%dma_wait3A_111 : memref<2048xf32, #tpu.memory_space<hbm>>)
    %dma_wait3A_114 = tpu.memref_slice %arg9[%mul3A_66] : memref<65536xf32, #tpu.memory_space<hbm>> -> memref<512xf32, #tpu.memory_space<hbm>>
    %dma_wait3A_115 = tpu.memref_slice %arg9[%mul3A_66] : memref<65536xf32, #tpu.memory_space<hbm>> -> memref<512xf32, #tpu.memory_space<hbm>>
    tpu.wait_dma2 semaphore(%arg33 : memref<!tpu.dma_semaphore, #tpu.memory_space<semaphore_mem>>) src(%arg25 : memref<512xf32, #tpu.memory_space<vmem>>) dst(%dma_wait3A_115 : memref<512xf32, #tpu.memory_space<hbm>>)
    %add3A_116 = arith.constant 4 : i32
    %add3A_117 = arith.addi %mul3A_2, %add3A_116 : i32
    %sub3A_118 = arith.constant 1 : i32
    %sub3A_119 = arith.subi %add3A_117, %sub3A_118 : i32
    %mul3A_120 = arith.constant 2048 : i32
    %mul3A_121 = arith.muli %sub3A_119, %mul3A_120 : i32
    %add3A_122 = arith.constant 0 : i32
    %add3A_123 = arith.addi %add3A_122, %mul3A_121 : i32
    %mul3A_124 = arith.constant 2048 : i32
    %mul3A_125 = arith.muli %sub3A_119, %mul3A_124 : i32
    %add3A_126 = arith.constant 262144 : i32
    %add3A_127 = arith.addi %add3A_126, %mul3A_125 : i32
    %mul3A_128 = arith.constant 2048 : i32
    %mul3A_129 = arith.muli %sub3A_119, %mul3A_128 : i32
    %add3A_130 = arith.constant 524288 : i32
    %add3A_131 = arith.addi %add3A_130, %mul3A_129 : i32
    %mul3A_132 = arith.constant 2048 : i32
    %mul3A_133 = arith.muli %sub3A_119, %mul3A_132 : i32
    %add3A_134 = arith.constant 786432 : i32
    %add3A_135 = arith.addi %add3A_134, %mul3A_133 : i32
    %mul3A_136 = arith.constant 2048 : i32
    %mul3A_137 = arith.muli %sub3A_119, %mul3A_136 : i32
    %add3A_138 = arith.constant 1048576 : i32
    %add3A_139 = arith.addi %add3A_138, %mul3A_137 : i32
    %mul3A_140 = arith.constant 2048 : i32
    %mul3A_141 = arith.muli %sub3A_119, %mul3A_140 : i32
    %add3A_142 = arith.constant 1310720 : i32
    %add3A_143 = arith.addi %add3A_142, %mul3A_141 : i32
    %mul3A_144 = arith.constant 2048 : i32
    %mul3A_145 = arith.muli %sub3A_119, %mul3A_144 : i32
    %add3A_146 = arith.constant 1572864 : i32
    %add3A_147 = arith.addi %add3A_146, %mul3A_145 : i32
    %mul3A_148 = arith.constant 2048 : i32
    %mul3A_149 = arith.muli %sub3A_119, %mul3A_148 : i32
    %add3A_150 = arith.constant 1835008 : i32
    %add3A_151 = arith.addi %add3A_150, %mul3A_149 : i32
    %mul3A_152 = arith.constant 512 : i32
    %mul3A_153 = arith.muli %sub3A_119, %mul3A_152 : i32
    %dma_wait3A_154 = arith.constant 0 : i32
    %dma_wait3A_155 = tpu.memref_slice %arg26[%dma_wait3A_154] : memref<4096xf32, #tpu.memory_space<vmem>> -> memref<2048xf32, #tpu.memory_space<vmem>>
    %dma_wait3A_156 = tpu.memref_slice %arg8[%add3A_123] : memref<2097152xf32, #tpu.memory_space<hbm>> -> memref<2048xf32, #tpu.memory_space<hbm>>
    %dma_wait3A_157 = tpu.memref_slice %arg8[%add3A_123] : memref<2097152xf32, #tpu.memory_space<hbm>> -> memref<2048xf32, #tpu.memory_space<hbm>>
    %dma_wait3A_158 = arith.constant 0 : i32
    %dma_wait3A_159 = tpu.memref_slice %arg26[%dma_wait3A_158] : memref<4096xf32, #tpu.memory_space<vmem>> -> memref<2048xf32, #tpu.memory_space<vmem>>
    tpu.wait_dma2 semaphore(%arg34 : memref<!tpu.dma_semaphore, #tpu.memory_space<semaphore_mem>>) src(%dma_wait3A_159 : memref<2048xf32, #tpu.memory_space<vmem>>) dst(%dma_wait3A_157 : memref<2048xf32, #tpu.memory_space<hbm>>)
    %dma_wait3A_160 = arith.constant 2048 : i32
    %dma_wait3A_161 = tpu.memref_slice %arg26[%dma_wait3A_160] : memref<4096xf32, #tpu.memory_space<vmem>> -> memref<2048xf32, #tpu.memory_space<vmem>>
    %dma_wait3A_162 = tpu.memref_slice %arg8[%add3A_127] : memref<2097152xf32, #tpu.memory_space<hbm>> -> memref<2048xf32, #tpu.memory_space<hbm>>
    %dma_wait3A_163 = tpu.memref_slice %arg8[%add3A_127] : memref<2097152xf32, #tpu.memory_space<hbm>> -> memref<2048xf32, #tpu.memory_space<hbm>>
    %dma_wait3A_164 = arith.constant 2048 : i32
    %dma_wait3A_165 = tpu.memref_slice %arg26[%dma_wait3A_164] : memref<4096xf32, #tpu.memory_space<vmem>> -> memref<2048xf32, #tpu.memory_space<vmem>>
    tpu.wait_dma2 semaphore(%arg34 : memref<!tpu.dma_semaphore, #tpu.memory_space<semaphore_mem>>) src(%dma_wait3A_165 : memref<2048xf32, #tpu.memory_space<vmem>>) dst(%dma_wait3A_163 : memref<2048xf32, #tpu.memory_space<hbm>>)
    %dma_wait3A_166 = arith.constant 0 : i32
    %dma_wait3A_167 = tpu.memref_slice %arg27[%dma_wait3A_166] : memref<4096xf32, #tpu.memory_space<vmem>> -> memref<2048xf32, #tpu.memory_space<vmem>>
    %dma_wait3A_168 = tpu.memref_slice %arg8[%add3A_131] : memref<2097152xf32, #tpu.memory_space<hbm>> -> memref<2048xf32, #tpu.memory_space<hbm>>
    %dma_wait3A_169 = tpu.memref_slice %arg8[%add3A_131] : memref<2097152xf32, #tpu.memory_space<hbm>> -> memref<2048xf32, #tpu.memory_space<hbm>>
    %dma_wait3A_170 = arith.constant 0 : i32
    %dma_wait3A_171 = tpu.memref_slice %arg27[%dma_wait3A_170] : memref<4096xf32, #tpu.memory_space<vmem>> -> memref<2048xf32, #tpu.memory_space<vmem>>
    tpu.wait_dma2 semaphore(%arg34 : memref<!tpu.dma_semaphore, #tpu.memory_space<semaphore_mem>>) src(%dma_wait3A_171 : memref<2048xf32, #tpu.memory_space<vmem>>) dst(%dma_wait3A_169 : memref<2048xf32, #tpu.memory_space<hbm>>)
    %dma_wait3A_172 = arith.constant 2048 : i32
    %dma_wait3A_173 = tpu.memref_slice %arg27[%dma_wait3A_172] : memref<4096xf32, #tpu.memory_space<vmem>> -> memref<2048xf32, #tpu.memory_space<vmem>>
    %dma_wait3A_174 = tpu.memref_slice %arg8[%add3A_135] : memref<2097152xf32, #tpu.memory_space<hbm>> -> memref<2048xf32, #tpu.memory_space<hbm>>
    %dma_wait3A_175 = tpu.memref_slice %arg8[%add3A_135] : memref<2097152xf32, #tpu.memory_space<hbm>> -> memref<2048xf32, #tpu.memory_space<hbm>>
    %dma_wait3A_176 = arith.constant 2048 : i32
    %dma_wait3A_177 = tpu.memref_slice %arg27[%dma_wait3A_176] : memref<4096xf32, #tpu.memory_space<vmem>> -> memref<2048xf32, #tpu.memory_space<vmem>>
    tpu.wait_dma2 semaphore(%arg34 : memref<!tpu.dma_semaphore, #tpu.memory_space<semaphore_mem>>) src(%dma_wait3A_177 : memref<2048xf32, #tpu.memory_space<vmem>>) dst(%dma_wait3A_175 : memref<2048xf32, #tpu.memory_space<hbm>>)
    %dma_wait3A_178 = arith.constant 0 : i32
    %dma_wait3A_179 = tpu.memref_slice %arg28[%dma_wait3A_178] : memref<4096xf32, #tpu.memory_space<vmem>> -> memref<2048xf32, #tpu.memory_space<vmem>>
    %dma_wait3A_180 = tpu.memref_slice %arg8[%add3A_139] : memref<2097152xf32, #tpu.memory_space<hbm>> -> memref<2048xf32, #tpu.memory_space<hbm>>
    %dma_wait3A_181 = tpu.memref_slice %arg8[%add3A_139] : memref<2097152xf32, #tpu.memory_space<hbm>> -> memref<2048xf32, #tpu.memory_space<hbm>>
    %dma_wait3A_182 = arith.constant 0 : i32
    %dma_wait3A_183 = tpu.memref_slice %arg28[%dma_wait3A_182] : memref<4096xf32, #tpu.memory_space<vmem>> -> memref<2048xf32, #tpu.memory_space<vmem>>
    tpu.wait_dma2 semaphore(%arg34 : memref<!tpu.dma_semaphore, #tpu.memory_space<semaphore_mem>>) src(%dma_wait3A_183 : memref<2048xf32, #tpu.memory_space<vmem>>) dst(%dma_wait3A_181 : memref<2048xf32, #tpu.memory_space<hbm>>)
    %dma_wait3A_184 = arith.constant 2048 : i32
    %dma_wait3A_185 = tpu.memref_slice %arg28[%dma_wait3A_184] : memref<4096xf32, #tpu.memory_space<vmem>> -> memref<2048xf32, #tpu.memory_space<vmem>>
    %dma_wait3A_186 = tpu.memref_slice %arg8[%add3A_143] : memref<2097152xf32, #tpu.memory_space<hbm>> -> memref<2048xf32, #tpu.memory_space<hbm>>
    %dma_wait3A_187 = tpu.memref_slice %arg8[%add3A_143] : memref<2097152xf32, #tpu.memory_space<hbm>> -> memref<2048xf32, #tpu.memory_space<hbm>>
    %dma_wait3A_188 = arith.constant 2048 : i32
    %dma_wait3A_189 = tpu.memref_slice %arg28[%dma_wait3A_188] : memref<4096xf32, #tpu.memory_space<vmem>> -> memref<2048xf32, #tpu.memory_space<vmem>>
    tpu.wait_dma2 semaphore(%arg34 : memref<!tpu.dma_semaphore, #tpu.memory_space<semaphore_mem>>) src(%dma_wait3A_189 : memref<2048xf32, #tpu.memory_space<vmem>>) dst(%dma_wait3A_187 : memref<2048xf32, #tpu.memory_space<hbm>>)
    %dma_wait3A_190 = arith.constant 0 : i32
    %dma_wait3A_191 = tpu.memref_slice %arg29[%dma_wait3A_190] : memref<4096xf32, #tpu.memory_space<vmem>> -> memref<2048xf32, #tpu.memory_space<vmem>>
    %dma_wait3A_192 = tpu.memref_slice %arg8[%add3A_147] : memref<2097152xf32, #tpu.memory_space<hbm>> -> memref<2048xf32, #tpu.memory_space<hbm>>
    %dma_wait3A_193 = tpu.memref_slice %arg8[%add3A_147] : memref<2097152xf32, #tpu.memory_space<hbm>> -> memref<2048xf32, #tpu.memory_space<hbm>>
    %dma_wait3A_194 = arith.constant 0 : i32
    %dma_wait3A_195 = tpu.memref_slice %arg29[%dma_wait3A_194] : memref<4096xf32, #tpu.memory_space<vmem>> -> memref<2048xf32, #tpu.memory_space<vmem>>
    tpu.wait_dma2 semaphore(%arg34 : memref<!tpu.dma_semaphore, #tpu.memory_space<semaphore_mem>>) src(%dma_wait3A_195 : memref<2048xf32, #tpu.memory_space<vmem>>) dst(%dma_wait3A_193 : memref<2048xf32, #tpu.memory_space<hbm>>)
    %dma_wait3A_196 = arith.constant 2048 : i32
    %dma_wait3A_197 = tpu.memref_slice %arg29[%dma_wait3A_196] : memref<4096xf32, #tpu.memory_space<vmem>> -> memref<2048xf32, #tpu.memory_space<vmem>>
    %dma_wait3A_198 = tpu.memref_slice %arg8[%add3A_151] : memref<2097152xf32, #tpu.memory_space<hbm>> -> memref<2048xf32, #tpu.memory_space<hbm>>
    %dma_wait3A_199 = tpu.memref_slice %arg8[%add3A_151] : memref<2097152xf32, #tpu.memory_space<hbm>> -> memref<2048xf32, #tpu.memory_space<hbm>>
    %dma_wait3A_200 = arith.constant 2048 : i32
    %dma_wait3A_201 = tpu.memref_slice %arg29[%dma_wait3A_200] : memref<4096xf32, #tpu.memory_space<vmem>> -> memref<2048xf32, #tpu.memory_space<vmem>>
    tpu.wait_dma2 semaphore(%arg34 : memref<!tpu.dma_semaphore, #tpu.memory_space<semaphore_mem>>) src(%dma_wait3A_201 : memref<2048xf32, #tpu.memory_space<vmem>>) dst(%dma_wait3A_199 : memref<2048xf32, #tpu.memory_space<hbm>>)
    %dma_wait3A_202 = tpu.memref_slice %arg9[%mul3A_153] : memref<65536xf32, #tpu.memory_space<hbm>> -> memref<512xf32, #tpu.memory_space<hbm>>
    %dma_wait3A_203 = tpu.memref_slice %arg9[%mul3A_153] : memref<65536xf32, #tpu.memory_space<hbm>> -> memref<512xf32, #tpu.memory_space<hbm>>
    tpu.wait_dma2 semaphore(%arg34 : memref<!tpu.dma_semaphore, #tpu.memory_space<semaphore_mem>>) src(%arg30 : memref<512xf32, #tpu.memory_space<vmem>>) dst(%dma_wait3A_203 : memref<512xf32, #tpu.memory_space<hbm>>)
    return
  }
}

module attributes {stable_mosaic.version = 14 : i64} {
  func.func @_tc_body(%arg0: i32, %arg1: memref<4x2xi32, #tpu.memory_space<smem>>, %arg2: memref<64x2048xf32, #tpu.memory_space<vmem>>, %arg3: memref<256x64xf32, #tpu.memory_space<vmem>>, %arg4: memref<256x1xf32, #tpu.memory_space<vmem>>, %arg5: memref<16x256xf32, #tpu.memory_space<vmem>>, %arg6: memref<16x1xf32, #tpu.memory_space<vmem>>, %arg7: memref<4x128xf32, #tpu.memory_space<vmem>>, %arg8: memref<16x2048xf32, #tpu.memory_space<vmem>>, %arg9: memref<256x128xf32, #tpu.memory_space<vmem>>, %arg10: memref<256x128xf32, #tpu.memory_space<vmem>>, %arg11: memref<256x128xf32, #tpu.memory_space<vmem>>, %arg12: memref<256x128xf32, #tpu.memory_space<vmem>>) attributes {dimension_semantics = [#tpu.dimension_semantics<arbitrary>], iteration_bounds = array<i64: 16>, scalar_prefetch = 0 : i64, scratch_operands = 0 : i64, tpu.core_type = #tpu.core_type<tc>, window_params = [{transform_indices = @transform_0, window_bounds = array<i64: 4, 2>}, {transform_indices = @transform_1, window_bounds = array<i64: 64, 2048>}, {pipeline_mode = #tpu.pipeline_mode<synchronous>, transform_indices = @transform_2, window_bounds = array<i64: 256, 64>}, {pipeline_mode = #tpu.pipeline_mode<synchronous>, transform_indices = @transform_3, window_bounds = array<i64: 256, 1>}, {pipeline_mode = #tpu.pipeline_mode<synchronous>, transform_indices = @transform_4, window_bounds = array<i64: 16, 256>}, {pipeline_mode = #tpu.pipeline_mode<synchronous>, transform_indices = @transform_5, window_bounds = array<i64: 16, 1>}, {pipeline_mode = #tpu.pipeline_mode<synchronous>, transform_indices = @transform_6, window_bounds = array<i64: 4, 128>}, {transform_indices = @transform_7, window_bounds = array<i64: 16, 2048>}, {transform_indices = @transform_8, window_bounds = array<i64: 256, 128>}, {transform_indices = @transform_9, window_bounds = array<i64: 256, 128>}, {transform_indices = @transform_10, window_bounds = array<i64: 256, 128>}, {transform_indices = @transform_11, window_bounds = array<i64: 256, 128>}]} {
    %get3A = arith.constant 0 : index
    %get3A_0 = arith.constant 0 : index
    %get3A_1 = vector.load %arg3[%get3A, %get3A_0] : memref<256x64xf32, #tpu.memory_space<vmem>>, vector<256x64xf32>
    %get3A_2 = arith.constant 0 : index
    %get3A_3 = arith.constant 0 : index
    %get3A_4 = vector.load %arg2[%get3A_2, %get3A_3] : memref<64x2048xf32, #tpu.memory_space<vmem>>, vector<64x2048xf32>
    %dot_general3A = arith.constant dense<0.000000e+00> : vector<256x2048xf32>
    %dot_general3A_5 = tpu.matmul %get3A_1, %get3A_4, %dot_general3A {dimension_numbers = #tpu.dot_dimension_numbers<[1], [0], [0], [1], [0, 0, 1, 1], [], []>, transpose_lhs_hint = false} : vector<256x64xf32>, vector<64x2048xf32>, vector<256x2048xf32> -> vector<256x2048xf32>
    %get3A_6 = arith.constant 0 : index
    %get3A_7 = arith.constant 0 : index
    %get3A_8 = vector.load %arg4[%get3A_6, %get3A_7] : memref<256x1xf32, #tpu.memory_space<vmem>>, vector<256x1xf32>
    %add3A = vector.broadcast %get3A_8 : vector<256x1xf32> to vector<256x2048xf32>
    %add3A_9 = arith.addf %dot_general3A_5, %add3A : vector<256x2048xf32>
    %tanh3A = math.tanh %add3A_9 : vector<256x2048xf32>
    %get3A_10 = arith.constant 0 : index
    %get3A_11 = arith.constant 0 : index
    %get3A_12 = vector.load %arg5[%get3A_10, %get3A_11] : memref<16x256xf32, #tpu.memory_space<vmem>>, vector<16x256xf32>
    %dot_general3A_13 = arith.constant dense<0.000000e+00> : vector<16x2048xf32>
    %dot_general3A_14 = tpu.matmul %get3A_12, %tanh3A, %dot_general3A_13 {dimension_numbers = #tpu.dot_dimension_numbers<[1], [0], [0], [1], [0, 0, 1, 1], [], []>, transpose_lhs_hint = false} : vector<16x256xf32>, vector<256x2048xf32>, vector<16x2048xf32> -> vector<16x2048xf32>
    %get3A_15 = arith.constant 0 : index
    %get3A_16 = arith.constant 0 : index
    %get3A_17 = vector.load %arg6[%get3A_15, %get3A_16] : memref<16x1xf32, #tpu.memory_space<vmem>>, vector<16x1xf32>
    %add3A_18 = vector.broadcast %get3A_17 : vector<16x1xf32> to vector<16x2048xf32>
    %add3A_19 = arith.addf %dot_general3A_14, %add3A_18 : vector<16x2048xf32>
    %swap3A = arith.constant 0 : index
    %swap3A_20 = arith.constant 0 : index
    %swap3A_21 = vector.load %arg8[%swap3A, %swap3A_20] : memref<16x2048xf32, #tpu.memory_space<vmem>>, vector<16x2048xf32>
    tpu.vector_store %arg8[%swap3A, %swap3A_20], %add3A_19 {strides = array<i32>} : memref<16x2048xf32, #tpu.memory_space<vmem>>, vector<16x2048xf32>,
    %iota3A = tpu.iota {dimensions = array<i32: 0>} : vector<256x128xi32>
    %mul3A = arith.constant 128 : i32
    %mul3A_22 = vector.broadcast %mul3A : i32 to vector<256x128xi32>
    %mul3A_23 = arith.muli %iota3A, %mul3A_22 : vector<256x128xi32>
    %iota3A_24 = tpu.iota {dimensions = array<i32: 1>} : vector<256x128xi32>
    %add3A_25 = arith.addi %mul3A_23, %iota3A_24 : vector<256x128xi32>
    %mul3A_26 = arith.constant 32768 : i32
    %mul3A_27 = arith.muli %arg0, %mul3A_26 : i32
    %add3A_28 = vector.broadcast %mul3A_27 : i32 to vector<256x128xi32>
    %add3A_29 = arith.addi %add3A_25, %add3A_28 : vector<256x128xi32>
    %get3A_30 = arith.constant 0 : index
    %get3A_31 = arith.constant 0 : index
    %get3A_32 = memref.load %arg1[%get3A_30, %get3A_31] : memref<4x2xi32, #tpu.memory_space<smem>>
    %get3A_33 = arith.constant 0 : index
    %get3A_34 = arith.constant 1 : index
    %get3A_35 = memref.load %arg1[%get3A_33, %get3A_34] : memref<4x2xi32, #tpu.memory_space<smem>>
    %xor3A = arith.xori %get3A_32, %get3A_35 : i32
    %xor3A_36 = arith.constant 466688986 : i32
    %xor3A_37 = arith.xori %xor3A, %xor3A_36 : i32
    %broadcast_in_dim3A = vector.broadcast %get3A_32 : i32 to vector<256x128xi32>
    %add3A_38 = vector.broadcast %get3A_35 : i32 to vector<256x128xi32>
    %add3A_39 = arith.addi %add3A_29, %add3A_38 : vector<256x128xi32>
    %add3A_40 = arith.addi %broadcast_in_dim3A, %add3A_39 : vector<256x128xi32>
    %shift_left3A = arith.constant 13 : i32
    %shift_left3A_41 = vector.broadcast %shift_left3A : i32 to vector<256x128xi32>
    %shift_left3A_42 = arith.shli %add3A_39, %shift_left3A_41 : vector<256x128xi32>
    %shift_right_logical3A = arith.constant 19 : i32
    %shift_right_logical3A_43 = vector.broadcast %shift_right_logical3A : i32 to vector<256x128xi32>
    %shift_right_logical3A_44 = arith.shrui %add3A_39, %shift_right_logical3A_43 : vector<256x128xi32>
    %or3A = arith.ori %shift_left3A_42, %shift_right_logical3A_44 : vector<256x128xi32>
    %xor3A_45 = arith.xori %or3A, %add3A_40 : vector<256x128xi32>
    %add3A_46 = arith.addi %add3A_40, %xor3A_45 : vector<256x128xi32>
    %shift_left3A_47 = arith.constant 15 : i32
    %shift_left3A_48 = vector.broadcast %shift_left3A_47 : i32 to vector<256x128xi32>
    %shift_left3A_49 = arith.shli %xor3A_45, %shift_left3A_48 : vector<256x128xi32>
    %shift_right_logical3A_50 = arith.constant 17 : i32
    %shift_right_logical3A_51 = vector.broadcast %shift_right_logical3A_50 : i32 to vector<256x128xi32>
    %shift_right_logical3A_52 = arith.shrui %xor3A_45, %shift_right_logical3A_51 : vector<256x128xi32>
    %or3A_53 = arith.ori %shift_left3A_49, %shift_right_logical3A_52 : vector<256x128xi32>
    %xor3A_54 = arith.xori %or3A_53, %add3A_46 : vector<256x128xi32>
    %add3A_55 = arith.addi %add3A_46, %xor3A_54 : vector<256x128xi32>
    %shift_left3A_56 = arith.constant 26 : i32
    %shift_left3A_57 = vector.broadcast %shift_left3A_56 : i32 to vector<256x128xi32>
    %shift_left3A_58 = arith.shli %xor3A_54, %shift_left3A_57 : vector<256x128xi32>
    %shift_right_logical3A_59 = arith.constant 6 : i32
    %shift_right_logical3A_60 = vector.broadcast %shift_right_logical3A_59 : i32 to vector<256x128xi32>
    %shift_right_logical3A_61 = arith.shrui %xor3A_54, %shift_right_logical3A_60 : vector<256x128xi32>
    %or3A_62 = arith.ori %shift_left3A_58, %shift_right_logical3A_61 : vector<256x128xi32>
    %xor3A_63 = arith.xori %or3A_62, %add3A_55 : vector<256x128xi32>
    %add3A_64 = arith.addi %add3A_55, %xor3A_63 : vector<256x128xi32>
    %shift_left3A_65 = arith.constant 6 : i32
    %shift_left3A_66 = vector.broadcast %shift_left3A_65 : i32 to vector<256x128xi32>
    %shift_left3A_67 = arith.shli %xor3A_63, %shift_left3A_66 : vector<256x128xi32>
    %shift_right_logical3A_68 = arith.constant 26 : i32
    %shift_right_logical3A_69 = vector.broadcast %shift_right_logical3A_68 : i32 to vector<256x128xi32>
    %shift_right_logical3A_70 = arith.shrui %xor3A_63, %shift_right_logical3A_69 : vector<256x128xi32>
    %or3A_71 = arith.ori %shift_left3A_67, %shift_right_logical3A_70 : vector<256x128xi32>
    %xor3A_72 = arith.xori %or3A_71, %add3A_64 : vector<256x128xi32>
    %add3A_73 = vector.broadcast %get3A_35 : i32 to vector<256x128xi32>
    %add3A_74 = arith.addi %add3A_64, %add3A_73 : vector<256x128xi32>
    %add3A_75 = vector.broadcast %xor3A_37 : i32 to vector<256x128xi32>
    %add3A_76 = arith.addi %xor3A_72, %add3A_75 : vector<256x128xi32>
    %add3A_77 = arith.constant 1 : i32
    %add3A_78 = vector.broadcast %add3A_77 : i32 to vector<256x128xi32>
    %add3A_79 = arith.addi %add3A_76, %add3A_78 : vector<256x128xi32>
    %add3A_80 = arith.addi %add3A_74, %add3A_79 : vector<256x128xi32>
    %shift_left3A_81 = arith.constant 17 : i32
    %shift_left3A_82 = vector.broadcast %shift_left3A_81 : i32 to vector<256x128xi32>
    %shift_left3A_83 = arith.shli %add3A_79, %shift_left3A_82 : vector<256x128xi32>
    %shift_right_logical3A_84 = arith.constant 15 : i32
    %shift_right_logical3A_85 = vector.broadcast %shift_right_logical3A_84 : i32 to vector<256x128xi32>
    %shift_right_logical3A_86 = arith.shrui %add3A_79, %shift_right_logical3A_85 : vector<256x128xi32>
    %or3A_87 = arith.ori %shift_left3A_83, %shift_right_logical3A_86 : vector<256x128xi32>
    %xor3A_88 = arith.xori %or3A_87, %add3A_80 : vector<256x128xi32>
    %add3A_89 = arith.addi %add3A_80, %xor3A_88 : vector<256x128xi32>
    %shift_left3A_90 = arith.constant 29 : i32
    %shift_left3A_91 = vector.broadcast %shift_left3A_90 : i32 to vector<256x128xi32>
    %shift_left3A_92 = arith.shli %xor3A_88, %shift_left3A_91 : vector<256x128xi32>
    %shift_right_logical3A_93 = arith.constant 3 : i32
    %shift_right_logical3A_94 = vector.broadcast %shift_right_logical3A_93 : i32 to vector<256x128xi32>
    %shift_right_logical3A_95 = arith.shrui %xor3A_88, %shift_right_logical3A_94 : vector<256x128xi32>
    %or3A_96 = arith.ori %shift_left3A_92, %shift_right_logical3A_95 : vector<256x128xi32>
    %xor3A_97 = arith.xori %or3A_96, %add3A_89 : vector<256x128xi32>
    %add3A_98 = arith.addi %add3A_89, %xor3A_97 : vector<256x128xi32>
    %shift_left3A_99 = arith.constant 16 : i32
    %shift_left3A_100 = vector.broadcast %shift_left3A_99 : i32 to vector<256x128xi32>
    %shift_left3A_101 = arith.shli %xor3A_97, %shift_left3A_100 : vector<256x128xi32>
    %shift_right_logical3A_102 = arith.constant 16 : i32
    %shift_right_logical3A_103 = vector.broadcast %shift_right_logical3A_102 : i32 to vector<256x128xi32>
    %shift_right_logical3A_104 = arith.shrui %xor3A_97, %shift_right_logical3A_103 : vector<256x128xi32>
    %or3A_105 = arith.ori %shift_left3A_101, %shift_right_logical3A_104 : vector<256x128xi32>
    %xor3A_106 = arith.xori %or3A_105, %add3A_98 : vector<256x128xi32>
    %add3A_107 = arith.addi %add3A_98, %xor3A_106 : vector<256x128xi32>
    %shift_left3A_108 = arith.constant 24 : i32
    %shift_left3A_109 = vector.broadcast %shift_left3A_108 : i32 to vector<256x128xi32>
    %shift_left3A_110 = arith.shli %xor3A_106, %shift_left3A_109 : vector<256x128xi32>
    %shift_right_logical3A_111 = arith.constant 8 : i32
    %shift_right_logical3A_112 = vector.broadcast %shift_right_logical3A_111 : i32 to vector<256x128xi32>
    %shift_right_logical3A_113 = arith.shrui %xor3A_106, %shift_right_logical3A_112 : vector<256x128xi32>
    %or3A_114 = arith.ori %shift_left3A_110, %shift_right_logical3A_113 : vector<256x128xi32>
    %xor3A_115 = arith.xori %or3A_114, %add3A_107 : vector<256x128xi32>
    %add3A_116 = vector.broadcast %xor3A_37 : i32 to vector<256x128xi32>
    %add3A_117 = arith.addi %add3A_107, %add3A_116 : vector<256x128xi32>
    %add3A_118 = vector.broadcast %get3A_32 : i32 to vector<256x128xi32>
    %add3A_119 = arith.addi %xor3A_115, %add3A_118 : vector<256x128xi32>
    %add3A_120 = arith.constant 2 : i32
    %add3A_121 = vector.broadcast %add3A_120 : i32 to vector<256x128xi32>
    %add3A_122 = arith.addi %add3A_119, %add3A_121 : vector<256x128xi32>
    %add3A_123 = arith.addi %add3A_117, %add3A_122 : vector<256x128xi32>
    %shift_left3A_124 = arith.constant 13 : i32
    %shift_left3A_125 = vector.broadcast %shift_left3A_124 : i32 to vector<256x128xi32>
    %shift_left3A_126 = arith.shli %add3A_122, %shift_left3A_125 : vector<256x128xi32>
    %shift_right_logical3A_127 = arith.constant 19 : i32
    %shift_right_logical3A_128 = vector.broadcast %shift_right_logical3A_127 : i32 to vector<256x128xi32>
    %shift_right_logical3A_129 = arith.shrui %add3A_122, %shift_right_logical3A_128 : vector<256x128xi32>
    %or3A_130 = arith.ori %shift_left3A_126, %shift_right_logical3A_129 : vector<256x128xi32>
    %xor3A_131 = arith.xori %or3A_130, %add3A_123 : vector<256x128xi32>
    %add3A_132 = arith.addi %add3A_123, %xor3A_131 : vector<256x128xi32>
    %shift_left3A_133 = arith.constant 15 : i32
    %shift_left3A_134 = vector.broadcast %shift_left3A_133 : i32 to vector<256x128xi32>
    %shift_left3A_135 = arith.shli %xor3A_131, %shift_left3A_134 : vector<256x128xi32>
    %shift_right_logical3A_136 = arith.constant 17 : i32
    %shift_right_logical3A_137 = vector.broadcast %shift_right_logical3A_136 : i32 to vector<256x128xi32>
    %shift_right_logical3A_138 = arith.shrui %xor3A_131, %shift_right_logical3A_137 : vector<256x128xi32>
    %or3A_139 = arith.ori %shift_left3A_135, %shift_right_logical3A_138 : vector<256x128xi32>
    %xor3A_140 = arith.xori %or3A_139, %add3A_132 : vector<256x128xi32>
    %add3A_141 = arith.addi %add3A_132, %xor3A_140 : vector<256x128xi32>
    %shift_left3A_142 = arith.constant 26 : i32
    %shift_left3A_143 = vector.broadcast %shift_left3A_142 : i32 to vector<256x128xi32>
    %shift_left3A_144 = arith.shli %xor3A_140, %shift_left3A_143 : vector<256x128xi32>
    %shift_right_logical3A_145 = arith.constant 6 : i32
    %shift_right_logical3A_146 = vector.broadcast %shift_right_logical3A_145 : i32 to vector<256x128xi32>
    %shift_right_logical3A_147 = arith.shrui %xor3A_140, %shift_right_logical3A_146 : vector<256x128xi32>
    %or3A_148 = arith.ori %shift_left3A_144, %shift_right_logical3A_147 : vector<256x128xi32>
    %xor3A_149 = arith.xori %or3A_148, %add3A_141 : vector<256x128xi32>
    %add3A_150 = arith.addi %add3A_141, %xor3A_149 : vector<256x128xi32>
    %shift_left3A_151 = arith.constant 6 : i32
    %shift_left3A_152 = vector.broadcast %shift_left3A_151 : i32 to vector<256x128xi32>
    %shift_left3A_153 = arith.shli %xor3A_149, %shift_left3A_152 : vector<256x128xi32>
    %shift_right_logical3A_154 = arith.constant 26 : i32
    %shift_right_logical3A_155 = vector.broadcast %shift_right_logical3A_154 : i32 to vector<256x128xi32>
    %shift_right_logical3A_156 = arith.shrui %xor3A_149, %shift_right_logical3A_155 : vector<256x128xi32>
    %or3A_157 = arith.ori %shift_left3A_153, %shift_right_logical3A_156 : vector<256x128xi32>
    %xor3A_158 = arith.xori %or3A_157, %add3A_150 : vector<256x128xi32>
    %add3A_159 = vector.broadcast %get3A_32 : i32 to vector<256x128xi32>
    %add3A_160 = arith.addi %add3A_150, %add3A_159 : vector<256x128xi32>
    %add3A_161 = vector.broadcast %get3A_35 : i32 to vector<256x128xi32>
    %add3A_162 = arith.addi %xor3A_158, %add3A_161 : vector<256x128xi32>
    %add3A_163 = arith.constant 3 : i32
    %add3A_164 = vector.broadcast %add3A_163 : i32 to vector<256x128xi32>
    %add3A_165 = arith.addi %add3A_162, %add3A_164 : vector<256x128xi32>
    %add3A_166 = arith.addi %add3A_160, %add3A_165 : vector<256x128xi32>
    %shift_left3A_167 = arith.constant 17 : i32
    %shift_left3A_168 = vector.broadcast %shift_left3A_167 : i32 to vector<256x128xi32>
    %shift_left3A_169 = arith.shli %add3A_165, %shift_left3A_168 : vector<256x128xi32>
    %shift_right_logical3A_170 = arith.constant 15 : i32
    %shift_right_logical3A_171 = vector.broadcast %shift_right_logical3A_170 : i32 to vector<256x128xi32>
    %shift_right_logical3A_172 = arith.shrui %add3A_165, %shift_right_logical3A_171 : vector<256x128xi32>
    %or3A_173 = arith.ori %shift_left3A_169, %shift_right_logical3A_172 : vector<256x128xi32>
    %xor3A_174 = arith.xori %or3A_173, %add3A_166 : vector<256x128xi32>
    %add3A_175 = arith.addi %add3A_166, %xor3A_174 : vector<256x128xi32>
    %shift_left3A_176 = arith.constant 29 : i32
    %shift_left3A_177 = vector.broadcast %shift_left3A_176 : i32 to vector<256x128xi32>
    %shift_left3A_178 = arith.shli %xor3A_174, %shift_left3A_177 : vector<256x128xi32>
    %shift_right_logical3A_179 = arith.constant 3 : i32
    %shift_right_logical3A_180 = vector.broadcast %shift_right_logical3A_179 : i32 to vector<256x128xi32>
    %shift_right_logical3A_181 = arith.shrui %xor3A_174, %shift_right_logical3A_180 : vector<256x128xi32>
    %or3A_182 = arith.ori %shift_left3A_178, %shift_right_logical3A_181 : vector<256x128xi32>
    %xor3A_183 = arith.xori %or3A_182, %add3A_175 : vector<256x128xi32>
    %add3A_184 = arith.addi %add3A_175, %xor3A_183 : vector<256x128xi32>
    %shift_left3A_185 = arith.constant 16 : i32
    %shift_left3A_186 = vector.broadcast %shift_left3A_185 : i32 to vector<256x128xi32>
    %shift_left3A_187 = arith.shli %xor3A_183, %shift_left3A_186 : vector<256x128xi32>
    %shift_right_logical3A_188 = arith.constant 16 : i32
    %shift_right_logical3A_189 = vector.broadcast %shift_right_logical3A_188 : i32 to vector<256x128xi32>
    %shift_right_logical3A_190 = arith.shrui %xor3A_183, %shift_right_logical3A_189 : vector<256x128xi32>
    %or3A_191 = arith.ori %shift_left3A_187, %shift_right_logical3A_190 : vector<256x128xi32>
    %xor3A_192 = arith.xori %or3A_191, %add3A_184 : vector<256x128xi32>
    %add3A_193 = arith.addi %add3A_184, %xor3A_192 : vector<256x128xi32>
    %shift_left3A_194 = arith.constant 24 : i32
    %shift_left3A_195 = vector.broadcast %shift_left3A_194 : i32 to vector<256x128xi32>
    %shift_left3A_196 = arith.shli %xor3A_192, %shift_left3A_195 : vector<256x128xi32>
    %shift_right_logical3A_197 = arith.constant 8 : i32
    %shift_right_logical3A_198 = vector.broadcast %shift_right_logical3A_197 : i32 to vector<256x128xi32>
    %shift_right_logical3A_199 = arith.shrui %xor3A_192, %shift_right_logical3A_198 : vector<256x128xi32>
    %or3A_200 = arith.ori %shift_left3A_196, %shift_right_logical3A_199 : vector<256x128xi32>
    %xor3A_201 = arith.xori %or3A_200, %add3A_193 : vector<256x128xi32>
    %add3A_202 = vector.broadcast %get3A_35 : i32 to vector<256x128xi32>
    %add3A_203 = arith.addi %add3A_193, %add3A_202 : vector<256x128xi32>
    %add3A_204 = vector.broadcast %xor3A_37 : i32 to vector<256x128xi32>
    %add3A_205 = arith.addi %xor3A_201, %add3A_204 : vector<256x128xi32>
    %add3A_206 = arith.constant 4 : i32
    %add3A_207 = vector.broadcast %add3A_206 : i32 to vector<256x128xi32>
    %add3A_208 = arith.addi %add3A_205, %add3A_207 : vector<256x128xi32>
    %add3A_209 = arith.addi %add3A_203, %add3A_208 : vector<256x128xi32>
    %shift_left3A_210 = arith.constant 13 : i32
    %shift_left3A_211 = vector.broadcast %shift_left3A_210 : i32 to vector<256x128xi32>
    %shift_left3A_212 = arith.shli %add3A_208, %shift_left3A_211 : vector<256x128xi32>
    %shift_right_logical3A_213 = arith.constant 19 : i32
    %shift_right_logical3A_214 = vector.broadcast %shift_right_logical3A_213 : i32 to vector<256x128xi32>
    %shift_right_logical3A_215 = arith.shrui %add3A_208, %shift_right_logical3A_214 : vector<256x128xi32>
    %or3A_216 = arith.ori %shift_left3A_212, %shift_right_logical3A_215 : vector<256x128xi32>
    %xor3A_217 = arith.xori %or3A_216, %add3A_209 : vector<256x128xi32>
    %add3A_218 = arith.addi %add3A_209, %xor3A_217 : vector<256x128xi32>
    %shift_left3A_219 = arith.constant 15 : i32
    %shift_left3A_220 = vector.broadcast %shift_left3A_219 : i32 to vector<256x128xi32>
    %shift_left3A_221 = arith.shli %xor3A_217, %shift_left3A_220 : vector<256x128xi32>
    %shift_right_logical3A_222 = arith.constant 17 : i32
    %shift_right_logical3A_223 = vector.broadcast %shift_right_logical3A_222 : i32 to vector<256x128xi32>
    %shift_right_logical3A_224 = arith.shrui %xor3A_217, %shift_right_logical3A_223 : vector<256x128xi32>
    %or3A_225 = arith.ori %shift_left3A_221, %shift_right_logical3A_224 : vector<256x128xi32>
    %xor3A_226 = arith.xori %or3A_225, %add3A_218 : vector<256x128xi32>
    %add3A_227 = arith.addi %add3A_218, %xor3A_226 : vector<256x128xi32>
    %shift_left3A_228 = arith.constant 26 : i32
    %shift_left3A_229 = vector.broadcast %shift_left3A_228 : i32 to vector<256x128xi32>
    %shift_left3A_230 = arith.shli %xor3A_226, %shift_left3A_229 : vector<256x128xi32>
    %shift_right_logical3A_231 = arith.constant 6 : i32
    %shift_right_logical3A_232 = vector.broadcast %shift_right_logical3A_231 : i32 to vector<256x128xi32>
    %shift_right_logical3A_233 = arith.shrui %xor3A_226, %shift_right_logical3A_232 : vector<256x128xi32>
    %or3A_234 = arith.ori %shift_left3A_230, %shift_right_logical3A_233 : vector<256x128xi32>
    %xor3A_235 = arith.xori %or3A_234, %add3A_227 : vector<256x128xi32>
    %add3A_236 = arith.addi %add3A_227, %xor3A_235 : vector<256x128xi32>
    %shift_left3A_237 = arith.constant 6 : i32
    %shift_left3A_238 = vector.broadcast %shift_left3A_237 : i32 to vector<256x128xi32>
    %shift_left3A_239 = arith.shli %xor3A_235, %shift_left3A_238 : vector<256x128xi32>
    %shift_right_logical3A_240 = arith.constant 26 : i32
    %shift_right_logical3A_241 = vector.broadcast %shift_right_logical3A_240 : i32 to vector<256x128xi32>
    %shift_right_logical3A_242 = arith.shrui %xor3A_235, %shift_right_logical3A_241 : vector<256x128xi32>
    %or3A_243 = arith.ori %shift_left3A_239, %shift_right_logical3A_242 : vector<256x128xi32>
    %xor3A_244 = arith.xori %or3A_243, %add3A_236 : vector<256x128xi32>
    %add3A_245 = vector.broadcast %xor3A_37 : i32 to vector<256x128xi32>
    %add3A_246 = arith.addi %add3A_236, %add3A_245 : vector<256x128xi32>
    %add3A_247 = vector.broadcast %get3A_32 : i32 to vector<256x128xi32>
    %add3A_248 = arith.addi %xor3A_244, %add3A_247 : vector<256x128xi32>
    %add3A_249 = arith.constant 5 : i32
    %add3A_250 = vector.broadcast %add3A_249 : i32 to vector<256x128xi32>
    %add3A_251 = arith.addi %add3A_248, %add3A_250 : vector<256x128xi32>
    %xor3A_252 = arith.xori %add3A_246, %add3A_251 : vector<256x128xi32>
    %shift_right_logical3A_253 = arith.constant 9 : i32
    %shift_right_logical3A_254 = vector.broadcast %shift_right_logical3A_253 : i32 to vector<256x128xi32>
    %shift_right_logical3A_255 = arith.shrui %xor3A_252, %shift_right_logical3A_254 : vector<256x128xi32>
    %or3A_256 = arith.constant 1065353216 : i32
    %or3A_257 = vector.broadcast %or3A_256 : i32 to vector<256x128xi32>
    %or3A_258 = arith.ori %shift_right_logical3A_255, %or3A_257 : vector<256x128xi32>
    %bitcast_convert_type3A = tpu.bitcast %or3A_258 : vector<256x128xi32> -> vector<256x128xf32>
    %sub3A = arith.constant 1.000000e+00 : f32
    %sub3A_259 = vector.broadcast %sub3A : f32 to vector<256x128xf32>
    %sub3A_260 = arith.subf %bitcast_convert_type3A, %sub3A_259 : vector<256x128xf32>
    %sub3A_261 = arith.constant 1.000000e+00 : f32
    %sub3A_262 = arith.constant 1.000000e-10 : f32
    %sub3A_263 = arith.subf %sub3A_261, %sub3A_262 : f32
    %mul3A_264 = vector.broadcast %sub3A_263 : f32 to vector<256x128xf32>
    %mul3A_265 = arith.mulf %sub3A_260, %mul3A_264 : vector<256x128xf32>
    %add3A_266 = arith.constant 1.000000e-10 : f32
    %add3A_267 = vector.broadcast %add3A_266 : f32 to vector<256x128xf32>
    %add3A_268 = arith.addf %mul3A_265, %add3A_267 : vector<256x128xf32>
    %max3A = arith.constant 1.000000e-10 : f32
    %max3A_269 = vector.broadcast %max3A : f32 to vector<256x128xf32>
    %max3A_270 = arith.maximumf %max3A_269, %add3A_268 : vector<256x128xf32>
    %log3A = math.log %max3A_270 : vector<256x128xf32>
    %neg3A = arith.constant 0.000000e+00 : f32
    %neg3A_271 = vector.broadcast %neg3A : f32 to vector<256x128xf32>
    %neg3A_272 = arith.subf %neg3A_271, %log3A : vector<256x128xf32>
    %log3A_273 = math.log %neg3A_272 : vector<256x128xf32>
    %neg3A_274 = arith.constant 0.000000e+00 : f32
    %neg3A_275 = vector.broadcast %neg3A_274 : f32 to vector<256x128xf32>
    %neg3A_276 = arith.subf %neg3A_275, %log3A_273 : vector<256x128xf32>
    %get3A_277 = arith.constant 0 : index
    %get3A_278 = arith.constant 0 : index
    %get3A_279 = vector.load %arg7[%get3A_277, %get3A_278] : memref<4x128xf32, #tpu.memory_space<vmem>>, vector<1x128xf32>
    %get3A_280 = vector.shape_cast %get3A_279 : vector<1x128xf32> to vector<128xf32>
    %broadcast_in_dim3A_281 = vector.shape_cast %get3A_280 : vector<128xf32> to vector<1x128xf32>
    %add3A_282 = vector.broadcast %broadcast_in_dim3A_281 : vector<1x128xf32> to vector<256x128xf32>
    %add3A_283 = arith.addf %neg3A_276, %add3A_282 : vector<256x128xf32>
    %swap3A_284 = arith.constant 0 : index
    %swap3A_285 = arith.constant 0 : index
    %swap3A_286 = vector.load %arg9[%swap3A_284, %swap3A_285] : memref<256x128xf32, #tpu.memory_space<vmem>>, vector<256x128xf32>
    tpu.vector_store %arg9[%swap3A_284, %swap3A_285], %add3A_283 {strides = array<i32>} : memref<256x128xf32, #tpu.memory_space<vmem>>, vector<256x128xf32>,
    %get3A_287 = arith.constant 1 : index
    %get3A_288 = arith.constant 0 : index
    %get3A_289 = memref.load %arg1[%get3A_287, %get3A_288] : memref<4x2xi32, #tpu.memory_space<smem>>
    %get3A_290 = arith.constant 1 : index
    %get3A_291 = arith.constant 1 : index
    %get3A_292 = memref.load %arg1[%get3A_290, %get3A_291] : memref<4x2xi32, #tpu.memory_space<smem>>
    %xor3A_293 = arith.xori %get3A_289, %get3A_292 : i32
    %xor3A_294 = arith.constant 466688986 : i32
    %xor3A_295 = arith.xori %xor3A_293, %xor3A_294 : i32
    %broadcast_in_dim3A_296 = vector.broadcast %get3A_289 : i32 to vector<256x128xi32>
    %add3A_297 = vector.broadcast %get3A_292 : i32 to vector<256x128xi32>
    %add3A_298 = arith.addi %add3A_29, %add3A_297 : vector<256x128xi32>
    %add3A_299 = arith.addi %broadcast_in_dim3A_296, %add3A_298 : vector<256x128xi32>
    %shift_left3A_300 = arith.constant 13 : i32
    %shift_left3A_301 = vector.broadcast %shift_left3A_300 : i32 to vector<256x128xi32>
    %shift_left3A_302 = arith.shli %add3A_298, %shift_left3A_301 : vector<256x128xi32>
    %shift_right_logical3A_303 = arith.constant 19 : i32
    %shift_right_logical3A_304 = vector.broadcast %shift_right_logical3A_303 : i32 to vector<256x128xi32>
    %shift_right_logical3A_305 = arith.shrui %add3A_298, %shift_right_logical3A_304 : vector<256x128xi32>
    %or3A_306 = arith.ori %shift_left3A_302, %shift_right_logical3A_305 : vector<256x128xi32>
    %xor3A_307 = arith.xori %or3A_306, %add3A_299 : vector<256x128xi32>
    %add3A_308 = arith.addi %add3A_299, %xor3A_307 : vector<256x128xi32>
    %shift_left3A_309 = arith.constant 15 : i32
    %shift_left3A_310 = vector.broadcast %shift_left3A_309 : i32 to vector<256x128xi32>
    %shift_left3A_311 = arith.shli %xor3A_307, %shift_left3A_310 : vector<256x128xi32>
    %shift_right_logical3A_312 = arith.constant 17 : i32
    %shift_right_logical3A_313 = vector.broadcast %shift_right_logical3A_312 : i32 to vector<256x128xi32>
    %shift_right_logical3A_314 = arith.shrui %xor3A_307, %shift_right_logical3A_313 : vector<256x128xi32>
    %or3A_315 = arith.ori %shift_left3A_311, %shift_right_logical3A_314 : vector<256x128xi32>
    %xor3A_316 = arith.xori %or3A_315, %add3A_308 : vector<256x128xi32>
    %add3A_317 = arith.addi %add3A_308, %xor3A_316 : vector<256x128xi32>
    %shift_left3A_318 = arith.constant 26 : i32
    %shift_left3A_319 = vector.broadcast %shift_left3A_318 : i32 to vector<256x128xi32>
    %shift_left3A_320 = arith.shli %xor3A_316, %shift_left3A_319 : vector<256x128xi32>
    %shift_right_logical3A_321 = arith.constant 6 : i32
    %shift_right_logical3A_322 = vector.broadcast %shift_right_logical3A_321 : i32 to vector<256x128xi32>
    %shift_right_logical3A_323 = arith.shrui %xor3A_316, %shift_right_logical3A_322 : vector<256x128xi32>
    %or3A_324 = arith.ori %shift_left3A_320, %shift_right_logical3A_323 : vector<256x128xi32>
    %xor3A_325 = arith.xori %or3A_324, %add3A_317 : vector<256x128xi32>
    %add3A_326 = arith.addi %add3A_317, %xor3A_325 : vector<256x128xi32>
    %shift_left3A_327 = arith.constant 6 : i32
    %shift_left3A_328 = vector.broadcast %shift_left3A_327 : i32 to vector<256x128xi32>
    %shift_left3A_329 = arith.shli %xor3A_325, %shift_left3A_328 : vector<256x128xi32>
    %shift_right_logical3A_330 = arith.constant 26 : i32
    %shift_right_logical3A_331 = vector.broadcast %shift_right_logical3A_330 : i32 to vector<256x128xi32>
    %shift_right_logical3A_332 = arith.shrui %xor3A_325, %shift_right_logical3A_331 : vector<256x128xi32>
    %or3A_333 = arith.ori %shift_left3A_329, %shift_right_logical3A_332 : vector<256x128xi32>
    %xor3A_334 = arith.xori %or3A_333, %add3A_326 : vector<256x128xi32>
    %add3A_335 = vector.broadcast %get3A_292 : i32 to vector<256x128xi32>
    %add3A_336 = arith.addi %add3A_326, %add3A_335 : vector<256x128xi32>
    %add3A_337 = vector.broadcast %xor3A_295 : i32 to vector<256x128xi32>
    %add3A_338 = arith.addi %xor3A_334, %add3A_337 : vector<256x128xi32>
    %add3A_339 = arith.constant 1 : i32
    %add3A_340 = vector.broadcast %add3A_339 : i32 to vector<256x128xi32>
    %add3A_341 = arith.addi %add3A_338, %add3A_340 : vector<256x128xi32>
    %add3A_342 = arith.addi %add3A_336, %add3A_341 : vector<256x128xi32>
    %shift_left3A_343 = arith.constant 17 : i32
    %shift_left3A_344 = vector.broadcast %shift_left3A_343 : i32 to vector<256x128xi32>
    %shift_left3A_345 = arith.shli %add3A_341, %shift_left3A_344 : vector<256x128xi32>
    %shift_right_logical3A_346 = arith.constant 15 : i32
    %shift_right_logical3A_347 = vector.broadcast %shift_right_logical3A_346 : i32 to vector<256x128xi32>
    %shift_right_logical3A_348 = arith.shrui %add3A_341, %shift_right_logical3A_347 : vector<256x128xi32>
    %or3A_349 = arith.ori %shift_left3A_345, %shift_right_logical3A_348 : vector<256x128xi32>
    %xor3A_350 = arith.xori %or3A_349, %add3A_342 : vector<256x128xi32>
    %add3A_351 = arith.addi %add3A_342, %xor3A_350 : vector<256x128xi32>
    %shift_left3A_352 = arith.constant 29 : i32
    %shift_left3A_353 = vector.broadcast %shift_left3A_352 : i32 to vector<256x128xi32>
    %shift_left3A_354 = arith.shli %xor3A_350, %shift_left3A_353 : vector<256x128xi32>
    %shift_right_logical3A_355 = arith.constant 3 : i32
    %shift_right_logical3A_356 = vector.broadcast %shift_right_logical3A_355 : i32 to vector<256x128xi32>
    %shift_right_logical3A_357 = arith.shrui %xor3A_350, %shift_right_logical3A_356 : vector<256x128xi32>
    %or3A_358 = arith.ori %shift_left3A_354, %shift_right_logical3A_357 : vector<256x128xi32>
    %xor3A_359 = arith.xori %or3A_358, %add3A_351 : vector<256x128xi32>
    %add3A_360 = arith.addi %add3A_351, %xor3A_359 : vector<256x128xi32>
    %shift_left3A_361 = arith.constant 16 : i32
    %shift_left3A_362 = vector.broadcast %shift_left3A_361 : i32 to vector<256x128xi32>
    %shift_left3A_363 = arith.shli %xor3A_359, %shift_left3A_362 : vector<256x128xi32>
    %shift_right_logical3A_364 = arith.constant 16 : i32
    %shift_right_logical3A_365 = vector.broadcast %shift_right_logical3A_364 : i32 to vector<256x128xi32>
    %shift_right_logical3A_366 = arith.shrui %xor3A_359, %shift_right_logical3A_365 : vector<256x128xi32>
    %or3A_367 = arith.ori %shift_left3A_363, %shift_right_logical3A_366 : vector<256x128xi32>
    %xor3A_368 = arith.xori %or3A_367, %add3A_360 : vector<256x128xi32>
    %add3A_369 = arith.addi %add3A_360, %xor3A_368 : vector<256x128xi32>
    %shift_left3A_370 = arith.constant 24 : i32
    %shift_left3A_371 = vector.broadcast %shift_left3A_370 : i32 to vector<256x128xi32>
    %shift_left3A_372 = arith.shli %xor3A_368, %shift_left3A_371 : vector<256x128xi32>
    %shift_right_logical3A_373 = arith.constant 8 : i32
    %shift_right_logical3A_374 = vector.broadcast %shift_right_logical3A_373 : i32 to vector<256x128xi32>
    %shift_right_logical3A_375 = arith.shrui %xor3A_368, %shift_right_logical3A_374 : vector<256x128xi32>
    %or3A_376 = arith.ori %shift_left3A_372, %shift_right_logical3A_375 : vector<256x128xi32>
    %xor3A_377 = arith.xori %or3A_376, %add3A_369 : vector<256x128xi32>
    %add3A_378 = vector.broadcast %xor3A_295 : i32 to vector<256x128xi32>
    %add3A_379 = arith.addi %add3A_369, %add3A_378 : vector<256x128xi32>
    %add3A_380 = vector.broadcast %get3A_289 : i32 to vector<256x128xi32>
    %add3A_381 = arith.addi %xor3A_377, %add3A_380 : vector<256x128xi32>
    %add3A_382 = arith.constant 2 : i32
    %add3A_383 = vector.broadcast %add3A_382 : i32 to vector<256x128xi32>
    %add3A_384 = arith.addi %add3A_381, %add3A_383 : vector<256x128xi32>
    %add3A_385 = arith.addi %add3A_379, %add3A_384 : vector<256x128xi32>
    %shift_left3A_386 = arith.constant 13 : i32
    %shift_left3A_387 = vector.broadcast %shift_left3A_386 : i32 to vector<256x128xi32>
    %shift_left3A_388 = arith.shli %add3A_384, %shift_left3A_387 : vector<256x128xi32>
    %shift_right_logical3A_389 = arith.constant 19 : i32
    %shift_right_logical3A_390 = vector.broadcast %shift_right_logical3A_389 : i32 to vector<256x128xi32>
    %shift_right_logical3A_391 = arith.shrui %add3A_384, %shift_right_logical3A_390 : vector<256x128xi32>
    %or3A_392 = arith.ori %shift_left3A_388, %shift_right_logical3A_391 : vector<256x128xi32>
    %xor3A_393 = arith.xori %or3A_392, %add3A_385 : vector<256x128xi32>
    %add3A_394 = arith.addi %add3A_385, %xor3A_393 : vector<256x128xi32>
    %shift_left3A_395 = arith.constant 15 : i32
    %shift_left3A_396 = vector.broadcast %shift_left3A_395 : i32 to vector<256x128xi32>
    %shift_left3A_397 = arith.shli %xor3A_393, %shift_left3A_396 : vector<256x128xi32>
    %shift_right_logical3A_398 = arith.constant 17 : i32
    %shift_right_logical3A_399 = vector.broadcast %shift_right_logical3A_398 : i32 to vector<256x128xi32>
    %shift_right_logical3A_400 = arith.shrui %xor3A_393, %shift_right_logical3A_399 : vector<256x128xi32>
    %or3A_401 = arith.ori %shift_left3A_397, %shift_right_logical3A_400 : vector<256x128xi32>
    %xor3A_402 = arith.xori %or3A_401, %add3A_394 : vector<256x128xi32>
    %add3A_403 = arith.addi %add3A_394, %xor3A_402 : vector<256x128xi32>
    %shift_left3A_404 = arith.constant 26 : i32
    %shift_left3A_405 = vector.broadcast %shift_left3A_404 : i32 to vector<256x128xi32>
    %shift_left3A_406 = arith.shli %xor3A_402, %shift_left3A_405 : vector<256x128xi32>
    %shift_right_logical3A_407 = arith.constant 6 : i32
    %shift_right_logical3A_408 = vector.broadcast %shift_right_logical3A_407 : i32 to vector<256x128xi32>
    %shift_right_logical3A_409 = arith.shrui %xor3A_402, %shift_right_logical3A_408 : vector<256x128xi32>
    %or3A_410 = arith.ori %shift_left3A_406, %shift_right_logical3A_409 : vector<256x128xi32>
    %xor3A_411 = arith.xori %or3A_410, %add3A_403 : vector<256x128xi32>
    %add3A_412 = arith.addi %add3A_403, %xor3A_411 : vector<256x128xi32>
    %shift_left3A_413 = arith.constant 6 : i32
    %shift_left3A_414 = vector.broadcast %shift_left3A_413 : i32 to vector<256x128xi32>
    %shift_left3A_415 = arith.shli %xor3A_411, %shift_left3A_414 : vector<256x128xi32>
    %shift_right_logical3A_416 = arith.constant 26 : i32
    %shift_right_logical3A_417 = vector.broadcast %shift_right_logical3A_416 : i32 to vector<256x128xi32>
    %shift_right_logical3A_418 = arith.shrui %xor3A_411, %shift_right_logical3A_417 : vector<256x128xi32>
    %or3A_419 = arith.ori %shift_left3A_415, %shift_right_logical3A_418 : vector<256x128xi32>
    %xor3A_420 = arith.xori %or3A_419, %add3A_412 : vector<256x128xi32>
    %add3A_421 = vector.broadcast %get3A_289 : i32 to vector<256x128xi32>
    %add3A_422 = arith.addi %add3A_412, %add3A_421 : vector<256x128xi32>
    %add3A_423 = vector.broadcast %get3A_292 : i32 to vector<256x128xi32>
    %add3A_424 = arith.addi %xor3A_420, %add3A_423 : vector<256x128xi32>
    %add3A_425 = arith.constant 3 : i32
    %add3A_426 = vector.broadcast %add3A_425 : i32 to vector<256x128xi32>
    %add3A_427 = arith.addi %add3A_424, %add3A_426 : vector<256x128xi32>
    %add3A_428 = arith.addi %add3A_422, %add3A_427 : vector<256x128xi32>
    %shift_left3A_429 = arith.constant 17 : i32
    %shift_left3A_430 = vector.broadcast %shift_left3A_429 : i32 to vector<256x128xi32>
    %shift_left3A_431 = arith.shli %add3A_427, %shift_left3A_430 : vector<256x128xi32>
    %shift_right_logical3A_432 = arith.constant 15 : i32
    %shift_right_logical3A_433 = vector.broadcast %shift_right_logical3A_432 : i32 to vector<256x128xi32>
    %shift_right_logical3A_434 = arith.shrui %add3A_427, %shift_right_logical3A_433 : vector<256x128xi32>
    %or3A_435 = arith.ori %shift_left3A_431, %shift_right_logical3A_434 : vector<256x128xi32>
    %xor3A_436 = arith.xori %or3A_435, %add3A_428 : vector<256x128xi32>
    %add3A_437 = arith.addi %add3A_428, %xor3A_436 : vector<256x128xi32>
    %shift_left3A_438 = arith.constant 29 : i32
    %shift_left3A_439 = vector.broadcast %shift_left3A_438 : i32 to vector<256x128xi32>
    %shift_left3A_440 = arith.shli %xor3A_436, %shift_left3A_439 : vector<256x128xi32>
    %shift_right_logical3A_441 = arith.constant 3 : i32
    %shift_right_logical3A_442 = vector.broadcast %shift_right_logical3A_441 : i32 to vector<256x128xi32>
    %shift_right_logical3A_443 = arith.shrui %xor3A_436, %shift_right_logical3A_442 : vector<256x128xi32>
    %or3A_444 = arith.ori %shift_left3A_440, %shift_right_logical3A_443 : vector<256x128xi32>
    %xor3A_445 = arith.xori %or3A_444, %add3A_437 : vector<256x128xi32>
    %add3A_446 = arith.addi %add3A_437, %xor3A_445 : vector<256x128xi32>
    %shift_left3A_447 = arith.constant 16 : i32
    %shift_left3A_448 = vector.broadcast %shift_left3A_447 : i32 to vector<256x128xi32>
    %shift_left3A_449 = arith.shli %xor3A_445, %shift_left3A_448 : vector<256x128xi32>
    %shift_right_logical3A_450 = arith.constant 16 : i32
    %shift_right_logical3A_451 = vector.broadcast %shift_right_logical3A_450 : i32 to vector<256x128xi32>
    %shift_right_logical3A_452 = arith.shrui %xor3A_445, %shift_right_logical3A_451 : vector<256x128xi32>
    %or3A_453 = arith.ori %shift_left3A_449, %shift_right_logical3A_452 : vector<256x128xi32>
    %xor3A_454 = arith.xori %or3A_453, %add3A_446 : vector<256x128xi32>
    %add3A_455 = arith.addi %add3A_446, %xor3A_454 : vector<256x128xi32>
    %shift_left3A_456 = arith.constant 24 : i32
    %shift_left3A_457 = vector.broadcast %shift_left3A_456 : i32 to vector<256x128xi32>
    %shift_left3A_458 = arith.shli %xor3A_454, %shift_left3A_457 : vector<256x128xi32>
    %shift_right_logical3A_459 = arith.constant 8 : i32
    %shift_right_logical3A_460 = vector.broadcast %shift_right_logical3A_459 : i32 to vector<256x128xi32>
    %shift_right_logical3A_461 = arith.shrui %xor3A_454, %shift_right_logical3A_460 : vector<256x128xi32>
    %or3A_462 = arith.ori %shift_left3A_458, %shift_right_logical3A_461 : vector<256x128xi32>
    %xor3A_463 = arith.xori %or3A_462, %add3A_455 : vector<256x128xi32>
    %add3A_464 = vector.broadcast %get3A_292 : i32 to vector<256x128xi32>
    %add3A_465 = arith.addi %add3A_455, %add3A_464 : vector<256x128xi32>
    %add3A_466 = vector.broadcast %xor3A_295 : i32 to vector<256x128xi32>
    %add3A_467 = arith.addi %xor3A_463, %add3A_466 : vector<256x128xi32>
    %add3A_468 = arith.constant 4 : i32
    %add3A_469 = vector.broadcast %add3A_468 : i32 to vector<256x128xi32>
    %add3A_470 = arith.addi %add3A_467, %add3A_469 : vector<256x128xi32>
    %add3A_471 = arith.addi %add3A_465, %add3A_470 : vector<256x128xi32>
    %shift_left3A_472 = arith.constant 13 : i32
    %shift_left3A_473 = vector.broadcast %shift_left3A_472 : i32 to vector<256x128xi32>
    %shift_left3A_474 = arith.shli %add3A_470, %shift_left3A_473 : vector<256x128xi32>
    %shift_right_logical3A_475 = arith.constant 19 : i32
    %shift_right_logical3A_476 = vector.broadcast %shift_right_logical3A_475 : i32 to vector<256x128xi32>
    %shift_right_logical3A_477 = arith.shrui %add3A_470, %shift_right_logical3A_476 : vector<256x128xi32>
    %or3A_478 = arith.ori %shift_left3A_474, %shift_right_logical3A_477 : vector<256x128xi32>
    %xor3A_479 = arith.xori %or3A_478, %add3A_471 : vector<256x128xi32>
    %add3A_480 = arith.addi %add3A_471, %xor3A_479 : vector<256x128xi32>
    %shift_left3A_481 = arith.constant 15 : i32
    %shift_left3A_482 = vector.broadcast %shift_left3A_481 : i32 to vector<256x128xi32>
    %shift_left3A_483 = arith.shli %xor3A_479, %shift_left3A_482 : vector<256x128xi32>
    %shift_right_logical3A_484 = arith.constant 17 : i32
    %shift_right_logical3A_485 = vector.broadcast %shift_right_logical3A_484 : i32 to vector<256x128xi32>
    %shift_right_logical3A_486 = arith.shrui %xor3A_479, %shift_right_logical3A_485 : vector<256x128xi32>
    %or3A_487 = arith.ori %shift_left3A_483, %shift_right_logical3A_486 : vector<256x128xi32>
    %xor3A_488 = arith.xori %or3A_487, %add3A_480 : vector<256x128xi32>
    %add3A_489 = arith.addi %add3A_480, %xor3A_488 : vector<256x128xi32>
    %shift_left3A_490 = arith.constant 26 : i32
    %shift_left3A_491 = vector.broadcast %shift_left3A_490 : i32 to vector<256x128xi32>
    %shift_left3A_492 = arith.shli %xor3A_488, %shift_left3A_491 : vector<256x128xi32>
    %shift_right_logical3A_493 = arith.constant 6 : i32
    %shift_right_logical3A_494 = vector.broadcast %shift_right_logical3A_493 : i32 to vector<256x128xi32>
    %shift_right_logical3A_495 = arith.shrui %xor3A_488, %shift_right_logical3A_494 : vector<256x128xi32>
    %or3A_496 = arith.ori %shift_left3A_492, %shift_right_logical3A_495 : vector<256x128xi32>
    %xor3A_497 = arith.xori %or3A_496, %add3A_489 : vector<256x128xi32>
    %add3A_498 = arith.addi %add3A_489, %xor3A_497 : vector<256x128xi32>
    %shift_left3A_499 = arith.constant 6 : i32
    %shift_left3A_500 = vector.broadcast %shift_left3A_499 : i32 to vector<256x128xi32>
    %shift_left3A_501 = arith.shli %xor3A_497, %shift_left3A_500 : vector<256x128xi32>
    %shift_right_logical3A_502 = arith.constant 26 : i32
    %shift_right_logical3A_503 = vector.broadcast %shift_right_logical3A_502 : i32 to vector<256x128xi32>
    %shift_right_logical3A_504 = arith.shrui %xor3A_497, %shift_right_logical3A_503 : vector<256x128xi32>
    %or3A_505 = arith.ori %shift_left3A_501, %shift_right_logical3A_504 : vector<256x128xi32>
    %xor3A_506 = arith.xori %or3A_505, %add3A_498 : vector<256x128xi32>
    %add3A_507 = vector.broadcast %xor3A_295 : i32 to vector<256x128xi32>
    %add3A_508 = arith.addi %add3A_498, %add3A_507 : vector<256x128xi32>
    %add3A_509 = vector.broadcast %get3A_289 : i32 to vector<256x128xi32>
    %add3A_510 = arith.addi %xor3A_506, %add3A_509 : vector<256x128xi32>
    %add3A_511 = arith.constant 5 : i32
    %add3A_512 = vector.broadcast %add3A_511 : i32 to vector<256x128xi32>
    %add3A_513 = arith.addi %add3A_510, %add3A_512 : vector<256x128xi32>
    %xor3A_514 = arith.xori %add3A_508, %add3A_513 : vector<256x128xi32>
    %shift_right_logical3A_515 = arith.constant 9 : i32
    %shift_right_logical3A_516 = vector.broadcast %shift_right_logical3A_515 : i32 to vector<256x128xi32>
    %shift_right_logical3A_517 = arith.shrui %xor3A_514, %shift_right_logical3A_516 : vector<256x128xi32>
    %or3A_518 = arith.constant 1065353216 : i32
    %or3A_519 = vector.broadcast %or3A_518 : i32 to vector<256x128xi32>
    %or3A_520 = arith.ori %shift_right_logical3A_517, %or3A_519 : vector<256x128xi32>
    %bitcast_convert_type3A_521 = tpu.bitcast %or3A_520 : vector<256x128xi32> -> vector<256x128xf32>
    %sub3A_522 = arith.constant 1.000000e+00 : f32
    %sub3A_523 = vector.broadcast %sub3A_522 : f32 to vector<256x128xf32>
    %sub3A_524 = arith.subf %bitcast_convert_type3A_521, %sub3A_523 : vector<256x128xf32>
    %sub3A_525 = arith.constant 1.000000e+00 : f32
    %sub3A_526 = arith.constant 1.000000e-10 : f32
    %sub3A_527 = arith.subf %sub3A_525, %sub3A_526 : f32
    %mul3A_528 = vector.broadcast %sub3A_527 : f32 to vector<256x128xf32>
    %mul3A_529 = arith.mulf %sub3A_524, %mul3A_528 : vector<256x128xf32>
    %add3A_530 = arith.constant 1.000000e-10 : f32
    %add3A_531 = vector.broadcast %add3A_530 : f32 to vector<256x128xf32>
    %add3A_532 = arith.addf %mul3A_529, %add3A_531 : vector<256x128xf32>
    %max3A_533 = arith.constant 1.000000e-10 : f32
    %max3A_534 = vector.broadcast %max3A_533 : f32 to vector<256x128xf32>
    %max3A_535 = arith.maximumf %max3A_534, %add3A_532 : vector<256x128xf32>
    %log3A_536 = math.log %max3A_535 : vector<256x128xf32>
    %neg3A_537 = arith.constant 0.000000e+00 : f32
    %neg3A_538 = vector.broadcast %neg3A_537 : f32 to vector<256x128xf32>
    %neg3A_539 = arith.subf %neg3A_538, %log3A_536 : vector<256x128xf32>
    %log3A_540 = math.log %neg3A_539 : vector<256x128xf32>
    %neg3A_541 = arith.constant 0.000000e+00 : f32
    %neg3A_542 = vector.broadcast %neg3A_541 : f32 to vector<256x128xf32>
    %neg3A_543 = arith.subf %neg3A_542, %log3A_540 : vector<256x128xf32>
    %get3A_544 = arith.constant 1 : index
    %get3A_545 = arith.constant 0 : index
    %get3A_546 = vector.load %arg7[%get3A_544, %get3A_545] : memref<4x128xf32, #tpu.memory_space<vmem>>, vector<1x128xf32>
    %get3A_547 = vector.shape_cast %get3A_546 : vector<1x128xf32> to vector<128xf32>
    %broadcast_in_dim3A_548 = vector.shape_cast %get3A_547 : vector<128xf32> to vector<1x128xf32>
    %add3A_549 = vector.broadcast %broadcast_in_dim3A_548 : vector<1x128xf32> to vector<256x128xf32>
    %add3A_550 = arith.addf %neg3A_543, %add3A_549 : vector<256x128xf32>
    %swap3A_551 = arith.constant 0 : index
    %swap3A_552 = arith.constant 0 : index
    %swap3A_553 = vector.load %arg10[%swap3A_551, %swap3A_552] : memref<256x128xf32, #tpu.memory_space<vmem>>, vector<256x128xf32>
    tpu.vector_store %arg10[%swap3A_551, %swap3A_552], %add3A_550 {strides = array<i32>} : memref<256x128xf32, #tpu.memory_space<vmem>>, vector<256x128xf32>,
    %get3A_554 = arith.constant 2 : index
    %get3A_555 = arith.constant 0 : index
    %get3A_556 = memref.load %arg1[%get3A_554, %get3A_555] : memref<4x2xi32, #tpu.memory_space<smem>>
    %get3A_557 = arith.constant 2 : index
    %get3A_558 = arith.constant 1 : index
    %get3A_559 = memref.load %arg1[%get3A_557, %get3A_558] : memref<4x2xi32, #tpu.memory_space<smem>>
    %xor3A_560 = arith.xori %get3A_556, %get3A_559 : i32
    %xor3A_561 = arith.constant 466688986 : i32
    %xor3A_562 = arith.xori %xor3A_560, %xor3A_561 : i32
    %broadcast_in_dim3A_563 = vector.broadcast %get3A_556 : i32 to vector<256x128xi32>
    %add3A_564 = vector.broadcast %get3A_559 : i32 to vector<256x128xi32>
    %add3A_565 = arith.addi %add3A_29, %add3A_564 : vector<256x128xi32>
    %add3A_566 = arith.addi %broadcast_in_dim3A_563, %add3A_565 : vector<256x128xi32>
    %shift_left3A_567 = arith.constant 13 : i32
    %shift_left3A_568 = vector.broadcast %shift_left3A_567 : i32 to vector<256x128xi32>
    %shift_left3A_569 = arith.shli %add3A_565, %shift_left3A_568 : vector<256x128xi32>
    %shift_right_logical3A_570 = arith.constant 19 : i32
    %shift_right_logical3A_571 = vector.broadcast %shift_right_logical3A_570 : i32 to vector<256x128xi32>
    %shift_right_logical3A_572 = arith.shrui %add3A_565, %shift_right_logical3A_571 : vector<256x128xi32>
    %or3A_573 = arith.ori %shift_left3A_569, %shift_right_logical3A_572 : vector<256x128xi32>
    %xor3A_574 = arith.xori %or3A_573, %add3A_566 : vector<256x128xi32>
    %add3A_575 = arith.addi %add3A_566, %xor3A_574 : vector<256x128xi32>
    %shift_left3A_576 = arith.constant 15 : i32
    %shift_left3A_577 = vector.broadcast %shift_left3A_576 : i32 to vector<256x128xi32>
    %shift_left3A_578 = arith.shli %xor3A_574, %shift_left3A_577 : vector<256x128xi32>
    %shift_right_logical3A_579 = arith.constant 17 : i32
    %shift_right_logical3A_580 = vector.broadcast %shift_right_logical3A_579 : i32 to vector<256x128xi32>
    %shift_right_logical3A_581 = arith.shrui %xor3A_574, %shift_right_logical3A_580 : vector<256x128xi32>
    %or3A_582 = arith.ori %shift_left3A_578, %shift_right_logical3A_581 : vector<256x128xi32>
    %xor3A_583 = arith.xori %or3A_582, %add3A_575 : vector<256x128xi32>
    %add3A_584 = arith.addi %add3A_575, %xor3A_583 : vector<256x128xi32>
    %shift_left3A_585 = arith.constant 26 : i32
    %shift_left3A_586 = vector.broadcast %shift_left3A_585 : i32 to vector<256x128xi32>
    %shift_left3A_587 = arith.shli %xor3A_583, %shift_left3A_586 : vector<256x128xi32>
    %shift_right_logical3A_588 = arith.constant 6 : i32
    %shift_right_logical3A_589 = vector.broadcast %shift_right_logical3A_588 : i32 to vector<256x128xi32>
    %shift_right_logical3A_590 = arith.shrui %xor3A_583, %shift_right_logical3A_589 : vector<256x128xi32>
    %or3A_591 = arith.ori %shift_left3A_587, %shift_right_logical3A_590 : vector<256x128xi32>
    %xor3A_592 = arith.xori %or3A_591, %add3A_584 : vector<256x128xi32>
    %add3A_593 = arith.addi %add3A_584, %xor3A_592 : vector<256x128xi32>
    %shift_left3A_594 = arith.constant 6 : i32
    %shift_left3A_595 = vector.broadcast %shift_left3A_594 : i32 to vector<256x128xi32>
    %shift_left3A_596 = arith.shli %xor3A_592, %shift_left3A_595 : vector<256x128xi32>
    %shift_right_logical3A_597 = arith.constant 26 : i32
    %shift_right_logical3A_598 = vector.broadcast %shift_right_logical3A_597 : i32 to vector<256x128xi32>
    %shift_right_logical3A_599 = arith.shrui %xor3A_592, %shift_right_logical3A_598 : vector<256x128xi32>
    %or3A_600 = arith.ori %shift_left3A_596, %shift_right_logical3A_599 : vector<256x128xi32>
    %xor3A_601 = arith.xori %or3A_600, %add3A_593 : vector<256x128xi32>
    %add3A_602 = vector.broadcast %get3A_559 : i32 to vector<256x128xi32>
    %add3A_603 = arith.addi %add3A_593, %add3A_602 : vector<256x128xi32>
    %add3A_604 = vector.broadcast %xor3A_562 : i32 to vector<256x128xi32>
    %add3A_605 = arith.addi %xor3A_601, %add3A_604 : vector<256x128xi32>
    %add3A_606 = arith.constant 1 : i32
    %add3A_607 = vector.broadcast %add3A_606 : i32 to vector<256x128xi32>
    %add3A_608 = arith.addi %add3A_605, %add3A_607 : vector<256x128xi32>
    %add3A_609 = arith.addi %add3A_603, %add3A_608 : vector<256x128xi32>
    %shift_left3A_610 = arith.constant 17 : i32
    %shift_left3A_611 = vector.broadcast %shift_left3A_610 : i32 to vector<256x128xi32>
    %shift_left3A_612 = arith.shli %add3A_608, %shift_left3A_611 : vector<256x128xi32>
    %shift_right_logical3A_613 = arith.constant 15 : i32
    %shift_right_logical3A_614 = vector.broadcast %shift_right_logical3A_613 : i32 to vector<256x128xi32>
    %shift_right_logical3A_615 = arith.shrui %add3A_608, %shift_right_logical3A_614 : vector<256x128xi32>
    %or3A_616 = arith.ori %shift_left3A_612, %shift_right_logical3A_615 : vector<256x128xi32>
    %xor3A_617 = arith.xori %or3A_616, %add3A_609 : vector<256x128xi32>
    %add3A_618 = arith.addi %add3A_609, %xor3A_617 : vector<256x128xi32>
    %shift_left3A_619 = arith.constant 29 : i32
    %shift_left3A_620 = vector.broadcast %shift_left3A_619 : i32 to vector<256x128xi32>
    %shift_left3A_621 = arith.shli %xor3A_617, %shift_left3A_620 : vector<256x128xi32>
    %shift_right_logical3A_622 = arith.constant 3 : i32
    %shift_right_logical3A_623 = vector.broadcast %shift_right_logical3A_622 : i32 to vector<256x128xi32>
    %shift_right_logical3A_624 = arith.shrui %xor3A_617, %shift_right_logical3A_623 : vector<256x128xi32>
    %or3A_625 = arith.ori %shift_left3A_621, %shift_right_logical3A_624 : vector<256x128xi32>
    %xor3A_626 = arith.xori %or3A_625, %add3A_618 : vector<256x128xi32>
    %add3A_627 = arith.addi %add3A_618, %xor3A_626 : vector<256x128xi32>
    %shift_left3A_628 = arith.constant 16 : i32
    %shift_left3A_629 = vector.broadcast %shift_left3A_628 : i32 to vector<256x128xi32>
    %shift_left3A_630 = arith.shli %xor3A_626, %shift_left3A_629 : vector<256x128xi32>
    %shift_right_logical3A_631 = arith.constant 16 : i32
    %shift_right_logical3A_632 = vector.broadcast %shift_right_logical3A_631 : i32 to vector<256x128xi32>
    %shift_right_logical3A_633 = arith.shrui %xor3A_626, %shift_right_logical3A_632 : vector<256x128xi32>
    %or3A_634 = arith.ori %shift_left3A_630, %shift_right_logical3A_633 : vector<256x128xi32>
    %xor3A_635 = arith.xori %or3A_634, %add3A_627 : vector<256x128xi32>
    %add3A_636 = arith.addi %add3A_627, %xor3A_635 : vector<256x128xi32>
    %shift_left3A_637 = arith.constant 24 : i32
    %shift_left3A_638 = vector.broadcast %shift_left3A_637 : i32 to vector<256x128xi32>
    %shift_left3A_639 = arith.shli %xor3A_635, %shift_left3A_638 : vector<256x128xi32>
    %shift_right_logical3A_640 = arith.constant 8 : i32
    %shift_right_logical3A_641 = vector.broadcast %shift_right_logical3A_640 : i32 to vector<256x128xi32>
    %shift_right_logical3A_642 = arith.shrui %xor3A_635, %shift_right_logical3A_641 : vector<256x128xi32>
    %or3A_643 = arith.ori %shift_left3A_639, %shift_right_logical3A_642 : vector<256x128xi32>
    %xor3A_644 = arith.xori %or3A_643, %add3A_636 : vector<256x128xi32>
    %add3A_645 = vector.broadcast %xor3A_562 : i32 to vector<256x128xi32>
    %add3A_646 = arith.addi %add3A_636, %add3A_645 : vector<256x128xi32>
    %add3A_647 = vector.broadcast %get3A_556 : i32 to vector<256x128xi32>
    %add3A_648 = arith.addi %xor3A_644, %add3A_647 : vector<256x128xi32>
    %add3A_649 = arith.constant 2 : i32
    %add3A_650 = vector.broadcast %add3A_649 : i32 to vector<256x128xi32>
    %add3A_651 = arith.addi %add3A_648, %add3A_650 : vector<256x128xi32>
    %add3A_652 = arith.addi %add3A_646, %add3A_651 : vector<256x128xi32>
    %shift_left3A_653 = arith.constant 13 : i32
    %shift_left3A_654 = vector.broadcast %shift_left3A_653 : i32 to vector<256x128xi32>
    %shift_left3A_655 = arith.shli %add3A_651, %shift_left3A_654 : vector<256x128xi32>
    %shift_right_logical3A_656 = arith.constant 19 : i32
    %shift_right_logical3A_657 = vector.broadcast %shift_right_logical3A_656 : i32 to vector<256x128xi32>
    %shift_right_logical3A_658 = arith.shrui %add3A_651, %shift_right_logical3A_657 : vector<256x128xi32>
    %or3A_659 = arith.ori %shift_left3A_655, %shift_right_logical3A_658 : vector<256x128xi32>
    %xor3A_660 = arith.xori %or3A_659, %add3A_652 : vector<256x128xi32>
    %add3A_661 = arith.addi %add3A_652, %xor3A_660 : vector<256x128xi32>
    %shift_left3A_662 = arith.constant 15 : i32
    %shift_left3A_663 = vector.broadcast %shift_left3A_662 : i32 to vector<256x128xi32>
    %shift_left3A_664 = arith.shli %xor3A_660, %shift_left3A_663 : vector<256x128xi32>
    %shift_right_logical3A_665 = arith.constant 17 : i32
    %shift_right_logical3A_666 = vector.broadcast %shift_right_logical3A_665 : i32 to vector<256x128xi32>
    %shift_right_logical3A_667 = arith.shrui %xor3A_660, %shift_right_logical3A_666 : vector<256x128xi32>
    %or3A_668 = arith.ori %shift_left3A_664, %shift_right_logical3A_667 : vector<256x128xi32>
    %xor3A_669 = arith.xori %or3A_668, %add3A_661 : vector<256x128xi32>
    %add3A_670 = arith.addi %add3A_661, %xor3A_669 : vector<256x128xi32>
    %shift_left3A_671 = arith.constant 26 : i32
    %shift_left3A_672 = vector.broadcast %shift_left3A_671 : i32 to vector<256x128xi32>
    %shift_left3A_673 = arith.shli %xor3A_669, %shift_left3A_672 : vector<256x128xi32>
    %shift_right_logical3A_674 = arith.constant 6 : i32
    %shift_right_logical3A_675 = vector.broadcast %shift_right_logical3A_674 : i32 to vector<256x128xi32>
    %shift_right_logical3A_676 = arith.shrui %xor3A_669, %shift_right_logical3A_675 : vector<256x128xi32>
    %or3A_677 = arith.ori %shift_left3A_673, %shift_right_logical3A_676 : vector<256x128xi32>
    %xor3A_678 = arith.xori %or3A_677, %add3A_670 : vector<256x128xi32>
    %add3A_679 = arith.addi %add3A_670, %xor3A_678 : vector<256x128xi32>
    %shift_left3A_680 = arith.constant 6 : i32
    %shift_left3A_681 = vector.broadcast %shift_left3A_680 : i32 to vector<256x128xi32>
    %shift_left3A_682 = arith.shli %xor3A_678, %shift_left3A_681 : vector<256x128xi32>
    %shift_right_logical3A_683 = arith.constant 26 : i32
    %shift_right_logical3A_684 = vector.broadcast %shift_right_logical3A_683 : i32 to vector<256x128xi32>
    %shift_right_logical3A_685 = arith.shrui %xor3A_678, %shift_right_logical3A_684 : vector<256x128xi32>
    %or3A_686 = arith.ori %shift_left3A_682, %shift_right_logical3A_685 : vector<256x128xi32>
    %xor3A_687 = arith.xori %or3A_686, %add3A_679 : vector<256x128xi32>
    %add3A_688 = vector.broadcast %get3A_556 : i32 to vector<256x128xi32>
    %add3A_689 = arith.addi %add3A_679, %add3A_688 : vector<256x128xi32>
    %add3A_690 = vector.broadcast %get3A_559 : i32 to vector<256x128xi32>
    %add3A_691 = arith.addi %xor3A_687, %add3A_690 : vector<256x128xi32>
    %add3A_692 = arith.constant 3 : i32
    %add3A_693 = vector.broadcast %add3A_692 : i32 to vector<256x128xi32>
    %add3A_694 = arith.addi %add3A_691, %add3A_693 : vector<256x128xi32>
    %add3A_695 = arith.addi %add3A_689, %add3A_694 : vector<256x128xi32>
    %shift_left3A_696 = arith.constant 17 : i32
    %shift_left3A_697 = vector.broadcast %shift_left3A_696 : i32 to vector<256x128xi32>
    %shift_left3A_698 = arith.shli %add3A_694, %shift_left3A_697 : vector<256x128xi32>
    %shift_right_logical3A_699 = arith.constant 15 : i32
    %shift_right_logical3A_700 = vector.broadcast %shift_right_logical3A_699 : i32 to vector<256x128xi32>
    %shift_right_logical3A_701 = arith.shrui %add3A_694, %shift_right_logical3A_700 : vector<256x128xi32>
    %or3A_702 = arith.ori %shift_left3A_698, %shift_right_logical3A_701 : vector<256x128xi32>
    %xor3A_703 = arith.xori %or3A_702, %add3A_695 : vector<256x128xi32>
    %add3A_704 = arith.addi %add3A_695, %xor3A_703 : vector<256x128xi32>
    %shift_left3A_705 = arith.constant 29 : i32
    %shift_left3A_706 = vector.broadcast %shift_left3A_705 : i32 to vector<256x128xi32>
    %shift_left3A_707 = arith.shli %xor3A_703, %shift_left3A_706 : vector<256x128xi32>
    %shift_right_logical3A_708 = arith.constant 3 : i32
    %shift_right_logical3A_709 = vector.broadcast %shift_right_logical3A_708 : i32 to vector<256x128xi32>
    %shift_right_logical3A_710 = arith.shrui %xor3A_703, %shift_right_logical3A_709 : vector<256x128xi32>
    %or3A_711 = arith.ori %shift_left3A_707, %shift_right_logical3A_710 : vector<256x128xi32>
    %xor3A_712 = arith.xori %or3A_711, %add3A_704 : vector<256x128xi32>
    %add3A_713 = arith.addi %add3A_704, %xor3A_712 : vector<256x128xi32>
    %shift_left3A_714 = arith.constant 16 : i32
    %shift_left3A_715 = vector.broadcast %shift_left3A_714 : i32 to vector<256x128xi32>
    %shift_left3A_716 = arith.shli %xor3A_712, %shift_left3A_715 : vector<256x128xi32>
    %shift_right_logical3A_717 = arith.constant 16 : i32
    %shift_right_logical3A_718 = vector.broadcast %shift_right_logical3A_717 : i32 to vector<256x128xi32>
    %shift_right_logical3A_719 = arith.shrui %xor3A_712, %shift_right_logical3A_718 : vector<256x128xi32>
    %or3A_720 = arith.ori %shift_left3A_716, %shift_right_logical3A_719 : vector<256x128xi32>
    %xor3A_721 = arith.xori %or3A_720, %add3A_713 : vector<256x128xi32>
    %add3A_722 = arith.addi %add3A_713, %xor3A_721 : vector<256x128xi32>
    %shift_left3A_723 = arith.constant 24 : i32
    %shift_left3A_724 = vector.broadcast %shift_left3A_723 : i32 to vector<256x128xi32>
    %shift_left3A_725 = arith.shli %xor3A_721, %shift_left3A_724 : vector<256x128xi32>
    %shift_right_logical3A_726 = arith.constant 8 : i32
    %shift_right_logical3A_727 = vector.broadcast %shift_right_logical3A_726 : i32 to vector<256x128xi32>
    %shift_right_logical3A_728 = arith.shrui %xor3A_721, %shift_right_logical3A_727 : vector<256x128xi32>
    %or3A_729 = arith.ori %shift_left3A_725, %shift_right_logical3A_728 : vector<256x128xi32>
    %xor3A_730 = arith.xori %or3A_729, %add3A_722 : vector<256x128xi32>
    %add3A_731 = vector.broadcast %get3A_559 : i32 to vector<256x128xi32>
    %add3A_732 = arith.addi %add3A_722, %add3A_731 : vector<256x128xi32>
    %add3A_733 = vector.broadcast %xor3A_562 : i32 to vector<256x128xi32>
    %add3A_734 = arith.addi %xor3A_730, %add3A_733 : vector<256x128xi32>
    %add3A_735 = arith.constant 4 : i32
    %add3A_736 = vector.broadcast %add3A_735 : i32 to vector<256x128xi32>
    %add3A_737 = arith.addi %add3A_734, %add3A_736 : vector<256x128xi32>
    %add3A_738 = arith.addi %add3A_732, %add3A_737 : vector<256x128xi32>
    %shift_left3A_739 = arith.constant 13 : i32
    %shift_left3A_740 = vector.broadcast %shift_left3A_739 : i32 to vector<256x128xi32>
    %shift_left3A_741 = arith.shli %add3A_737, %shift_left3A_740 : vector<256x128xi32>
    %shift_right_logical3A_742 = arith.constant 19 : i32
    %shift_right_logical3A_743 = vector.broadcast %shift_right_logical3A_742 : i32 to vector<256x128xi32>
    %shift_right_logical3A_744 = arith.shrui %add3A_737, %shift_right_logical3A_743 : vector<256x128xi32>
    %or3A_745 = arith.ori %shift_left3A_741, %shift_right_logical3A_744 : vector<256x128xi32>
    %xor3A_746 = arith.xori %or3A_745, %add3A_738 : vector<256x128xi32>
    %add3A_747 = arith.addi %add3A_738, %xor3A_746 : vector<256x128xi32>
    %shift_left3A_748 = arith.constant 15 : i32
    %shift_left3A_749 = vector.broadcast %shift_left3A_748 : i32 to vector<256x128xi32>
    %shift_left3A_750 = arith.shli %xor3A_746, %shift_left3A_749 : vector<256x128xi32>
    %shift_right_logical3A_751 = arith.constant 17 : i32
    %shift_right_logical3A_752 = vector.broadcast %shift_right_logical3A_751 : i32 to vector<256x128xi32>
    %shift_right_logical3A_753 = arith.shrui %xor3A_746, %shift_right_logical3A_752 : vector<256x128xi32>
    %or3A_754 = arith.ori %shift_left3A_750, %shift_right_logical3A_753 : vector<256x128xi32>
    %xor3A_755 = arith.xori %or3A_754, %add3A_747 : vector<256x128xi32>
    %add3A_756 = arith.addi %add3A_747, %xor3A_755 : vector<256x128xi32>
    %shift_left3A_757 = arith.constant 26 : i32
    %shift_left3A_758 = vector.broadcast %shift_left3A_757 : i32 to vector<256x128xi32>
    %shift_left3A_759 = arith.shli %xor3A_755, %shift_left3A_758 : vector<256x128xi32>
    %shift_right_logical3A_760 = arith.constant 6 : i32
    %shift_right_logical3A_761 = vector.broadcast %shift_right_logical3A_760 : i32 to vector<256x128xi32>
    %shift_right_logical3A_762 = arith.shrui %xor3A_755, %shift_right_logical3A_761 : vector<256x128xi32>
    %or3A_763 = arith.ori %shift_left3A_759, %shift_right_logical3A_762 : vector<256x128xi32>
    %xor3A_764 = arith.xori %or3A_763, %add3A_756 : vector<256x128xi32>
    %add3A_765 = arith.addi %add3A_756, %xor3A_764 : vector<256x128xi32>
    %shift_left3A_766 = arith.constant 6 : i32
    %shift_left3A_767 = vector.broadcast %shift_left3A_766 : i32 to vector<256x128xi32>
    %shift_left3A_768 = arith.shli %xor3A_764, %shift_left3A_767 : vector<256x128xi32>
    %shift_right_logical3A_769 = arith.constant 26 : i32
    %shift_right_logical3A_770 = vector.broadcast %shift_right_logical3A_769 : i32 to vector<256x128xi32>
    %shift_right_logical3A_771 = arith.shrui %xor3A_764, %shift_right_logical3A_770 : vector<256x128xi32>
    %or3A_772 = arith.ori %shift_left3A_768, %shift_right_logical3A_771 : vector<256x128xi32>
    %xor3A_773 = arith.xori %or3A_772, %add3A_765 : vector<256x128xi32>
    %add3A_774 = vector.broadcast %xor3A_562 : i32 to vector<256x128xi32>
    %add3A_775 = arith.addi %add3A_765, %add3A_774 : vector<256x128xi32>
    %add3A_776 = vector.broadcast %get3A_556 : i32 to vector<256x128xi32>
    %add3A_777 = arith.addi %xor3A_773, %add3A_776 : vector<256x128xi32>
    %add3A_778 = arith.constant 5 : i32
    %add3A_779 = vector.broadcast %add3A_778 : i32 to vector<256x128xi32>
    %add3A_780 = arith.addi %add3A_777, %add3A_779 : vector<256x128xi32>
    %xor3A_781 = arith.xori %add3A_775, %add3A_780 : vector<256x128xi32>
    %shift_right_logical3A_782 = arith.constant 9 : i32
    %shift_right_logical3A_783 = vector.broadcast %shift_right_logical3A_782 : i32 to vector<256x128xi32>
    %shift_right_logical3A_784 = arith.shrui %xor3A_781, %shift_right_logical3A_783 : vector<256x128xi32>
    %or3A_785 = arith.constant 1065353216 : i32
    %or3A_786 = vector.broadcast %or3A_785 : i32 to vector<256x128xi32>
    %or3A_787 = arith.ori %shift_right_logical3A_784, %or3A_786 : vector<256x128xi32>
    %bitcast_convert_type3A_788 = tpu.bitcast %or3A_787 : vector<256x128xi32> -> vector<256x128xf32>
    %sub3A_789 = arith.constant 1.000000e+00 : f32
    %sub3A_790 = vector.broadcast %sub3A_789 : f32 to vector<256x128xf32>
    %sub3A_791 = arith.subf %bitcast_convert_type3A_788, %sub3A_790 : vector<256x128xf32>
    %sub3A_792 = arith.constant 1.000000e+00 : f32
    %sub3A_793 = arith.constant 1.000000e-10 : f32
    %sub3A_794 = arith.subf %sub3A_792, %sub3A_793 : f32
    %mul3A_795 = vector.broadcast %sub3A_794 : f32 to vector<256x128xf32>
    %mul3A_796 = arith.mulf %sub3A_791, %mul3A_795 : vector<256x128xf32>
    %add3A_797 = arith.constant 1.000000e-10 : f32
    %add3A_798 = vector.broadcast %add3A_797 : f32 to vector<256x128xf32>
    %add3A_799 = arith.addf %mul3A_796, %add3A_798 : vector<256x128xf32>
    %max3A_800 = arith.constant 1.000000e-10 : f32
    %max3A_801 = vector.broadcast %max3A_800 : f32 to vector<256x128xf32>
    %max3A_802 = arith.maximumf %max3A_801, %add3A_799 : vector<256x128xf32>
    %log3A_803 = math.log %max3A_802 : vector<256x128xf32>
    %neg3A_804 = arith.constant 0.000000e+00 : f32
    %neg3A_805 = vector.broadcast %neg3A_804 : f32 to vector<256x128xf32>
    %neg3A_806 = arith.subf %neg3A_805, %log3A_803 : vector<256x128xf32>
    %log3A_807 = math.log %neg3A_806 : vector<256x128xf32>
    %neg3A_808 = arith.constant 0.000000e+00 : f32
    %neg3A_809 = vector.broadcast %neg3A_808 : f32 to vector<256x128xf32>
    %neg3A_810 = arith.subf %neg3A_809, %log3A_807 : vector<256x128xf32>
    %get3A_811 = arith.constant 2 : index
    %get3A_812 = arith.constant 0 : index
    %get3A_813 = vector.load %arg7[%get3A_811, %get3A_812] : memref<4x128xf32, #tpu.memory_space<vmem>>, vector<1x128xf32>
    %get3A_814 = vector.shape_cast %get3A_813 : vector<1x128xf32> to vector<128xf32>
    %broadcast_in_dim3A_815 = vector.shape_cast %get3A_814 : vector<128xf32> to vector<1x128xf32>
    %add3A_816 = vector.broadcast %broadcast_in_dim3A_815 : vector<1x128xf32> to vector<256x128xf32>
    %add3A_817 = arith.addf %neg3A_810, %add3A_816 : vector<256x128xf32>
    %swap3A_818 = arith.constant 0 : index
    %swap3A_819 = arith.constant 0 : index
    %swap3A_820 = vector.load %arg11[%swap3A_818, %swap3A_819] : memref<256x128xf32, #tpu.memory_space<vmem>>, vector<256x128xf32>
    tpu.vector_store %arg11[%swap3A_818, %swap3A_819], %add3A_817 {strides = array<i32>} : memref<256x128xf32, #tpu.memory_space<vmem>>, vector<256x128xf32>,
    %get3A_821 = arith.constant 3 : index
    %get3A_822 = arith.constant 0 : index
    %get3A_823 = memref.load %arg1[%get3A_821, %get3A_822] : memref<4x2xi32, #tpu.memory_space<smem>>
    %get3A_824 = arith.constant 3 : index
    %get3A_825 = arith.constant 1 : index
    %get3A_826 = memref.load %arg1[%get3A_824, %get3A_825] : memref<4x2xi32, #tpu.memory_space<smem>>
    %xor3A_827 = arith.xori %get3A_823, %get3A_826 : i32
    %xor3A_828 = arith.constant 466688986 : i32
    %xor3A_829 = arith.xori %xor3A_827, %xor3A_828 : i32
    %broadcast_in_dim3A_830 = vector.broadcast %get3A_823 : i32 to vector<256x128xi32>
    %add3A_831 = vector.broadcast %get3A_826 : i32 to vector<256x128xi32>
    %add3A_832 = arith.addi %add3A_29, %add3A_831 : vector<256x128xi32>
    %add3A_833 = arith.addi %broadcast_in_dim3A_830, %add3A_832 : vector<256x128xi32>
    %shift_left3A_834 = arith.constant 13 : i32
    %shift_left3A_835 = vector.broadcast %shift_left3A_834 : i32 to vector<256x128xi32>
    %shift_left3A_836 = arith.shli %add3A_832, %shift_left3A_835 : vector<256x128xi32>
    %shift_right_logical3A_837 = arith.constant 19 : i32
    %shift_right_logical3A_838 = vector.broadcast %shift_right_logical3A_837 : i32 to vector<256x128xi32>
    %shift_right_logical3A_839 = arith.shrui %add3A_832, %shift_right_logical3A_838 : vector<256x128xi32>
    %or3A_840 = arith.ori %shift_left3A_836, %shift_right_logical3A_839 : vector<256x128xi32>
    %xor3A_841 = arith.xori %or3A_840, %add3A_833 : vector<256x128xi32>
    %add3A_842 = arith.addi %add3A_833, %xor3A_841 : vector<256x128xi32>
    %shift_left3A_843 = arith.constant 15 : i32
    %shift_left3A_844 = vector.broadcast %shift_left3A_843 : i32 to vector<256x128xi32>
    %shift_left3A_845 = arith.shli %xor3A_841, %shift_left3A_844 : vector<256x128xi32>
    %shift_right_logical3A_846 = arith.constant 17 : i32
    %shift_right_logical3A_847 = vector.broadcast %shift_right_logical3A_846 : i32 to vector<256x128xi32>
    %shift_right_logical3A_848 = arith.shrui %xor3A_841, %shift_right_logical3A_847 : vector<256x128xi32>
    %or3A_849 = arith.ori %shift_left3A_845, %shift_right_logical3A_848 : vector<256x128xi32>
    %xor3A_850 = arith.xori %or3A_849, %add3A_842 : vector<256x128xi32>
    %add3A_851 = arith.addi %add3A_842, %xor3A_850 : vector<256x128xi32>
    %shift_left3A_852 = arith.constant 26 : i32
    %shift_left3A_853 = vector.broadcast %shift_left3A_852 : i32 to vector<256x128xi32>
    %shift_left3A_854 = arith.shli %xor3A_850, %shift_left3A_853 : vector<256x128xi32>
    %shift_right_logical3A_855 = arith.constant 6 : i32
    %shift_right_logical3A_856 = vector.broadcast %shift_right_logical3A_855 : i32 to vector<256x128xi32>
    %shift_right_logical3A_857 = arith.shrui %xor3A_850, %shift_right_logical3A_856 : vector<256x128xi32>
    %or3A_858 = arith.ori %shift_left3A_854, %shift_right_logical3A_857 : vector<256x128xi32>
    %xor3A_859 = arith.xori %or3A_858, %add3A_851 : vector<256x128xi32>
    %add3A_860 = arith.addi %add3A_851, %xor3A_859 : vector<256x128xi32>
    %shift_left3A_861 = arith.constant 6 : i32
    %shift_left3A_862 = vector.broadcast %shift_left3A_861 : i32 to vector<256x128xi32>
    %shift_left3A_863 = arith.shli %xor3A_859, %shift_left3A_862 : vector<256x128xi32>
    %shift_right_logical3A_864 = arith.constant 26 : i32
    %shift_right_logical3A_865 = vector.broadcast %shift_right_logical3A_864 : i32 to vector<256x128xi32>
    %shift_right_logical3A_866 = arith.shrui %xor3A_859, %shift_right_logical3A_865 : vector<256x128xi32>
    %or3A_867 = arith.ori %shift_left3A_863, %shift_right_logical3A_866 : vector<256x128xi32>
    %xor3A_868 = arith.xori %or3A_867, %add3A_860 : vector<256x128xi32>
    %add3A_869 = vector.broadcast %get3A_826 : i32 to vector<256x128xi32>
    %add3A_870 = arith.addi %add3A_860, %add3A_869 : vector<256x128xi32>
    %add3A_871 = vector.broadcast %xor3A_829 : i32 to vector<256x128xi32>
    %add3A_872 = arith.addi %xor3A_868, %add3A_871 : vector<256x128xi32>
    %add3A_873 = arith.constant 1 : i32
    %add3A_874 = vector.broadcast %add3A_873 : i32 to vector<256x128xi32>
    %add3A_875 = arith.addi %add3A_872, %add3A_874 : vector<256x128xi32>
    %add3A_876 = arith.addi %add3A_870, %add3A_875 : vector<256x128xi32>
    %shift_left3A_877 = arith.constant 17 : i32
    %shift_left3A_878 = vector.broadcast %shift_left3A_877 : i32 to vector<256x128xi32>
    %shift_left3A_879 = arith.shli %add3A_875, %shift_left3A_878 : vector<256x128xi32>
    %shift_right_logical3A_880 = arith.constant 15 : i32
    %shift_right_logical3A_881 = vector.broadcast %shift_right_logical3A_880 : i32 to vector<256x128xi32>
    %shift_right_logical3A_882 = arith.shrui %add3A_875, %shift_right_logical3A_881 : vector<256x128xi32>
    %or3A_883 = arith.ori %shift_left3A_879, %shift_right_logical3A_882 : vector<256x128xi32>
    %xor3A_884 = arith.xori %or3A_883, %add3A_876 : vector<256x128xi32>
    %add3A_885 = arith.addi %add3A_876, %xor3A_884 : vector<256x128xi32>
    %shift_left3A_886 = arith.constant 29 : i32
    %shift_left3A_887 = vector.broadcast %shift_left3A_886 : i32 to vector<256x128xi32>
    %shift_left3A_888 = arith.shli %xor3A_884, %shift_left3A_887 : vector<256x128xi32>
    %shift_right_logical3A_889 = arith.constant 3 : i32
    %shift_right_logical3A_890 = vector.broadcast %shift_right_logical3A_889 : i32 to vector<256x128xi32>
    %shift_right_logical3A_891 = arith.shrui %xor3A_884, %shift_right_logical3A_890 : vector<256x128xi32>
    %or3A_892 = arith.ori %shift_left3A_888, %shift_right_logical3A_891 : vector<256x128xi32>
    %xor3A_893 = arith.xori %or3A_892, %add3A_885 : vector<256x128xi32>
    %add3A_894 = arith.addi %add3A_885, %xor3A_893 : vector<256x128xi32>
    %shift_left3A_895 = arith.constant 16 : i32
    %shift_left3A_896 = vector.broadcast %shift_left3A_895 : i32 to vector<256x128xi32>
    %shift_left3A_897 = arith.shli %xor3A_893, %shift_left3A_896 : vector<256x128xi32>
    %shift_right_logical3A_898 = arith.constant 16 : i32
    %shift_right_logical3A_899 = vector.broadcast %shift_right_logical3A_898 : i32 to vector<256x128xi32>
    %shift_right_logical3A_900 = arith.shrui %xor3A_893, %shift_right_logical3A_899 : vector<256x128xi32>
    %or3A_901 = arith.ori %shift_left3A_897, %shift_right_logical3A_900 : vector<256x128xi32>
    %xor3A_902 = arith.xori %or3A_901, %add3A_894 : vector<256x128xi32>
    %add3A_903 = arith.addi %add3A_894, %xor3A_902 : vector<256x128xi32>
    %shift_left3A_904 = arith.constant 24 : i32
    %shift_left3A_905 = vector.broadcast %shift_left3A_904 : i32 to vector<256x128xi32>
    %shift_left3A_906 = arith.shli %xor3A_902, %shift_left3A_905 : vector<256x128xi32>
    %shift_right_logical3A_907 = arith.constant 8 : i32
    %shift_right_logical3A_908 = vector.broadcast %shift_right_logical3A_907 : i32 to vector<256x128xi32>
    %shift_right_logical3A_909 = arith.shrui %xor3A_902, %shift_right_logical3A_908 : vector<256x128xi32>
    %or3A_910 = arith.ori %shift_left3A_906, %shift_right_logical3A_909 : vector<256x128xi32>
    %xor3A_911 = arith.xori %or3A_910, %add3A_903 : vector<256x128xi32>
    %add3A_912 = vector.broadcast %xor3A_829 : i32 to vector<256x128xi32>
    %add3A_913 = arith.addi %add3A_903, %add3A_912 : vector<256x128xi32>
    %add3A_914 = vector.broadcast %get3A_823 : i32 to vector<256x128xi32>
    %add3A_915 = arith.addi %xor3A_911, %add3A_914 : vector<256x128xi32>
    %add3A_916 = arith.constant 2 : i32
    %add3A_917 = vector.broadcast %add3A_916 : i32 to vector<256x128xi32>
    %add3A_918 = arith.addi %add3A_915, %add3A_917 : vector<256x128xi32>
    %add3A_919 = arith.addi %add3A_913, %add3A_918 : vector<256x128xi32>
    %shift_left3A_920 = arith.constant 13 : i32
    %shift_left3A_921 = vector.broadcast %shift_left3A_920 : i32 to vector<256x128xi32>
    %shift_left3A_922 = arith.shli %add3A_918, %shift_left3A_921 : vector<256x128xi32>
    %shift_right_logical3A_923 = arith.constant 19 : i32
    %shift_right_logical3A_924 = vector.broadcast %shift_right_logical3A_923 : i32 to vector<256x128xi32>
    %shift_right_logical3A_925 = arith.shrui %add3A_918, %shift_right_logical3A_924 : vector<256x128xi32>
    %or3A_926 = arith.ori %shift_left3A_922, %shift_right_logical3A_925 : vector<256x128xi32>
    %xor3A_927 = arith.xori %or3A_926, %add3A_919 : vector<256x128xi32>
    %add3A_928 = arith.addi %add3A_919, %xor3A_927 : vector<256x128xi32>
    %shift_left3A_929 = arith.constant 15 : i32
    %shift_left3A_930 = vector.broadcast %shift_left3A_929 : i32 to vector<256x128xi32>
    %shift_left3A_931 = arith.shli %xor3A_927, %shift_left3A_930 : vector<256x128xi32>
    %shift_right_logical3A_932 = arith.constant 17 : i32
    %shift_right_logical3A_933 = vector.broadcast %shift_right_logical3A_932 : i32 to vector<256x128xi32>
    %shift_right_logical3A_934 = arith.shrui %xor3A_927, %shift_right_logical3A_933 : vector<256x128xi32>
    %or3A_935 = arith.ori %shift_left3A_931, %shift_right_logical3A_934 : vector<256x128xi32>
    %xor3A_936 = arith.xori %or3A_935, %add3A_928 : vector<256x128xi32>
    %add3A_937 = arith.addi %add3A_928, %xor3A_936 : vector<256x128xi32>
    %shift_left3A_938 = arith.constant 26 : i32
    %shift_left3A_939 = vector.broadcast %shift_left3A_938 : i32 to vector<256x128xi32>
    %shift_left3A_940 = arith.shli %xor3A_936, %shift_left3A_939 : vector<256x128xi32>
    %shift_right_logical3A_941 = arith.constant 6 : i32
    %shift_right_logical3A_942 = vector.broadcast %shift_right_logical3A_941 : i32 to vector<256x128xi32>
    %shift_right_logical3A_943 = arith.shrui %xor3A_936, %shift_right_logical3A_942 : vector<256x128xi32>
    %or3A_944 = arith.ori %shift_left3A_940, %shift_right_logical3A_943 : vector<256x128xi32>
    %xor3A_945 = arith.xori %or3A_944, %add3A_937 : vector<256x128xi32>
    %add3A_946 = arith.addi %add3A_937, %xor3A_945 : vector<256x128xi32>
    %shift_left3A_947 = arith.constant 6 : i32
    %shift_left3A_948 = vector.broadcast %shift_left3A_947 : i32 to vector<256x128xi32>
    %shift_left3A_949 = arith.shli %xor3A_945, %shift_left3A_948 : vector<256x128xi32>
    %shift_right_logical3A_950 = arith.constant 26 : i32
    %shift_right_logical3A_951 = vector.broadcast %shift_right_logical3A_950 : i32 to vector<256x128xi32>
    %shift_right_logical3A_952 = arith.shrui %xor3A_945, %shift_right_logical3A_951 : vector<256x128xi32>
    %or3A_953 = arith.ori %shift_left3A_949, %shift_right_logical3A_952 : vector<256x128xi32>
    %xor3A_954 = arith.xori %or3A_953, %add3A_946 : vector<256x128xi32>
    %add3A_955 = vector.broadcast %get3A_823 : i32 to vector<256x128xi32>
    %add3A_956 = arith.addi %add3A_946, %add3A_955 : vector<256x128xi32>
    %add3A_957 = vector.broadcast %get3A_826 : i32 to vector<256x128xi32>
    %add3A_958 = arith.addi %xor3A_954, %add3A_957 : vector<256x128xi32>
    %add3A_959 = arith.constant 3 : i32
    %add3A_960 = vector.broadcast %add3A_959 : i32 to vector<256x128xi32>
    %add3A_961 = arith.addi %add3A_958, %add3A_960 : vector<256x128xi32>
    %add3A_962 = arith.addi %add3A_956, %add3A_961 : vector<256x128xi32>
    %shift_left3A_963 = arith.constant 17 : i32
    %shift_left3A_964 = vector.broadcast %shift_left3A_963 : i32 to vector<256x128xi32>
    %shift_left3A_965 = arith.shli %add3A_961, %shift_left3A_964 : vector<256x128xi32>
    %shift_right_logical3A_966 = arith.constant 15 : i32
    %shift_right_logical3A_967 = vector.broadcast %shift_right_logical3A_966 : i32 to vector<256x128xi32>
    %shift_right_logical3A_968 = arith.shrui %add3A_961, %shift_right_logical3A_967 : vector<256x128xi32>
    %or3A_969 = arith.ori %shift_left3A_965, %shift_right_logical3A_968 : vector<256x128xi32>
    %xor3A_970 = arith.xori %or3A_969, %add3A_962 : vector<256x128xi32>
    %add3A_971 = arith.addi %add3A_962, %xor3A_970 : vector<256x128xi32>
    %shift_left3A_972 = arith.constant 29 : i32
    %shift_left3A_973 = vector.broadcast %shift_left3A_972 : i32 to vector<256x128xi32>
    %shift_left3A_974 = arith.shli %xor3A_970, %shift_left3A_973 : vector<256x128xi32>
    %shift_right_logical3A_975 = arith.constant 3 : i32
    %shift_right_logical3A_976 = vector.broadcast %shift_right_logical3A_975 : i32 to vector<256x128xi32>
    %shift_right_logical3A_977 = arith.shrui %xor3A_970, %shift_right_logical3A_976 : vector<256x128xi32>
    %or3A_978 = arith.ori %shift_left3A_974, %shift_right_logical3A_977 : vector<256x128xi32>
    %xor3A_979 = arith.xori %or3A_978, %add3A_971 : vector<256x128xi32>
    %add3A_980 = arith.addi %add3A_971, %xor3A_979 : vector<256x128xi32>
    %shift_left3A_981 = arith.constant 16 : i32
    %shift_left3A_982 = vector.broadcast %shift_left3A_981 : i32 to vector<256x128xi32>
    %shift_left3A_983 = arith.shli %xor3A_979, %shift_left3A_982 : vector<256x128xi32>
    %shift_right_logical3A_984 = arith.constant 16 : i32
    %shift_right_logical3A_985 = vector.broadcast %shift_right_logical3A_984 : i32 to vector<256x128xi32>
    %shift_right_logical3A_986 = arith.shrui %xor3A_979, %shift_right_logical3A_985 : vector<256x128xi32>
    %or3A_987 = arith.ori %shift_left3A_983, %shift_right_logical3A_986 : vector<256x128xi32>
    %xor3A_988 = arith.xori %or3A_987, %add3A_980 : vector<256x128xi32>
    %add3A_989 = arith.addi %add3A_980, %xor3A_988 : vector<256x128xi32>
    %shift_left3A_990 = arith.constant 24 : i32
    %shift_left3A_991 = vector.broadcast %shift_left3A_990 : i32 to vector<256x128xi32>
    %shift_left3A_992 = arith.shli %xor3A_988, %shift_left3A_991 : vector<256x128xi32>
    %shift_right_logical3A_993 = arith.constant 8 : i32
    %shift_right_logical3A_994 = vector.broadcast %shift_right_logical3A_993 : i32 to vector<256x128xi32>
    %shift_right_logical3A_995 = arith.shrui %xor3A_988, %shift_right_logical3A_994 : vector<256x128xi32>
    %or3A_996 = arith.ori %shift_left3A_992, %shift_right_logical3A_995 : vector<256x128xi32>
    %xor3A_997 = arith.xori %or3A_996, %add3A_989 : vector<256x128xi32>
    %add3A_998 = vector.broadcast %get3A_826 : i32 to vector<256x128xi32>
    %add3A_999 = arith.addi %add3A_989, %add3A_998 : vector<256x128xi32>
    %add3A_1000 = vector.broadcast %xor3A_829 : i32 to vector<256x128xi32>
    %add3A_1001 = arith.addi %xor3A_997, %add3A_1000 : vector<256x128xi32>
    %add3A_1002 = arith.constant 4 : i32
    %add3A_1003 = vector.broadcast %add3A_1002 : i32 to vector<256x128xi32>
    %add3A_1004 = arith.addi %add3A_1001, %add3A_1003 : vector<256x128xi32>
    %add3A_1005 = arith.addi %add3A_999, %add3A_1004 : vector<256x128xi32>
    %shift_left3A_1006 = arith.constant 13 : i32
    %shift_left3A_1007 = vector.broadcast %shift_left3A_1006 : i32 to vector<256x128xi32>
    %shift_left3A_1008 = arith.shli %add3A_1004, %shift_left3A_1007 : vector<256x128xi32>
    %shift_right_logical3A_1009 = arith.constant 19 : i32
    %shift_right_logical3A_1010 = vector.broadcast %shift_right_logical3A_1009 : i32 to vector<256x128xi32>
    %shift_right_logical3A_1011 = arith.shrui %add3A_1004, %shift_right_logical3A_1010 : vector<256x128xi32>
    %or3A_1012 = arith.ori %shift_left3A_1008, %shift_right_logical3A_1011 : vector<256x128xi32>
    %xor3A_1013 = arith.xori %or3A_1012, %add3A_1005 : vector<256x128xi32>
    %add3A_1014 = arith.addi %add3A_1005, %xor3A_1013 : vector<256x128xi32>
    %shift_left3A_1015 = arith.constant 15 : i32
    %shift_left3A_1016 = vector.broadcast %shift_left3A_1015 : i32 to vector<256x128xi32>
    %shift_left3A_1017 = arith.shli %xor3A_1013, %shift_left3A_1016 : vector<256x128xi32>
    %shift_right_logical3A_1018 = arith.constant 17 : i32
    %shift_right_logical3A_1019 = vector.broadcast %shift_right_logical3A_1018 : i32 to vector<256x128xi32>
    %shift_right_logical3A_1020 = arith.shrui %xor3A_1013, %shift_right_logical3A_1019 : vector<256x128xi32>
    %or3A_1021 = arith.ori %shift_left3A_1017, %shift_right_logical3A_1020 : vector<256x128xi32>
    %xor3A_1022 = arith.xori %or3A_1021, %add3A_1014 : vector<256x128xi32>
    %add3A_1023 = arith.addi %add3A_1014, %xor3A_1022 : vector<256x128xi32>
    %shift_left3A_1024 = arith.constant 26 : i32
    %shift_left3A_1025 = vector.broadcast %shift_left3A_1024 : i32 to vector<256x128xi32>
    %shift_left3A_1026 = arith.shli %xor3A_1022, %shift_left3A_1025 : vector<256x128xi32>
    %shift_right_logical3A_1027 = arith.constant 6 : i32
    %shift_right_logical3A_1028 = vector.broadcast %shift_right_logical3A_1027 : i32 to vector<256x128xi32>
    %shift_right_logical3A_1029 = arith.shrui %xor3A_1022, %shift_right_logical3A_1028 : vector<256x128xi32>
    %or3A_1030 = arith.ori %shift_left3A_1026, %shift_right_logical3A_1029 : vector<256x128xi32>
    %xor3A_1031 = arith.xori %or3A_1030, %add3A_1023 : vector<256x128xi32>
    %add3A_1032 = arith.addi %add3A_1023, %xor3A_1031 : vector<256x128xi32>
    %shift_left3A_1033 = arith.constant 6 : i32
    %shift_left3A_1034 = vector.broadcast %shift_left3A_1033 : i32 to vector<256x128xi32>
    %shift_left3A_1035 = arith.shli %xor3A_1031, %shift_left3A_1034 : vector<256x128xi32>
    %shift_right_logical3A_1036 = arith.constant 26 : i32
    %shift_right_logical3A_1037 = vector.broadcast %shift_right_logical3A_1036 : i32 to vector<256x128xi32>
    %shift_right_logical3A_1038 = arith.shrui %xor3A_1031, %shift_right_logical3A_1037 : vector<256x128xi32>
    %or3A_1039 = arith.ori %shift_left3A_1035, %shift_right_logical3A_1038 : vector<256x128xi32>
    %xor3A_1040 = arith.xori %or3A_1039, %add3A_1032 : vector<256x128xi32>
    %add3A_1041 = vector.broadcast %xor3A_829 : i32 to vector<256x128xi32>
    %add3A_1042 = arith.addi %add3A_1032, %add3A_1041 : vector<256x128xi32>
    %add3A_1043 = vector.broadcast %get3A_823 : i32 to vector<256x128xi32>
    %add3A_1044 = arith.addi %xor3A_1040, %add3A_1043 : vector<256x128xi32>
    %add3A_1045 = arith.constant 5 : i32
    %add3A_1046 = vector.broadcast %add3A_1045 : i32 to vector<256x128xi32>
    %add3A_1047 = arith.addi %add3A_1044, %add3A_1046 : vector<256x128xi32>
    %xor3A_1048 = arith.xori %add3A_1042, %add3A_1047 : vector<256x128xi32>
    %shift_right_logical3A_1049 = arith.constant 9 : i32
    %shift_right_logical3A_1050 = vector.broadcast %shift_right_logical3A_1049 : i32 to vector<256x128xi32>
    %shift_right_logical3A_1051 = arith.shrui %xor3A_1048, %shift_right_logical3A_1050 : vector<256x128xi32>
    %or3A_1052 = arith.constant 1065353216 : i32
    %or3A_1053 = vector.broadcast %or3A_1052 : i32 to vector<256x128xi32>
    %or3A_1054 = arith.ori %shift_right_logical3A_1051, %or3A_1053 : vector<256x128xi32>
    %bitcast_convert_type3A_1055 = tpu.bitcast %or3A_1054 : vector<256x128xi32> -> vector<256x128xf32>
    %sub3A_1056 = arith.constant 1.000000e+00 : f32
    %sub3A_1057 = vector.broadcast %sub3A_1056 : f32 to vector<256x128xf32>
    %sub3A_1058 = arith.subf %bitcast_convert_type3A_1055, %sub3A_1057 : vector<256x128xf32>
    %sub3A_1059 = arith.constant 1.000000e+00 : f32
    %sub3A_1060 = arith.constant 1.000000e-10 : f32
    %sub3A_1061 = arith.subf %sub3A_1059, %sub3A_1060 : f32
    %mul3A_1062 = vector.broadcast %sub3A_1061 : f32 to vector<256x128xf32>
    %mul3A_1063 = arith.mulf %sub3A_1058, %mul3A_1062 : vector<256x128xf32>
    %add3A_1064 = arith.constant 1.000000e-10 : f32
    %add3A_1065 = vector.broadcast %add3A_1064 : f32 to vector<256x128xf32>
    %add3A_1066 = arith.addf %mul3A_1063, %add3A_1065 : vector<256x128xf32>
    %max3A_1067 = arith.constant 1.000000e-10 : f32
    %max3A_1068 = vector.broadcast %max3A_1067 : f32 to vector<256x128xf32>
    %max3A_1069 = arith.maximumf %max3A_1068, %add3A_1066 : vector<256x128xf32>
    %log3A_1070 = math.log %max3A_1069 : vector<256x128xf32>
    %neg3A_1071 = arith.constant 0.000000e+00 : f32
    %neg3A_1072 = vector.broadcast %neg3A_1071 : f32 to vector<256x128xf32>
    %neg3A_1073 = arith.subf %neg3A_1072, %log3A_1070 : vector<256x128xf32>
    %log3A_1074 = math.log %neg3A_1073 : vector<256x128xf32>
    %neg3A_1075 = arith.constant 0.000000e+00 : f32
    %neg3A_1076 = vector.broadcast %neg3A_1075 : f32 to vector<256x128xf32>
    %neg3A_1077 = arith.subf %neg3A_1076, %log3A_1074 : vector<256x128xf32>
    %get3A_1078 = arith.constant 3 : index
    %get3A_1079 = arith.constant 0 : index
    %get3A_1080 = vector.load %arg7[%get3A_1078, %get3A_1079] : memref<4x128xf32, #tpu.memory_space<vmem>>, vector<1x128xf32>
    %get3A_1081 = vector.shape_cast %get3A_1080 : vector<1x128xf32> to vector<128xf32>
    %broadcast_in_dim3A_1082 = vector.shape_cast %get3A_1081 : vector<128xf32> to vector<1x128xf32>
    %add3A_1083 = vector.broadcast %broadcast_in_dim3A_1082 : vector<1x128xf32> to vector<256x128xf32>
    %add3A_1084 = arith.addf %neg3A_1077, %add3A_1083 : vector<256x128xf32>
    %swap3A_1085 = arith.constant 0 : index
    %swap3A_1086 = arith.constant 0 : index
    %swap3A_1087 = vector.load %arg12[%swap3A_1085, %swap3A_1086] : memref<256x128xf32, #tpu.memory_space<vmem>>, vector<256x128xf32>
    tpu.vector_store %arg12[%swap3A_1085, %swap3A_1086], %add3A_1084 {strides = array<i32>} : memref<256x128xf32, #tpu.memory_space<vmem>>, vector<256x128xf32>,
    return
  }
  func.func @transform_0(%arg0: i32) -> (i32, i32) {
    %c0_i32 = arith.constant 0 : i32
    %c0_i32_0 = arith.constant 0 : i32
    %c0_i32_1 = arith.constant 0 : i32
    return %c0_i32, %c0_i32_0 : i32, i32
  }
  func.func @transform_1(%arg0: i32) -> (i32, i32) {
    %c0_i32 = arith.constant 0 : i32
    %c0_i32_0 = arith.constant 0 : i32
    return %c0_i32, %arg0 : i32, i32
  }
  func.func @transform_2(%arg0: i32) -> (i32, i32) {
    %c0_i32 = arith.constant 0 : i32
    %c0_i32_0 = arith.constant 0 : i32
    %c0_i32_1 = arith.constant 0 : i32
    return %c0_i32, %c0_i32_0 : i32, i32
  }
  func.func @transform_3(%arg0: i32) -> (i32, i32) {
    %c0_i32 = arith.constant 0 : i32
    %c0_i32_0 = arith.constant 0 : i32
    %c0_i32_1 = arith.constant 0 : i32
    return %c0_i32, %c0_i32_0 : i32, i32
  }
  func.func @transform_4(%arg0: i32) -> (i32, i32) {
    %c0_i32 = arith.constant 0 : i32
    %c0_i32_0 = arith.constant 0 : i32
    %c0_i32_1 = arith.constant 0 : i32
    return %c0_i32, %c0_i32_0 : i32, i32
  }
  func.func @transform_5(%arg0: i32) -> (i32, i32) {
    %c0_i32 = arith.constant 0 : i32
    %c0_i32_0 = arith.constant 0 : i32
    %c0_i32_1 = arith.constant 0 : i32
    return %c0_i32, %c0_i32_0 : i32, i32
  }
  func.func @transform_6(%arg0: i32) -> (i32, i32) {
    %c0_i32 = arith.constant 0 : i32
    %c0_i32_0 = arith.constant 0 : i32
    %c0_i32_1 = arith.constant 0 : i32
    return %c0_i32, %c0_i32_0 : i32, i32
  }
  func.func @transform_7(%arg0: i32) -> (i32, i32) {
    %c0_i32 = arith.constant 0 : i32
    %c0_i32_0 = arith.constant 0 : i32
    return %c0_i32, %arg0 : i32, i32
  }
  func.func @transform_8(%arg0: i32) -> (i32, i32) {
    %c0_i32 = arith.constant 0 : i32
    %c0_i32_0 = arith.constant 0 : i32
    return %arg0, %c0_i32 : i32, i32
  }
  func.func @transform_9(%arg0: i32) -> (i32, i32) {
    %c0_i32 = arith.constant 0 : i32
    %c0_i32_0 = arith.constant 0 : i32
    return %arg0, %c0_i32 : i32, i32
  }
  func.func @transform_10(%arg0: i32) -> (i32, i32) {
    %c0_i32 = arith.constant 0 : i32
    %c0_i32_0 = arith.constant 0 : i32
    return %arg0, %c0_i32 : i32, i32
  }
  func.func @transform_11(%arg0: i32) -> (i32, i32) {
    %c0_i32 = arith.constant 0 : i32
    %c0_i32_0 = arith.constant 0 : i32
    return %arg0, %c0_i32 : i32, i32
  }
}

</mosaic_0001>

<sc_bundles>
// kernel: kernel.4.cloned.1.call-start
scs
__scs_entry_jumppad:
0x0: {  	(pc) =	sbr.rel $0x88, $3  }
0x1: {  	(tag) =	ssettag $0x0;
	lr =	simm.s32 $0x1  }
0x2: {  	[smem:$0x3F99] =	sst lr;
	_ =	strace $0xD0000000  }
0x3: {  	_ = 	snop  }
0x4: {  	_ = 	snop  }
0x5: {  	_ = 	snop  }
0x6: {  	_ = 	snop  }
0x7: {  	_ = 	snop  }
__scs_overlays_trampoline_lowered:
0x8: {  	[smem:$0x3FA8] =	sst s0  }
0x9: {  	[smem:$0x3FA9] =	sst s1  }
0xa: {  	[smem:$0x3FAA] =	sst s2  }
0xb: {  	[smem:$0x3FAB] =	sst s3  }
0xc: {  	[smem:$0x3FAC] =	sst s4  }
0xd: {  	[smem:$0x3FAD] =	sst s5  }
0xe: {  	[smem:$0x3FAE] =	sst s6  }
0xf: {  	[smem:$0x3FAF] =	sst s7  }
0x10: {  	[smem:$0x3FB0] =	sst s8  }
0x11: {  	[smem:$0x3FB1] =	sst s9;
	s0 =	simm.s32 @!p0 $0x0  }
0x12: {  	s1 =	sld [smem:$0x3F97];
	s0 =	simm.s32 @p0 $0x1  }
0x13: {  	[smem:$0x3FB2] =	sst s0;
	s0 =	simm.s32 @!p1 $0x0  }
0x14: {  	s2 =	sld [smem:$0x3F96];
	s0 =	simm.s32 @p1 $0x1  }
0x15: {  	[smem:$0x3FB3] =	sst s0;
	s0 =	simm.s32 @!p2 $0x0  }
0x16: {  	s3 =	sld [smem:$0x3FDB];
	s0 =	simm.s32 @p2 $0x1  }
0x17: {  	s4 =	simm.s32 $0x1BF5;
	[smem:$0x3FB5] =	sst s0  }
0x18: {  	s0 =	sld [smem:$0x3F98];
	_ =	swait.ge [sflag:s4], $0x0  }
0x19: {  	s7 =	sld [smem:$0x3F99]  }
0x1a: {  	s8 =	sadd.s32 $0xFFFFE003, lr  }
0x1b: {  	s9 =	sadd.s32 $0xFFFFFEF7, lr;
	s5 =	simm.s32 $0xFFFFFFFF;
	p2 =	slt.u32 s8, $0xFFFFF086  }
0x1c: {  	p1 =	slt.u32 s9, $0xF7A;
	s5 =	simm.s32 @!p2 $0x0  }
0x1d: {  	s5 =	simm.s32 @p1 $0x1;
	p0 =	seq.s32 s7, s2  }
0x1e: {  	s7 =	smul.u32 @!p0 $0xF7A, s2;
	p2 =	seq.s32 @!p0 s5, $0x0  }
0x1f: {  	s9 =	smul.u32 $0xF7A, s1;
	s8 =	simm.s32 @!p0 $0x1BF5;
	p2 =	por !p2, p0  }
0x20: {  	[sflag:s8] =	ssyncset.s32 @!p0 $0xFFFFF086;
	s6 =	sadd.s32 @!p0 s3, s7;
	s7 =	simm.s32 @!p0 $0x108  }
0x21: {  	s3 =	sadd.s32 s3, s9;
	s6 =	sadd.s32 @!p0 $0x88, s6;
	s7 =	simm.s32 @p2 $0x1082  }
0x22: {  	[simem:s7], [sflag:s8] =	dma.local @!p0 [hbm:s6], $0xF7A  }
0x23: {  	s9 =	sor.u32 $0xD0000000, s2;
	s6 =	simm.s32 $0x108;
	_ =	swait.ge @!p0 [sflag:s8], $0x0  }
0x24: {  	s3 =	sadd.s32 $0x88, s3;
	s6 =	simm.s32 @!p1 $0x1082;
	[sflag:s4] =	ssyncset.s32 $0xFFFFF086  }
0x25: {  	[simem:s6], [sflag:s4] =	dma.local [hbm:s3], $0xF7A  }
0x26: {  	[smem:$0x3F99] =	sst s1;
	(tag) =	ssettag s2;
	_ =	strace s9  }
0x27: {  	s1 =	sld [smem:$0x3FA9]  }
0x28: {  	s2 =	sld [smem:$0x3FAA]  }
0x29: {  	s4 =	sld [smem:$0x3FAC]  }
0x2a: {  	p0 =	seq.s32 s5, $0x0;
	s5 =	sld [smem:$0x3FAD]  }
0x2b: {  	s6 =	sld [smem:$0x3FAE]  }
0x2c: {  	s7 =	sld [smem:$0x3FAF]  }
0x2d: {  	s3 =	simm.s32 $0x108;
	s8 =	sld [smem:$0x3FB0]  }
0x2e: {  	s3 =	simm.s32 @!p0 $0x1082;
	s9 =	sld [smem:$0x3FB1]  }
0x2f: {  	lr =	sadd.s32 s0, s3;
	s0 =	sld [smem:$0x3FA8]  }
0x30: {  	s3 =	sld [smem:$0x3FAB]  }
0x31: {  	[smem:$0x3FB4] =	sst s10  }
0x32: {  	s10 =	sld [smem:$0x3FB2];
	_ =	sdelay $0x3  }
0x33: {  	p0 =	seq.s32 s10, $0x1;
	s10 =	sld [smem:$0x3FB4];
	_ =	sdelay $0x3  }
0x34: {  	[smem:$0x3FB4] =	sst s10  }
0x35: {  	s10 =	sld [smem:$0x3FB3];
	_ =	sdelay $0x3  }
0x36: {  	p1 =	seq.s32 s10, $0x1;
	s10 =	sld [smem:$0x3FB4];
	_ =	sdelay $0x3  }
0x37: {  	[smem:$0x3FB4] =	sst s10  }
0x38: {  	s10 =	sld [smem:$0x3FB5]  }
0x39: {  	_ = 	snop;
	(pc) =	sbr.ind lr, $3  }
0x3a: {  	_ = 	snop  }
0x3b: {  	_ = 	snop  }
0x3c: {  	p2 =	seq.s32 s10, $0x1;
	s10 =	sld [smem:$0x3FB4]  }
0x3d: {  	_ =	shalt  }
0x3e: {  	_ =	shalt  }
0x3f: {  	_ =	shalt  }
0x40: {  	_ =	shalt  }
0x41: {  	_ =	shalt  }
0x42: {  	_ =	shalt  }
0x43: {  	_ =	shalt  }
0x44: {  	_ =	shalt  }
0x45: {  	_ =	shalt  }
0x46: {  	_ =	shalt  }
0x47: {  	_ =	shalt  }
0x48: {  	_ =	shalt  }
0x49: {  	_ =	shalt  }
0x4a: {  	_ =	shalt  }
0x4b: {  	_ =	shalt  }
0x4c: {  	_ =	shalt  }
0x4d: {  	_ =	shalt  }
0x4e: {  	_ =	shalt  }
0x4f: {  	_ =	shalt  }
0x50: {  	_ =	shalt  }
0x51: {  	_ =	shalt  }
0x52: {  	_ =	shalt  }
0x53: {  	_ =	shalt  }
0x54: {  	_ =	shalt  }
0x55: {  	_ =	shalt  }
0x56: {  	_ =	shalt  }
0x57: {  	_ =	shalt  }
0x58: {  	_ =	shalt  }
0x59: {  	_ =	shalt  }
0x5a: {  	_ =	shalt  }
0x5b: {  	_ =	shalt  }
0x5c: {  	_ =	shalt  }
0x5d: {  	_ =	shalt  }
0x5e: {  	_ =	shalt  }
0x5f: {  	_ =	shalt  }
0x60: {  	_ =	shalt  }
0x61: {  	_ =	shalt  }
0x62: {  	_ =	shalt  }
0x63: {  	_ =	shalt  }
0x64: {  	_ =	shalt  }
0x65: {  	_ =	shalt  }
0x66: {  	_ =	shalt  }
0x67: {  	_ =	shalt  }
0x68: {  	_ =	shalt  }
0x69: {  	_ =	shalt  }
0x6a: {  	_ =	shalt  }
0x6b: {  	_ =	shalt  }
0x6c: {  	_ =	shalt  }
0x6d: {  	_ =	shalt  }
0x6e: {  	_ =	shalt  }
0x6f: {  	_ =	shalt  }
0x70: {  	_ =	shalt  }
0x71: {  	_ =	shalt  }
0x72: {  	_ =	shalt  }
0x73: {  	_ =	shalt  }
0x74: {  	_ =	shalt  }
0x75: {  	_ =	shalt  }
0x76: {  	_ =	shalt  }
0x77: {  	_ =	shalt  }
0x78: {  	_ =	shalt  }
0x79: {  	_ =	shalt  }
0x7a: {  	_ =	shalt  }
0x7b: {  	_ =	shalt  }
0x7c: {  	_ =	shalt  }
0x7d: {  	_ =	shalt  }
0x7e: {  	_ =	shalt  }
0x7f: {  	_ =	shalt  }
0x80: {  	_ =	shalt  }
0x81: {  	_ =	shalt  }
0x82: {  	_ =	shalt  }
0x83: {  	_ =	shalt  }
0x84: {  	_ =	shalt  }
0x85: {  	_ =	shalt  }
0x86: {  	_ =	shalt  }
0x87: {  	_ =	shalt  }
.Lfunc_end0:
.L_simem_size_0:
called_computation_lowered:
.L_overlay_start_0:
0x88: {  	s2 =	sld [smem:$0x3FD9]  }
0x89: {  	s3 =	sld [smem:$0x3FFE];
	_ =	sdelay $0x1  }
0x8a: {  	s1 =	srdreg.scid  }
0x8b: {  	s0 =	sand.u32 $0x1, s1  }
0x8c: {  	s14 =	sshll.u32 s0, $0xA;
	s2 =	sadd.s32 s3, s2  }
0x8d: {  	s2 =	sadd.s32 s2, s14  }
0x8e: {  	[smem:$0x3FC0] =	sst s2  }
0x8f: {  	_ = 	snop  }
0x90: {  	s2 =	sld [smem:$0x3FD0];
	_ =	sdelay $0x2  }
0x91: {  	s15 =	simm.s32 $0xA;
	s4 =	simm.s32 $0x10  }
0x92: {  	[smem:s4], [sflag:s15] =	dma.local [hbm:s2], $0x1  }
0x93: {  	_ =	swait.eq [sflag:s15], $0x1  }
0x94: {  	[sflag:s15] =	ssyncset.done $0x0  }
0x95: {  	s16 =	sld [smem:$0x10];
	[sflag:s15] =	ssyncadd.s32 $0xFFFFFFFF  }
0x96: {  	s17 =	sld [smem:$0x11];
	(tm) =	ssettm $0x1  }
0x97: {  	s18 =	sld [smem:$0x3FFB];
	_ =	sdelay $0x3  }
0x98: {  	_ =	strace s18  }
0x99: {  	s4 =	sld [smem:$0x3FFC];
	_ =	sdelay $0x3  }
0x9a: {  	_ =	strace s4  }
0x9b: {  	s4 =	sld [smem:$0x3FFD];
	_ =	sdelay $0x3  }
0x9c: {  	_ =	strace s4  }
0x9d: {  	_ =	strace $0x8FFFFFFF  }
0x9e: {  	s19 =	sld [smem:$0x3FDB];
	_ =	sdelay $0x1  }
0x9f: {  	s5 =	simm.s32 $_scs_section_size  }
0xa0: {  	s6 =	simm.s32 $_size__tile_overlayer_lowered;
	s7 =	simm.s32 $_tile_overlayer_lowered  }
0xa1: {  	s22 =	simm.s32 $0x1BFF;
	s21 =	sshll.u32 s7, $0x1;
	s4 =	sadd.s32 s5, s19  }
0xa2: {  	s8 =	simm.s32 $0x0;
	s20 =	sshll.u32 s6, $0x1;
	s6 =	sadd.s32 s21, s4  }
0xa3: {  	[timem:s8], [sflag:s22] =	dma.local [hbm:s6], s20  }
0xa4: {  	_ =	swait.ge [sflag:s22], s20  }
0xa5: {  	s5 =	ssub.s32 $0x0, s20;
	[sflag:s22] =	ssyncset.done $0x0  }
0xa6: {  	[sflag:s22] =	ssyncadd.s32 s5;
	_ =	sdelay $0x1  }
0xa7: {  	s23 =	simm.s32 $0x1B8B  }
0xa8: {  	_ =	swait.ge [sflag:s23], $0x1  }
0xa9: {  	[sflag:s23] =	ssyncset.done $0x0  }
0xaa: {  	s25 =	simm.s32 $0x1B8E;
	s24 =	sld [smem:$0x3FFE];
	[sflag:s23] =	ssyncadd.s32 $0xFFFFFFFF  }
0xab: {  	s26 =	simm.s32 $execute0_lowered;
	[smem:$0x3FD2] =	sst s25  }
0xac: {  	s6 =	sshll.u32 s26, $0x1;
	_ =	strace $0x80000046;
	[dreg:$0x1] =	wrdreg $0xFFFFFFFF  }
0xad: {  	s28 =	simm.s32 $_size_execute0_lowered;
	s4 =	sadd.s32 s4, s6;
	[dreg:$0x0] =	wrdreg $0x0  }
0xae: {  	s6 =	sshll.u32 s28, $0x1;
	[dreg:$0x2] =	wrdreg s4  }
0xaf: {  	[dreg:$0x3] =	wrdreg s6  }
0xb0: {  	[dreg:$0x4] =	wrdreg $0xC0  }
0xb1: {  	_ =	task [dreg:s8], $0x5FFFF  }
0xb2: {  	[dreg:$0x1] =	wrdreg $0xFFFFFFFF  }
0xb3: {  	[dreg:$0x0] =	wrdreg $0x60  }
0xb4: {  	[dreg:$0x2] =	wrdreg s24  }
0xb5: {  	[dreg:$0x3] =	wrdreg s17  }
0xb6: {  	[dreg:$0x4] =	wrdreg s16  }
0xb7: {  	[dreg:$0x5] =	wrdreg $0x9  }
0xb8: {  	_ =	task.clear_ibuf [dreg:s8], $0x6FFFF;
	_ =	strace $0x90000046  }
0xb9: {  	s29 =	simm.s32 $0x9;
	_ =	strace $0x80000048  }
0xba: {  	_ =	swait.ge [sflag:s29], $0x1  }
0xbb: {  	[sflag:s29] =	ssyncadd.s32 $0xFFFFFFFF  }
0xbc: {  	_ =	strace $0x90000048  }
0xbd: {  	_ =	sfence  }
0xbe: {  	s30 =	sld [smem:$0x0];
	_ =	sdelay $0x2  }
0xbf: {  	s31 =	sshll.u32 s1, $0xD;
	s1 =	sshrl.u32 s1, $0x2  }
0xc0: {  	s3 =	sand.u32 $0x4000, s31;
	s1 =	sadd.s32 s1, s30  }
0xc1: {  	s0 =	sor.u32 s3, s0;
	s1 =	sshll.u32 s1, $0x11  }
0xc2: {  	s0 =	sor.u32 s1, s0  }
0xc3: {  	s0 =	sadd.s32 $0x8F2B, s0  }
0xc4: {  	[sflag:s0] =	ssyncadd.remote.s32 $0x1  }
0xc5: {  	_ =	sfence.sel $0xFFFF  }
0xc6: {  	[dreg:$0x0] =	wrdreg $0xFFFFFFFF;
	(pc) =	sbr.abs _section_cstart, $3  }
0xc7: {  	[dreg:$0x1] =	wrdreg $0xFFFFFFFF  }
0xc8: {  	_ =	task.clear_ibuf [dreg:s8], $0x2FFFF;
	_ =	strace $0x9FFFFFFF  }
0xc9: {  	(tm) =	ssettm $0x7FFFFFFF  }
tec
execute0_lowered:
.L_overlay_start_1:
0x0: {  	(tag) =	ssettag $0x1  }
0x1: {  	s0 =	rddreg [dreg:$0x0]  }
0x2: {  	s1 =	rddreg [dreg:$0x1]  }
0x3: {  	s23 =	rddreg [dreg:$0x2];
	s3 =	simm.s32 $0x0;
	s2 =	srdreg.scid  }
0x4: {  	s4 =	stileid.u32;
	[smem:$0x7FF] =	sst s3  }
0x5: {  	s6 =	sadd.s32 $0x1A00, s0;
	s7 =	sadd.s32 $0x21A00, s0;
	s8 =	sadd.s32 $0x31A00, s0  }
0x6: {  	s9 =	sadd.s32 $0x41A00, s0;
	s10 =	sadd.s32 $0x11A00, s0;
	s0 =	sadd.s32 $0x1800, s0  }
0x7: {  	s24 =	sadd.s32 $0x38000, s1;
	_ =	strace $0x80000047;
	[dreg:$0x9] =	wrdreg s0  }
0x8: {  	s28 =	simm.s32 $0x2000;
	s29 =	simm.s32 $0x3000;
	[dreg:$0x10] =	wrdreg s24  }
0x9: {  	s12 =	simm.s32 $0x7000;
	s13 =	simm.s32 $0x8000;
	[dreg:$0x4] =	wrdreg s6  }
0xa: {  	s14 =	simm.s32 $0x9000;
	s15 =	simm.s32 $0x1;
	[dreg:$0x5] =	wrdreg s7  }
0xb: {  	s2 =	sand.u32 $0x1, s2;
	s4 =	sshll.u32 s4, $0x1;
	[dreg:$0x6] =	wrdreg s8  }
0xc: {  	s5 =	ssub.s32 $0x2, s2;
	s2 =	sor.u32 s2, s4;
	[dreg:$0x7] =	wrdreg s9  }
0xd: {  	[dreg:$0x8] =	wrdreg s10;
	s4 =	sshll.u32 s2, $0xB;
	s19 =	sshll.u32 s2, $0x2  }
0xe: {  	s16 =	simm.s32 $0x2;
	s11 =	sadd.s32 s6, s4;
	[dreg:$0xa] =	wrdreg s19  }
0xf: {  	s18 =	sshrl.u32 s5, $0x1;
	s20 =	sadd.s32 s7, s4;
	[dreg:$0xb] =	wrdreg s11  }
0x10: {  	s2 =	sshll.u32 s2, $0xA;
	s21 =	sadd.s32 s8, s4;
	[dreg:$0xc] =	wrdreg s20  }
0x11: {  	s0 =	ssub.s32 s5, s18;
	s4 =	sadd.s32 s9, s4;
	[dreg:$0xd] =	wrdreg s21  }
0x12: {  	s5 =	sor.u32 $0x2, s19;
	s2 =	sadd.s32 s10, s2;
	[dreg:$0xe] =	wrdreg s4  }
0x13: {  	s22 =	sshll.u32 s5, $0x9;
	[dreg:$0xf] =	wrdreg s2;
	s0 =	smax.u32 s0, $0x1  }
0x14: {  	s24 =	simm.s32 $0xA000;
	s25 =	sadd.s32 s6, s22;
	[dreg:$0x16] =	wrdreg s0  }
0x15: {  	s31 =	sshll.u32 s5, $0x8;
	s26 =	sadd.s32 s7, s22;
	[dreg:$0x11] =	wrdreg s25  }
0x16: {  	v0 =	vlaneseq.u32;
	s30 =	sadd.s32 s8, s22;
	s4 =	sadd.s32 s9, s22;
	[dreg:$0x12] =	wrdreg s26  }
0x17: {  	v1 =	vimm.s32 $0x4;
	v2 =	vimm.s32 $0x2;
	v3 =	vimm.s32 $0x6;
	s2 =	sadd.s32 s10, s31;
	s0 =	simm.s32 $0x4000;
	[dreg:$0x13] =	wrdreg s30  }
0x18: {  	v4 =	vimm.s32 $0x8;
	v5 =	vimm.s32 $0xA;
	v6 =	vimm.s32 $0xC;
	s10 =	simm.s32 $0x6000;
	s6 =	simm.s32 $0x0;
	[dreg:$0x14] =	wrdreg s4  }
0x19: {  	v7 =	vimm.s32 $0xE;
	v8 =	vimm.s32 $0x0;
	v9 =	vimm.f32 $0.0e+00;
	[dreg:$0x15] =	wrdreg s2;
	s26 =	simm.s32 $0x1000;
	s4 =	simm.s32 $0x5000  }
.LBB2_1:
0x1a: {  	[dreg:$0x17] =	wrdreg s6  }
0x1b: {  	s2 =	rddreg [dreg:$0x9];
	s19 =	simm.s32 $0x5  }
0x1c: {  	[tilespmem:s24], [sflag:$0x5] =	stream.linear.gather [hbm4b:s2+s3], $0x80, $0x38;
	[tilespmem:$0x12480] =	vst v63  }
0x1d: {  	_ =	swait.ge [sflag:s19], $0x80  }
0x1e: {  	[sflag:s19] =	ssyncset.done $0x0  }
0x1f: {  	s20 =	rddreg [dreg:$0xb];
	[sflag:s19] =	ssyncadd.s32 $0xFFFFFF80  }
0x20: {  	[tilespmem:s3], [sflag:$0x1] =	stream.linear.gather [hbm4b:s20+s3], $0x1000, $0x38;
	[tilespmem:$0x12480] =	vst v63  }
0x21: {  	s21 =	rddreg [dreg:$0xc]  }
0x22: {  	[tilespmem:s26], [sflag:$0x1] =	stream.linear.gather [hbm4b:s21+s3], $0x1000, $0x38;
	[tilespmem:$0x12480] =	vst v63  }
0x23: {  	s5 =	simm.s32 $0x800;
	s22 =	rddreg [dreg:$0xd]  }
0x24: {  	[tilespmem:s28], [sflag:$0x1] =	stream.linear.gather [hbm4b:s22+s3], $0x1000, $0x38;
	[tilespmem:$0x12480] =	vst v63  }
0x25: {  	s31 =	simm.s32 $0x40000;
	p2 =	por $0x1, $0x1;
	s25 =	rddreg [dreg:$0xe]  }
0x26: {  	[tilespmem:s29], [sflag:$0x1] =	stream.linear.gather [hbm4b:s25+s3], $0x1000, $0x38;
	[tilespmem:$0x12480] =	vst v63  }
0x27: {  	p1 =	por $0x0, $0x0;
	s2 =	simm.s32 $0x0;
	s30 =	rddreg [dreg:$0xf]  }
0x28: {  	[tilespmem:s0], [sflag:$0x1] =	stream.strided.gather [hbm4b:s30+s5], $0x1000, s31, s5, $0x38;
	[tilespmem:$0x12480] =	vst v63  }
.LBB2_2:
0x29: {  	s5 =	rddreg [dreg:$0xa]  }
0x2a: {  	s31 =	sor.u32 s5, s2  }
0x2b: {  	s25 =	sor.u32 $0x1, s31  }
0x2c: {  	s11 =	rddreg [dreg:$0x4];
	s9 =	sshll.u32 s25, $0x9  }
0x2d: {  	s17 =	rddreg [dreg:$0x5];
	s2 =	sand.u32 $0x1FFFFE00, s9  }
0x2e: {  	s18 =	rddreg [dreg:$0x6];
	s5 =	sadd.s32 s11, s2  }
0x2f: {  	[tilespmem:s4], [sflag:$0x2] =	stream.linear.gather [hbm4b:s5+s3], $0x1000, $0x38;
	[tilespmem:$0x12480] =	vst v63  }
0x30: {  	s19 =	rddreg [dreg:$0x7];
	s5 =	sadd.s32 s17, s2  }
0x31: {  	[tilespmem:s10], [sflag:$0x2] =	stream.linear.gather [hbm4b:s5+s3], $0x1000, $0x38;
	[tilespmem:$0x12480] =	vst v63  }
0x32: {  	s21 =	rddreg [dreg:$0x8];
	s30 =	sshll.u32 s25, $0x8;
	s5 =	sadd.s32 s18, s2  }
0x33: {  	[tilespmem:s12], [sflag:$0x2] =	stream.linear.gather [hbm4b:s5+s3], $0x1000, $0x38;
	[tilespmem:$0x12480] =	vst v63  }
0x34: {  	s22 =	simm.s32 $0x800;
	s20 =	sand.u32 $0x1FFFFF00, s30;
	s2 =	sadd.s32 s19, s2  }
0x35: {  	[tilespmem:s13], [sflag:$0x2] =	stream.linear.gather [hbm4b:s2+s3], $0x1000, $0x38;
	[tilespmem:$0x12480] =	vst v63  }
0x36: {  	s6 =	simm.s32 $0x40000;
	[dreg:$0x18] =	wrdreg s20;
	s2 =	sadd.s32 s21, s20  }
0x37: {  	[tilespmem:s14], [sflag:$0x2] =	stream.strided.gather [hbm4b:s2+s22], $0x1000, s6, s22, $0x38;
	[tilespmem:$0x12480] =	vst v63  }
0x38: {  	_ =	swait.ge [sflag:s15], $0x1000  }
0x39: {  	[sflag:s15] =	ssyncset.done $0x0  }
0x3a: {  	[sflag:s15] =	ssyncadd.s32 $0xFFFFF000  }
0x3b: {  	_ =	swait.ge [sflag:s15], $0x1000  }
0x3c: {  	[sflag:s15] =	ssyncset.done $0x0  }
0x3d: {  	[sflag:s15] =	ssyncadd.s32 $0xFFFFF000  }
0x3e: {  	_ =	swait.ge [sflag:s15], $0x1000  }
0x3f: {  	[sflag:s15] =	ssyncset.done $0x0  }
0x40: {  	[sflag:s15] =	ssyncadd.s32 $0xFFFFF000  }
0x41: {  	_ =	swait.ge [sflag:s15], $0x1000  }
0x42: {  	[sflag:s15] =	ssyncset.done $0x0  }
0x43: {  	[sflag:s15] =	ssyncadd.s32 $0xFFFFF000  }
0x44: {  	_ =	swait.ge [sflag:s15], $0x1000  }
0x45: {  	[sflag:s15] =	ssyncset.done $0x0  }
0x46: {  	s2 =	simm.s32 @p1 $0x3;
	[sflag:s15] =	ssyncadd.s32 $0xFFFFF000  }
0x47: {  	_ =	swait.ge @p1 [sflag:s2], $0x800  }
0x48: {  	[sflag:s2] =	ssyncset.done @p1 $0x0  }
0x49: {  	[sflag:s2] =	ssyncadd.s32 @p1 $0xFFFFF800  }
0x4a: {  	_ =	swait.ge @p1 [sflag:s2], $0x800  }
0x4b: {  	[sflag:s2] =	ssyncset.done @p1 $0x0  }
0x4c: {  	[sflag:s2] =	ssyncadd.s32 @p1 $0xFFFFF800  }
0x4d: {  	_ =	swait.ge @p1 [sflag:s2], $0x800  }
0x4e: {  	[sflag:s2] =	ssyncset.done @p1 $0x0  }
0x4f: {  	[sflag:s2] =	ssyncadd.s32 @p1 $0xFFFFF800  }
0x50: {  	_ =	swait.ge @p1 [sflag:s2], $0x800  }
0x51: {  	[sflag:s2] =	ssyncset.done @p1 $0x0  }
0x52: {  	[sflag:s2] =	ssyncadd.s32 @p1 $0xFFFFF800  }
0x53: {  	_ =	swait.ge @p1 [sflag:s2], $0x800  }
0x54: {  	[sflag:s2] =	ssyncset.done @p1 $0x0  }
0x55: {  	[sflag:s2] =	ssyncadd.s32 @p1 $0xFFFFF800  }
0x56: {  	_ =	swait.ge @p1 [sflag:s2], $0x800  }
0x57: {  	[sflag:s2] =	ssyncset.done @p1 $0x0  }
0x58: {  	[sflag:s2] =	ssyncadd.s32 @p1 $0xFFFFF800  }
0x59: {  	_ =	swait.ge @p1 [sflag:s2], $0x800  }
0x5a: {  	[sflag:s2] =	ssyncset.done @p1 $0x0  }
0x5b: {  	[sflag:s2] =	ssyncadd.s32 @p1 $0xFFFFF800  }
0x5c: {  	_ =	swait.ge @p1 [sflag:s2], $0x800  }
0x5d: {  	[sflag:s2] =	ssyncset.done @p1 $0x0  }
0x5e: {  	[sflag:s2] =	ssyncadd.s32 @p1 $0xFFFFF800  }
0x5f: {  	_ =	swait.ge @p1 [sflag:s2], $0x200  }
0x60: {  	p0 =	por p2, p2;
	[sflag:s2] =	ssyncset.done @p1 $0x0  }
0x61: {  	s5 =	simm.s32 $0x0;
	[sflag:s2] =	ssyncadd.s32 @p1 $0xFFFFFE00;
	s2 =	simm.s32 $0x0  }
.LBB2_3:
0x62: {  	v26 =	vor.u32 s2, v0  }
0x63: {  	v10 =	vshll.u32 v26, $0x4  }
0x64: {  	v11 =	vor.u32 $0x1, v10  }
0x65: {  	v12 =	vor.u32 $0x2, v10  }
0x66: {  	v13 =	vor.u32 $0x3, v10  }
0x67: {  	v14 =	vor.u32 $0x4, v10  }
0x68: {  	v15 =	vor.u32 $0x5, v10;
	v27 =	vld.idx.msk [tilespmem:v10+s3+$0x0], $0xffff  }
0x69: {  	v17 =	vor.u32 $0x6, v10;
	v28 =	vld.idx.msk [tilespmem:v11+s3+$0x0], $0xffff  }
0x6a: {  	v18 =	vor.u32 $0x7, v10;
	v29 =	vld.idx.msk [tilespmem:v12+s3+$0x0], $0xffff  }
0x6b: {  	v20 =	vor.u32 $0x8, v10;
	v30 =	vld.idx.msk [tilespmem:v13+s3+$0x0], $0xffff  }
0x6c: {  	v23 =	vor.u32 $0x9, v10;
	v31 =	vld.idx.msk [tilespmem:v14+s3+$0x0], $0xffff  }
0x6d: {  	v25 =	vor.u32 $0xA, v10;
	v32 =	vld.idx.msk [tilespmem:v15+s3+$0x0], $0xffff  }
0x6e: {  	v24 =	vor.u32 $0xB, v10;
	v33 =	vld.idx.msk [tilespmem:v17+s3+$0x0], $0xffff  }
0x6f: {  	v21 =	vor.u32 $0xC, v10;
	v34 =	vld.idx.msk [tilespmem:v18+s3+$0x0], $0xffff  }
0x70: {  	v22 =	vor.u32 $0xD, v10;
	v35 =	vld.idx.msk [tilespmem:v20+s3+$0x0], $0xffff  }
0x71: {  	v19 =	vor.u32 $0xE, v10;
	v36 =	vld.idx.msk [tilespmem:v23+s3+$0x0], $0xffff  }
0x72: {  	v16 =	vor.u32 $0xF, v10;
	v37 =	vld.idx.msk [tilespmem:v25+s3+$0x0], $0xffff  }
0x73: {  	v38 =	vld.idx.msk [tilespmem:v24+s3+$0x0], $0xffff  }
0x74: {  	v39 =	vld.idx.msk [tilespmem:v21+s3+$0x0], $0xffff  }
0x75: {  	v40 =	vld.idx.msk [tilespmem:v22+s3+$0x0], $0xffff  }
0x76: {  	v41 =	vld.idx.msk [tilespmem:v19+s3+$0x0], $0xffff  }
0x77: {  	v42 =	vld.idx.msk [tilespmem:v16+s3+$0x0], $0xffff;
	_ =	sdelay $0x1  }
0x78: {  	vm0 =	vgt.f32 v28, v27  }
0x79: {  	vm13 =	vgt.f32 v30, v29;
	vm14 =	vgt.f32 v32, v31;
	vm15 =	vgt.f32 v34, v33  }
0x7a: {  	vm4 =	vgt.f32 v36, v35;
	vm5 =	vgt.f32 v38, v37;
	vm6 =	vgt.f32 v40, v39  }
0x7b: {  	vm7 =	vgt.f32 v42, v41;
	v27 =	vsel vm0, v28, v27;
	v49 =	vsel vm0, $0x1, v8  }
0x7c: {  	v29 =	vsel vm13, v30, v29;
	v50 =	vsel vm13, $0x3, v2;
	v31 =	vsel vm14, v32, v31  }
0x7d: {  	v51 =	vsel vm14, $0x5, v1;
	v33 =	vsel vm15, v34, v33;
	v52 =	vsel vm15, $0x7, v3  }
0x7e: {  	v35 =	vsel vm4, v36, v35;
	v53 =	vsel vm4, $0x9, v4;
	v37 =	vsel vm5, v38, v37  }
0x7f: {  	v54 =	vsel vm5, $0xB, v5;
	v39 =	vsel vm6, v40, v39;
	v55 =	vsel vm6, $0xD, v6  }
0x80: {  	v41 =	vsel vm7, v42, v41;
	v56 =	vsel vm7, $0xF, v7;
	vm8 =	vgt.f32 v29, v27  }
0x81: {  	vm9 =	vgt.f32 v33, v31;
	vm1 =	vgt.f32 v37, v35;
	vm2 =	vgt.f32 v41, v39  }
0x82: {  	v27 =	vsel vm8, v29, v27;
	v28 =	vsel vm8, v50, v49;
	v57 =	vsel vm9, v33, v31  }
0x83: {  	v58 =	vsel vm9, v52, v51;
	v59 =	vsel vm1, v37, v35;
	v60 =	vsel vm2, v41, v39  }
0x84: {  	v61 =	vsel vm1, v54, v53;
	vm10 =	vgt.f32 v57, v27;
	vm11 =	vgt.f32 v60, v59  }
0x85: {  	v62 =	vsel vm2, v56, v55;
	v27 =	vsel vm10, v57, v27;
	v63 =	vsel vm11, v60, v59  }
0x86: {  	v28 =	vsel vm10, v58, v28;
	v33 =	vsel vm11, v62, v61;
	vm12 =	vgt.f32 v63, v27  }
0x87: {  	v28 =	vsel vm12, v33, v28  }
0x88: {  	s7 =	sand.u32 $0xFFFFFC00, s5;
	s21 =	sand.u32 $0x7FFFFC00, s5;
	s22 =	sand.u32 $0x70, s2;
	vm0 =	veq.s32 v28, $0x0  }
0x89: {  	s6 =	sor.u32 s22, s21;
	s17 =	sadd.s32 s7, s2;
	vm1 =	veq.s32 v28, $0x1;
	v34 =	vsel vm0, $0x3F800000, v9  }
0x8a: {  	s9 =	sor.u32 $0x80, s17;
	vm2 =	veq.s32 v28, $0x2;
	v35 =	vsel vm1, $0x3F800000, v9;
	[tilespmem:s6+$0xA080] =	vst v34  }
0x8b: {  	vm3 =	veq.s32 v28, $0x3;
	v36 =	vsel vm2, $0x3F800000, v9;
	[tilespmem:s9+$0xA080] =	vst v35  }
0x8c: {  	s18 =	sor.u32 $0x180, s17;
	vm4 =	veq.s32 v28, $0x4;
	v37 =	vsel vm3, $0x3F800000, v9;
	[tilespmem:s6+$0xA180] =	vst v36  }
0x8d: {  	vm5 =	veq.s32 v28, $0x5;
	v38 =	vsel vm4, $0x3F800000, v9;
	[tilespmem:s18+$0xA080] =	vst v37  }
0x8e: {  	s19 =	sor.u32 $0x280, s17;
	vm6 =	veq.s32 v28, $0x6;
	v39 =	vsel vm5, $0x3F800000, v9;
	[tilespmem:s6+$0xA280] =	vst v38  }
0x8f: {  	vm7 =	veq.s32 v28, $0x7;
	v40 =	vsel vm6, $0x3F800000, v9;
	[tilespmem:s19+$0xA080] =	vst v39  }
0x90: {  	s20 =	sor.u32 $0x380, s17;
	vm8 =	veq.s32 v28, $0x8;
	v41 =	vsel vm7, $0x3F800000, v9;
	[tilespmem:s6+$0xA380] =	vst v40  }
0x91: {  	vm9 =	veq.s32 v28, $0x9;
	v42 =	vsel vm8, $0x3F800000, v9;
	[tilespmem:s20+$0xA080] =	vst v41  }
0x92: {  	s11 =	sor.u32 $0x880, s17;
	vm10 =	veq.s32 v28, $0xA;
	v43 =	vsel vm9, $0x3F800000, v9;
	[tilespmem:s6+$0xA880] =	vst v42  }
0x93: {  	vm11 =	veq.s32 v28, $0xB;
	v44 =	vsel vm10, $0x3F800000, v9;
	[tilespmem:s11+$0xA080] =	vst v43  }
0x94: {  	s8 =	sor.u32 $0x980, s17;
	vm12 =	veq.s32 v28, $0xC;
	v45 =	vsel vm11, $0x3F800000, v9;
	[tilespmem:s6+$0xA980] =	vst v44  }
0x95: {  	vm13 =	veq.s32 v28, $0xD;
	v46 =	vsel vm12, $0x3F800000, v9;
	[tilespmem:s8+$0xA080] =	vst v45  }
0x96: {  	s7 =	sor.u32 $0xA80, s17;
	vm15 =	veq.s32 v28, $0xE;
	v47 =	vsel vm13, $0x3F800000, v9;
	[tilespmem:s6+$0xAA80] =	vst v46  }
0x97: {  	vm14 =	veq.s32 v28, $0xF;
	v48 =	vsel vm15, $0x3F800000, v9;
	[tilespmem:s7+$0xA080] =	vst v47  }
0x98: {  	s17 =	sor.u32 $0xB80, s17;
	v49 =	vsel vm14, $0x3F800000, v9;
	[tilespmem:s6+$0xAB80] =	vst v48  }
0x99: {  	[tilespmem:s17+$0xA080] =	vst v49  }
0x9a: {  	v27 =	vld.idx.msk [tilespmem:v10+s26+$0x0], $0xffff  }
0x9b: {  	v50 =	vld.idx.msk [tilespmem:v11+s26+$0x0], $0xffff  }
0x9c: {  	v51 =	vld.idx.msk [tilespmem:v12+s26+$0x0], $0xffff  }
0x9d: {  	v52 =	vld.idx.msk [tilespmem:v13+s26+$0x0], $0xffff  }
0x9e: {  	v53 =	vld.idx.msk [tilespmem:v14+s26+$0x0], $0xffff  }
0x9f: {  	v54 =	vld.idx.msk [tilespmem:v15+s26+$0x0], $0xffff  }
0xa0: {  	v55 =	vld.idx.msk [tilespmem:v17+s26+$0x0], $0xffff  }
0xa1: {  	v56 =	vld.idx.msk [tilespmem:v18+s26+$0x0], $0xffff  }
0xa2: {  	v57 =	vld.idx.msk [tilespmem:v20+s26+$0x0], $0xffff  }
0xa3: {  	v58 =	vld.idx.msk [tilespmem:v23+s26+$0x0], $0xffff  }
0xa4: {  	v59 =	vld.idx.msk [tilespmem:v25+s26+$0x0], $0xffff  }
0xa5: {  	v62 =	vld.idx.msk [tilespmem:v24+s26+$0x0], $0xffff  }
0xa6: {  	v60 =	vshll.u32 v28, $0x8;
	v61 =	vshll.u32 v28, $0x7;
	v63 =	vld.idx.msk [tilespmem:v21+s26+$0x0], $0xffff  }
0xa7: {  	v39 =	vand.u32 $0x800, v60;
	v40 =	vand.u32 $0x380, v61;
	v48 =	vld.idx.msk [tilespmem:v22+s26+$0x0], $0xffff  }
0xa8: {  	v26 =	vand.u32 $0x7F, v26;
	v39 =	vor.u32 v39, v40;
	v49 =	vmov s2;
	v43 =	vld.idx.msk [tilespmem:v19+s26+$0x0], $0xffff  }
0xa9: {  	v44 =	vld.idx.msk [tilespmem:v16+s26+$0x0], $0xffff;
	v27 =	vsel vm0, $0xCE6E6B28, v27;
	v29 =	vsel vm1, $0xCE6E6B28, v50;
	v30 =	vsel vm2, $0xCE6E6B28, v51  }
0xaa: {  	v31 =	vsel vm3, $0xCE6E6B28, v52;
	v32 =	vsel vm4, $0xCE6E6B28, v53;
	v33 =	vsel vm5, $0xCE6E6B28, v54  }
0xab: {  	v34 =	vsel vm6, $0xCE6E6B28, v55;
	v35 =	vsel vm7, $0xCE6E6B28, v56;
	v36 =	vsel vm8, $0xCE6E6B28, v57  }
0xac: {  	v37 =	vsel vm9, $0xCE6E6B28, v58;
	v38 =	vsel vm10, $0xCE6E6B28, v59;
	v41 =	vsel vm11, $0xCE6E6B28, v62  }
0xad: {  	v42 =	vsel vm12, $0xCE6E6B28, v63;
	v40 =	vsel vm13, $0xCE6E6B28, v48;
	v43 =	vsel vm15, $0xCE6E6B28, v43  }
0xae: {  	v44 =	vsel vm14, $0xCE6E6B28, v44;
	vm0 =	vgt.f32 v29, v27;
	vm13 =	vgt.f32 v31, v30  }
0xaf: {  	vm14 =	vgt.f32 v33, v32;
	vm15 =	vgt.f32 v35, v34;
	vm6 =	vgt.f32 v37, v36  }
0xb0: {  	vm7 =	vgt.f32 v41, v38;
	vm8 =	vgt.f32 v40, v42;
	vm9 =	vgt.f32 v44, v43  }
0xb1: {  	v29 =	vsel vm0, v29, v27;
	v27 =	vshll.u32 v49, $0x3;
	v30 =	vsel vm13, v31, v30  }
0xb2: {  	v32 =	vsel vm14, v33, v32;
	v51 =	vsel vm0, $0x1, v8;
	v34 =	vsel vm15, v35, v34  }
0xb3: {  	v52 =	vsel vm13, $0x3, v2;
	v36 =	vsel vm6, v37, v36;
	v53 =	vsel vm14, $0x5, v1  }
0xb4: {  	v38 =	vsel vm7, v41, v38;
	v54 =	vsel vm15, $0x7, v3;
	v40 =	vsel vm8, v40, v42  }
0xb5: {  	v55 =	vsel vm6, $0x9, v4;
	v56 =	vsel vm9, v44, v43;
	v57 =	vsel vm7, $0xB, v5  }
0xb6: {  	v58 =	vsel vm8, $0xD, v6;
	v59 =	vsel vm9, $0xF, v7;
	v27 =	vand.u32 $0x400, v27  }
0xb7: {  	vm10 =	vgt.f32 v30, v29;
	vm11 =	vgt.f32 v34, v32;
	vm12 =	vgt.f32 v38, v36  }
0xb8: {  	vm13 =	vgt.f32 v56, v40;
	v39 =	vor.u32 v27, v39;
	v29 =	vsel vm10, v30, v29  }
0xb9: {  	v33 =	vsel vm10, v52, v51;
	v32 =	vsel vm11, v34, v32;
	v60 =	vsel vm11, v54, v53  }
0xba: {  	v61 =	vsel vm12, v38, v36;
	v62 =	vsel vm13, v56, v40;
	v63 =	vsel vm12, v57, v55  }
0xbb: {  	v30 =	vsel vm13, v59, v58;
	vm14 =	vgt.f32 v32, v29;
	vm15 =	vgt.f32 v62, v61  }
0xbc: {  	v50 =	vor.u32 v26, v39;
	v29 =	vsel vm14, v32, v29;
	v39 =	vsel vm15, v62, v61  }
0xbd: {  	v33 =	vsel vm14, v60, v33;
	v30 =	vsel vm15, v30, v63;
	vm4 =	vgt.f32 v39, v29  }
0xbe: {  	v29 =	vsel vm4, v30, v33  }
0xbf: {  	vm0 =	veq.s32 v29, $0x0  }
0xc0: {  	v28 =	vld.idx.msk [tilespmem:v28+s24+$0x0], $0xffff;
	vm5 =	veq.s32 v29, $0x1;
	v41 =	vsel vm0, $0x3F800000, v9  }
0xc1: {  	vm6 =	veq.s32 v29, $0x2;
	v40 =	vld.idx.msk [tilespmem:v50+s0+$0x0], $0xffff;
	v42 =	vsel vm5, $0x3F800000, v9;
	[tilespmem:s6+$0xB080] =	vst v41  }
0xc2: {  	vm7 =	veq.s32 v29, $0x3;
	v43 =	vsel vm6, $0x3F800000, v9;
	[tilespmem:s9+$0xB080] =	vst v42  }
0xc3: {  	vm8 =	veq.s32 v29, $0x4;
	v44 =	vsel vm7, $0x3F800000, v9;
	[tilespmem:s6+$0xB180] =	vst v43  }
0xc4: {  	vm9 =	veq.s32 v29, $0x5;
	v45 =	vsel vm8, $0x3F800000, v9;
	[tilespmem:s18+$0xB080] =	vst v44  }
0xc5: {  	vm10 =	veq.s32 v29, $0x6;
	v46 =	vsel vm9, $0x3F800000, v9;
	[tilespmem:s6+$0xB280] =	vst v45  }
0xc6: {  	vm11 =	veq.s32 v29, $0x7;
	vm12 =	veq.s32 v29, $0x8;
	v47 =	vsel vm10, $0x3F800000, v9;
	[tilespmem:s19+$0xB080] =	vst v46  }
0xc7: {  	vm13 =	veq.s32 v29, $0x9;
	vm14 =	veq.s32 v29, $0xA;
	v48 =	vsel vm11, $0x3F800000, v9;
	[tilespmem:s6+$0xB380] =	vst v47  }
0xc8: {  	vm15 =	veq.s32 v29, $0xB;
	v52 =	vshll.u32 v29, $0x8;
	v49 =	vsel vm12, $0x3F800000, v9;
	[tilespmem:s20+$0xB080] =	vst v48  }
0xc9: {  	v53 =	vshll.u32 v29, $0x7;
	vm4 =	veq.s32 v29, $0xC;
	v50 =	vsel vm13, $0x3F800000, v9;
	[tilespmem:s6+$0xB880] =	vst v49  }
0xca: {  	v51 =	vsel vm14, $0x3F800000, v9;
	v31 =	vand.u32 $0x800, v52;
	v54 =	vand.u32 $0x380, v53;
	[tilespmem:s11+$0xB080] =	vst v50  }
0xcb: {  	v57 =	vor.u32 $0x10, v29;
	v55 =	vsel vm15, $0x3F800000, v9;
	v31 =	vor.u32 v31, v54;
	[tilespmem:s6+$0xB980] =	vst v51  }
0xcc: {  	v56 =	vsel vm4, $0x3F800000, v9;
	vm5 =	veq.s32 v29, $0xD;
	v31 =	vor.u32 v27, v31;
	[tilespmem:s8+$0xB080] =	vst v55  }
0xcd: {  	vm6 =	veq.s32 v29, $0xE;
	v58 =	vsel vm5, $0x3F800000, v9;
	v31 =	vor.u32 v26, v31;
	[tilespmem:s6+$0xBA80] =	vst v56  }
0xce: {  	vm7 =	veq.s32 v29, $0xF;
	v59 =	vsel vm6, $0x3F800000, v9;
	[tilespmem:s7+$0xB080] =	vst v58  }
0xcf: {  	v29 =	vsel vm7, $0x3F800000, v9;
	[tilespmem:s6+$0xBB80] =	vst v59  }
0xd0: {  	[tilespmem:s17+$0xB080] =	vst v29  }
0xd1: {  	v29 =	vld.idx.msk [tilespmem:v57+s24+$0x0], $0xffff  }
0xd2: {  	v31 =	vld.idx.msk [tilespmem:v31+s0+$0x0], $0xffff;
	_ =	sdelay $0x2  }
0xd3: {  	v28 =	vmul.f32 v40, v28;
	_ =	sdelay $0x1  }
0xd4: {  	v28 =	vadd.f32 $0.0e+00, v28;
	v29 =	vmul.f32 v31, v29;
	_ =	sdelay $0x1  }
0xd5: {  	s21 =	sshrl.u32 s21, $0x2;
	v28 =	vadd.f32 v29, v28  }
0xd6: {  	s21 =	sor.u32 s22, s21  }
0xd7: {  	[tilespmem:s21+$0xE080] =	vst v28  }
0xd8: {  	v28 =	vld.idx.msk [tilespmem:v10+s28+$0x0], $0xffff  }
0xd9: {  	v60 =	vld.idx.msk [tilespmem:v11+s28+$0x0], $0xffff  }
0xda: {  	v61 =	vld.idx.msk [tilespmem:v12+s28+$0x0], $0xffff  }
0xdb: {  	v62 =	vld.idx.msk [tilespmem:v13+s28+$0x0], $0xffff  }
0xdc: {  	v63 =	vld.idx.msk [tilespmem:v14+s28+$0x0], $0xffff  }
0xdd: {  	v33 =	vld.idx.msk [tilespmem:v15+s28+$0x0], $0xffff  }
0xde: {  	v34 =	vld.idx.msk [tilespmem:v17+s28+$0x0], $0xffff  }
0xdf: {  	v45 =	vld.idx.msk [tilespmem:v18+s28+$0x0], $0xffff  }
0xe0: {  	v46 =	vld.idx.msk [tilespmem:v20+s28+$0x0], $0xffff  }
0xe1: {  	v47 =	vld.idx.msk [tilespmem:v23+s28+$0x0], $0xffff  }
0xe2: {  	v48 =	vld.idx.msk [tilespmem:v25+s28+$0x0], $0xffff  }
0xe3: {  	v49 =	vld.idx.msk [tilespmem:v24+s28+$0x0], $0xffff  }
0xe4: {  	v50 =	vld.idx.msk [tilespmem:v21+s28+$0x0], $0xffff  }
0xe5: {  	v51 =	vld.idx.msk [tilespmem:v22+s28+$0x0], $0xffff  }
0xe6: {  	v52 =	vld.idx.msk [tilespmem:v19+s28+$0x0], $0xffff  }
0xe7: {  	v54 =	vld.idx.msk [tilespmem:v16+s28+$0x0], $0xffff;
	_ =	sdelay $0x1  }
0xe8: {  	vm8 =	vgt.f32 v60, v28  }
0xe9: {  	vm9 =	vgt.f32 v62, v61;
	vm10 =	vgt.f32 v33, v63;
	vm11 =	vgt.f32 v45, v34  }
0xea: {  	vm12 =	vgt.f32 v47, v46;
	vm13 =	vgt.f32 v49, v48;
	vm14 =	vgt.f32 v51, v50  }
0xeb: {  	vm15 =	vgt.f32 v54, v52;
	v28 =	vsel vm8, v60, v28;
	v53 =	vsel vm8, $0x1, v8  }
0xec: {  	v30 =	vsel vm9, v62, v61;
	v55 =	vsel vm9, $0x3, v2;
	v32 =	vsel vm10, v33, v63  }
0xed: {  	v56 =	vsel vm10, $0x5, v1;
	v34 =	vsel vm11, v45, v34;
	v57 =	vsel vm11, $0x7, v3  }
0xee: {  	v36 =	vsel vm12, v47, v46;
	v58 =	vsel vm12, $0x9, v4;
	v38 =	vsel vm13, v49, v48  }
0xef: {  	v59 =	vsel vm13, $0xB, v5;
	v40 =	vsel vm14, v51, v50;
	v60 =	vsel vm14, $0xD, v6  }
0xf0: {  	v42 =	vsel vm15, v54, v52;
	v61 =	vsel vm15, $0xF, v7;
	vm4 =	vgt.f32 v30, v28  }
0xf1: {  	vm5 =	vgt.f32 v34, v32;
	vm6 =	vgt.f32 v38, v36;
	vm7 =	vgt.f32 v42, v40  }
0xf2: {  	v28 =	vsel vm4, v30, v28;
	v29 =	vsel vm4, v55, v53;
	v62 =	vsel vm5, v34, v32  }
0xf3: {  	v63 =	vsel vm5, v57, v56;
	v36 =	vsel vm6, v38, v36;
	v38 =	vsel vm7, v42, v40  }
0xf4: {  	v40 =	vsel vm6, v59, v58;
	vm8 =	vgt.f32 v62, v28;
	vm9 =	vgt.f32 v38, v36  }
0xf5: {  	v42 =	vsel vm7, v61, v60;
	v28 =	vsel vm8, v62, v28;
	v43 =	vsel vm9, v38, v36  }
0xf6: {  	v29 =	vsel vm8, v63, v29;
	v44 =	vsel vm9, v42, v40;
	vm10 =	vgt.f32 v43, v28  }
0xf7: {  	v28 =	vsel vm10, v44, v29  }
0xf8: {  	vm0 =	veq.s32 v28, $0x0  }
0xf9: {  	vm1 =	veq.s32 v28, $0x1;
	v45 =	vsel vm0, $0x3F800000, v9  }
0xfa: {  	vm2 =	veq.s32 v28, $0x2;
	v46 =	vsel vm1, $0x3F800000, v9;
	[tilespmem:s6+$0xC080] =	vst v45  }
0xfb: {  	vm3 =	veq.s32 v28, $0x3;
	v47 =	vsel vm2, $0x3F800000, v9;
	[tilespmem:s9+$0xC080] =	vst v46  }
0xfc: {  	vm4 =	veq.s32 v28, $0x4;
	v48 =	vsel vm3, $0x3F800000, v9;
	[tilespmem:s6+$0xC180] =	vst v47  }
0xfd: {  	vm5 =	veq.s32 v28, $0x5;
	v49 =	vsel vm4, $0x3F800000, v9;
	[tilespmem:s18+$0xC080] =	vst v48  }
0xfe: {  	vm6 =	veq.s32 v28, $0x6;
	v50 =	vsel vm5, $0x3F800000, v9;
	[tilespmem:s6+$0xC280] =	vst v49  }
0xff: {  	vm7 =	veq.s32 v28, $0x7;
	v51 =	vsel vm6, $0x3F800000, v9;
	[tilespmem:s19+$0xC080] =	vst v50  }
0x100: {  	vm8 =	veq.s32 v28, $0x8;
	v52 =	vsel vm7, $0x3F800000, v9;
	[tilespmem:s6+$0xC380] =	vst v51  }
0x101: {  	vm9 =	veq.s32 v28, $0x9;
	v53 =	vsel vm8, $0x3F800000, v9;
	[tilespmem:s20+$0xC080] =	vst v52  }
0x102: {  	vm10 =	veq.s32 v28, $0xA;
	v54 =	vsel vm9, $0x3F800000, v9;
	[tilespmem:s6+$0xC880] =	vst v53  }
0x103: {  	vm11 =	veq.s32 v28, $0xB;
	v55 =	vsel vm10, $0x3F800000, v9;
	[tilespmem:s11+$0xC080] =	vst v54  }
0x104: {  	vm12 =	veq.s32 v28, $0xC;
	v56 =	vsel vm11, $0x3F800000, v9;
	[tilespmem:s6+$0xC980] =	vst v55  }
0x105: {  	vm13 =	veq.s32 v28, $0xD;
	v57 =	vsel vm12, $0x3F800000, v9;
	[tilespmem:s8+$0xC080] =	vst v56  }
0x106: {  	vm14 =	veq.s32 v28, $0xE;
	v58 =	vsel vm13, $0x3F800000, v9;
	[tilespmem:s6+$0xCA80] =	vst v57  }
0x107: {  	vm15 =	veq.s32 v28, $0xF;
	v59 =	vsel vm14, $0x3F800000, v9;
	[tilespmem:s7+$0xC080] =	vst v58  }
0x108: {  	v60 =	vsel vm15, $0x3F800000, v9;
	[tilespmem:s6+$0xCB80] =	vst v59  }
0x109: {  	[tilespmem:s17+$0xC080] =	vst v60  }
0x10a: {  	v10 =	vld.idx.msk [tilespmem:v10+s29+$0x0], $0xffff  }
0x10b: {  	v11 =	vld.idx.msk [tilespmem:v11+s29+$0x0], $0xffff  }
0x10c: {  	v12 =	vld.idx.msk [tilespmem:v12+s29+$0x0], $0xffff  }
0x10d: {  	v13 =	vld.idx.msk [tilespmem:v13+s29+$0x0], $0xffff  }
0x10e: {  	v14 =	vld.idx.msk [tilespmem:v14+s29+$0x0], $0xffff  }
0x10f: {  	v15 =	vld.idx.msk [tilespmem:v15+s29+$0x0], $0xffff  }
0x110: {  	v17 =	vld.idx.msk [tilespmem:v17+s29+$0x0], $0xffff  }
0x111: {  	v18 =	vld.idx.msk [tilespmem:v18+s29+$0x0], $0xffff  }
0x112: {  	v20 =	vld.idx.msk [tilespmem:v20+s29+$0x0], $0xffff  }
0x113: {  	v23 =	vld.idx.msk [tilespmem:v23+s29+$0x0], $0xffff  }
0x114: {  	v25 =	vld.idx.msk [tilespmem:v25+s29+$0x0], $0xffff  }
0x115: {  	v61 =	vshll.u32 v28, $0x8;
	v62 =	vshll.u32 v28, $0x7;
	v24 =	vld.idx.msk [tilespmem:v24+s29+$0x0], $0xffff  }
0x116: {  	v29 =	vand.u32 $0x800, v61;
	v30 =	vand.u32 $0x380, v62;
	v21 =	vld.idx.msk [tilespmem:v21+s29+$0x0], $0xffff  }
0x117: {  	v29 =	vor.u32 v29, v30;
	v22 =	vld.idx.msk [tilespmem:v22+s29+$0x0], $0xffff  }
0x118: {  	v28 =	vor.u32 $0x20, v28;
	v29 =	vor.u32 v27, v29;
	v19 =	vld.idx.msk [tilespmem:v19+s29+$0x0], $0xffff  }
0x119: {  	v29 =	vor.u32 v26, v29;
	v16 =	vld.idx.msk [tilespmem:v16+s29+$0x0], $0xffff;
	v10 =	vsel vm0, $0xCE6E6B28, v10;
	v11 =	vsel vm1, $0xCE6E6B28, v11  }
0x11a: {  	v12 =	vsel vm2, $0xCE6E6B28, v12;
	v13 =	vsel vm3, $0xCE6E6B28, v13;
	v14 =	vsel vm4, $0xCE6E6B28, v14  }
0x11b: {  	v15 =	vsel vm5, $0xCE6E6B28, v15;
	v17 =	vsel vm6, $0xCE6E6B28, v17;
	v18 =	vsel vm7, $0xCE6E6B28, v18  }
0x11c: {  	v20 =	vsel vm8, $0xCE6E6B28, v20;
	v23 =	vsel vm9, $0xCE6E6B28, v23;
	v25 =	vsel vm10, $0xCE6E6B28, v25  }
0x11d: {  	v24 =	vsel vm11, $0xCE6E6B28, v24;
	v21 =	vsel vm12, $0xCE6E6B28, v21;
	v22 =	vsel vm13, $0xCE6E6B28, v22  }
0x11e: {  	v19 =	vsel vm14, $0xCE6E6B28, v19;
	v16 =	vsel vm15, $0xCE6E6B28, v16;
	vm0 =	vgt.f32 v11, v10  }
0x11f: {  	vm11 =	vgt.f32 v13, v12;
	vm12 =	vgt.f32 v15, v14;
	vm13 =	vgt.f32 v18, v17  }
0x120: {  	vm14 =	vgt.f32 v23, v20;
	vm15 =	vgt.f32 v24, v25;
	vm4 =	vgt.f32 v22, v21  }
0x121: {  	vm5 =	vgt.f32 v16, v19;
	v10 =	vsel vm0, v11, v10;
	v11 =	vsel vm0, $0x1, v8  }
0x122: {  	v12 =	vsel vm11, v13, v12;
	v63 =	vsel vm11, $0x3, v2;
	v14 =	vsel vm12, v15, v14  }
0x123: {  	v30 =	vsel vm12, $0x5, v1;
	v17 =	vsel vm13, v18, v17;
	v31 =	vsel vm13, $0x7, v3  }
0x124: {  	v20 =	vsel vm14, v23, v20;
	v32 =	vsel vm14, $0x9, v4;
	v24 =	vsel vm15, v24, v25  }
0x125: {  	v33 =	vsel vm15, $0xB, v5;
	v21 =	vsel vm4, v22, v21;
	v34 =	vsel vm4, $0xD, v6  }
0x126: {  	v16 =	vsel vm5, v16, v19;
	v35 =	vsel vm5, $0xF, v7;
	vm6 =	vgt.f32 v12, v10  }
0x127: {  	vm7 =	vgt.f32 v17, v14;
	vm8 =	vgt.f32 v24, v20;
	vm9 =	vgt.f32 v16, v21  }
0x128: {  	v10 =	vsel vm6, v12, v10;
	v11 =	vsel vm6, v63, v11;
	v36 =	vsel vm7, v17, v14  }
0x129: {  	v37 =	vsel vm7, v31, v30;
	v38 =	vsel vm8, v24, v20;
	v39 =	vsel vm9, v16, v21  }
0x12a: {  	v40 =	vsel vm8, v33, v32;
	vm10 =	vgt.f32 v36, v10;
	vm11 =	vgt.f32 v39, v38  }
0x12b: {  	v41 =	vsel vm9, v35, v34;
	v10 =	vsel vm10, v36, v10;
	v42 =	vsel vm11, v39, v38  }
0x12c: {  	v11 =	vsel vm10, v37, v11;
	v43 =	vsel vm11, v41, v40;
	vm12 =	vgt.f32 v42, v10  }
0x12d: {  	v10 =	vsel vm12, v43, v11  }
0x12e: {  	vm0 =	veq.s32 v10, $0x0  }
0x12f: {  	v44 =	vld.idx.msk [tilespmem:v29+s0+$0x0], $0xffff;
	vm13 =	veq.s32 v10, $0x1;
	v45 =	vsel vm0, $0x3F800000, v9  }
0x130: {  	v11 =	vld.idx.msk [tilespmem:v28+s24+$0x0], $0xffff;
	vm14 =	veq.s32 v10, $0x2;
	v46 =	vsel vm13, $0x3F800000, v9;
	[tilespmem:s6+$0xD080] =	vst v45  }
0x131: {  	vm15 =	veq.s32 v10, $0x3;
	v47 =	vsel vm14, $0x3F800000, v9;
	[tilespmem:s9+$0xD080] =	vst v46  }
0x132: {  	vm4 =	veq.s32 v10, $0x4;
	v48 =	vsel vm15, $0x3F800000, v9;
	[tilespmem:s6+$0xD180] =	vst v47  }
0x133: {  	vm5 =	veq.s32 v10, $0x5;
	v49 =	vsel vm4, $0x3F800000, v9;
	[tilespmem:s18+$0xD080] =	vst v48  }
0x134: {  	vm6 =	veq.s32 v10, $0x6;
	v50 =	vsel vm5, $0x3F800000, v9;
	[tilespmem:s6+$0xD280] =	vst v49  }
0x135: {  	vm7 =	veq.s32 v10, $0x7;
	vm8 =	veq.s32 v10, $0x8;
	v51 =	vsel vm6, $0x3F800000, v9;
	[tilespmem:s19+$0xD080] =	vst v50  }
0x136: {  	vm9 =	veq.s32 v10, $0x9;
	vm10 =	veq.s32 v10, $0xA;
	v52 =	vsel vm7, $0x3F800000, v9;
	[tilespmem:s6+$0xD380] =	vst v51  }
0x137: {  	vm11 =	veq.s32 v10, $0xB;
	v56 =	vshll.u32 v10, $0x8;
	v53 =	vsel vm8, $0x3F800000, v9;
	[tilespmem:s20+$0xD080] =	vst v52  }
0x138: {  	v57 =	vshll.u32 v10, $0x7;
	vm12 =	veq.s32 v10, $0xC;
	v54 =	vsel vm9, $0x3F800000, v9;
	[tilespmem:s6+$0xD880] =	vst v53  }
0x139: {  	v55 =	vsel vm10, $0x3F800000, v9;
	v13 =	vand.u32 $0x800, v56;
	v58 =	vand.u32 $0x380, v57;
	[tilespmem:s11+$0xD080] =	vst v54  }
0x13a: {  	v61 =	vor.u32 $0x30, v10;
	v59 =	vsel vm11, $0x3F800000, v9;
	v13 =	vor.u32 v13, v58;
	[tilespmem:s6+$0xD980] =	vst v55  }
0x13b: {  	v60 =	vsel vm12, $0x3F800000, v9;
	vm13 =	veq.s32 v10, $0xD;
	v13 =	vor.u32 v27, v13;
	[tilespmem:s8+$0xD080] =	vst v59  }
0x13c: {  	vm14 =	veq.s32 v10, $0xE;
	v62 =	vsel vm13, $0x3F800000, v9;
	v13 =	vor.u32 v26, v13;
	[tilespmem:s6+$0xDA80] =	vst v60  }
0x13d: {  	vm15 =	veq.s32 v10, $0xF;
	v63 =	vsel vm14, $0x3F800000, v9;
	[tilespmem:s7+$0xD080] =	vst v62  }
0x13e: {  	v10 =	vsel vm15, $0x3F800000, v9;
	[tilespmem:s6+$0xDB80] =	vst v63  }
0x13f: {  	[tilespmem:s17+$0xD080] =	vst v10  }
0x140: {  	v10 =	vld.idx.msk [tilespmem:v61+s24+$0x0], $0xffff  }
0x141: {  	v13 =	vld.idx.msk [tilespmem:v13+s0+$0x0], $0xffff;
	_ =	sdelay $0x2  }
0x142: {  	v11 =	vmul.f32 v44, v11  }
0x143: {  	p2 =	sne.s32 s5, $0x780  }
.Ltmp0:
0x144: {  	v11 =	vadd.f32 $0.0e+00, v11;
	v10 =	vmul.f32 v13, v10;
	(pc) =	sbr.rel @p2 .LBB2_3-.Ltmp0, $3  }
0x145: {  	_ = 	snop  }
0x146: {  	v10 =	vadd.f32 v10, v11;
	_ =	sdelay $0x1  }
0x147: {  	s5 =	sadd.s32 $0x80, s5;
	s2 =	sadd.s32 $0x10, s2;
	[tilespmem:s21+$0xE100] =	vst v10  }
0x148: {  	s2 =	sshll.u32 s31, $0x8  }
0x149: {  	s6 =	simm.s32 $0xA080;
	s5 =	sadd.s32 s1, s2;
	s17 =	sor.u32 $0x8000, s2  }
0x14a: {  	[hbm4b:s5+s3] =	stream.linear.scatter [tilespmem:s6], [sflag:$0x3], $0x800, $0x38;
	[tilespmem:$0x12480] =	vst v63  }
0x14b: {  	s18 =	simm.s32 $0xA880;
	s19 =	sor.u32 $0x10000, s2;
	s5 =	sadd.s32 s1, s17  }
0x14c: {  	[hbm4b:s5+s3] =	stream.linear.scatter [tilespmem:s18], [sflag:$0x3], $0x800, $0x38;
	[tilespmem:$0x12480] =	vst v63  }
0x14d: {  	s20 =	simm.s32 $0xB080;
	s21 =	sor.u32 $0x18000, s2;
	s5 =	sadd.s32 s1, s19  }
0x14e: {  	[hbm4b:s5+s3] =	stream.linear.scatter [tilespmem:s20], [sflag:$0x3], $0x800, $0x38;
	[tilespmem:$0x12480] =	vst v63  }
0x14f: {  	s22 =	simm.s32 $0xB880;
	s7 =	sor.u32 $0x20000, s2;
	s5 =	sadd.s32 s1, s21  }
0x150: {  	[hbm4b:s5+s3] =	stream.linear.scatter [tilespmem:s22], [sflag:$0x3], $0x800, $0x38;
	[tilespmem:$0x12480] =	vst v63  }
0x151: {  	s8 =	simm.s32 $0xC080;
	s9 =	sor.u32 $0x28000, s2;
	s5 =	sadd.s32 s1, s7  }
0x152: {  	[hbm4b:s5+s3] =	stream.linear.scatter [tilespmem:s8], [sflag:$0x3], $0x800, $0x38;
	[tilespmem:$0x12480] =	vst v63  }
0x153: {  	s11 =	simm.s32 $0xC880;
	s17 =	sor.u32 $0x30000, s2;
	s5 =	sadd.s32 s1, s9  }
0x154: {  	[hbm4b:s5+s3] =	stream.linear.scatter [tilespmem:s11], [sflag:$0x3], $0x800, $0x38;
	[tilespmem:$0x12480] =	vst v63  }
0x155: {  	s18 =	simm.s32 $0xD080;
	s19 =	rddreg [dreg:$0x10];
	s5 =	sadd.s32 s1, s17  }
0x156: {  	[hbm4b:s5+s3] =	stream.linear.scatter [tilespmem:s18], [sflag:$0x3], $0x800, $0x38;
	[tilespmem:$0x12480] =	vst v63  }
0x157: {  	s2 =	sadd.s32 s2, s19;
	s20 =	simm.s32 $0xD880;
	s21 =	sshll.u32 s31, $0x6  }
0x158: {  	[hbm4b:s2+s3] =	stream.linear.scatter [tilespmem:s20], [sflag:$0x3], $0x800, $0x38;
	[tilespmem:$0x12480] =	vst v63  }
0x159: {  	s6 =	rddreg [dreg:$0x12];
	s22 =	simm.s32 $0xE080;
	s2 =	sadd.s32 s23, s21  }
0x15a: {  	[hbm4b:s2+s3] =	stream.linear.scatter [tilespmem:s22], [sflag:$0x3], $0x200, $0x38;
	[tilespmem:$0x12480] =	vst v63  }
0x15b: {  	s5 =	rddreg [dreg:$0x11];
	s2 =	simm.s32 @p0 $0x0  }
0x15c: {  	[tilespmem:s2], [sflag:$0x1] =	stream.linear.gather @p0 [hbm4b:s5+s2], $0x1000, $0x38;
	[tilespmem:$0x12480] =	vst v63  }
0x15d: {  	s7 =	rddreg [dreg:$0x15];
	s5 =	simm.s32 @p0 $0x1000  }
0x15e: {  	[tilespmem:s5], [sflag:$0x1] =	stream.linear.gather @p0 [hbm4b:s6+s2], $0x1000, $0x38;
	[tilespmem:$0x12480] =	vst v63  }
0x15f: {  	s5 =	simm.s32 @p0 $0x2000;
	s6 =	rddreg [dreg:$0x13]  }
0x160: {  	[tilespmem:s5], [sflag:$0x1] =	stream.linear.gather @p0 [hbm4b:s6+s2], $0x1000, $0x38;
	[tilespmem:$0x12480] =	vst v63  }
0x161: {  	s5 =	simm.s32 @p0 $0x3000;
	s6 =	rddreg [dreg:$0x14]  }
0x162: {  	[tilespmem:s5], [sflag:$0x1] =	stream.linear.gather @p0 [hbm4b:s6+s2], $0x1000, $0x38;
	[tilespmem:$0x12480] =	vst v63  }
0x163: {  	s2 =	simm.s32 @p0 $0x800;
	s5 =	simm.s32 @p0 $0x40000;
	s6 =	simm.s32 @p0 $0x4000  }
0x164: {  	[tilespmem:s6], [sflag:$0x1] =	stream.strided.gather @p0 [hbm4b:s7+s2], $0x1000, s5, s2, $0x38;
	[tilespmem:$0x12480] =	vst v63  }
0x165: {  	_ =	swait.ge [sflag:s16], $0x1000  }
0x166: {  	[sflag:s16] =	ssyncset.done $0x0  }
0x167: {  	[sflag:s16] =	ssyncadd.s32 $0xFFFFF000  }
0x168: {  	_ =	swait.ge [sflag:s16], $0x1000  }
0x169: {  	[sflag:s16] =	ssyncset.done $0x0  }
0x16a: {  	[sflag:s16] =	ssyncadd.s32 $0xFFFFF000  }
0x16b: {  	_ =	swait.ge [sflag:s16], $0x1000  }
0x16c: {  	[sflag:s16] =	ssyncset.done $0x0  }
0x16d: {  	[sflag:s16] =	ssyncadd.s32 $0xFFFFF000  }
0x16e: {  	_ =	swait.ge [sflag:s16], $0x1000  }
0x16f: {  	[sflag:s16] =	ssyncset.done $0x0  }
0x170: {  	[sflag:s16] =	ssyncadd.s32 $0xFFFFF000  }
0x171: {  	_ =	swait.ge [sflag:s16], $0x1000  }
0x172: {  	[sflag:s16] =	ssyncset.done $0x0  }
0x173: {  	s2 =	simm.s32 @p1 $0x4;
	[sflag:s16] =	ssyncadd.s32 $0xFFFFF000  }
0x174: {  	_ =	swait.ge @p1 [sflag:s2], $0x800  }
0x175: {  	[sflag:s2] =	ssyncset.done @p1 $0x0  }
0x176: {  	[sflag:s2] =	ssyncadd.s32 @p1 $0xFFFFF800  }
0x177: {  	_ =	swait.ge @p1 [sflag:s2], $0x800  }
0x178: {  	[sflag:s2] =	ssyncset.done @p1 $0x0  }
0x179: {  	[sflag:s2] =	ssyncadd.s32 @p1 $0xFFFFF800  }
0x17a: {  	_ =	swait.ge @p1 [sflag:s2], $0x800  }
0x17b: {  	[sflag:s2] =	ssyncset.done @p1 $0x0  }
0x17c: {  	[sflag:s2] =	ssyncadd.s32 @p1 $0xFFFFF800  }
0x17d: {  	_ =	swait.ge @p1 [sflag:s2], $0x800  }
0x17e: {  	[sflag:s2] =	ssyncset.done @p1 $0x0  }
0x17f: {  	[sflag:s2] =	ssyncadd.s32 @p1 $0xFFFFF800  }
0x180: {  	_ =	swait.ge @p1 [sflag:s2], $0x800  }
0x181: {  	[sflag:s2] =	ssyncset.done @p1 $0x0  }
0x182: {  	[sflag:s2] =	ssyncadd.s32 @p1 $0xFFFFF800  }
0x183: {  	_ =	swait.ge @p1 [sflag:s2], $0x800  }
0x184: {  	[sflag:s2] =	ssyncset.done @p1 $0x0  }
0x185: {  	[sflag:s2] =	ssyncadd.s32 @p1 $0xFFFFF800  }
0x186: {  	_ =	swait.ge @p1 [sflag:s2], $0x800  }
0x187: {  	[sflag:s2] =	ssyncset.done @p1 $0x0  }
0x188: {  	[sflag:s2] =	ssyncadd.s32 @p1 $0xFFFFF800  }
0x189: {  	_ =	swait.ge @p1 [sflag:s2], $0x800  }
0x18a: {  	[sflag:s2] =	ssyncset.done @p1 $0x0  }
0x18b: {  	[sflag:s2] =	ssyncadd.s32 @p1 $0xFFFFF800  }
0x18c: {  	_ =	swait.ge @p1 [sflag:s2], $0x200  }
0x18d: {  	[sflag:s2] =	ssyncset.done @p1 $0x0  }
0x18e: {  	s31 =	simm.s32 $0x0;
	[sflag:s2] =	ssyncadd.s32 @p1 $0xFFFFFE00;
	s2 =	simm.s32 $0x0  }
.LBB2_5:
0x18f: {  	v26 =	vor.u32 s31, v0  }
0x190: {  	v10 =	vshll.u32 v26, $0x4  }
0x191: {  	v11 =	vor.u32 $0x1, v10  }
0x192: {  	v12 =	vor.u32 $0x2, v10  }
0x193: {  	v13 =	vor.u32 $0x3, v10  }
0x194: {  	v14 =	vor.u32 $0x4, v10  }
0x195: {  	v15 =	vor.u32 $0x5, v10;
	v27 =	vld.idx.msk [tilespmem:v10+s4+$0x0], $0xffff  }
0x196: {  	v17 =	vor.u32 $0x6, v10;
	v28 =	vld.idx.msk [tilespmem:v11+s4+$0x0], $0xffff  }
0x197: {  	v18 =	vor.u32 $0x7, v10;
	v29 =	vld.idx.msk [tilespmem:v12+s4+$0x0], $0xffff  }
0x198: {  	v20 =	vor.u32 $0x8, v10;
	v30 =	vld.idx.msk [tilespmem:v13+s4+$0x0], $0xffff  }
0x199: {  	v23 =	vor.u32 $0x9, v10;
	v31 =	vld.idx.msk [tilespmem:v14+s4+$0x0], $0xffff  }
0x19a: {  	v25 =	vor.u32 $0xA, v10;
	v32 =	vld.idx.msk [tilespmem:v15+s4+$0x0], $0xffff  }
0x19b: {  	v24 =	vor.u32 $0xB, v10;
	v33 =	vld.idx.msk [tilespmem:v17+s4+$0x0], $0xffff  }
0x19c: {  	v21 =	vor.u32 $0xC, v10;
	v34 =	vld.idx.msk [tilespmem:v18+s4+$0x0], $0xffff  }
0x19d: {  	v22 =	vor.u32 $0xD, v10;
	v35 =	vld.idx.msk [tilespmem:v20+s4+$0x0], $0xffff  }
0x19e: {  	v19 =	vor.u32 $0xE, v10;
	v36 =	vld.idx.msk [tilespmem:v23+s4+$0x0], $0xffff  }
0x19f: {  	v16 =	vor.u32 $0xF, v10;
	v37 =	vld.idx.msk [tilespmem:v25+s4+$0x0], $0xffff  }
0x1a0: {  	v38 =	vld.idx.msk [tilespmem:v24+s4+$0x0], $0xffff  }
0x1a1: {  	v39 =	vld.idx.msk [tilespmem:v21+s4+$0x0], $0xffff  }
0x1a2: {  	v40 =	vld.idx.msk [tilespmem:v22+s4+$0x0], $0xffff  }
0x1a3: {  	v41 =	vld.idx.msk [tilespmem:v19+s4+$0x0], $0xffff  }
0x1a4: {  	v42 =	vld.idx.msk [tilespmem:v16+s4+$0x0], $0xffff;
	_ =	sdelay $0x1  }
0x1a5: {  	vm0 =	vgt.f32 v28, v27  }
0x1a6: {  	vm13 =	vgt.f32 v30, v29;
	vm14 =	vgt.f32 v32, v31;
	vm15 =	vgt.f32 v34, v33  }
0x1a7: {  	vm4 =	vgt.f32 v36, v35;
	vm5 =	vgt.f32 v38, v37;
	vm6 =	vgt.f32 v40, v39  }
0x1a8: {  	vm7 =	vgt.f32 v42, v41;
	v27 =	vsel vm0, v28, v27;
	v49 =	vsel vm0, $0x1, v8  }
0x1a9: {  	v29 =	vsel vm13, v30, v29;
	v50 =	vsel vm13, $0x3, v2;
	v31 =	vsel vm14, v32, v31  }
0x1aa: {  	v51 =	vsel vm14, $0x5, v1;
	v33 =	vsel vm15, v34, v33;
	v52 =	vsel vm15, $0x7, v3  }
0x1ab: {  	v35 =	vsel vm4, v36, v35;
	v53 =	vsel vm4, $0x9, v4;
	v37 =	vsel vm5, v38, v37  }
0x1ac: {  	v54 =	vsel vm5, $0xB, v5;
	v39 =	vsel vm6, v40, v39;
	v55 =	vsel vm6, $0xD, v6  }
0x1ad: {  	v41 =	vsel vm7, v42, v41;
	v56 =	vsel vm7, $0xF, v7;
	vm8 =	vgt.f32 v29, v27  }
0x1ae: {  	vm9 =	vgt.f32 v33, v31;
	vm1 =	vgt.f32 v37, v35;
	vm2 =	vgt.f32 v41, v39  }
0x1af: {  	v27 =	vsel vm8, v29, v27;
	v28 =	vsel vm8, v50, v49;
	v57 =	vsel vm9, v33, v31  }
0x1b0: {  	v58 =	vsel vm9, v52, v51;
	v59 =	vsel vm1, v37, v35;
	v60 =	vsel vm2, v41, v39  }
0x1b1: {  	v61 =	vsel vm1, v54, v53;
	vm10 =	vgt.f32 v57, v27;
	vm11 =	vgt.f32 v60, v59  }
0x1b2: {  	v62 =	vsel vm2, v56, v55;
	v27 =	vsel vm10, v57, v27;
	v63 =	vsel vm11, v60, v59  }
0x1b3: {  	v28 =	vsel vm10, v58, v28;
	v33 =	vsel vm11, v62, v61;
	vm12 =	vgt.f32 v63, v27  }
0x1b4: {  	v28 =	vsel vm12, v33, v28  }
0x1b5: {  	s6 =	sand.u32 $0xFFFFFC00, s2;
	s20 =	sand.u32 $0x7FFFFC00, s2;
	s21 =	sand.u32 $0x70, s31;
	vm0 =	veq.s32 v28, $0x0  }
0x1b6: {  	s5 =	sor.u32 s21, s20;
	s11 =	sadd.s32 s6, s31;
	vm1 =	veq.s32 v28, $0x1;
	v34 =	vsel vm0, $0x3F800000, v9  }
0x1b7: {  	s8 =	sor.u32 $0x80, s11;
	vm2 =	veq.s32 v28, $0x2;
	v35 =	vsel vm1, $0x3F800000, v9;
	[tilespmem:s5+$0xE280] =	vst v34  }
0x1b8: {  	vm3 =	veq.s32 v28, $0x3;
	v36 =	vsel vm2, $0x3F800000, v9;
	[tilespmem:s8+$0xE280] =	vst v35  }
0x1b9: {  	s17 =	sor.u32 $0x180, s11;
	vm4 =	veq.s32 v28, $0x4;
	v37 =	vsel vm3, $0x3F800000, v9;
	[tilespmem:s5+$0xE380] =	vst v36  }
0x1ba: {  	vm5 =	veq.s32 v28, $0x5;
	v38 =	vsel vm4, $0x3F800000, v9;
	[tilespmem:s17+$0xE280] =	vst v37  }
0x1bb: {  	s18 =	sor.u32 $0x280, s11;
	vm6 =	veq.s32 v28, $0x6;
	v39 =	vsel vm5, $0x3F800000, v9;
	[tilespmem:s5+$0xE480] =	vst v38  }
0x1bc: {  	vm7 =	veq.s32 v28, $0x7;
	v40 =	vsel vm6, $0x3F800000, v9;
	[tilespmem:s18+$0xE280] =	vst v39  }
0x1bd: {  	s19 =	sor.u32 $0x380, s11;
	vm8 =	veq.s32 v28, $0x8;
	v41 =	vsel vm7, $0x3F800000, v9;
	[tilespmem:s5+$0xE580] =	vst v40  }
0x1be: {  	vm9 =	veq.s32 v28, $0x9;
	v42 =	vsel vm8, $0x3F800000, v9;
	[tilespmem:s19+$0xE280] =	vst v41  }
0x1bf: {  	s9 =	sor.u32 $0x880, s11;
	vm10 =	veq.s32 v28, $0xA;
	v43 =	vsel vm9, $0x3F800000, v9;
	[tilespmem:s5+$0xEA80] =	vst v42  }
0x1c0: {  	vm11 =	veq.s32 v28, $0xB;
	v44 =	vsel vm10, $0x3F800000, v9;
	[tilespmem:s9+$0xE280] =	vst v43  }
0x1c1: {  	s7 =	sor.u32 $0x980, s11;
	vm12 =	veq.s32 v28, $0xC;
	v45 =	vsel vm11, $0x3F800000, v9;
	[tilespmem:s5+$0xEB80] =	vst v44  }
0x1c2: {  	vm13 =	veq.s32 v28, $0xD;
	v46 =	vsel vm12, $0x3F800000, v9;
	[tilespmem:s7+$0xE280] =	vst v45  }
0x1c3: {  	s6 =	sor.u32 $0xA80, s11;
	vm15 =	veq.s32 v28, $0xE;
	v47 =	vsel vm13, $0x3F800000, v9;
	[tilespmem:s5+$0xEC80] =	vst v46  }
0x1c4: {  	vm14 =	veq.s32 v28, $0xF;
	v48 =	vsel vm15, $0x3F800000, v9;
	[tilespmem:s6+$0xE280] =	vst v47  }
0x1c5: {  	s11 =	sor.u32 $0xB80, s11;
	v49 =	vsel vm14, $0x3F800000, v9;
	[tilespmem:s5+$0xED80] =	vst v48  }
0x1c6: {  	[tilespmem:s11+$0xE280] =	vst v49  }
0x1c7: {  	v27 =	vld.idx.msk [tilespmem:v10+s10+$0x0], $0xffff  }
0x1c8: {  	v50 =	vld.idx.msk [tilespmem:v11+s10+$0x0], $0xffff  }
0x1c9: {  	v51 =	vld.idx.msk [tilespmem:v12+s10+$0x0], $0xffff  }
0x1ca: {  	v52 =	vld.idx.msk [tilespmem:v13+s10+$0x0], $0xffff  }
0x1cb: {  	v53 =	vld.idx.msk [tilespmem:v14+s10+$0x0], $0xffff  }
0x1cc: {  	v54 =	vld.idx.msk [tilespmem:v15+s10+$0x0], $0xffff  }
0x1cd: {  	v55 =	vld.idx.msk [tilespmem:v17+s10+$0x0], $0xffff  }
0x1ce: {  	v56 =	vld.idx.msk [tilespmem:v18+s10+$0x0], $0xffff  }
0x1cf: {  	v57 =	vld.idx.msk [tilespmem:v20+s10+$0x0], $0xffff  }
0x1d0: {  	v58 =	vld.idx.msk [tilespmem:v23+s10+$0x0], $0xffff  }
0x1d1: {  	v59 =	vld.idx.msk [tilespmem:v25+s10+$0x0], $0xffff  }
0x1d2: {  	v62 =	vld.idx.msk [tilespmem:v24+s10+$0x0], $0xffff  }
0x1d3: {  	v60 =	vshll.u32 v28, $0x8;
	v61 =	vshll.u32 v28, $0x7;
	v63 =	vld.idx.msk [tilespmem:v21+s10+$0x0], $0xffff  }
0x1d4: {  	v39 =	vand.u32 $0x800, v60;
	v40 =	vand.u32 $0x380, v61;
	v48 =	vld.idx.msk [tilespmem:v22+s10+$0x0], $0xffff  }
0x1d5: {  	v26 =	vand.u32 $0x7F, v26;
	v39 =	vor.u32 v39, v40;
	v49 =	vmov s31;
	v43 =	vld.idx.msk [tilespmem:v19+s10+$0x0], $0xffff  }
0x1d6: {  	v44 =	vld.idx.msk [tilespmem:v16+s10+$0x0], $0xffff;
	v27 =	vsel vm0, $0xCE6E6B28, v27;
	v29 =	vsel vm1, $0xCE6E6B28, v50;
	v30 =	vsel vm2, $0xCE6E6B28, v51  }
0x1d7: {  	v31 =	vsel vm3, $0xCE6E6B28, v52;
	v32 =	vsel vm4, $0xCE6E6B28, v53;
	v33 =	vsel vm5, $0xCE6E6B28, v54  }
0x1d8: {  	v34 =	vsel vm6, $0xCE6E6B28, v55;
	v35 =	vsel vm7, $0xCE6E6B28, v56;
	v36 =	vsel vm8, $0xCE6E6B28, v57  }
0x1d9: {  	v37 =	vsel vm9, $0xCE6E6B28, v58;
	v38 =	vsel vm10, $0xCE6E6B28, v59;
	v41 =	vsel vm11, $0xCE6E6B28, v62  }
0x1da: {  	v42 =	vsel vm12, $0xCE6E6B28, v63;
	v40 =	vsel vm13, $0xCE6E6B28, v48;
	v43 =	vsel vm15, $0xCE6E6B28, v43  }
0x1db: {  	v44 =	vsel vm14, $0xCE6E6B28, v44;
	vm0 =	vgt.f32 v29, v27;
	vm13 =	vgt.f32 v31, v30  }
0x1dc: {  	vm14 =	vgt.f32 v33, v32;
	vm15 =	vgt.f32 v35, v34;
	vm6 =	vgt.f32 v37, v36  }
0x1dd: {  	vm7 =	vgt.f32 v41, v38;
	vm8 =	vgt.f32 v40, v42;
	vm9 =	vgt.f32 v44, v43  }
0x1de: {  	v29 =	vsel vm0, v29, v27;
	v27 =	vshll.u32 v49, $0x3;
	v30 =	vsel vm13, v31, v30  }
0x1df: {  	v32 =	vsel vm14, v33, v32;
	v51 =	vsel vm0, $0x1, v8;
	v34 =	vsel vm15, v35, v34  }
0x1e0: {  	v52 =	vsel vm13, $0x3, v2;
	v36 =	vsel vm6, v37, v36;
	v53 =	vsel vm14, $0x5, v1  }
0x1e1: {  	v38 =	vsel vm7, v41, v38;
	v54 =	vsel vm15, $0x7, v3;
	v40 =	vsel vm8, v40, v42  }
0x1e2: {  	v55 =	vsel vm6, $0x9, v4;
	v56 =	vsel vm9, v44, v43;
	v57 =	vsel vm7, $0xB, v5  }
0x1e3: {  	v58 =	vsel vm8, $0xD, v6;
	v59 =	vsel vm9, $0xF, v7;
	v27 =	vand.u32 $0x400, v27  }
0x1e4: {  	vm10 =	vgt.f32 v30, v29;
	vm11 =	vgt.f32 v34, v32;
	vm12 =	vgt.f32 v38, v36  }
0x1e5: {  	vm13 =	vgt.f32 v56, v40;
	v39 =	vor.u32 v27, v39;
	v29 =	vsel vm10, v30, v29  }
0x1e6: {  	v33 =	vsel vm10, v52, v51;
	v32 =	vsel vm11, v34, v32;
	v60 =	vsel vm11, v54, v53  }
0x1e7: {  	v61 =	vsel vm12, v38, v36;
	v62 =	vsel vm13, v56, v40;
	v63 =	vsel vm12, v57, v55  }
0x1e8: {  	v30 =	vsel vm13, v59, v58;
	vm14 =	vgt.f32 v32, v29;
	vm15 =	vgt.f32 v62, v61  }
0x1e9: {  	v50 =	vor.u32 v26, v39;
	v29 =	vsel vm14, v32, v29;
	v39 =	vsel vm15, v62, v61  }
0x1ea: {  	v33 =	vsel vm14, v60, v33;
	v30 =	vsel vm15, v30, v63;
	vm4 =	vgt.f32 v39, v29  }
0x1eb: {  	v29 =	vsel vm4, v30, v33  }
0x1ec: {  	vm0 =	veq.s32 v29, $0x0  }
0x1ed: {  	v28 =	vld.idx.msk [tilespmem:v28+s24+$0x0], $0xffff;
	vm5 =	veq.s32 v29, $0x1;
	v41 =	vsel vm0, $0x3F800000, v9  }
0x1ee: {  	vm6 =	veq.s32 v29, $0x2;
	v40 =	vld.idx.msk [tilespmem:v50+s14+$0x0], $0xffff;
	v42 =	vsel vm5, $0x3F800000, v9;
	[tilespmem:s5+$0xF280] =	vst v41  }
0x1ef: {  	vm7 =	veq.s32 v29, $0x3;
	v43 =	vsel vm6, $0x3F800000, v9;
	[tilespmem:s8+$0xF280] =	vst v42  }
0x1f0: {  	vm8 =	veq.s32 v29, $0x4;
	v44 =	vsel vm7, $0x3F800000, v9;
	[tilespmem:s5+$0xF380] =	vst v43  }
0x1f1: {  	vm9 =	veq.s32 v29, $0x5;
	v45 =	vsel vm8, $0x3F800000, v9;
	[tilespmem:s17+$0xF280] =	vst v44  }
0x1f2: {  	vm10 =	veq.s32 v29, $0x6;
	v46 =	vsel vm9, $0x3F800000, v9;
	[tilespmem:s5+$0xF480] =	vst v45  }
0x1f3: {  	vm11 =	veq.s32 v29, $0x7;
	vm12 =	veq.s32 v29, $0x8;
	v47 =	vsel vm10, $0x3F800000, v9;
	[tilespmem:s18+$0xF280] =	vst v46  }
0x1f4: {  	vm13 =	veq.s32 v29, $0x9;
	vm14 =	veq.s32 v29, $0xA;
	v48 =	vsel vm11, $0x3F800000, v9;
	[tilespmem:s5+$0xF580] =	vst v47  }
0x1f5: {  	vm15 =	veq.s32 v29, $0xB;
	v52 =	vshll.u32 v29, $0x8;
	v49 =	vsel vm12, $0x3F800000, v9;
	[tilespmem:s19+$0xF280] =	vst v48  }
0x1f6: {  	v53 =	vshll.u32 v29, $0x7;
	vm4 =	veq.s32 v29, $0xC;
	v50 =	vsel vm13, $0x3F800000, v9;
	[tilespmem:s5+$0xFA80] =	vst v49  }
0x1f7: {  	v51 =	vsel vm14, $0x3F800000, v9;
	v31 =	vand.u32 $0x800, v52;
	v54 =	vand.u32 $0x380, v53;
	[tilespmem:s9+$0xF280] =	vst v50  }
0x1f8: {  	v57 =	vor.u32 $0x10, v29;
	v55 =	vsel vm15, $0x3F800000, v9;
	v31 =	vor.u32 v31, v54;
	[tilespmem:s5+$0xFB80] =	vst v51  }
0x1f9: {  	v56 =	vsel vm4, $0x3F800000, v9;
	vm5 =	veq.s32 v29, $0xD;
	v31 =	vor.u32 v27, v31;
	[tilespmem:s7+$0xF280] =	vst v55  }
0x1fa: {  	vm6 =	veq.s32 v29, $0xE;
	v58 =	vsel vm5, $0x3F800000, v9;
	v31 =	vor.u32 v26, v31;
	[tilespmem:s5+$0xFC80] =	vst v56  }
0x1fb: {  	vm7 =	veq.s32 v29, $0xF;
	v59 =	vsel vm6, $0x3F800000, v9;
	[tilespmem:s6+$0xF280] =	vst v58  }
0x1fc: {  	v29 =	vsel vm7, $0x3F800000, v9;
	[tilespmem:s5+$0xFD80] =	vst v59  }
0x1fd: {  	[tilespmem:s11+$0xF280] =	vst v29  }
0x1fe: {  	v29 =	vld.idx.msk [tilespmem:v57+s24+$0x0], $0xffff  }
0x1ff: {  	v31 =	vld.idx.msk [tilespmem:v31+s14+$0x0], $0xffff;
	_ =	sdelay $0x2  }
0x200: {  	v28 =	vmul.f32 v40, v28;
	_ =	sdelay $0x1  }
0x201: {  	v28 =	vadd.f32 $0.0e+00, v28;
	v29 =	vmul.f32 v31, v29;
	_ =	sdelay $0x1  }
0x202: {  	s20 =	sshrl.u32 s20, $0x2;
	v28 =	vadd.f32 v29, v28  }
0x203: {  	s20 =	sor.u32 s21, s20  }
0x204: {  	[tilespmem:s20+$0x12280] =	vst v28  }
0x205: {  	v28 =	vld.idx.msk [tilespmem:v10+s12+$0x0], $0xffff  }
0x206: {  	v60 =	vld.idx.msk [tilespmem:v11+s12+$0x0], $0xffff  }
0x207: {  	v61 =	vld.idx.msk [tilespmem:v12+s12+$0x0], $0xffff  }
0x208: {  	v62 =	vld.idx.msk [tilespmem:v13+s12+$0x0], $0xffff  }
0x209: {  	v63 =	vld.idx.msk [tilespmem:v14+s12+$0x0], $0xffff  }
0x20a: {  	v33 =	vld.idx.msk [tilespmem:v15+s12+$0x0], $0xffff  }
0x20b: {  	v34 =	vld.idx.msk [tilespmem:v17+s12+$0x0], $0xffff  }
0x20c: {  	v45 =	vld.idx.msk [tilespmem:v18+s12+$0x0], $0xffff  }
0x20d: {  	v46 =	vld.idx.msk [tilespmem:v20+s12+$0x0], $0xffff  }
0x20e: {  	v47 =	vld.idx.msk [tilespmem:v23+s12+$0x0], $0xffff  }
0x20f: {  	v48 =	vld.idx.msk [tilespmem:v25+s12+$0x0], $0xffff  }
0x210: {  	v49 =	vld.idx.msk [tilespmem:v24+s12+$0x0], $0xffff  }
0x211: {  	v50 =	vld.idx.msk [tilespmem:v21+s12+$0x0], $0xffff  }
0x212: {  	v51 =	vld.idx.msk [tilespmem:v22+s12+$0x0], $0xffff  }
0x213: {  	v52 =	vld.idx.msk [tilespmem:v19+s12+$0x0], $0xffff  }
0x214: {  	v54 =	vld.idx.msk [tilespmem:v16+s12+$0x0], $0xffff;
	_ =	sdelay $0x1  }
0x215: {  	vm8 =	vgt.f32 v60, v28  }
0x216: {  	vm9 =	vgt.f32 v62, v61;
	vm10 =	vgt.f32 v33, v63;
	vm11 =	vgt.f32 v45, v34  }
0x217: {  	vm12 =	vgt.f32 v47, v46;
	vm13 =	vgt.f32 v49, v48;
	vm14 =	vgt.f32 v51, v50  }
0x218: {  	vm15 =	vgt.f32 v54, v52;
	v28 =	vsel vm8, v60, v28;
	v53 =	vsel vm8, $0x1, v8  }
0x219: {  	v30 =	vsel vm9, v62, v61;
	v55 =	vsel vm9, $0x3, v2;
	v32 =	vsel vm10, v33, v63  }
0x21a: {  	v56 =	vsel vm10, $0x5, v1;
	v34 =	vsel vm11, v45, v34;
	v57 =	vsel vm11, $0x7, v3  }
0x21b: {  	v36 =	vsel vm12, v47, v46;
	v58 =	vsel vm12, $0x9, v4;
	v38 =	vsel vm13, v49, v48  }
0x21c: {  	v59 =	vsel vm13, $0xB, v5;
	v40 =	vsel vm14, v51, v50;
	v60 =	vsel vm14, $0xD, v6  }
0x21d: {  	v42 =	vsel vm15, v54, v52;
	v61 =	vsel vm15, $0xF, v7;
	vm4 =	vgt.f32 v30, v28  }
0x21e: {  	vm5 =	vgt.f32 v34, v32;
	vm6 =	vgt.f32 v38, v36;
	vm7 =	vgt.f32 v42, v40  }
0x21f: {  	v28 =	vsel vm4, v30, v28;
	v29 =	vsel vm4, v55, v53;
	v62 =	vsel vm5, v34, v32  }
0x220: {  	v63 =	vsel vm5, v57, v56;
	v36 =	vsel vm6, v38, v36;
	v38 =	vsel vm7, v42, v40  }
0x221: {  	v40 =	vsel vm6, v59, v58;
	vm8 =	vgt.f32 v62, v28;
	vm9 =	vgt.f32 v38, v36  }
0x222: {  	v42 =	vsel vm7, v61, v60;
	v28 =	vsel vm8, v62, v28;
	v43 =	vsel vm9, v38, v36  }
0x223: {  	v29 =	vsel vm8, v63, v29;
	v44 =	vsel vm9, v42, v40;
	vm10 =	vgt.f32 v43, v28  }
0x224: {  	v28 =	vsel vm10, v44, v29  }
0x225: {  	vm0 =	veq.s32 v28, $0x0  }
0x226: {  	vm1 =	veq.s32 v28, $0x1;
	v45 =	vsel vm0, $0x3F800000, v9  }
0x227: {  	vm2 =	veq.s32 v28, $0x2;
	v46 =	vsel vm1, $0x3F800000, v9;
	[tilespmem:s5+$0x10280] =	vst v45  }
0x228: {  	vm3 =	veq.s32 v28, $0x3;
	v47 =	vsel vm2, $0x3F800000, v9;
	[tilespmem:s8+$0x10280] =	vst v46  }
0x229: {  	vm4 =	veq.s32 v28, $0x4;
	v48 =	vsel vm3, $0x3F800000, v9;
	[tilespmem:s5+$0x10380] =	vst v47  }
0x22a: {  	vm5 =	veq.s32 v28, $0x5;
	v49 =	vsel vm4, $0x3F800000, v9;
	[tilespmem:s17+$0x10280] =	vst v48  }
0x22b: {  	vm6 =	veq.s32 v28, $0x6;
	v50 =	vsel vm5, $0x3F800000, v9;
	[tilespmem:s5+$0x10480] =	vst v49  }
0x22c: {  	vm7 =	veq.s32 v28, $0x7;
	v51 =	vsel vm6, $0x3F800000, v9;
	[tilespmem:s18+$0x10280] =	vst v50  }
0x22d: {  	vm8 =	veq.s32 v28, $0x8;
	v52 =	vsel vm7, $0x3F800000, v9;
	[tilespmem:s5+$0x10580] =	vst v51  }
0x22e: {  	vm9 =	veq.s32 v28, $0x9;
	v53 =	vsel vm8, $0x3F800000, v9;
	[tilespmem:s19+$0x10280] =	vst v52  }
0x22f: {  	vm10 =	veq.s32 v28, $0xA;
	v54 =	vsel vm9, $0x3F800000, v9;
	[tilespmem:s5+$0x10A80] =	vst v53  }
0x230: {  	vm11 =	veq.s32 v28, $0xB;
	v55 =	vsel vm10, $0x3F800000, v9;
	[tilespmem:s9+$0x10280] =	vst v54  }
0x231: {  	vm12 =	veq.s32 v28, $0xC;
	v56 =	vsel vm11, $0x3F800000, v9;
	[tilespmem:s5+$0x10B80] =	vst v55  }
0x232: {  	vm13 =	veq.s32 v28, $0xD;
	v57 =	vsel vm12, $0x3F800000, v9;
	[tilespmem:s7+$0x10280] =	vst v56  }
0x233: {  	vm14 =	veq.s32 v28, $0xE;
	v58 =	vsel vm13, $0x3F800000, v9;
	[tilespmem:s5+$0x10C80] =	vst v57  }
0x234: {  	vm15 =	veq.s32 v28, $0xF;
	v59 =	vsel vm14, $0x3F800000, v9;
	[tilespmem:s6+$0x10280] =	vst v58  }
0x235: {  	v60 =	vsel vm15, $0x3F800000, v9;
	[tilespmem:s5+$0x10D80] =	vst v59  }
0x236: {  	[tilespmem:s11+$0x10280] =	vst v60  }
0x237: {  	v10 =	vld.idx.msk [tilespmem:v10+s13+$0x0], $0xffff  }
0x238: {  	v11 =	vld.idx.msk [tilespmem:v11+s13+$0x0], $0xffff  }
0x239: {  	v12 =	vld.idx.msk [tilespmem:v12+s13+$0x0], $0xffff  }
0x23a: {  	v13 =	vld.idx.msk [tilespmem:v13+s13+$0x0], $0xffff  }
0x23b: {  	v14 =	vld.idx.msk [tilespmem:v14+s13+$0x0], $0xffff  }
0x23c: {  	v15 =	vld.idx.msk [tilespmem:v15+s13+$0x0], $0xffff  }
0x23d: {  	v17 =	vld.idx.msk [tilespmem:v17+s13+$0x0], $0xffff  }
0x23e: {  	v18 =	vld.idx.msk [tilespmem:v18+s13+$0x0], $0xffff  }
0x23f: {  	v20 =	vld.idx.msk [tilespmem:v20+s13+$0x0], $0xffff  }
0x240: {  	v23 =	vld.idx.msk [tilespmem:v23+s13+$0x0], $0xffff  }
0x241: {  	v25 =	vld.idx.msk [tilespmem:v25+s13+$0x0], $0xffff  }
0x242: {  	v61 =	vshll.u32 v28, $0x8;
	v62 =	vshll.u32 v28, $0x7;
	v24 =	vld.idx.msk [tilespmem:v24+s13+$0x0], $0xffff  }
0x243: {  	v29 =	vand.u32 $0x800, v61;
	v30 =	vand.u32 $0x380, v62;
	v21 =	vld.idx.msk [tilespmem:v21+s13+$0x0], $0xffff  }
0x244: {  	v29 =	vor.u32 v29, v30;
	v22 =	vld.idx.msk [tilespmem:v22+s13+$0x0], $0xffff  }
0x245: {  	v28 =	vor.u32 $0x20, v28;
	v29 =	vor.u32 v27, v29;
	v19 =	vld.idx.msk [tilespmem:v19+s13+$0x0], $0xffff  }
0x246: {  	v29 =	vor.u32 v26, v29;
	v16 =	vld.idx.msk [tilespmem:v16+s13+$0x0], $0xffff;
	v10 =	vsel vm0, $0xCE6E6B28, v10;
	v11 =	vsel vm1, $0xCE6E6B28, v11  }
0x247: {  	v12 =	vsel vm2, $0xCE6E6B28, v12;
	v13 =	vsel vm3, $0xCE6E6B28, v13;
	v14 =	vsel vm4, $0xCE6E6B28, v14  }
0x248: {  	v15 =	vsel vm5, $0xCE6E6B28, v15;
	v17 =	vsel vm6, $0xCE6E6B28, v17;
	v18 =	vsel vm7, $0xCE6E6B28, v18  }
0x249: {  	v20 =	vsel vm8, $0xCE6E6B28, v20;
	v23 =	vsel vm9, $0xCE6E6B28, v23;
	v25 =	vsel vm10, $0xCE6E6B28, v25  }
0x24a: {  	v24 =	vsel vm11, $0xCE6E6B28, v24;
	v21 =	vsel vm12, $0xCE6E6B28, v21;
	v22 =	vsel vm13, $0xCE6E6B28, v22  }
0x24b: {  	v19 =	vsel vm14, $0xCE6E6B28, v19;
	v16 =	vsel vm15, $0xCE6E6B28, v16;
	vm0 =	vgt.f32 v11, v10  }
0x24c: {  	vm11 =	vgt.f32 v13, v12;
	vm12 =	vgt.f32 v15, v14;
	vm13 =	vgt.f32 v18, v17  }
0x24d: {  	vm14 =	vgt.f32 v23, v20;
	vm15 =	vgt.f32 v24, v25;
	vm4 =	vgt.f32 v22, v21  }
0x24e: {  	vm5 =	vgt.f32 v16, v19;
	v10 =	vsel vm0, v11, v10;
	v11 =	vsel vm0, $0x1, v8  }
0x24f: {  	v12 =	vsel vm11, v13, v12;
	v63 =	vsel vm11, $0x3, v2;
	v14 =	vsel vm12, v15, v14  }
0x250: {  	v30 =	vsel vm12, $0x5, v1;
	v17 =	vsel vm13, v18, v17;
	v31 =	vsel vm13, $0x7, v3  }
0x251: {  	v20 =	vsel vm14, v23, v20;
	v32 =	vsel vm14, $0x9, v4;
	v24 =	vsel vm15, v24, v25  }
0x252: {  	v33 =	vsel vm15, $0xB, v5;
	v21 =	vsel vm4, v22, v21;
	v34 =	vsel vm4, $0xD, v6  }
0x253: {  	v16 =	vsel vm5, v16, v19;
	v35 =	vsel vm5, $0xF, v7;
	vm6 =	vgt.f32 v12, v10  }
0x254: {  	vm7 =	vgt.f32 v17, v14;
	vm8 =	vgt.f32 v24, v20;
	vm9 =	vgt.f32 v16, v21  }
0x255: {  	v10 =	vsel vm6, v12, v10;
	v11 =	vsel vm6, v63, v11;
	v36 =	vsel vm7, v17, v14  }
0x256: {  	v37 =	vsel vm7, v31, v30;
	v38 =	vsel vm8, v24, v20;
	v39 =	vsel vm9, v16, v21  }
0x257: {  	v40 =	vsel vm8, v33, v32;
	vm10 =	vgt.f32 v36, v10;
	vm11 =	vgt.f32 v39, v38  }
0x258: {  	v41 =	vsel vm9, v35, v34;
	v10 =	vsel vm10, v36, v10;
	v42 =	vsel vm11, v39, v38  }
0x259: {  	v11 =	vsel vm10, v37, v11;
	v43 =	vsel vm11, v41, v40;
	vm12 =	vgt.f32 v42, v10  }
0x25a: {  	v10 =	vsel vm12, v43, v11  }
0x25b: {  	vm0 =	veq.s32 v10, $0x0  }
0x25c: {  	v44 =	vld.idx.msk [tilespmem:v29+s14+$0x0], $0xffff;
	vm13 =	veq.s32 v10, $0x1;
	v45 =	vsel vm0, $0x3F800000, v9  }
0x25d: {  	v11 =	vld.idx.msk [tilespmem:v28+s24+$0x0], $0xffff;
	vm14 =	veq.s32 v10, $0x2;
	v46 =	vsel vm13, $0x3F800000, v9;
	[tilespmem:s5+$0x11280] =	vst v45  }
0x25e: {  	vm15 =	veq.s32 v10, $0x3;
	v47 =	vsel vm14, $0x3F800000, v9;
	[tilespmem:s8+$0x11280] =	vst v46  }
0x25f: {  	vm4 =	veq.s32 v10, $0x4;
	v48 =	vsel vm15, $0x3F800000, v9;
	[tilespmem:s5+$0x11380] =	vst v47  }
0x260: {  	vm5 =	veq.s32 v10, $0x5;
	v49 =	vsel vm4, $0x3F800000, v9;
	[tilespmem:s17+$0x11280] =	vst v48  }
0x261: {  	vm6 =	veq.s32 v10, $0x6;
	v50 =	vsel vm5, $0x3F800000, v9;
	[tilespmem:s5+$0x11480] =	vst v49  }
0x262: {  	vm7 =	veq.s32 v10, $0x7;
	vm8 =	veq.s32 v10, $0x8;
	v51 =	vsel vm6, $0x3F800000, v9;
	[tilespmem:s18+$0x11280] =	vst v50  }
0x263: {  	vm9 =	veq.s32 v10, $0x9;
	vm10 =	veq.s32 v10, $0xA;
	v52 =	vsel vm7, $0x3F800000, v9;
	[tilespmem:s5+$0x11580] =	vst v51  }
0x264: {  	vm11 =	veq.s32 v10, $0xB;
	v56 =	vshll.u32 v10, $0x8;
	v53 =	vsel vm8, $0x3F800000, v9;
	[tilespmem:s19+$0x11280] =	vst v52  }
0x265: {  	v57 =	vshll.u32 v10, $0x7;
	vm12 =	veq.s32 v10, $0xC;
	v54 =	vsel vm9, $0x3F800000, v9;
	[tilespmem:s5+$0x11A80] =	vst v53  }
0x266: {  	v55 =	vsel vm10, $0x3F800000, v9;
	v13 =	vand.u32 $0x800, v56;
	v58 =	vand.u32 $0x380, v57;
	[tilespmem:s9+$0x11280] =	vst v54  }
0x267: {  	v61 =	vor.u32 $0x30, v10;
	v59 =	vsel vm11, $0x3F800000, v9;
	v13 =	vor.u32 v13, v58;
	[tilespmem:s5+$0x11B80] =	vst v55  }
0x268: {  	v60 =	vsel vm12, $0x3F800000, v9;
	vm13 =	veq.s32 v10, $0xD;
	v13 =	vor.u32 v27, v13;
	[tilespmem:s7+$0x11280] =	vst v59  }
0x269: {  	vm14 =	veq.s32 v10, $0xE;
	v62 =	vsel vm13, $0x3F800000, v9;
	v13 =	vor.u32 v26, v13;
	[tilespmem:s5+$0x11C80] =	vst v60  }
0x26a: {  	vm15 =	veq.s32 v10, $0xF;
	v63 =	vsel vm14, $0x3F800000, v9;
	[tilespmem:s6+$0x11280] =	vst v62  }
0x26b: {  	v10 =	vsel vm15, $0x3F800000, v9;
	[tilespmem:s5+$0x11D80] =	vst v63  }
0x26c: {  	[tilespmem:s11+$0x11280] =	vst v10  }
0x26d: {  	v10 =	vld.idx.msk [tilespmem:v61+s24+$0x0], $0xffff  }
0x26e: {  	v13 =	vld.idx.msk [tilespmem:v13+s14+$0x0], $0xffff;
	_ =	sdelay $0x2  }
0x26f: {  	v11 =	vmul.f32 v44, v11  }
0x270: {  	p1 =	sne.s32 s2, $0x780  }
.Ltmp1:
0x271: {  	v11 =	vadd.f32 $0.0e+00, v11;
	v10 =	vmul.f32 v13, v10;
	(pc) =	sbr.rel @p1 .LBB2_5-.Ltmp1, $4  }
0x272: {  	_ = 	snop  }
0x273: {  	v10 =	vadd.f32 v10, v11  }
0x274: {  	s22 =	sadd.s32 $0x12280, s20  }
0x275: {  	s2 =	sadd.s32 $0x80, s2;
	s31 =	sadd.s32 $0x10, s31;
	[tilespmem:s22+$0x80] =	vst v10  }
0x276: {  	s2 =	sadd.s32 s1, s30;
	s5 =	simm.s32 $0xE280;
	s30 =	rddreg [dreg:$0x18]  }
0x277: {  	[hbm4b:s2+s3] =	stream.linear.scatter [tilespmem:s5], [sflag:$0x4], $0x800, $0x38;
	[tilespmem:$0x12480] =	vst v63  }
0x278: {  	s2 =	sadd.s32 s1, s30  }
0x279: {  	s6 =	simm.s32 $0xEA80;
	s31 =	sadd.s32 $0x8000, s2  }
0x27a: {  	[hbm4b:s31+s3] =	stream.linear.scatter [tilespmem:s6], [sflag:$0x4], $0x800, $0x38;
	[tilespmem:$0x12480] =	vst v63  }
0x27b: {  	s7 =	simm.s32 $0xF280;
	s6 =	sadd.s32 $0x10000, s2  }
0x27c: {  	[hbm4b:s6+s3] =	stream.linear.scatter [tilespmem:s7], [sflag:$0x4], $0x800, $0x38;
	[tilespmem:$0x12480] =	vst v63  }
0x27d: {  	s9 =	simm.s32 $0xFA80;
	s8 =	sadd.s32 $0x18000, s2  }
0x27e: {  	[hbm4b:s8+s3] =	stream.linear.scatter [tilespmem:s9], [sflag:$0x4], $0x800, $0x38;
	[tilespmem:$0x12480] =	vst v63  }
0x27f: {  	s17 =	simm.s32 $0x10280;
	s11 =	sadd.s32 $0x20000, s2  }
0x280: {  	[hbm4b:s11+s3] =	stream.linear.scatter [tilespmem:s17], [sflag:$0x4], $0x800, $0x38;
	[tilespmem:$0x12480] =	vst v63  }
0x281: {  	s19 =	simm.s32 $0x10A80;
	s18 =	sadd.s32 $0x28000, s2  }
0x282: {  	[hbm4b:s18+s3] =	stream.linear.scatter [tilespmem:s19], [sflag:$0x4], $0x800, $0x38;
	[tilespmem:$0x12480] =	vst v63  }
0x283: {  	s21 =	simm.s32 $0x11280;
	s20 =	sadd.s32 $0x30000, s2  }
0x284: {  	[hbm4b:s20+s3] =	stream.linear.scatter [tilespmem:s21], [sflag:$0x4], $0x800, $0x38;
	[tilespmem:$0x12480] =	vst v63  }
0x285: {  	s22 =	simm.s32 $0x11A80;
	s2 =	sadd.s32 $0x38000, s2  }
0x286: {  	[hbm4b:s2+s3] =	stream.linear.scatter [tilespmem:s22], [sflag:$0x4], $0x800, $0x38;
	[tilespmem:$0x12480] =	vst v63  }
.Ltmp2:
0x287: {  	s30 =	sshll.u32 s25, $0x6;
	(pc) =	sbr.rel @p0 .LBB2_2-.Ltmp2, $4  }
0x288: {  	s2 =	sand.u32 $0x1FFFFFC0, s30  }
0x289: {  	s31 =	simm.s32 $0x12280;
	s2 =	sadd.s32 s23, s2  }
0x28a: {  	[hbm4b:s2+s3] =	stream.linear.scatter [tilespmem:s31], [sflag:$0x4], $0x200, $0x38;
	[tilespmem:$0x12480] =	vst v63  }
0x28b: {  	p2 =	por $0x0, $0x0;
	p1 =	por $0x1, $0x1;
	s2 =	simm.s32 $0x2  }
0x28c: {  	s2 =	simm.s32 $0x3  }
0x28d: {  	_ =	swait.ge [sflag:s2], $0x800  }
0x28e: {  	[sflag:s2] =	ssyncset.done $0x0  }
0x28f: {  	[sflag:s2] =	ssyncadd.s32 $0xFFFFF800  }
0x290: {  	_ =	swait.ge [sflag:s2], $0x800  }
0x291: {  	[sflag:s2] =	ssyncset.done $0x0  }
0x292: {  	[sflag:s2] =	ssyncadd.s32 $0xFFFFF800  }
0x293: {  	_ =	swait.ge [sflag:s2], $0x800  }
0x294: {  	[sflag:s2] =	ssyncset.done $0x0  }
0x295: {  	[sflag:s2] =	ssyncadd.s32 $0xFFFFF800  }
0x296: {  	_ =	swait.ge [sflag:s2], $0x800  }
0x297: {  	[sflag:s2] =	ssyncset.done $0x0  }
0x298: {  	[sflag:s2] =	ssyncadd.s32 $0xFFFFF800  }
0x299: {  	_ =	swait.ge [sflag:s2], $0x800  }
0x29a: {  	[sflag:s2] =	ssyncset.done $0x0  }
0x29b: {  	[sflag:s2] =	ssyncadd.s32 $0xFFFFF800  }
0x29c: {  	_ =	swait.ge [sflag:s2], $0x800  }
0x29d: {  	[sflag:s2] =	ssyncset.done $0x0  }
0x29e: {  	[sflag:s2] =	ssyncadd.s32 $0xFFFFF800  }
0x29f: {  	_ =	swait.ge [sflag:s2], $0x800  }
0x2a0: {  	[sflag:s2] =	ssyncset.done $0x0  }
0x2a1: {  	[sflag:s2] =	ssyncadd.s32 $0xFFFFF800  }
0x2a2: {  	_ =	swait.ge [sflag:s2], $0x800  }
0x2a3: {  	[sflag:s2] =	ssyncset.done $0x0  }
0x2a4: {  	[sflag:s2] =	ssyncadd.s32 $0xFFFFF800  }
0x2a5: {  	_ =	swait.ge [sflag:s2], $0x200  }
0x2a6: {  	[sflag:s2] =	ssyncset.done $0x0  }
0x2a7: {  	s5 =	simm.s32 $0x4;
	[sflag:s2] =	ssyncadd.s32 $0xFFFFFE00  }
0x2a8: {  	_ =	swait.ge [sflag:s5], $0x800  }
0x2a9: {  	[sflag:s5] =	ssyncset.done $0x0  }
0x2aa: {  	[sflag:s5] =	ssyncadd.s32 $0xFFFFF800  }
0x2ab: {  	_ =	swait.ge [sflag:s5], $0x800  }
0x2ac: {  	[sflag:s5] =	ssyncset.done $0x0  }
0x2ad: {  	[sflag:s5] =	ssyncadd.s32 $0xFFFFF800  }
0x2ae: {  	_ =	swait.ge [sflag:s5], $0x800  }
0x2af: {  	[sflag:s5] =	ssyncset.done $0x0  }
0x2b0: {  	[sflag:s5] =	ssyncadd.s32 $0xFFFFF800  }
0x2b1: {  	_ =	swait.ge [sflag:s5], $0x800  }
0x2b2: {  	[sflag:s5] =	ssyncset.done $0x0  }
0x2b3: {  	[sflag:s5] =	ssyncadd.s32 $0xFFFFF800  }
0x2b4: {  	_ =	swait.ge [sflag:s5], $0x800  }
0x2b5: {  	[sflag:s5] =	ssyncset.done $0x0  }
0x2b6: {  	[sflag:s5] =	ssyncadd.s32 $0xFFFFF800  }
0x2b7: {  	_ =	swait.ge [sflag:s5], $0x800  }
0x2b8: {  	[sflag:s5] =	ssyncset.done $0x0  }
0x2b9: {  	[sflag:s5] =	ssyncadd.s32 $0xFFFFF800  }
0x2ba: {  	_ =	swait.ge [sflag:s5], $0x800  }
0x2bb: {  	[sflag:s5] =	ssyncset.done $0x0  }
0x2bc: {  	[sflag:s5] =	ssyncadd.s32 $0xFFFFF800  }
0x2bd: {  	_ =	swait.ge [sflag:s5], $0x800  }
0x2be: {  	[sflag:s5] =	ssyncset.done $0x0  }
0x2bf: {  	[sflag:s5] =	ssyncadd.s32 $0xFFFFF800  }
0x2c0: {  	_ =	swait.ge [sflag:s5], $0x200  }
0x2c1: {  	s6 =	rddreg [dreg:$0x17]  }
0x2c2: {  	s31 =	rddreg [dreg:$0x16];
	s6 =	sadd.s32 $0x1, s6  }
0x2c3: {  	p0 =	sne.s32 s6, s31  }
.Ltmp3:
0x2c4: {  	_ = 	snop;
	(pc) =	sbr.rel @p0 .LBB2_1-.Ltmp3, $3  }
0x2c5: {  	_ =	sdelay $0x1  }
0x2c6: {  	[sflag:s5] =	ssyncset.done $0x0  }
0x2c7: {  	[sflag:s5] =	ssyncadd.s32 $0xFFFFFE00  }
0x2c8: {  	_ =	sfence.sel $0x180000  }
0x2c9: {  	[bflag:$0x0] =	sbarrier.arrive $0xFFFF  }
0x2ca: {  	_ =	strace $0x90000047  }
0x2cb: {  	s0 =	stileid.u32;
	[bflag:$0x2] =	sbarrier.arrive $0xFFFF  }
0x2cc: {  	p0 =	sne.s32 s0, $0x0;
	s0 =	rddreg [dreg:$0x3]  }
0x2cd: {  	s0 =	sadd.s32 @!p0 $0x100000, s0  }
0x2ce: {  	[sflag:s0] =	ssyncadd.tile.s32 @!p0 $0x1;
	_ =	shalt  }
.Lfunc_end2:
_tile_overlayer_lowered:
.L_overlay_start_2:
0x2cf: {  	(tag) =	ssettag $0x2  }
0x2d0: {  	s0 =	rddreg [dreg:$0x0];
	s2 =	stileid.u32  }
0x2d1: {  	s1 =	rddreg [dreg:$0x1];
	p0 =	sne.s32 s2, $0x0  }
0x2d2: {  	s3 =	rddreg [dreg:$0x2];
	[bflag:$0x3] =	sbarrier.arrive $0xFFFF;
	s2 =	simm.s32 @!p0 $0x1C05  }
0x2d3: {  	[timem:s3], [sflag:s2] =	dma.local @!p0 [hbm:s0], s1  }
0x2d4: {  	s0 =	simm.s32 @!p0 $0x5  }
0x2d5: {  	_ =	swait.ge @!p0 [sflag:s0], s1  }
0x2d6: {  	s1 =	ssub.s32 @!p0 $0x0, s1;
	[sflag:s0] =	ssyncset.done @!p0 $0x0  }
0x2d7: {  	[sflag:s0] =	ssyncadd.s32 @!p0 s1  }
0x2d8: {  	[bflag:$0x3] =	sbarrier.arrive $0xFFFF  }
0x2d9: {  	_ =	shalt  }

</sc_bundles>
